<compile_context>
chip_gen: v7x
topology: tpu7x:2x2x1
jax: 0.10.2.dev20260603
libtpu: 0.0.44.dev20260713+nightly
codegen_flags: <defaults>
</compile_context>

<pallas_src>
import functools

import jax
import jax.numpy as jnp
from jax import lax
from jax.experimental import pallas as pl
from jax.experimental.pallas import tpu as pltpu
from jax.experimental.pallas import tpu_sc as plsc

SEQ = 2048
GAZ_NUM = 20
NLAYER = 4
WORD_DIM = 128
GAZ_DIM = 64
PAIR_DIM = 2 * GAZ_DIM
OUT_DIM = WORD_DIM + NLAYER * GAZ_DIM
RPP = NLAYER * GAZ_NUM
NW = 32
PPW = SEQ // NW
C = 2
RPC = C * RPP
CPW = PPW // C
OB = 8


def _sc_body(lg_hbm, cnt_hbm, msk_hbm, words_hbm, wtab_hbm, gtab_hbm,
             out_hbm, idxw, cntw, mskw, ww, widx, wrows, rows, outv,
             sem_a, sem_b, sem_w, sem_s, sem_o):
    wid = lax.axis_index("s") * 2 + lax.axis_index("c")

    pltpu.sync_copy(lg_hbm.at[wid], idxw)
    scp = [pltpu.async_copy(cnt_hbm.at[wid], cntw, sem_s),
           pltpu.async_copy(msk_hbm.at[wid], mskw, sem_s),
           pltpu.async_copy(words_hbm.at[wid], widx, sem_s)]

    sems = (sem_a, sem_b)

    def fire(c, par):
        s = sems[par]
        base = par * RPC
        return [
            pltpu.async_copy(gtab_hbm.at[idxw.at[c * C + p]],
                             rows.at[pl.ds(base + p * RPP, RPP)], s)
            for p in range(C)
        ]

    def wait_rows(c, par):
        s = sems[par]
        base = par * RPC
        for p in range(C):
            pltpu.make_async_copy(gtab_hbm.at[idxw.at[c * C + p]],
                                  rows.at[pl.ds(base + p * RPP, RPP)],
                                  s).wait()

    fire(0, 0)
    for cp in scp:
        cp.wait()
    wcp = pltpu.async_copy(wtab_hbm.at[widx], wrows, sem_w)

    lanes = lax.iota(jnp.int32, 16)

    def weight_body(q, carry):
        cs = [cntw[q, pl.ds(k * 16, 16)] for k in range(5)]
        s = cs[0] + cs[1] + cs[2] + cs[3] + cs[4]
        for sh in (1, 2, 4, 8):
            s = s + s.at[jnp.bitwise_xor(lanes, sh)].get(
                mode="promise_in_bounds")
        rs = 4.0 / s
        for k in range(5):
            m = mskw[q, pl.ds(k * 16, 16)]
            ww[q, pl.ds(k * 16, 16)] = cs[k] * rs * (1.0 - m)
        return carry

    lax.fori_loop(0, PPW, weight_body, 0)
    wcp.wait()

    def out_row0(c_first):
        return pl.multiple_of(wid * PPW + c_first * C, OB)

    def compute_chunk(c, par, ob):
        for p in range(C):
            qg = c * C + p
            po = (qg % OB)

            def layer_body(l, carry2, _p=p, _qg=qg, _po=po):
                b = l * GAZ_NUM
                wv0 = ww[_qg, pl.ds(b, 16)]
                wv1 = ww[_qg, pl.ds(b + 4, 16)]
                rbase = par * RPC + _p * RPP + b
                acc = [jnp.zeros((16,), jnp.float32) for _ in range(4)]
                for g in range(GAZ_NUM):
                    ws = wv0[g] if g < 16 else wv1[g - 4]
                    for v in range(4):
                        acc[v] = acc[v] + ws * rows[rbase + g,
                                                    pl.ds(v * 16, 16)]
                for v in range(4):
                    outv[ob, _po, pl.ds(WORD_DIM + l * 64 + v * 16, 16)] = \
                        acc[v]
                return carry2

            lax.fori_loop(0, NLAYER, layer_body, 0)
            for v in range(WORD_DIM // 16):
                outv[ob, po, pl.ds(v * 16, 16)] = wrows[qg, pl.ds(v * 16, 16)]

    def pair_body(t, carry):
        for b in range(2):
            c = 2 * t + b
            ob = (c // 4) % 2
            if b == 0:
                fire(c + 1, 1 - b)
            else:
                @pl.when(t < CPW // 2 - 1)
                def _():
                    fire(c + 1, 1 - b)
            wait_rows(c, b)
            compute_chunk(c, b, ob)
            if b == 1:
                @pl.when((t % 2 == 1) & (t >= 3))
                def _():
                    pltpu.make_async_copy(
                        outv.at[0], out_hbm.at[pl.ds(out_row0(c - 11), OB)],
                        sem_o).wait()

                @pl.when(t % 2 == 1)
                def _():
                    pltpu.async_copy(
                        outv.at[ob], out_hbm.at[pl.ds(out_row0(c - 3), OB)],
                        sem_o)
        return carry

    lax.fori_loop(0, CPW // 2, pair_body, 0)
    pltpu.make_async_copy(
        outv.at[0], out_hbm.at[pl.ds(wid * PPW, OB)], sem_o).wait()


@jax.jit
def kernel(words, layer_gazs, gaz_count, gaz_mask, word_table, gaz_table):
    lg = layer_gazs.reshape(NW, PPW, RPP).astype(jnp.int32)
    cnt = gaz_count.reshape(NW, PPW, RPP)
    msk = gaz_mask.reshape(NW, PPW, RPP).astype(jnp.float32)
    wds = words.reshape(NW, PPW).astype(jnp.int32)
    gtab = jnp.pad(gaz_table, ((0, 0), (0, PAIR_DIM - GAZ_DIM)))

    mesh = plsc.VectorSubcoreMesh(core_axis_name="c", subcore_axis_name="s")
    f = functools.partial(
        pl.kernel,
        out_type=jax.ShapeDtypeStruct((SEQ, OUT_DIM), jnp.float32),
        mesh=mesh,
        compiler_params=pltpu.CompilerParams(use_tc_tiling_on_sc=True),
        scratch_types=[
            pltpu.VMEM((PPW, RPP), jnp.int32),
            pltpu.VMEM((PPW, RPP), jnp.float32),
            pltpu.VMEM((PPW, RPP), jnp.float32),
            pltpu.VMEM((PPW, RPP), jnp.float32),
            pltpu.VMEM((PPW,), jnp.int32),
            pltpu.VMEM((PPW, WORD_DIM), jnp.float32),
            pltpu.VMEM((2 * RPC, PAIR_DIM), jnp.float32),
            pltpu.VMEM((2, OB, OUT_DIM), jnp.float32),
            pltpu.SemaphoreType.DMA,
            pltpu.SemaphoreType.DMA,
            pltpu.SemaphoreType.DMA,
            pltpu.SemaphoreType.DMA,
            pltpu.SemaphoreType.DMA,
        ],
    )(_sc_body)
    return f(lg, cnt, msk, wds, word_table, gtab)

# --- scband reference (transcript-rebuilt; emitter-appended) ---
"""Pipeline reference for scband-smodule-23313082483257 (READ-ONLY COPY).

The authoritative reference and input builder live on the scoring server;
editing this copy changes nothing except your own understanding.
"""

import jax, jax.numpy as jnp
import numpy as np

SEQ = 2048
GAZ_NUM = 20
WORD_VOCAB = 100000
GAZ_VOCAB = 1000000
WORD_DIM = 128
GAZ_DIM = 64


def setup_inputs(seed: int = 0) -> dict:
    key = jax.random.key(seed)
    k1, k2, k3, k4, k5, k6 = jax.random.split(key, 6)
    words = jax.random.randint(k1, (SEQ,), 0, WORD_VOCAB, dtype=jnp.int64 if jax.config.jax_enable_x64 else jnp.int32)
    layer_gazs = jax.random.randint(k2, (SEQ, 4, GAZ_NUM), 0, GAZ_VOCAB, dtype=jnp.int64 if jax.config.jax_enable_x64 else jnp.int32)
    gaz_count = jax.random.uniform(k3, (SEQ, 4, GAZ_NUM), dtype=jnp.float32)
    gaz_mask = jax.random.randint(k4, (SEQ, 4, GAZ_NUM), 0, 2).astype(bool)
    word_table = jax.random.normal(k5, (WORD_VOCAB, WORD_DIM), dtype=jnp.float32) * 0.02
    gaz_table = jax.random.normal(k6, (GAZ_VOCAB, GAZ_DIM), dtype=jnp.float32) * 0.02
    return {
        'words': words,
        'layer_gazs': layer_gazs,
        'gaz_count': gaz_count,
        'gaz_mask': gaz_mask,
        'word_table': word_table,
        'gaz_table': gaz_table,
    }


def reference(words, layer_gazs, gaz_count, gaz_mask, word_table, gaz_table):
    seq_len = words.shape[0]
    # embedding lookups
    word_emb = jnp.take(word_table, words, axis=0)                 # [S, WORD_DIM]
    gaz_embeds = jnp.take(gaz_table, layer_gazs, axis=0)           # [S, 4, G, GAZ_DIM]
    # masked_fill_(mask, 0): positions where mask is True are zeroed
    gaz_embeds = jnp.where(gaz_mask[..., None], jnp.zeros((), dtype=gaz_embeds.dtype), gaz_embeds)
    # count normalization: sum over gaz dim then layer dim, keepdims
    count_sum = jnp.sum(gaz_count, axis=2, keepdims=True)          # [S, 4, 1]
    count_sum = jnp.sum(count_sum, axis=1, keepdims=True)          # [S, 1, 1]
    weights = gaz_count / count_sum                                # [S, 4, G]
    weights = weights * 4
    weights = weights[..., None]                                   # [S, 4, G, 1]
    structure_aug_emb = weights * gaz_embeds                       # [S, 4, G, GAZ_DIM]
    structure_aug_emb = jnp.sum(structure_aug_emb, axis=2)         # [S, 4, GAZ_DIM]
    structure_aug_emb = structure_aug_emb.reshape(seq_len, -1)     # [S, 4*GAZ_DIM]
    word_input_emb = jnp.concatenate([word_emb, structure_aug_emb], axis=-1)  # [S, WORD_DIM + 4*GAZ_DIM]
    return word_input_emb

if __name__ == "__main__":
    import jax
    _d = setup_inputs()
    print(jax.jit(kernel)(*tuple(_d.values())))

</pallas_src>

<mosaic_0001>
#map = affine_map<(d0, d1) -> (0, 0, 0)>
#map1 = affine_map<(d0, d1) -> (0, 0)>
module attributes {stable_mosaic.version = 14 : i64} {
  func.func @_sc_body(%arg0: i32, %arg1: i32, %arg2: memref<32x64x80xi32, #tpu.memory_space<hbm>>, %arg3: memref<32x64x80xf32, #tpu.memory_space<hbm>>, %arg4: memref<32x64x80xf32, #tpu.memory_space<hbm>>, %arg5: memref<32x64xi32, #tpu.memory_space<hbm>>, %arg6: memref<100000x128xf32, #tpu.memory_space<hbm>>, %arg7: memref<1000000x128xf32, #tpu.memory_space<hbm>>, %arg8: memref<2048x384xf32, #tpu.memory_space<hbm>>, %arg9: memref<64x80xi32, #tpu.memory_space<vmem>>, %arg10: memref<64x80xf32, #tpu.memory_space<vmem>>, %arg11: memref<64x80xf32, #tpu.memory_space<vmem>>, %arg12: memref<64x80xf32, #tpu.memory_space<vmem>>, %arg13: memref<64xi32, #tpu.memory_space<vmem>>, %arg14: memref<64x128xf32, #tpu.memory_space<vmem>>, %arg15: memref<320x128xf32, #tpu.memory_space<vmem>>, %arg16: memref<2x8x384xf32, #tpu.memory_space<vmem>>, %arg17: memref<!tpu.dma_semaphore, #tpu.memory_space<semaphore_mem>>, %arg18: memref<!tpu.dma_semaphore, #tpu.memory_space<semaphore_mem>>, %arg19: memref<!tpu.dma_semaphore, #tpu.memory_space<semaphore_mem>>, %arg20: memref<!tpu.dma_semaphore, #tpu.memory_space<semaphore_mem>>, %arg21: memref<!tpu.dma_semaphore, #tpu.memory_space<semaphore_mem>>) attributes {dimension_semantics = [#tpu.dimension_semantics<core_parallel>, #tpu.dimension_semantics<subcore_parallel>], iteration_bounds = array<i64: 2, 16>, scalar_prefetch = 0 : i64, scratch_operands = 13 : i64, tpu.core_type = #tpu.core_type<sc_vector_subcore>, window_params = [{transform_indices = #map}, {transform_indices = #map}, {transform_indices = #map}, {transform_indices = #map1}, {transform_indices = #map1}, {transform_indices = #map1}, {transform_indices = #map1}]} {
    %mul3A = arith.constant 2 : i32
    %mul3A_0 = arith.muli %arg1, %mul3A : i32
    %add3A = arith.addi %mul3A_0, %arg0 : i32
    "tpu.region"() ({
      %run_scoped3A = tpu.sem_alloc : memref<!tpu.dma_semaphore, #tpu.memory_space<semaphore_mem>>
      %dma_start3A_95 = arith.constant 0 : i32
      %dma_start3A_96 = arith.constant 0 : i32
      %dma_start3A_97 = tpu.memref_slice %arg2[%add3A, %dma_start3A_95, %dma_start3A_96] : memref<32x64x80xi32, #tpu.memory_space<hbm>> -> memref<1x64x80xi32, #tpu.memory_space<hbm>>
      %dma_start3A_98 = tpu.memref_squeeze %dma_start3A_97 : memref<1x64x80xi32, #tpu.memory_space<hbm>> -> memref<64x80xi32, #tpu.memory_space<hbm>>
      %dma_start3A_99 = arith.constant 0 : i32
      %dma_start3A_100 = arith.constant 0 : i32
      %dma_start3A_101 = tpu.memref_slice %arg2[%add3A, %dma_start3A_99, %dma_start3A_100] : memref<32x64x80xi32, #tpu.memory_space<hbm>> -> memref<1x64x80xi32, #tpu.memory_space<hbm>>
      %dma_start3A_102 = tpu.memref_squeeze %dma_start3A_101 : memref<1x64x80xi32, #tpu.memory_space<hbm>> -> memref<64x80xi32, #tpu.memory_space<hbm>>
      tpu.enqueue_dma source(%dma_start3A_102 : memref<64x80xi32, #tpu.memory_space<hbm>>) target(%arg9 : memref<64x80xi32, #tpu.memory_space<vmem>>) target_semaphore(%run_scoped3A : memref<!tpu.dma_semaphore, #tpu.memory_space<semaphore_mem>>)
      %dma_wait3A_103 = arith.constant 0 : i32
      %dma_wait3A_104 = arith.constant 0 : i32
      %dma_wait3A_105 = tpu.memref_slice %arg2[%add3A, %dma_wait3A_103, %dma_wait3A_104] : memref<32x64x80xi32, #tpu.memory_space<hbm>> -> memref<1x64x80xi32, #tpu.memory_space<hbm>>
      %dma_wait3A_106 = tpu.memref_squeeze %dma_wait3A_105 : memref<1x64x80xi32, #tpu.memory_space<hbm>> -> memref<64x80xi32, #tpu.memory_space<hbm>>
      %dma_wait3A_107 = arith.constant 0 : i32
      %dma_wait3A_108 = arith.constant 0 : i32
      %dma_wait3A_109 = tpu.memref_slice %arg2[%add3A, %dma_wait3A_107, %dma_wait3A_108] : memref<32x64x80xi32, #tpu.memory_space<hbm>> -> memref<1x64x80xi32, #tpu.memory_space<hbm>>
      %dma_wait3A_110 = tpu.memref_squeeze %dma_wait3A_109 : memref<1x64x80xi32, #tpu.memory_space<hbm>> -> memref<64x80xi32, #tpu.memory_space<hbm>>
      tpu.wait_dma2 semaphore(%run_scoped3A : memref<!tpu.dma_semaphore, #tpu.memory_space<semaphore_mem>>) src(%dma_wait3A_110 : memref<64x80xi32, #tpu.memory_space<hbm>>) dst(%arg9 : memref<64x80xi32, #tpu.memory_space<vmem>>)
      tpu.yield
    }) : () -> ()
    %dma_start3A = arith.constant 0 : i32
    %dma_start3A_1 = arith.constant 0 : i32
    %dma_start3A_2 = tpu.memref_slice %arg3[%add3A, %dma_start3A, %dma_start3A_1] : memref<32x64x80xf32, #tpu.memory_space<hbm>> -> memref<1x64x80xf32, #tpu.memory_space<hbm>>
    %dma_start3A_3 = tpu.memref_squeeze %dma_start3A_2 : memref<1x64x80xf32, #tpu.memory_space<hbm>> -> memref<64x80xf32, #tpu.memory_space<hbm>>
    %dma_start3A_4 = arith.constant 0 : i32
    %dma_start3A_5 = arith.constant 0 : i32
    %dma_start3A_6 = tpu.memref_slice %arg3[%add3A, %dma_start3A_4, %dma_start3A_5] : memref<32x64x80xf32, #tpu.memory_space<hbm>> -> memref<1x64x80xf32, #tpu.memory_space<hbm>>
    %dma_start3A_7 = tpu.memref_squeeze %dma_start3A_6 : memref<1x64x80xf32, #tpu.memory_space<hbm>> -> memref<64x80xf32, #tpu.memory_space<hbm>>
    tpu.enqueue_dma source(%dma_start3A_7 : memref<64x80xf32, #tpu.memory_space<hbm>>) target(%arg10 : memref<64x80xf32, #tpu.memory_space<vmem>>) target_semaphore(%arg20 : memref<!tpu.dma_semaphore, #tpu.memory_space<semaphore_mem>>)
    %dma_start3A_8 = arith.constant 0 : i32
    %dma_start3A_9 = arith.constant 0 : i32
    %dma_start3A_10 = tpu.memref_slice %arg4[%add3A, %dma_start3A_8, %dma_start3A_9] : memref<32x64x80xf32, #tpu.memory_space<hbm>> -> memref<1x64x80xf32, #tpu.memory_space<hbm>>
    %dma_start3A_11 = tpu.memref_squeeze %dma_start3A_10 : memref<1x64x80xf32, #tpu.memory_space<hbm>> -> memref<64x80xf32, #tpu.memory_space<hbm>>
    %dma_start3A_12 = arith.constant 0 : i32
    %dma_start3A_13 = arith.constant 0 : i32
    %dma_start3A_14 = tpu.memref_slice %arg4[%add3A, %dma_start3A_12, %dma_start3A_13] : memref<32x64x80xf32, #tpu.memory_space<hbm>> -> memref<1x64x80xf32, #tpu.memory_space<hbm>>
    %dma_start3A_15 = tpu.memref_squeeze %dma_start3A_14 : memref<1x64x80xf32, #tpu.memory_space<hbm>> -> memref<64x80xf32, #tpu.memory_space<hbm>>
    tpu.enqueue_dma source(%dma_start3A_15 : memref<64x80xf32, #tpu.memory_space<hbm>>) target(%arg11 : memref<64x80xf32, #tpu.memory_space<vmem>>) target_semaphore(%arg20 : memref<!tpu.dma_semaphore, #tpu.memory_space<semaphore_mem>>)
    %dma_start3A_16 = arith.constant 0 : i32
    %dma_start3A_17 = tpu.memref_slice %arg5[%add3A, %dma_start3A_16] : memref<32x64xi32, #tpu.memory_space<hbm>> -> memref<1x64xi32, #tpu.memory_space<hbm>>
    %dma_start3A_18 = tpu.memref_squeeze %dma_start3A_17 : memref<1x64xi32, #tpu.memory_space<hbm>> -> memref<64xi32, #tpu.memory_space<hbm>>
    %dma_start3A_19 = arith.constant 0 : i32
    %dma_start3A_20 = tpu.memref_slice %arg5[%add3A, %dma_start3A_19] : memref<32x64xi32, #tpu.memory_space<hbm>> -> memref<1x64xi32, #tpu.memory_space<hbm>>
    %dma_start3A_21 = tpu.memref_squeeze %dma_start3A_20 : memref<1x64xi32, #tpu.memory_space<hbm>> -> memref<64xi32, #tpu.memory_space<hbm>>
    tpu.enqueue_dma source(%dma_start3A_21 : memref<64xi32, #tpu.memory_space<hbm>>) target(%arg13 : memref<64xi32, #tpu.memory_space<vmem>>) target_semaphore(%arg20 : memref<!tpu.dma_semaphore, #tpu.memory_space<semaphore_mem>>)
    %dma_start3A_22 = arith.constant 0 : i32
    %dma_start3A_23 = arith.constant 0 : i32
    %dma_start3A_24 = arith.constant 0 : i32
    %dma_start3A_25 = tpu.memref_slice %arg15[%dma_start3A_23, %dma_start3A_24] : memref<320x128xf32, #tpu.memory_space<vmem>> -> memref<80x128xf32, #tpu.memory_space<vmem>>
    %dma_start3A_26 = arith.constant 0 : i32
    %dma_start3A_27 = tpu.memref_slice %arg9[%dma_start3A_22, %dma_start3A_26] : memref<64x80xi32, #tpu.memory_space<vmem>> -> memref<1x80xi32, #tpu.memory_space<vmem>>
    %dma_start3A_28 = tpu.memref_squeeze %dma_start3A_27 : memref<1x80xi32, #tpu.memory_space<vmem>> -> memref<80xi32, #tpu.memory_space<vmem>>
    %dma_start3A_29 = arith.constant 0 : i32
    %dma_start3A_30 = arith.constant 0 : i32
    %dma_start3A_31 = tpu.memref_slice %arg7[%dma_start3A_29, %dma_start3A_30] : memref<1000000x128xf32, #tpu.memory_space<hbm>> -> memref<1000000x128xf32, #tpu.memory_space<hbm>>
    tpu.enqueue_indirect_dma source(%dma_start3A_31 : memref<1000000x128xf32, #tpu.memory_space<hbm>>) target(%dma_start3A_25 : memref<80x128xf32, #tpu.memory_space<vmem>>) offsets(%dma_start3A_28 : memref<80xi32, #tpu.memory_space<vmem>>) semaphore(%arg17 : memref<!tpu.dma_semaphore, #tpu.memory_space<semaphore_mem>>)
    %dma_start3A_32 = arith.constant 1 : i32
    %dma_start3A_33 = arith.constant 80 : i32
    %dma_start3A_34 = arith.constant 0 : i32
    %dma_start3A_35 = tpu.memref_slice %arg15[%dma_start3A_33, %dma_start3A_34] : memref<320x128xf32, #tpu.memory_space<vmem>> -> memref<80x128xf32, #tpu.memory_space<vmem>>
    %dma_start3A_36 = arith.constant 0 : i32
    %dma_start3A_37 = tpu.memref_slice %arg9[%dma_start3A_32, %dma_start3A_36] : memref<64x80xi32, #tpu.memory_space<vmem>> -> memref<1x80xi32, #tpu.memory_space<vmem>>
    %dma_start3A_38 = tpu.memref_squeeze %dma_start3A_37 : memref<1x80xi32, #tpu.memory_space<vmem>> -> memref<80xi32, #tpu.memory_space<vmem>>
    %dma_start3A_39 = arith.constant 0 : i32
    %dma_start3A_40 = arith.constant 0 : i32
    %dma_start3A_41 = tpu.memref_slice %arg7[%dma_start3A_39, %dma_start3A_40] : memref<1000000x128xf32, #tpu.memory_space<hbm>> -> memref<1000000x128xf32, #tpu.memory_space<hbm>>
    tpu.enqueue_indirect_dma source(%dma_start3A_41 : memref<1000000x128xf32, #tpu.memory_space<hbm>>) target(%dma_start3A_35 : memref<80x128xf32, #tpu.memory_space<vmem>>) offsets(%dma_start3A_38 : memref<80xi32, #tpu.memory_space<vmem>>) semaphore(%arg17 : memref<!tpu.dma_semaphore, #tpu.memory_space<semaphore_mem>>)
    %dma_wait3A = arith.constant 0 : i32
    %dma_wait3A_42 = arith.constant 0 : i32
    %dma_wait3A_43 = tpu.memref_slice %arg3[%add3A, %dma_wait3A, %dma_wait3A_42] : memref<32x64x80xf32, #tpu.memory_space<hbm>> -> memref<1x64x80xf32, #tpu.memory_space<hbm>>
    %dma_wait3A_44 = tpu.memref_squeeze %dma_wait3A_43 : memref<1x64x80xf32, #tpu.memory_space<hbm>> -> memref<64x80xf32, #tpu.memory_space<hbm>>
    %dma_wait3A_45 = arith.constant 0 : i32
    %dma_wait3A_46 = arith.constant 0 : i32
    %dma_wait3A_47 = tpu.memref_slice %arg3[%add3A, %dma_wait3A_45, %dma_wait3A_46] : memref<32x64x80xf32, #tpu.memory_space<hbm>> -> memref<1x64x80xf32, #tpu.memory_space<hbm>>
    %dma_wait3A_48 = tpu.memref_squeeze %dma_wait3A_47 : memref<1x64x80xf32, #tpu.memory_space<hbm>> -> memref<64x80xf32, #tpu.memory_space<hbm>>
    tpu.wait_dma2 semaphore(%arg20 : memref<!tpu.dma_semaphore, #tpu.memory_space<semaphore_mem>>) src(%dma_wait3A_48 : memref<64x80xf32, #tpu.memory_space<hbm>>) dst(%arg10 : memref<64x80xf32, #tpu.memory_space<vmem>>)
    %dma_wait3A_49 = arith.constant 0 : i32
    %dma_wait3A_50 = arith.constant 0 : i32
    %dma_wait3A_51 = tpu.memref_slice %arg4[%add3A, %dma_wait3A_49, %dma_wait3A_50] : memref<32x64x80xf32, #tpu.memory_space<hbm>> -> memref<1x64x80xf32, #tpu.memory_space<hbm>>
    %dma_wait3A_52 = tpu.memref_squeeze %dma_wait3A_51 : memref<1x64x80xf32, #tpu.memory_space<hbm>> -> memref<64x80xf32, #tpu.memory_space<hbm>>
    %dma_wait3A_53 = arith.constant 0 : i32
    %dma_wait3A_54 = arith.constant 0 : i32
    %dma_wait3A_55 = tpu.memref_slice %arg4[%add3A, %dma_wait3A_53, %dma_wait3A_54] : memref<32x64x80xf32, #tpu.memory_space<hbm>> -> memref<1x64x80xf32, #tpu.memory_space<hbm>>
    %dma_wait3A_56 = tpu.memref_squeeze %dma_wait3A_55 : memref<1x64x80xf32, #tpu.memory_space<hbm>> -> memref<64x80xf32, #tpu.memory_space<hbm>>
    tpu.wait_dma2 semaphore(%arg20 : memref<!tpu.dma_semaphore, #tpu.memory_space<semaphore_mem>>) src(%dma_wait3A_56 : memref<64x80xf32, #tpu.memory_space<hbm>>) dst(%arg11 : memref<64x80xf32, #tpu.memory_space<vmem>>)
    %dma_wait3A_57 = arith.constant 0 : i32
    %dma_wait3A_58 = tpu.memref_slice %arg5[%add3A, %dma_wait3A_57] : memref<32x64xi32, #tpu.memory_space<hbm>> -> memref<1x64xi32, #tpu.memory_space<hbm>>
    %dma_wait3A_59 = tpu.memref_squeeze %dma_wait3A_58 : memref<1x64xi32, #tpu.memory_space<hbm>> -> memref<64xi32, #tpu.memory_space<hbm>>
    %dma_wait3A_60 = arith.constant 0 : i32
    %dma_wait3A_61 = tpu.memref_slice %arg5[%add3A, %dma_wait3A_60] : memref<32x64xi32, #tpu.memory_space<hbm>> -> memref<1x64xi32, #tpu.memory_space<hbm>>
    %dma_wait3A_62 = tpu.memref_squeeze %dma_wait3A_61 : memref<1x64xi32, #tpu.memory_space<hbm>> -> memref<64xi32, #tpu.memory_space<hbm>>
    tpu.wait_dma2 semaphore(%arg20 : memref<!tpu.dma_semaphore, #tpu.memory_space<semaphore_mem>>) src(%dma_wait3A_62 : memref<64xi32, #tpu.memory_space<hbm>>) dst(%arg13 : memref<64xi32, #tpu.memory_space<vmem>>)
    %dma_start3A_63 = arith.constant 0 : i32
    %dma_start3A_64 = arith.constant 0 : i32
    %dma_start3A_65 = tpu.memref_slice %arg6[%dma_start3A_63, %dma_start3A_64] : memref<100000x128xf32, #tpu.memory_space<hbm>> -> memref<100000x128xf32, #tpu.memory_space<hbm>>
    tpu.enqueue_indirect_dma source(%dma_start3A_65 : memref<100000x128xf32, #tpu.memory_space<hbm>>) target(%arg14 : memref<64x128xf32, #tpu.memory_space<vmem>>) offsets(%arg13 : memref<64xi32, #tpu.memory_space<vmem>>) semaphore(%arg19 : memref<!tpu.dma_semaphore, #tpu.memory_space<semaphore_mem>>)
    %iota3A = tpu.iota {dimensions = array<i32: 0>} : vector<16xi32>
    %scan3A = arith.constant 0 : i32
    %scan3A_66 = arith.constant 0 : i32
    %scan3A_67 = arith.constant 64 : i32
    %scan3A_68 = arith.addi %scan3A_66, %scan3A_67 : i32
    %scan3A_69 = arith.constant 1 : i32
    scf.for %scan3A_95 = %scan3A_66 to %scan3A_68 step %scan3A_69  : i32 {
      %get3A = arith.index_cast %scan3A_95 : i32 to index
      %get3A_96 = arith.constant 0 : index
      %get3A_97 = tpu.vector_load %arg10[%get3A, %get3A_96] {strides = array<i32>} : memref<64x80xf32, #tpu.memory_space<vmem>>, vector<1x16xf32>,
      %get3A_98 = vector.shape_cast %get3A_97 : vector<1x16xf32> to vector<16xf32>
      %get3A_99 = arith.index_cast %scan3A_95 : i32 to index
      %get3A_100 = arith.constant 16 : index
      %get3A_101 = tpu.vector_load %arg10[%get3A_99, %get3A_100] {strides = array<i32>} : memref<64x80xf32, #tpu.memory_space<vmem>>, vector<1x16xf32>,
      %get3A_102 = vector.shape_cast %get3A_101 : vector<1x16xf32> to vector<16xf32>
      %get3A_103 = arith.index_cast %scan3A_95 : i32 to index
      %get3A_104 = arith.constant 32 : index
      %get3A_105 = tpu.vector_load %arg10[%get3A_103, %get3A_104] {strides = array<i32>} : memref<64x80xf32, #tpu.memory_space<vmem>>, vector<1x16xf32>,
      %get3A_106 = vector.shape_cast %get3A_105 : vector<1x16xf32> to vector<16xf32>
      %get3A_107 = arith.index_cast %scan3A_95 : i32 to index
      %get3A_108 = arith.constant 48 : index
      %get3A_109 = tpu.vector_load %arg10[%get3A_107, %get3A_108] {strides = array<i32>} : memref<64x80xf32, #tpu.memory_space<vmem>>, vector<1x16xf32>,
      %get3A_110 = vector.shape_cast %get3A_109 : vector<1x16xf32> to vector<16xf32>
      %get3A_111 = arith.index_cast %scan3A_95 : i32 to index
      %get3A_112 = arith.constant 64 : index
      %get3A_113 = tpu.vector_load %arg10[%get3A_111, %get3A_112] {strides = array<i32>} : memref<64x80xf32, #tpu.memory_space<vmem>>, vector<1x16xf32>,
      %get3A_114 = vector.shape_cast %get3A_113 : vector<1x16xf32> to vector<16xf32>
      %add3A_115 = arith.addf %get3A_98, %get3A_102 : vector<16xf32>
      %add3A_116 = arith.addf %add3A_115, %get3A_106 : vector<16xf32>
      %add3A_117 = arith.addf %add3A_116, %get3A_110 : vector<16xf32>
      %add3A_118 = arith.addf %add3A_117, %get3A_114 : vector<16xf32>
      %xor3A = arith.constant 1 : i32
      %xor3A_119 = vector.broadcast %xor3A : i32 to vector<16xi32>
      %xor3A_120 = arith.xori %iota3A, %xor3A_119 : vector<16xi32>
      %lt3A = arith.constant 0 : i32
      %lt3A_121 = vector.broadcast %lt3A : i32 to vector<16xi32>
      %lt3A_122 = arith.cmpi slt, %xor3A_120, %lt3A_121 : vector<16xi32>
      %add3A_123 = arith.constant 16 : i32
      %add3A_124 = vector.broadcast %add3A_123 : i32 to vector<16xi32>
      %add3A_125 = arith.addi %xor3A_120, %add3A_124 : vector<16xi32>
      %select_n3A = arith.select %lt3A_122, %add3A_125, %xor3A_120 : vector<16xi1>, vector<16xi32>
      %broadcast_in_dim3A = vector.shape_cast %select_n3A : vector<16xi32> to vector<16x1xi32>
      %gather3A = vector.shape_cast %broadcast_in_dim3A : vector<16x1xi32> to vector<16xi32>
      %gather3A_126 = tpu.dynamic_gather %add3A_118[%gather3A] in [0] : vector<16xf32>, vector<16xi32> -> vector<16xf32>
      %add3A_127 = arith.addf %add3A_118, %gather3A_126 : vector<16xf32>
      %xor3A_128 = arith.constant 2 : i32
      %xor3A_129 = vector.broadcast %xor3A_128 : i32 to vector<16xi32>
      %xor3A_130 = arith.xori %iota3A, %xor3A_129 : vector<16xi32>
      %lt3A_131 = arith.constant 0 : i32
      %lt3A_132 = vector.broadcast %lt3A_131 : i32 to vector<16xi32>
      %lt3A_133 = arith.cmpi slt, %xor3A_130, %lt3A_132 : vector<16xi32>
      %add3A_134 = arith.constant 16 : i32
      %add3A_135 = vector.broadcast %add3A_134 : i32 to vector<16xi32>
      %add3A_136 = arith.addi %xor3A_130, %add3A_135 : vector<16xi32>
      %select_n3A_137 = arith.select %lt3A_133, %add3A_136, %xor3A_130 : vector<16xi1>, vector<16xi32>
      %broadcast_in_dim3A_138 = vector.shape_cast %select_n3A_137 : vector<16xi32> to vector<16x1xi32>
      %gather3A_139 = vector.shape_cast %broadcast_in_dim3A_138 : vector<16x1xi32> to vector<16xi32>
      %gather3A_140 = tpu.dynamic_gather %add3A_127[%gather3A_139] in [0] : vector<16xf32>, vector<16xi32> -> vector<16xf32>
      %add3A_141 = arith.addf %add3A_127, %gather3A_140 : vector<16xf32>
      %xor3A_142 = arith.constant 4 : i32
      %xor3A_143 = vector.broadcast %xor3A_142 : i32 to vector<16xi32>
      %xor3A_144 = arith.xori %iota3A, %xor3A_143 : vector<16xi32>
      %lt3A_145 = arith.constant 0 : i32
      %lt3A_146 = vector.broadcast %lt3A_145 : i32 to vector<16xi32>
      %lt3A_147 = arith.cmpi slt, %xor3A_144, %lt3A_146 : vector<16xi32>
      %add3A_148 = arith.constant 16 : i32
      %add3A_149 = vector.broadcast %add3A_148 : i32 to vector<16xi32>
      %add3A_150 = arith.addi %xor3A_144, %add3A_149 : vector<16xi32>
      %select_n3A_151 = arith.select %lt3A_147, %add3A_150, %xor3A_144 : vector<16xi1>, vector<16xi32>
      %broadcast_in_dim3A_152 = vector.shape_cast %select_n3A_151 : vector<16xi32> to vector<16x1xi32>
      %gather3A_153 = vector.shape_cast %broadcast_in_dim3A_152 : vector<16x1xi32> to vector<16xi32>
      %gather3A_154 = tpu.dynamic_gather %add3A_141[%gather3A_153] in [0] : vector<16xf32>, vector<16xi32> -> vector<16xf32>
      %add3A_155 = arith.addf %add3A_141, %gather3A_154 : vector<16xf32>
      %xor3A_156 = arith.constant 8 : i32
      %xor3A_157 = vector.broadcast %xor3A_156 : i32 to vector<16xi32>
      %xor3A_158 = arith.xori %iota3A, %xor3A_157 : vector<16xi32>
      %lt3A_159 = arith.constant 0 : i32
      %lt3A_160 = vector.broadcast %lt3A_159 : i32 to vector<16xi32>
      %lt3A_161 = arith.cmpi slt, %xor3A_158, %lt3A_160 : vector<16xi32>
      %add3A_162 = arith.constant 16 : i32
      %add3A_163 = vector.broadcast %add3A_162 : i32 to vector<16xi32>
      %add3A_164 = arith.addi %xor3A_158, %add3A_163 : vector<16xi32>
      %select_n3A_165 = arith.select %lt3A_161, %add3A_164, %xor3A_158 : vector<16xi1>, vector<16xi32>
      %broadcast_in_dim3A_166 = vector.shape_cast %select_n3A_165 : vector<16xi32> to vector<16x1xi32>
      %gather3A_167 = vector.shape_cast %broadcast_in_dim3A_166 : vector<16x1xi32> to vector<16xi32>
      %gather3A_168 = tpu.dynamic_gather %add3A_155[%gather3A_167] in [0] : vector<16xf32>, vector<16xi32> -> vector<16xf32>
      %add3A_169 = arith.addf %add3A_155, %gather3A_168 : vector<16xf32>
      %div3A = arith.constant 4.000000e+00 : f32
      %div3A_170 = vector.broadcast %div3A : f32 to vector<16xf32>
      %div3A_171 = arith.divf %div3A_170, %add3A_169 : vector<16xf32>
      %get3A_172 = arith.index_cast %scan3A_95 : i32 to index
      %get3A_173 = arith.constant 0 : index
      %get3A_174 = tpu.vector_load %arg11[%get3A_172, %get3A_173] {strides = array<i32>} : memref<64x80xf32, #tpu.memory_space<vmem>>, vector<1x16xf32>,
      %get3A_175 = vector.shape_cast %get3A_174 : vector<1x16xf32> to vector<16xf32>
      %mul3A_176 = arith.mulf %get3A_98, %div3A_171 : vector<16xf32>
      %sub3A = arith.constant 1.000000e+00 : f32
      %sub3A_177 = vector.broadcast %sub3A : f32 to vector<16xf32>
      %sub3A_178 = arith.subf %sub3A_177, %get3A_175 : vector<16xf32>
      %mul3A_179 = arith.mulf %mul3A_176, %sub3A_178 : vector<16xf32>
      %swap3A = arith.index_cast %scan3A_95 : i32 to index
      %swap3A_180 = arith.constant 0 : index
      %swap3A_181 = tpu.vector_load %arg12[%swap3A, %swap3A_180] {strides = array<i32>} : memref<64x80xf32, #tpu.memory_space<vmem>>, vector<1x16xf32>,
      %swap3A_182 = vector.shape_cast %swap3A_181 : vector<1x16xf32> to vector<16xf32>
      %swap3A_183 = vector.shape_cast %mul3A_179 : vector<16xf32> to vector<1x16xf32>
      tpu.vector_store %arg12[%swap3A, %swap3A_180], %swap3A_183 {strides = array<i32>} : memref<64x80xf32, #tpu.memory_space<vmem>>, vector<1x16xf32>,
      %get3A_184 = arith.index_cast %scan3A_95 : i32 to index
      %get3A_185 = arith.constant 16 : index
      %get3A_186 = tpu.vector_load %arg11[%get3A_184, %get3A_185] {strides = array<i32>} : memref<64x80xf32, #tpu.memory_space<vmem>>, vector<1x16xf32>,
      %get3A_187 = vector.shape_cast %get3A_186 : vector<1x16xf32> to vector<16xf32>
      %mul3A_188 = arith.mulf %get3A_102, %div3A_171 : vector<16xf32>
      %sub3A_189 = arith.constant 1.000000e+00 : f32
      %sub3A_190 = vector.broadcast %sub3A_189 : f32 to vector<16xf32>
      %sub3A_191 = arith.subf %sub3A_190, %get3A_187 : vector<16xf32>
      %mul3A_192 = arith.mulf %mul3A_188, %sub3A_191 : vector<16xf32>
      %swap3A_193 = arith.index_cast %scan3A_95 : i32 to index
      %swap3A_194 = arith.constant 16 : index
      %swap3A_195 = tpu.vector_load %arg12[%swap3A_193, %swap3A_194] {strides = array<i32>} : memref<64x80xf32, #tpu.memory_space<vmem>>, vector<1x16xf32>,
      %swap3A_196 = vector.shape_cast %swap3A_195 : vector<1x16xf32> to vector<16xf32>
      %swap3A_197 = vector.shape_cast %mul3A_192 : vector<16xf32> to vector<1x16xf32>
      tpu.vector_store %arg12[%swap3A_193, %swap3A_194], %swap3A_197 {strides = array<i32>} : memref<64x80xf32, #tpu.memory_space<vmem>>, vector<1x16xf32>,
      %get3A_198 = arith.index_cast %scan3A_95 : i32 to index
      %get3A_199 = arith.constant 32 : index
      %get3A_200 = tpu.vector_load %arg11[%get3A_198, %get3A_199] {strides = array<i32>} : memref<64x80xf32, #tpu.memory_space<vmem>>, vector<1x16xf32>,
      %get3A_201 = vector.shape_cast %get3A_200 : vector<1x16xf32> to vector<16xf32>
      %mul3A_202 = arith.mulf %get3A_106, %div3A_171 : vector<16xf32>
      %sub3A_203 = arith.constant 1.000000e+00 : f32
      %sub3A_204 = vector.broadcast %sub3A_203 : f32 to vector<16xf32>
      %sub3A_205 = arith.subf %sub3A_204, %get3A_201 : vector<16xf32>
      %mul3A_206 = arith.mulf %mul3A_202, %sub3A_205 : vector<16xf32>
      %swap3A_207 = arith.index_cast %scan3A_95 : i32 to index
      %swap3A_208 = arith.constant 32 : index
      %swap3A_209 = tpu.vector_load %arg12[%swap3A_207, %swap3A_208] {strides = array<i32>} : memref<64x80xf32, #tpu.memory_space<vmem>>, vector<1x16xf32>,
      %swap3A_210 = vector.shape_cast %swap3A_209 : vector<1x16xf32> to vector<16xf32>
      %swap3A_211 = vector.shape_cast %mul3A_206 : vector<16xf32> to vector<1x16xf32>
      tpu.vector_store %arg12[%swap3A_207, %swap3A_208], %swap3A_211 {strides = array<i32>} : memref<64x80xf32, #tpu.memory_space<vmem>>, vector<1x16xf32>,
      %get3A_212 = arith.index_cast %scan3A_95 : i32 to index
      %get3A_213 = arith.constant 48 : index
      %get3A_214 = tpu.vector_load %arg11[%get3A_212, %get3A_213] {strides = array<i32>} : memref<64x80xf32, #tpu.memory_space<vmem>>, vector<1x16xf32>,
      %get3A_215 = vector.shape_cast %get3A_214 : vector<1x16xf32> to vector<16xf32>
      %mul3A_216 = arith.mulf %get3A_110, %div3A_171 : vector<16xf32>
      %sub3A_217 = arith.constant 1.000000e+00 : f32
      %sub3A_218 = vector.broadcast %sub3A_217 : f32 to vector<16xf32>
      %sub3A_219 = arith.subf %sub3A_218, %get3A_215 : vector<16xf32>
      %mul3A_220 = arith.mulf %mul3A_216, %sub3A_219 : vector<16xf32>
      %swap3A_221 = arith.index_cast %scan3A_95 : i32 to index
      %swap3A_222 = arith.constant 48 : index
      %swap3A_223 = tpu.vector_load %arg12[%swap3A_221, %swap3A_222] {strides = array<i32>} : memref<64x80xf32, #tpu.memory_space<vmem>>, vector<1x16xf32>,
      %swap3A_224 = vector.shape_cast %swap3A_223 : vector<1x16xf32> to vector<16xf32>
      %swap3A_225 = vector.shape_cast %mul3A_220 : vector<16xf32> to vector<1x16xf32>
      tpu.vector_store %arg12[%swap3A_221, %swap3A_222], %swap3A_225 {strides = array<i32>} : memref<64x80xf32, #tpu.memory_space<vmem>>, vector<1x16xf32>,
      %get3A_226 = arith.index_cast %scan3A_95 : i32 to index
      %get3A_227 = arith.constant 64 : index
      %get3A_228 = tpu.vector_load %arg11[%get3A_226, %get3A_227] {strides = array<i32>} : memref<64x80xf32, #tpu.memory_space<vmem>>, vector<1x16xf32>,
      %get3A_229 = vector.shape_cast %get3A_228 : vector<1x16xf32> to vector<16xf32>
      %mul3A_230 = arith.mulf %get3A_114, %div3A_171 : vector<16xf32>
      %sub3A_231 = arith.constant 1.000000e+00 : f32
      %sub3A_232 = vector.broadcast %sub3A_231 : f32 to vector<16xf32>
      %sub3A_233 = arith.subf %sub3A_232, %get3A_229 : vector<16xf32>
      %mul3A_234 = arith.mulf %mul3A_230, %sub3A_233 : vector<16xf32>
      %swap3A_235 = arith.index_cast %scan3A_95 : i32 to index
      %swap3A_236 = arith.constant 64 : index
      %swap3A_237 = tpu.vector_load %arg12[%swap3A_235, %swap3A_236] {strides = array<i32>} : memref<64x80xf32, #tpu.memory_space<vmem>>, vector<1x16xf32>,
      %swap3A_238 = vector.shape_cast %swap3A_237 : vector<1x16xf32> to vector<16xf32>
      %swap3A_239 = vector.shape_cast %mul3A_234 : vector<16xf32> to vector<1x16xf32>
      tpu.vector_store %arg12[%swap3A_235, %swap3A_236], %swap3A_239 {strides = array<i32>} : memref<64x80xf32, #tpu.memory_space<vmem>>, vector<1x16xf32>,
    }
    %scan3A_70 = arith.constant 64 : i32
    %dma_wait3A_71 = arith.constant 0 : i32
    %dma_wait3A_72 = arith.constant 0 : i32
    %dma_wait3A_73 = tpu.memref_slice %arg6[%dma_wait3A_71, %dma_wait3A_72] : memref<100000x128xf32, #tpu.memory_space<hbm>> -> memref<100000x128xf32, #tpu.memory_space<hbm>>
    tpu.wait_indirect_dma semaphore(%arg19 : memref<!tpu.dma_semaphore, #tpu.memory_space<semaphore_mem>>) src(%dma_wait3A_73 : memref<100000x128xf32, #tpu.memory_space<hbm>>) dst(%arg14 : memref<64x128xf32, #tpu.memory_space<vmem>>)
    %scan3A_74 = arith.constant 0 : i32
    %scan3A_75 = arith.constant 0 : i32
    %scan3A_76 = arith.constant 16 : i32
    %scan3A_77 = arith.addi %scan3A_75, %scan3A_76 : i32
    %scan3A_78 = arith.constant 1 : i32
    scf.for %scan3A_95 = %scan3A_75 to %scan3A_77 step %scan3A_78  : i32 {
      %mul3A_96 = arith.constant 2 : i32
      %mul3A_97 = arith.muli %mul3A_96, %scan3A_95 : i32
      %add3A_98 = arith.constant 0 : i32
      %add3A_99 = arith.addi %mul3A_97, %add3A_98 : i32
      %jit3A = arith.constant 4 : i32
      %div3A = arith.divsi %add3A_99, %jit3A : i32
      %sign3A = arith.constant 0 : i32
      %sign3A_100 = arith.cmpi sgt, %add3A_99, %sign3A : i32
      %sign3A_101 = arith.extui %sign3A_100 : i1 to i32
      %sign3A_102 = arith.constant 0 : i32
      %sign3A_103 = arith.cmpi slt, %add3A_99, %sign3A_102 : i32
      %sign3A_104 = arith.extui %sign3A_103 : i1 to i32
      %sign3A_105 = arith.subi %sign3A_101, %sign3A_104 : i32
      %sign3A_106 = arith.constant 0 : i32
      %sign3A_107 = arith.cmpi sgt, %jit3A, %sign3A_106 : i32
      %sign3A_108 = arith.extui %sign3A_107 : i1 to i32
      %sign3A_109 = arith.constant 0 : i32
      %sign3A_110 = arith.cmpi slt, %jit3A, %sign3A_109 : i32
      %sign3A_111 = arith.extui %sign3A_110 : i1 to i32
      %sign3A_112 = arith.subi %sign3A_108, %sign3A_111 : i32
      %ne3A = arith.cmpi ne, %sign3A_105, %sign3A_112 : i32
      %rem3A = arith.remsi %add3A_99, %jit3A : i32
      %ne3A_113 = arith.constant 0 : i32
      %ne3A_114 = arith.cmpi ne, %rem3A, %ne3A_113 : i32
      %and3A = arith.andi %ne3A, %ne3A_114 : i1
      %sub3A = arith.constant 1 : i32
      %sub3A_115 = arith.subi %div3A, %sub3A : i32
      %select_n3A = arith.select %and3A, %sub3A_115, %div3A : i32
      %jit3A_116 = arith.constant 2 : i32
      %eq3A = arith.constant 0 : i32
      %eq3A_117 = arith.cmpi eq, %jit3A_116, %eq3A : i32
      %jit3A_118 = arith.constant 1 : i32
      %select_n3A_119 = arith.select %eq3A_117, %jit3A_118, %jit3A_116 : i32
      %rem3A_120 = arith.remsi %select_n3A, %select_n3A_119 : i32
      %ne3A_121 = arith.constant 0 : i32
      %ne3A_122 = arith.cmpi ne, %rem3A_120, %ne3A_121 : i32
      %lt3A = arith.constant 0 : i32
      %lt3A_123 = arith.cmpi slt, %rem3A_120, %lt3A : i32
      %lt3A_124 = arith.constant 0 : i32
      %lt3A_125 = arith.cmpi slt, %select_n3A_119, %lt3A_124 : i32
      %ne3A_126 = arith.xori %lt3A_123, %lt3A_125 : i1
      %and3A_127 = arith.andi %ne3A_126, %ne3A_122 : i1
      %add3A_128 = arith.addi %rem3A_120, %select_n3A_119 : i32
      %select_n3A_129 = arith.select %and3A_127, %add3A_128, %rem3A_120 : i32
      %add3A_130 = arith.constant 1 : i32
      %add3A_131 = arith.addi %add3A_99, %add3A_130 : i32
      %mul3A_132 = arith.constant 2 : i32
      %mul3A_133 = arith.muli %add3A_131, %mul3A_132 : i32
      %add3A_134 = arith.constant 0 : i32
      %add3A_135 = arith.addi %mul3A_133, %add3A_134 : i32
      %dma_start3A_136 = arith.constant 160 : i32
      %dma_start3A_137 = arith.constant 0 : i32
      %dma_start3A_138 = tpu.memref_slice %arg15[%dma_start3A_136, %dma_start3A_137] : memref<320x128xf32, #tpu.memory_space<vmem>> -> memref<80x128xf32, #tpu.memory_space<vmem>>
      %dma_start3A_139 = arith.constant 0 : i32
      %dma_start3A_140 = tpu.memref_slice %arg9[%add3A_135, %dma_start3A_139] : memref<64x80xi32, #tpu.memory_space<vmem>> -> memref<1x80xi32, #tpu.memory_space<vmem>>
      %dma_start3A_141 = tpu.memref_squeeze %dma_start3A_140 : memref<1x80xi32, #tpu.memory_space<vmem>> -> memref<80xi32, #tpu.memory_space<vmem>>
      %dma_start3A_142 = arith.constant 0 : i32
      %dma_start3A_143 = arith.constant 0 : i32
      %dma_start3A_144 = tpu.memref_slice %arg7[%dma_start3A_142, %dma_start3A_143] : memref<1000000x128xf32, #tpu.memory_space<hbm>> -> memref<1000000x128xf32, #tpu.memory_space<hbm>>
      tpu.enqueue_indirect_dma source(%dma_start3A_144 : memref<1000000x128xf32, #tpu.memory_space<hbm>>) target(%dma_start3A_138 : memref<80x128xf32, #tpu.memory_space<vmem>>) offsets(%dma_start3A_141 : memref<80xi32, #tpu.memory_space<vmem>>) semaphore(%arg18 : memref<!tpu.dma_semaphore, #tpu.memory_space<semaphore_mem>>)
      %mul3A_145 = arith.constant 2 : i32
      %mul3A_146 = arith.muli %add3A_131, %mul3A_145 : i32
      %add3A_147 = arith.constant 1 : i32
      %add3A_148 = arith.addi %mul3A_146, %add3A_147 : i32
      %dma_start3A_149 = arith.constant 240 : i32
      %dma_start3A_150 = arith.constant 0 : i32
      %dma_start3A_151 = tpu.memref_slice %arg15[%dma_start3A_149, %dma_start3A_150] : memref<320x128xf32, #tpu.memory_space<vmem>> -> memref<80x128xf32, #tpu.memory_space<vmem>>
      %dma_start3A_152 = arith.constant 0 : i32
      %dma_start3A_153 = tpu.memref_slice %arg9[%add3A_148, %dma_start3A_152] : memref<64x80xi32, #tpu.memory_space<vmem>> -> memref<1x80xi32, #tpu.memory_space<vmem>>
      %dma_start3A_154 = tpu.memref_squeeze %dma_start3A_153 : memref<1x80xi32, #tpu.memory_space<vmem>> -> memref<80xi32, #tpu.memory_space<vmem>>
      %dma_start3A_155 = arith.constant 0 : i32
      %dma_start3A_156 = arith.constant 0 : i32
      %dma_start3A_157 = tpu.memref_slice %arg7[%dma_start3A_155, %dma_start3A_156] : memref<1000000x128xf32, #tpu.memory_space<hbm>> -> memref<1000000x128xf32, #tpu.memory_space<hbm>>
      tpu.enqueue_indirect_dma source(%dma_start3A_157 : memref<1000000x128xf32, #tpu.memory_space<hbm>>) target(%dma_start3A_151 : memref<80x128xf32, #tpu.memory_space<vmem>>) offsets(%dma_start3A_154 : memref<80xi32, #tpu.memory_space<vmem>>) semaphore(%arg18 : memref<!tpu.dma_semaphore, #tpu.memory_space<semaphore_mem>>)
      %mul3A_158 = arith.constant 2 : i32
      %mul3A_159 = arith.muli %add3A_99, %mul3A_158 : i32
      %add3A_160 = arith.constant 0 : i32
      %add3A_161 = arith.addi %mul3A_159, %add3A_160 : i32
      %dma_wait3A_162 = arith.constant 0 : i32
      %dma_wait3A_163 = arith.constant 0 : i32
      %dma_wait3A_164 = tpu.memref_slice %arg15[%dma_wait3A_162, %dma_wait3A_163] : memref<320x128xf32, #tpu.memory_space<vmem>> -> memref<80x128xf32, #tpu.memory_space<vmem>>
      %dma_wait3A_165 = arith.constant 0 : i32
      %dma_wait3A_166 = tpu.memref_slice %arg9[%add3A_161, %dma_wait3A_165] : memref<64x80xi32, #tpu.memory_space<vmem>> -> memref<1x80xi32, #tpu.memory_space<vmem>>
      %dma_wait3A_167 = tpu.memref_squeeze %dma_wait3A_166 : memref<1x80xi32, #tpu.memory_space<vmem>> -> memref<80xi32, #tpu.memory_space<vmem>>
      %dma_wait3A_168 = arith.constant 0 : i32
      %dma_wait3A_169 = arith.constant 0 : i32
      %dma_wait3A_170 = tpu.memref_slice %arg7[%dma_wait3A_168, %dma_wait3A_169] : memref<1000000x128xf32, #tpu.memory_space<hbm>> -> memref<1000000x128xf32, #tpu.memory_space<hbm>>
      tpu.wait_indirect_dma semaphore(%arg17 : memref<!tpu.dma_semaphore, #tpu.memory_space<semaphore_mem>>) src(%dma_wait3A_170 : memref<1000000x128xf32, #tpu.memory_space<hbm>>) dst(%dma_wait3A_164 : memref<80x128xf32, #tpu.memory_space<vmem>>)
      %mul3A_171 = arith.constant 2 : i32
      %mul3A_172 = arith.muli %add3A_99, %mul3A_171 : i32
      %add3A_173 = arith.constant 1 : i32
      %add3A_174 = arith.addi %mul3A_172, %add3A_173 : i32
      %dma_wait3A_175 = arith.constant 80 : i32
      %dma_wait3A_176 = arith.constant 0 : i32
      %dma_wait3A_177 = tpu.memref_slice %arg15[%dma_wait3A_175, %dma_wait3A_176] : memref<320x128xf32, #tpu.memory_space<vmem>> -> memref<80x128xf32, #tpu.memory_space<vmem>>
      %dma_wait3A_178 = arith.constant 0 : i32
      %dma_wait3A_179 = tpu.memref_slice %arg9[%add3A_174, %dma_wait3A_178] : memref<64x80xi32, #tpu.memory_space<vmem>> -> memref<1x80xi32, #tpu.memory_space<vmem>>
      %dma_wait3A_180 = tpu.memref_squeeze %dma_wait3A_179 : memref<1x80xi32, #tpu.memory_space<vmem>> -> memref<80xi32, #tpu.memory_space<vmem>>
      %dma_wait3A_181 = arith.constant 0 : i32
      %dma_wait3A_182 = arith.constant 0 : i32
      %dma_wait3A_183 = tpu.memref_slice %arg7[%dma_wait3A_181, %dma_wait3A_182] : memref<1000000x128xf32, #tpu.memory_space<hbm>> -> memref<1000000x128xf32, #tpu.memory_space<hbm>>
      tpu.wait_indirect_dma semaphore(%arg17 : memref<!tpu.dma_semaphore, #tpu.memory_space<semaphore_mem>>) src(%dma_wait3A_183 : memref<1000000x128xf32, #tpu.memory_space<hbm>>) dst(%dma_wait3A_177 : memref<80x128xf32, #tpu.memory_space<vmem>>)
      %mul3A_184 = arith.constant 2 : i32
      %mul3A_185 = arith.muli %add3A_99, %mul3A_184 : i32
      %add3A_186 = arith.constant 0 : i32
      %add3A_187 = arith.addi %mul3A_185, %add3A_186 : i32
      %jit3A_188 = arith.constant 8 : i32
      %eq3A_189 = arith.constant 0 : i32
      %eq3A_190 = arith.cmpi eq, %jit3A_188, %eq3A_189 : i32
      %jit3A_191 = arith.constant 1 : i32
      %select_n3A_192 = arith.select %eq3A_190, %jit3A_191, %jit3A_188 : i32
      %rem3A_193 = arith.remsi %add3A_187, %select_n3A_192 : i32
      %ne3A_194 = arith.constant 0 : i32
      %ne3A_195 = arith.cmpi ne, %rem3A_193, %ne3A_194 : i32
      %lt3A_196 = arith.constant 0 : i32
      %lt3A_197 = arith.cmpi slt, %rem3A_193, %lt3A_196 : i32
      %lt3A_198 = arith.constant 0 : i32
      %lt3A_199 = arith.cmpi slt, %select_n3A_192, %lt3A_198 : i32
      %ne3A_200 = arith.xori %lt3A_197, %lt3A_199 : i1
      %and3A_201 = arith.andi %ne3A_200, %ne3A_195 : i1
      %add3A_202 = arith.addi %rem3A_193, %select_n3A_192 : i32
      %select_n3A_203 = arith.select %and3A_201, %add3A_202, %rem3A_193 : i32
      %scan3A_204 = arith.constant 0 : i32
      %scan3A_205 = arith.constant 0 : i32
      %scan3A_206 = arith.constant 4 : i32
      %scan3A_207 = arith.addi %scan3A_205, %scan3A_206 : i32
      %scan3A_208 = arith.constant 1 : i32
      scf.for %scan3A_723 = %scan3A_205 to %scan3A_207 step %scan3A_208  : i32 {
        %mul3A_724 = arith.constant 20 : i32
        %mul3A_725 = arith.muli %scan3A_723, %mul3A_724 : i32
        %get3A_726 = arith.index_cast %add3A_187 : i32 to index
        %get3A_727 = arith.index_cast %mul3A_725 : i32 to index
        %get3A_728 = tpu.vector_load %arg12[%get3A_726, %get3A_727] {strides = array<i32>} : memref<64x80xf32, #tpu.memory_space<vmem>>, vector<1x16xf32>,
        %get3A_729 = vector.shape_cast %get3A_728 : vector<1x16xf32> to vector<16xf32>
        %add3A_730 = arith.constant 4 : i32
        %add3A_731 = arith.addi %mul3A_725, %add3A_730 : i32
        %get3A_732 = arith.index_cast %add3A_187 : i32 to index
        %get3A_733 = arith.index_cast %add3A_731 : i32 to index
        %get3A_734 = tpu.vector_load %arg12[%get3A_732, %get3A_733] {strides = array<i32>} : memref<64x80xf32, #tpu.memory_space<vmem>>, vector<1x16xf32>,
        %get3A_735 = vector.shape_cast %get3A_734 : vector<1x16xf32> to vector<16xf32>
        %add3A_736 = arith.constant 0 : i32
        %add3A_737 = arith.addi %add3A_736, %mul3A_725 : i32
        %broadcast_in_dim3A = arith.constant 0.000000e+00 : f32
        %broadcast_in_dim3A_738 = vector.broadcast %broadcast_in_dim3A : f32 to vector<16xf32>
        %broadcast_in_dim3A_739 = arith.constant 0.000000e+00 : f32
        %broadcast_in_dim3A_740 = vector.broadcast %broadcast_in_dim3A_739 : f32 to vector<16xf32>
        %broadcast_in_dim3A_741 = arith.constant 0.000000e+00 : f32
        %broadcast_in_dim3A_742 = vector.broadcast %broadcast_in_dim3A_741 : f32 to vector<16xf32>
        %broadcast_in_dim3A_743 = arith.constant 0.000000e+00 : f32
        %broadcast_in_dim3A_744 = vector.broadcast %broadcast_in_dim3A_743 : f32 to vector<16xf32>
        %slice3A = vector.extract_strided_slice %get3A_729 {offsets = [0], sizes = [1], strides = [1]} : vector<16xf32> to vector<1xf32>
        %squeeze3A = vector.extract %slice3A[0] : f32 from vector<1xf32>
        %add3A_745 = arith.constant 0 : i32
        %add3A_746 = arith.addi %add3A_737, %add3A_745 : i32
        %get3A_747 = arith.index_cast %add3A_746 : i32 to index
        %get3A_748 = arith.constant 0 : index
        %get3A_749 = tpu.vector_load %arg15[%get3A_747, %get3A_748] {strides = array<i32>} : memref<320x128xf32, #tpu.memory_space<vmem>>, vector<1x16xf32>,
        %get3A_750 = vector.shape_cast %get3A_749 : vector<1x16xf32> to vector<16xf32>
        %mul3A_751 = vector.broadcast %squeeze3A : f32 to vector<16xf32>
        %mul3A_752 = arith.mulf %mul3A_751, %get3A_750 : vector<16xf32>
        %add3A_753 = arith.addf %broadcast_in_dim3A_738, %mul3A_752 : vector<16xf32>
        %add3A_754 = arith.constant 0 : i32
        %add3A_755 = arith.addi %add3A_737, %add3A_754 : i32
        %get3A_756 = arith.index_cast %add3A_755 : i32 to index
        %get3A_757 = arith.constant 16 : index
        %get3A_758 = tpu.vector_load %arg15[%get3A_756, %get3A_757] {strides = array<i32>} : memref<320x128xf32, #tpu.memory_space<vmem>>, vector<1x16xf32>,
        %get3A_759 = vector.shape_cast %get3A_758 : vector<1x16xf32> to vector<16xf32>
        %mul3A_760 = vector.broadcast %squeeze3A : f32 to vector<16xf32>
        %mul3A_761 = arith.mulf %mul3A_760, %get3A_759 : vector<16xf32>
        %add3A_762 = arith.addf %broadcast_in_dim3A_740, %mul3A_761 : vector<16xf32>
        %add3A_763 = arith.constant 0 : i32
        %add3A_764 = arith.addi %add3A_737, %add3A_763 : i32
        %get3A_765 = arith.index_cast %add3A_764 : i32 to index
        %get3A_766 = arith.constant 32 : index
        %get3A_767 = tpu.vector_load %arg15[%get3A_765, %get3A_766] {strides = array<i32>} : memref<320x128xf32, #tpu.memory_space<vmem>>, vector<1x16xf32>,
        %get3A_768 = vector.shape_cast %get3A_767 : vector<1x16xf32> to vector<16xf32>
        %mul3A_769 = vector.broadcast %squeeze3A : f32 to vector<16xf32>
        %mul3A_770 = arith.mulf %mul3A_769, %get3A_768 : vector<16xf32>
        %add3A_771 = arith.addf %broadcast_in_dim3A_742, %mul3A_770 : vector<16xf32>
        %add3A_772 = arith.constant 0 : i32
        %add3A_773 = arith.addi %add3A_737, %add3A_772 : i32
        %get3A_774 = arith.index_cast %add3A_773 : i32 to index
        %get3A_775 = arith.constant 48 : index
        %get3A_776 = tpu.vector_load %arg15[%get3A_774, %get3A_775] {strides = array<i32>} : memref<320x128xf32, #tpu.memory_space<vmem>>, vector<1x16xf32>,
        %get3A_777 = vector.shape_cast %get3A_776 : vector<1x16xf32> to vector<16xf32>
        %mul3A_778 = vector.broadcast %squeeze3A : f32 to vector<16xf32>
        %mul3A_779 = arith.mulf %mul3A_778, %get3A_777 : vector<16xf32>
        %add3A_780 = arith.addf %broadcast_in_dim3A_744, %mul3A_779 : vector<16xf32>
        %slice3A_781 = vector.extract_strided_slice %get3A_729 {offsets = [1], sizes = [1], strides = [1]} : vector<16xf32> to vector<1xf32>
        %squeeze3A_782 = vector.extract %slice3A_781[0] : f32 from vector<1xf32>
        %add3A_783 = arith.constant 1 : i32
        %add3A_784 = arith.addi %add3A_737, %add3A_783 : i32
        %get3A_785 = arith.index_cast %add3A_784 : i32 to index
        %get3A_786 = arith.constant 0 : index
        %get3A_787 = tpu.vector_load %arg15[%get3A_785, %get3A_786] {strides = array<i32>} : memref<320x128xf32, #tpu.memory_space<vmem>>, vector<1x16xf32>,
        %get3A_788 = vector.shape_cast %get3A_787 : vector<1x16xf32> to vector<16xf32>
        %mul3A_789 = vector.broadcast %squeeze3A_782 : f32 to vector<16xf32>
        %mul3A_790 = arith.mulf %mul3A_789, %get3A_788 : vector<16xf32>
        %add3A_791 = arith.addf %add3A_753, %mul3A_790 : vector<16xf32>
        %add3A_792 = arith.constant 1 : i32
        %add3A_793 = arith.addi %add3A_737, %add3A_792 : i32
        %get3A_794 = arith.index_cast %add3A_793 : i32 to index
        %get3A_795 = arith.constant 16 : index
        %get3A_796 = tpu.vector_load %arg15[%get3A_794, %get3A_795] {strides = array<i32>} : memref<320x128xf32, #tpu.memory_space<vmem>>, vector<1x16xf32>,
        %get3A_797 = vector.shape_cast %get3A_796 : vector<1x16xf32> to vector<16xf32>
        %mul3A_798 = vector.broadcast %squeeze3A_782 : f32 to vector<16xf32>
        %mul3A_799 = arith.mulf %mul3A_798, %get3A_797 : vector<16xf32>
        %add3A_800 = arith.addf %add3A_762, %mul3A_799 : vector<16xf32>
        %add3A_801 = arith.constant 1 : i32
        %add3A_802 = arith.addi %add3A_737, %add3A_801 : i32
        %get3A_803 = arith.index_cast %add3A_802 : i32 to index
        %get3A_804 = arith.constant 32 : index
        %get3A_805 = tpu.vector_load %arg15[%get3A_803, %get3A_804] {strides = array<i32>} : memref<320x128xf32, #tpu.memory_space<vmem>>, vector<1x16xf32>,
        %get3A_806 = vector.shape_cast %get3A_805 : vector<1x16xf32> to vector<16xf32>
        %mul3A_807 = vector.broadcast %squeeze3A_782 : f32 to vector<16xf32>
        %mul3A_808 = arith.mulf %mul3A_807, %get3A_806 : vector<16xf32>
        %add3A_809 = arith.addf %add3A_771, %mul3A_808 : vector<16xf32>
        %add3A_810 = arith.constant 1 : i32
        %add3A_811 = arith.addi %add3A_737, %add3A_810 : i32
        %get3A_812 = arith.index_cast %add3A_811 : i32 to index
        %get3A_813 = arith.constant 48 : index
        %get3A_814 = tpu.vector_load %arg15[%get3A_812, %get3A_813] {strides = array<i32>} : memref<320x128xf32, #tpu.memory_space<vmem>>, vector<1x16xf32>,
        %get3A_815 = vector.shape_cast %get3A_814 : vector<1x16xf32> to vector<16xf32>
        %mul3A_816 = vector.broadcast %squeeze3A_782 : f32 to vector<16xf32>
        %mul3A_817 = arith.mulf %mul3A_816, %get3A_815 : vector<16xf32>
        %add3A_818 = arith.addf %add3A_780, %mul3A_817 : vector<16xf32>
        %slice3A_819 = vector.extract_strided_slice %get3A_729 {offsets = [2], sizes = [1], strides = [1]} : vector<16xf32> to vector<1xf32>
        %squeeze3A_820 = vector.extract %slice3A_819[0] : f32 from vector<1xf32>
        %add3A_821 = arith.constant 2 : i32
        %add3A_822 = arith.addi %add3A_737, %add3A_821 : i32
        %get3A_823 = arith.index_cast %add3A_822 : i32 to index
        %get3A_824 = arith.constant 0 : index
        %get3A_825 = tpu.vector_load %arg15[%get3A_823, %get3A_824] {strides = array<i32>} : memref<320x128xf32, #tpu.memory_space<vmem>>, vector<1x16xf32>,
        %get3A_826 = vector.shape_cast %get3A_825 : vector<1x16xf32> to vector<16xf32>
        %mul3A_827 = vector.broadcast %squeeze3A_820 : f32 to vector<16xf32>
        %mul3A_828 = arith.mulf %mul3A_827, %get3A_826 : vector<16xf32>
        %add3A_829 = arith.addf %add3A_791, %mul3A_828 : vector<16xf32>
        %add3A_830 = arith.constant 2 : i32
        %add3A_831 = arith.addi %add3A_737, %add3A_830 : i32
        %get3A_832 = arith.index_cast %add3A_831 : i32 to index
        %get3A_833 = arith.constant 16 : index
        %get3A_834 = tpu.vector_load %arg15[%get3A_832, %get3A_833] {strides = array<i32>} : memref<320x128xf32, #tpu.memory_space<vmem>>, vector<1x16xf32>,
        %get3A_835 = vector.shape_cast %get3A_834 : vector<1x16xf32> to vector<16xf32>
        %mul3A_836 = vector.broadcast %squeeze3A_820 : f32 to vector<16xf32>
        %mul3A_837 = arith.mulf %mul3A_836, %get3A_835 : vector<16xf32>
        %add3A_838 = arith.addf %add3A_800, %mul3A_837 : vector<16xf32>
        %add3A_839 = arith.constant 2 : i32
        %add3A_840 = arith.addi %add3A_737, %add3A_839 : i32
        %get3A_841 = arith.index_cast %add3A_840 : i32 to index
        %get3A_842 = arith.constant 32 : index
        %get3A_843 = tpu.vector_load %arg15[%get3A_841, %get3A_842] {strides = array<i32>} : memref<320x128xf32, #tpu.memory_space<vmem>>, vector<1x16xf32>,
        %get3A_844 = vector.shape_cast %get3A_843 : vector<1x16xf32> to vector<16xf32>
        %mul3A_845 = vector.broadcast %squeeze3A_820 : f32 to vector<16xf32>
        %mul3A_846 = arith.mulf %mul3A_845, %get3A_844 : vector<16xf32>
        %add3A_847 = arith.addf %add3A_809, %mul3A_846 : vector<16xf32>
        %add3A_848 = arith.constant 2 : i32
        %add3A_849 = arith.addi %add3A_737, %add3A_848 : i32
        %get3A_850 = arith.index_cast %add3A_849 : i32 to index
        %get3A_851 = arith.constant 48 : index
        %get3A_852 = tpu.vector_load %arg15[%get3A_850, %get3A_851] {strides = array<i32>} : memref<320x128xf32, #tpu.memory_space<vmem>>, vector<1x16xf32>,
        %get3A_853 = vector.shape_cast %get3A_852 : vector<1x16xf32> to vector<16xf32>
        %mul3A_854 = vector.broadcast %squeeze3A_820 : f32 to vector<16xf32>
        %mul3A_855 = arith.mulf %mul3A_854, %get3A_853 : vector<16xf32>
        %add3A_856 = arith.addf %add3A_818, %mul3A_855 : vector<16xf32>
        %slice3A_857 = vector.extract_strided_slice %get3A_729 {offsets = [3], sizes = [1], strides = [1]} : vector<16xf32> to vector<1xf32>
        %squeeze3A_858 = vector.extract %slice3A_857[0] : f32 from vector<1xf32>
        %add3A_859 = arith.constant 3 : i32
        %add3A_860 = arith.addi %add3A_737, %add3A_859 : i32
        %get3A_861 = arith.index_cast %add3A_860 : i32 to index
        %get3A_862 = arith.constant 0 : index
        %get3A_863 = tpu.vector_load %arg15[%get3A_861, %get3A_862] {strides = array<i32>} : memref<320x128xf32, #tpu.memory_space<vmem>>, vector<1x16xf32>,
        %get3A_864 = vector.shape_cast %get3A_863 : vector<1x16xf32> to vector<16xf32>
        %mul3A_865 = vector.broadcast %squeeze3A_858 : f32 to vector<16xf32>
        %mul3A_866 = arith.mulf %mul3A_865, %get3A_864 : vector<16xf32>
        %add3A_867 = arith.addf %add3A_829, %mul3A_866 : vector<16xf32>
        %add3A_868 = arith.constant 3 : i32
        %add3A_869 = arith.addi %add3A_737, %add3A_868 : i32
        %get3A_870 = arith.index_cast %add3A_869 : i32 to index
        %get3A_871 = arith.constant 16 : index
        %get3A_872 = tpu.vector_load %arg15[%get3A_870, %get3A_871] {strides = array<i32>} : memref<320x128xf32, #tpu.memory_space<vmem>>, vector<1x16xf32>,
        %get3A_873 = vector.shape_cast %get3A_872 : vector<1x16xf32> to vector<16xf32>
        %mul3A_874 = vector.broadcast %squeeze3A_858 : f32 to vector<16xf32>
        %mul3A_875 = arith.mulf %mul3A_874, %get3A_873 : vector<16xf32>
        %add3A_876 = arith.addf %add3A_838, %mul3A_875 : vector<16xf32>
        %add3A_877 = arith.constant 3 : i32
        %add3A_878 = arith.addi %add3A_737, %add3A_877 : i32
        %get3A_879 = arith.index_cast %add3A_878 : i32 to index
        %get3A_880 = arith.constant 32 : index
        %get3A_881 = tpu.vector_load %arg15[%get3A_879, %get3A_880] {strides = array<i32>} : memref<320x128xf32, #tpu.memory_space<vmem>>, vector<1x16xf32>,
        %get3A_882 = vector.shape_cast %get3A_881 : vector<1x16xf32> to vector<16xf32>
        %mul3A_883 = vector.broadcast %squeeze3A_858 : f32 to vector<16xf32>
        %mul3A_884 = arith.mulf %mul3A_883, %get3A_882 : vector<16xf32>
        %add3A_885 = arith.addf %add3A_847, %mul3A_884 : vector<16xf32>
        %add3A_886 = arith.constant 3 : i32
        %add3A_887 = arith.addi %add3A_737, %add3A_886 : i32
        %get3A_888 = arith.index_cast %add3A_887 : i32 to index
        %get3A_889 = arith.constant 48 : index
        %get3A_890 = tpu.vector_load %arg15[%get3A_888, %get3A_889] {strides = array<i32>} : memref<320x128xf32, #tpu.memory_space<vmem>>, vector<1x16xf32>,
        %get3A_891 = vector.shape_cast %get3A_890 : vector<1x16xf32> to vector<16xf32>
        %mul3A_892 = vector.broadcast %squeeze3A_858 : f32 to vector<16xf32>
        %mul3A_893 = arith.mulf %mul3A_892, %get3A_891 : vector<16xf32>
        %add3A_894 = arith.addf %add3A_856, %mul3A_893 : vector<16xf32>
        %slice3A_895 = vector.extract_strided_slice %get3A_729 {offsets = [4], sizes = [1], strides = [1]} : vector<16xf32> to vector<1xf32>
        %squeeze3A_896 = vector.extract %slice3A_895[0] : f32 from vector<1xf32>
        %add3A_897 = arith.constant 4 : i32
        %add3A_898 = arith.addi %add3A_737, %add3A_897 : i32
        %get3A_899 = arith.index_cast %add3A_898 : i32 to index
        %get3A_900 = arith.constant 0 : index
        %get3A_901 = tpu.vector_load %arg15[%get3A_899, %get3A_900] {strides = array<i32>} : memref<320x128xf32, #tpu.memory_space<vmem>>, vector<1x16xf32>,
        %get3A_902 = vector.shape_cast %get3A_901 : vector<1x16xf32> to vector<16xf32>
        %mul3A_903 = vector.broadcast %squeeze3A_896 : f32 to vector<16xf32>
        %mul3A_904 = arith.mulf %mul3A_903, %get3A_902 : vector<16xf32>
        %add3A_905 = arith.addf %add3A_867, %mul3A_904 : vector<16xf32>
        %add3A_906 = arith.constant 4 : i32
        %add3A_907 = arith.addi %add3A_737, %add3A_906 : i32
        %get3A_908 = arith.index_cast %add3A_907 : i32 to index
        %get3A_909 = arith.constant 16 : index
        %get3A_910 = tpu.vector_load %arg15[%get3A_908, %get3A_909] {strides = array<i32>} : memref<320x128xf32, #tpu.memory_space<vmem>>, vector<1x16xf32>,
        %get3A_911 = vector.shape_cast %get3A_910 : vector<1x16xf32> to vector<16xf32>
        %mul3A_912 = vector.broadcast %squeeze3A_896 : f32 to vector<16xf32>
        %mul3A_913 = arith.mulf %mul3A_912, %get3A_911 : vector<16xf32>
        %add3A_914 = arith.addf %add3A_876, %mul3A_913 : vector<16xf32>
        %add3A_915 = arith.constant 4 : i32
        %add3A_916 = arith.addi %add3A_737, %add3A_915 : i32
        %get3A_917 = arith.index_cast %add3A_916 : i32 to index
        %get3A_918 = arith.constant 32 : index
        %get3A_919 = tpu.vector_load %arg15[%get3A_917, %get3A_918] {strides = array<i32>} : memref<320x128xf32, #tpu.memory_space<vmem>>, vector<1x16xf32>,
        %get3A_920 = vector.shape_cast %get3A_919 : vector<1x16xf32> to vector<16xf32>
        %mul3A_921 = vector.broadcast %squeeze3A_896 : f32 to vector<16xf32>
        %mul3A_922 = arith.mulf %mul3A_921, %get3A_920 : vector<16xf32>
        %add3A_923 = arith.addf %add3A_885, %mul3A_922 : vector<16xf32>
        %add3A_924 = arith.constant 4 : i32
        %add3A_925 = arith.addi %add3A_737, %add3A_924 : i32
        %get3A_926 = arith.index_cast %add3A_925 : i32 to index
        %get3A_927 = arith.constant 48 : index
        %get3A_928 = tpu.vector_load %arg15[%get3A_926, %get3A_927] {strides = array<i32>} : memref<320x128xf32, #tpu.memory_space<vmem>>, vector<1x16xf32>,
        %get3A_929 = vector.shape_cast %get3A_928 : vector<1x16xf32> to vector<16xf32>
        %mul3A_930 = vector.broadcast %squeeze3A_896 : f32 to vector<16xf32>
        %mul3A_931 = arith.mulf %mul3A_930, %get3A_929 : vector<16xf32>
        %add3A_932 = arith.addf %add3A_894, %mul3A_931 : vector<16xf32>
        %slice3A_933 = vector.extract_strided_slice %get3A_729 {offsets = [5], sizes = [1], strides = [1]} : vector<16xf32> to vector<1xf32>
        %squeeze3A_934 = vector.extract %slice3A_933[0] : f32 from vector<1xf32>
        %add3A_935 = arith.constant 5 : i32
        %add3A_936 = arith.addi %add3A_737, %add3A_935 : i32
        %get3A_937 = arith.index_cast %add3A_936 : i32 to index
        %get3A_938 = arith.constant 0 : index
        %get3A_939 = tpu.vector_load %arg15[%get3A_937, %get3A_938] {strides = array<i32>} : memref<320x128xf32, #tpu.memory_space<vmem>>, vector<1x16xf32>,
        %get3A_940 = vector.shape_cast %get3A_939 : vector<1x16xf32> to vector<16xf32>
        %mul3A_941 = vector.broadcast %squeeze3A_934 : f32 to vector<16xf32>
        %mul3A_942 = arith.mulf %mul3A_941, %get3A_940 : vector<16xf32>
        %add3A_943 = arith.addf %add3A_905, %mul3A_942 : vector<16xf32>
        %add3A_944 = arith.constant 5 : i32
        %add3A_945 = arith.addi %add3A_737, %add3A_944 : i32
        %get3A_946 = arith.index_cast %add3A_945 : i32 to index
        %get3A_947 = arith.constant 16 : index
        %get3A_948 = tpu.vector_load %arg15[%get3A_946, %get3A_947] {strides = array<i32>} : memref<320x128xf32, #tpu.memory_space<vmem>>, vector<1x16xf32>,
        %get3A_949 = vector.shape_cast %get3A_948 : vector<1x16xf32> to vector<16xf32>
        %mul3A_950 = vector.broadcast %squeeze3A_934 : f32 to vector<16xf32>
        %mul3A_951 = arith.mulf %mul3A_950, %get3A_949 : vector<16xf32>
        %add3A_952 = arith.addf %add3A_914, %mul3A_951 : vector<16xf32>
        %add3A_953 = arith.constant 5 : i32
        %add3A_954 = arith.addi %add3A_737, %add3A_953 : i32
        %get3A_955 = arith.index_cast %add3A_954 : i32 to index
        %get3A_956 = arith.constant 32 : index
        %get3A_957 = tpu.vector_load %arg15[%get3A_955, %get3A_956] {strides = array<i32>} : memref<320x128xf32, #tpu.memory_space<vmem>>, vector<1x16xf32>,
        %get3A_958 = vector.shape_cast %get3A_957 : vector<1x16xf32> to vector<16xf32>
        %mul3A_959 = vector.broadcast %squeeze3A_934 : f32 to vector<16xf32>
        %mul3A_960 = arith.mulf %mul3A_959, %get3A_958 : vector<16xf32>
        %add3A_961 = arith.addf %add3A_923, %mul3A_960 : vector<16xf32>
        %add3A_962 = arith.constant 5 : i32
        %add3A_963 = arith.addi %add3A_737, %add3A_962 : i32
        %get3A_964 = arith.index_cast %add3A_963 : i32 to index
        %get3A_965 = arith.constant 48 : index
        %get3A_966 = tpu.vector_load %arg15[%get3A_964, %get3A_965] {strides = array<i32>} : memref<320x128xf32, #tpu.memory_space<vmem>>, vector<1x16xf32>,
        %get3A_967 = vector.shape_cast %get3A_966 : vector<1x16xf32> to vector<16xf32>
        %mul3A_968 = vector.broadcast %squeeze3A_934 : f32 to vector<16xf32>
        %mul3A_969 = arith.mulf %mul3A_968, %get3A_967 : vector<16xf32>
        %add3A_970 = arith.addf %add3A_932, %mul3A_969 : vector<16xf32>
        %slice3A_971 = vector.extract_strided_slice %get3A_729 {offsets = [6], sizes = [1], strides = [1]} : vector<16xf32> to vector<1xf32>
        %squeeze3A_972 = vector.extract %slice3A_971[0] : f32 from vector<1xf32>
        %add3A_973 = arith.constant 6 : i32
        %add3A_974 = arith.addi %add3A_737, %add3A_973 : i32
        %get3A_975 = arith.index_cast %add3A_974 : i32 to index
        %get3A_976 = arith.constant 0 : index
        %get3A_977 = tpu.vector_load %arg15[%get3A_975, %get3A_976] {strides = array<i32>} : memref<320x128xf32, #tpu.memory_space<vmem>>, vector<1x16xf32>,
        %get3A_978 = vector.shape_cast %get3A_977 : vector<1x16xf32> to vector<16xf32>
        %mul3A_979 = vector.broadcast %squeeze3A_972 : f32 to vector<16xf32>
        %mul3A_980 = arith.mulf %mul3A_979, %get3A_978 : vector<16xf32>
        %add3A_981 = arith.addf %add3A_943, %mul3A_980 : vector<16xf32>
        %add3A_982 = arith.constant 6 : i32
        %add3A_983 = arith.addi %add3A_737, %add3A_982 : i32
        %get3A_984 = arith.index_cast %add3A_983 : i32 to index
        %get3A_985 = arith.constant 16 : index
        %get3A_986 = tpu.vector_load %arg15[%get3A_984, %get3A_985] {strides = array<i32>} : memref<320x128xf32, #tpu.memory_space<vmem>>, vector<1x16xf32>,
        %get3A_987 = vector.shape_cast %get3A_986 : vector<1x16xf32> to vector<16xf32>
        %mul3A_988 = vector.broadcast %squeeze3A_972 : f32 to vector<16xf32>
        %mul3A_989 = arith.mulf %mul3A_988, %get3A_987 : vector<16xf32>
        %add3A_990 = arith.addf %add3A_952, %mul3A_989 : vector<16xf32>
        %add3A_991 = arith.constant 6 : i32
        %add3A_992 = arith.addi %add3A_737, %add3A_991 : i32
        %get3A_993 = arith.index_cast %add3A_992 : i32 to index
        %get3A_994 = arith.constant 32 : index
        %get3A_995 = tpu.vector_load %arg15[%get3A_993, %get3A_994] {strides = array<i32>} : memref<320x128xf32, #tpu.memory_space<vmem>>, vector<1x16xf32>,
        %get3A_996 = vector.shape_cast %get3A_995 : vector<1x16xf32> to vector<16xf32>
        %mul3A_997 = vector.broadcast %squeeze3A_972 : f32 to vector<16xf32>
        %mul3A_998 = arith.mulf %mul3A_997, %get3A_996 : vector<16xf32>
        %add3A_999 = arith.addf %add3A_961, %mul3A_998 : vector<16xf32>
        %add3A_1000 = arith.constant 6 : i32
        %add3A_1001 = arith.addi %add3A_737, %add3A_1000 : i32
        %get3A_1002 = arith.index_cast %add3A_1001 : i32 to index
        %get3A_1003 = arith.constant 48 : index
        %get3A_1004 = tpu.vector_load %arg15[%get3A_1002, %get3A_1003] {strides = array<i32>} : memref<320x128xf32, #tpu.memory_space<vmem>>, vector<1x16xf32>,
        %get3A_1005 = vector.shape_cast %get3A_1004 : vector<1x16xf32> to vector<16xf32>
        %mul3A_1006 = vector.broadcast %squeeze3A_972 : f32 to vector<16xf32>
        %mul3A_1007 = arith.mulf %mul3A_1006, %get3A_1005 : vector<16xf32>
        %add3A_1008 = arith.addf %add3A_970, %mul3A_1007 : vector<16xf32>
        %slice3A_1009 = vector.extract_strided_slice %get3A_729 {offsets = [7], sizes = [1], strides = [1]} : vector<16xf32> to vector<1xf32>
        %squeeze3A_1010 = vector.extract %slice3A_1009[0] : f32 from vector<1xf32>
        %add3A_1011 = arith.constant 7 : i32
        %add3A_1012 = arith.addi %add3A_737, %add3A_1011 : i32
        %get3A_1013 = arith.index_cast %add3A_1012 : i32 to index
        %get3A_1014 = arith.constant 0 : index
        %get3A_1015 = tpu.vector_load %arg15[%get3A_1013, %get3A_1014] {strides = array<i32>} : memref<320x128xf32, #tpu.memory_space<vmem>>, vector<1x16xf32>,
        %get3A_1016 = vector.shape_cast %get3A_1015 : vector<1x16xf32> to vector<16xf32>
        %mul3A_1017 = vector.broadcast %squeeze3A_1010 : f32 to vector<16xf32>
        %mul3A_1018 = arith.mulf %mul3A_1017, %get3A_1016 : vector<16xf32>
        %add3A_1019 = arith.addf %add3A_981, %mul3A_1018 : vector<16xf32>
        %add3A_1020 = arith.constant 7 : i32
        %add3A_1021 = arith.addi %add3A_737, %add3A_1020 : i32
        %get3A_1022 = arith.index_cast %add3A_1021 : i32 to index
        %get3A_1023 = arith.constant 16 : index
        %get3A_1024 = tpu.vector_load %arg15[%get3A_1022, %get3A_1023] {strides = array<i32>} : memref<320x128xf32, #tpu.memory_space<vmem>>, vector<1x16xf32>,
        %get3A_1025 = vector.shape_cast %get3A_1024 : vector<1x16xf32> to vector<16xf32>
        %mul3A_1026 = vector.broadcast %squeeze3A_1010 : f32 to vector<16xf32>
        %mul3A_1027 = arith.mulf %mul3A_1026, %get3A_1025 : vector<16xf32>
        %add3A_1028 = arith.addf %add3A_990, %mul3A_1027 : vector<16xf32>
        %add3A_1029 = arith.constant 7 : i32
        %add3A_1030 = arith.addi %add3A_737, %add3A_1029 : i32
        %get3A_1031 = arith.index_cast %add3A_1030 : i32 to index
        %get3A_1032 = arith.constant 32 : index
        %get3A_1033 = tpu.vector_load %arg15[%get3A_1031, %get3A_1032] {strides = array<i32>} : memref<320x128xf32, #tpu.memory_space<vmem>>, vector<1x16xf32>,
        %get3A_1034 = vector.shape_cast %get3A_1033 : vector<1x16xf32> to vector<16xf32>
        %mul3A_1035 = vector.broadcast %squeeze3A_1010 : f32 to vector<16xf32>
        %mul3A_1036 = arith.mulf %mul3A_1035, %get3A_1034 : vector<16xf32>
        %add3A_1037 = arith.addf %add3A_999, %mul3A_1036 : vector<16xf32>
        %add3A_1038 = arith.constant 7 : i32
        %add3A_1039 = arith.addi %add3A_737, %add3A_1038 : i32
        %get3A_1040 = arith.index_cast %add3A_1039 : i32 to index
        %get3A_1041 = arith.constant 48 : index
        %get3A_1042 = tpu.vector_load %arg15[%get3A_1040, %get3A_1041] {strides = array<i32>} : memref<320x128xf32, #tpu.memory_space<vmem>>, vector<1x16xf32>,
        %get3A_1043 = vector.shape_cast %get3A_1042 : vector<1x16xf32> to vector<16xf32>
        %mul3A_1044 = vector.broadcast %squeeze3A_1010 : f32 to vector<16xf32>
        %mul3A_1045 = arith.mulf %mul3A_1044, %get3A_1043 : vector<16xf32>
        %add3A_1046 = arith.addf %add3A_1008, %mul3A_1045 : vector<16xf32>
        %slice3A_1047 = vector.extract_strided_slice %get3A_729 {offsets = [8], sizes = [1], strides = [1]} : vector<16xf32> to vector<1xf32>
        %squeeze3A_1048 = vector.extract %slice3A_1047[0] : f32 from vector<1xf32>
        %add3A_1049 = arith.constant 8 : i32
        %add3A_1050 = arith.addi %add3A_737, %add3A_1049 : i32
        %get3A_1051 = arith.index_cast %add3A_1050 : i32 to index
        %get3A_1052 = arith.constant 0 : index
        %get3A_1053 = tpu.vector_load %arg15[%get3A_1051, %get3A_1052] {strides = array<i32>} : memref<320x128xf32, #tpu.memory_space<vmem>>, vector<1x16xf32>,
        %get3A_1054 = vector.shape_cast %get3A_1053 : vector<1x16xf32> to vector<16xf32>
        %mul3A_1055 = vector.broadcast %squeeze3A_1048 : f32 to vector<16xf32>
        %mul3A_1056 = arith.mulf %mul3A_1055, %get3A_1054 : vector<16xf32>
        %add3A_1057 = arith.addf %add3A_1019, %mul3A_1056 : vector<16xf32>
        %add3A_1058 = arith.constant 8 : i32
        %add3A_1059 = arith.addi %add3A_737, %add3A_1058 : i32
        %get3A_1060 = arith.index_cast %add3A_1059 : i32 to index
        %get3A_1061 = arith.constant 16 : index
        %get3A_1062 = tpu.vector_load %arg15[%get3A_1060, %get3A_1061] {strides = array<i32>} : memref<320x128xf32, #tpu.memory_space<vmem>>, vector<1x16xf32>,
        %get3A_1063 = vector.shape_cast %get3A_1062 : vector<1x16xf32> to vector<16xf32>
        %mul3A_1064 = vector.broadcast %squeeze3A_1048 : f32 to vector<16xf32>
        %mul3A_1065 = arith.mulf %mul3A_1064, %get3A_1063 : vector<16xf32>
        %add3A_1066 = arith.addf %add3A_1028, %mul3A_1065 : vector<16xf32>
        %add3A_1067 = arith.constant 8 : i32
        %add3A_1068 = arith.addi %add3A_737, %add3A_1067 : i32
        %get3A_1069 = arith.index_cast %add3A_1068 : i32 to index
        %get3A_1070 = arith.constant 32 : index
        %get3A_1071 = tpu.vector_load %arg15[%get3A_1069, %get3A_1070] {strides = array<i32>} : memref<320x128xf32, #tpu.memory_space<vmem>>, vector<1x16xf32>,
        %get3A_1072 = vector.shape_cast %get3A_1071 : vector<1x16xf32> to vector<16xf32>
        %mul3A_1073 = vector.broadcast %squeeze3A_1048 : f32 to vector<16xf32>
        %mul3A_1074 = arith.mulf %mul3A_1073, %get3A_1072 : vector<16xf32>
        %add3A_1075 = arith.addf %add3A_1037, %mul3A_1074 : vector<16xf32>
        %add3A_1076 = arith.constant 8 : i32
        %add3A_1077 = arith.addi %add3A_737, %add3A_1076 : i32
        %get3A_1078 = arith.index_cast %add3A_1077 : i32 to index
        %get3A_1079 = arith.constant 48 : index
        %get3A_1080 = tpu.vector_load %arg15[%get3A_1078, %get3A_1079] {strides = array<i32>} : memref<320x128xf32, #tpu.memory_space<vmem>>, vector<1x16xf32>,
        %get3A_1081 = vector.shape_cast %get3A_1080 : vector<1x16xf32> to vector<16xf32>
        %mul3A_1082 = vector.broadcast %squeeze3A_1048 : f32 to vector<16xf32>
        %mul3A_1083 = arith.mulf %mul3A_1082, %get3A_1081 : vector<16xf32>
        %add3A_1084 = arith.addf %add3A_1046, %mul3A_1083 : vector<16xf32>
        %slice3A_1085 = vector.extract_strided_slice %get3A_729 {offsets = [9], sizes = [1], strides = [1]} : vector<16xf32> to vector<1xf32>
        %squeeze3A_1086 = vector.extract %slice3A_1085[0] : f32 from vector<1xf32>
        %add3A_1087 = arith.constant 9 : i32
        %add3A_1088 = arith.addi %add3A_737, %add3A_1087 : i32
        %get3A_1089 = arith.index_cast %add3A_1088 : i32 to index
        %get3A_1090 = arith.constant 0 : index
        %get3A_1091 = tpu.vector_load %arg15[%get3A_1089, %get3A_1090] {strides = array<i32>} : memref<320x128xf32, #tpu.memory_space<vmem>>, vector<1x16xf32>,
        %get3A_1092 = vector.shape_cast %get3A_1091 : vector<1x16xf32> to vector<16xf32>
        %mul3A_1093 = vector.broadcast %squeeze3A_1086 : f32 to vector<16xf32>
        %mul3A_1094 = arith.mulf %mul3A_1093, %get3A_1092 : vector<16xf32>
        %add3A_1095 = arith.addf %add3A_1057, %mul3A_1094 : vector<16xf32>
        %add3A_1096 = arith.constant 9 : i32
        %add3A_1097 = arith.addi %add3A_737, %add3A_1096 : i32
        %get3A_1098 = arith.index_cast %add3A_1097 : i32 to index
        %get3A_1099 = arith.constant 16 : index
        %get3A_1100 = tpu.vector_load %arg15[%get3A_1098, %get3A_1099] {strides = array<i32>} : memref<320x128xf32, #tpu.memory_space<vmem>>, vector<1x16xf32>,
        %get3A_1101 = vector.shape_cast %get3A_1100 : vector<1x16xf32> to vector<16xf32>
        %mul3A_1102 = vector.broadcast %squeeze3A_1086 : f32 to vector<16xf32>
        %mul3A_1103 = arith.mulf %mul3A_1102, %get3A_1101 : vector<16xf32>
        %add3A_1104 = arith.addf %add3A_1066, %mul3A_1103 : vector<16xf32>
        %add3A_1105 = arith.constant 9 : i32
        %add3A_1106 = arith.addi %add3A_737, %add3A_1105 : i32
        %get3A_1107 = arith.index_cast %add3A_1106 : i32 to index
        %get3A_1108 = arith.constant 32 : index
        %get3A_1109 = tpu.vector_load %arg15[%get3A_1107, %get3A_1108] {strides = array<i32>} : memref<320x128xf32, #tpu.memory_space<vmem>>, vector<1x16xf32>,
        %get3A_1110 = vector.shape_cast %get3A_1109 : vector<1x16xf32> to vector<16xf32>
        %mul3A_1111 = vector.broadcast %squeeze3A_1086 : f32 to vector<16xf32>
        %mul3A_1112 = arith.mulf %mul3A_1111, %get3A_1110 : vector<16xf32>
        %add3A_1113 = arith.addf %add3A_1075, %mul3A_1112 : vector<16xf32>
        %add3A_1114 = arith.constant 9 : i32
        %add3A_1115 = arith.addi %add3A_737, %add3A_1114 : i32
        %get3A_1116 = arith.index_cast %add3A_1115 : i32 to index
        %get3A_1117 = arith.constant 48 : index
        %get3A_1118 = tpu.vector_load %arg15[%get3A_1116, %get3A_1117] {strides = array<i32>} : memref<320x128xf32, #tpu.memory_space<vmem>>, vector<1x16xf32>,
        %get3A_1119 = vector.shape_cast %get3A_1118 : vector<1x16xf32> to vector<16xf32>
        %mul3A_1120 = vector.broadcast %squeeze3A_1086 : f32 to vector<16xf32>
        %mul3A_1121 = arith.mulf %mul3A_1120, %get3A_1119 : vector<16xf32>
        %add3A_1122 = arith.addf %add3A_1084, %mul3A_1121 : vector<16xf32>
        %slice3A_1123 = vector.extract_strided_slice %get3A_729 {offsets = [10], sizes = [1], strides = [1]} : vector<16xf32> to vector<1xf32>
        %squeeze3A_1124 = vector.extract %slice3A_1123[0] : f32 from vector<1xf32>
        %add3A_1125 = arith.constant 10 : i32
        %add3A_1126 = arith.addi %add3A_737, %add3A_1125 : i32
        %get3A_1127 = arith.index_cast %add3A_1126 : i32 to index
        %get3A_1128 = arith.constant 0 : index
        %get3A_1129 = tpu.vector_load %arg15[%get3A_1127, %get3A_1128] {strides = array<i32>} : memref<320x128xf32, #tpu.memory_space<vmem>>, vector<1x16xf32>,
        %get3A_1130 = vector.shape_cast %get3A_1129 : vector<1x16xf32> to vector<16xf32>
        %mul3A_1131 = vector.broadcast %squeeze3A_1124 : f32 to vector<16xf32>
        %mul3A_1132 = arith.mulf %mul3A_1131, %get3A_1130 : vector<16xf32>
        %add3A_1133 = arith.addf %add3A_1095, %mul3A_1132 : vector<16xf32>
        %add3A_1134 = arith.constant 10 : i32
        %add3A_1135 = arith.addi %add3A_737, %add3A_1134 : i32
        %get3A_1136 = arith.index_cast %add3A_1135 : i32 to index
        %get3A_1137 = arith.constant 16 : index
        %get3A_1138 = tpu.vector_load %arg15[%get3A_1136, %get3A_1137] {strides = array<i32>} : memref<320x128xf32, #tpu.memory_space<vmem>>, vector<1x16xf32>,
        %get3A_1139 = vector.shape_cast %get3A_1138 : vector<1x16xf32> to vector<16xf32>
        %mul3A_1140 = vector.broadcast %squeeze3A_1124 : f32 to vector<16xf32>
        %mul3A_1141 = arith.mulf %mul3A_1140, %get3A_1139 : vector<16xf32>
        %add3A_1142 = arith.addf %add3A_1104, %mul3A_1141 : vector<16xf32>
        %add3A_1143 = arith.constant 10 : i32
        %add3A_1144 = arith.addi %add3A_737, %add3A_1143 : i32
        %get3A_1145 = arith.index_cast %add3A_1144 : i32 to index
        %get3A_1146 = arith.constant 32 : index
        %get3A_1147 = tpu.vector_load %arg15[%get3A_1145, %get3A_1146] {strides = array<i32>} : memref<320x128xf32, #tpu.memory_space<vmem>>, vector<1x16xf32>,
        %get3A_1148 = vector.shape_cast %get3A_1147 : vector<1x16xf32> to vector<16xf32>
        %mul3A_1149 = vector.broadcast %squeeze3A_1124 : f32 to vector<16xf32>
        %mul3A_1150 = arith.mulf %mul3A_1149, %get3A_1148 : vector<16xf32>
        %add3A_1151 = arith.addf %add3A_1113, %mul3A_1150 : vector<16xf32>
        %add3A_1152 = arith.constant 10 : i32
        %add3A_1153 = arith.addi %add3A_737, %add3A_1152 : i32
        %get3A_1154 = arith.index_cast %add3A_1153 : i32 to index
        %get3A_1155 = arith.constant 48 : index
        %get3A_1156 = tpu.vector_load %arg15[%get3A_1154, %get3A_1155] {strides = array<i32>} : memref<320x128xf32, #tpu.memory_space<vmem>>, vector<1x16xf32>,
        %get3A_1157 = vector.shape_cast %get3A_1156 : vector<1x16xf32> to vector<16xf32>
        %mul3A_1158 = vector.broadcast %squeeze3A_1124 : f32 to vector<16xf32>
        %mul3A_1159 = arith.mulf %mul3A_1158, %get3A_1157 : vector<16xf32>
        %add3A_1160 = arith.addf %add3A_1122, %mul3A_1159 : vector<16xf32>
        %slice3A_1161 = vector.extract_strided_slice %get3A_729 {offsets = [11], sizes = [1], strides = [1]} : vector<16xf32> to vector<1xf32>
        %squeeze3A_1162 = vector.extract %slice3A_1161[0] : f32 from vector<1xf32>
        %add3A_1163 = arith.constant 11 : i32
        %add3A_1164 = arith.addi %add3A_737, %add3A_1163 : i32
        %get3A_1165 = arith.index_cast %add3A_1164 : i32 to index
        %get3A_1166 = arith.constant 0 : index
        %get3A_1167 = tpu.vector_load %arg15[%get3A_1165, %get3A_1166] {strides = array<i32>} : memref<320x128xf32, #tpu.memory_space<vmem>>, vector<1x16xf32>,
        %get3A_1168 = vector.shape_cast %get3A_1167 : vector<1x16xf32> to vector<16xf32>
        %mul3A_1169 = vector.broadcast %squeeze3A_1162 : f32 to vector<16xf32>
        %mul3A_1170 = arith.mulf %mul3A_1169, %get3A_1168 : vector<16xf32>
        %add3A_1171 = arith.addf %add3A_1133, %mul3A_1170 : vector<16xf32>
        %add3A_1172 = arith.constant 11 : i32
        %add3A_1173 = arith.addi %add3A_737, %add3A_1172 : i32
        %get3A_1174 = arith.index_cast %add3A_1173 : i32 to index
        %get3A_1175 = arith.constant 16 : index
        %get3A_1176 = tpu.vector_load %arg15[%get3A_1174, %get3A_1175] {strides = array<i32>} : memref<320x128xf32, #tpu.memory_space<vmem>>, vector<1x16xf32>,
        %get3A_1177 = vector.shape_cast %get3A_1176 : vector<1x16xf32> to vector<16xf32>
        %mul3A_1178 = vector.broadcast %squeeze3A_1162 : f32 to vector<16xf32>
        %mul3A_1179 = arith.mulf %mul3A_1178, %get3A_1177 : vector<16xf32>
        %add3A_1180 = arith.addf %add3A_1142, %mul3A_1179 : vector<16xf32>
        %add3A_1181 = arith.constant 11 : i32
        %add3A_1182 = arith.addi %add3A_737, %add3A_1181 : i32
        %get3A_1183 = arith.index_cast %add3A_1182 : i32 to index
        %get3A_1184 = arith.constant 32 : index
        %get3A_1185 = tpu.vector_load %arg15[%get3A_1183, %get3A_1184] {strides = array<i32>} : memref<320x128xf32, #tpu.memory_space<vmem>>, vector<1x16xf32>,
        %get3A_1186 = vector.shape_cast %get3A_1185 : vector<1x16xf32> to vector<16xf32>
        %mul3A_1187 = vector.broadcast %squeeze3A_1162 : f32 to vector<16xf32>
        %mul3A_1188 = arith.mulf %mul3A_1187, %get3A_1186 : vector<16xf32>
        %add3A_1189 = arith.addf %add3A_1151, %mul3A_1188 : vector<16xf32>
        %add3A_1190 = arith.constant 11 : i32
        %add3A_1191 = arith.addi %add3A_737, %add3A_1190 : i32
        %get3A_1192 = arith.index_cast %add3A_1191 : i32 to index
        %get3A_1193 = arith.constant 48 : index
        %get3A_1194 = tpu.vector_load %arg15[%get3A_1192, %get3A_1193] {strides = array<i32>} : memref<320x128xf32, #tpu.memory_space<vmem>>, vector<1x16xf32>,
        %get3A_1195 = vector.shape_cast %get3A_1194 : vector<1x16xf32> to vector<16xf32>
        %mul3A_1196 = vector.broadcast %squeeze3A_1162 : f32 to vector<16xf32>
        %mul3A_1197 = arith.mulf %mul3A_1196, %get3A_1195 : vector<16xf32>
        %add3A_1198 = arith.addf %add3A_1160, %mul3A_1197 : vector<16xf32>
        %slice3A_1199 = vector.extract_strided_slice %get3A_729 {offsets = [12], sizes = [1], strides = [1]} : vector<16xf32> to vector<1xf32>
        %squeeze3A_1200 = vector.extract %slice3A_1199[0] : f32 from vector<1xf32>
        %add3A_1201 = arith.constant 12 : i32
        %add3A_1202 = arith.addi %add3A_737, %add3A_1201 : i32
        %get3A_1203 = arith.index_cast %add3A_1202 : i32 to index
        %get3A_1204 = arith.constant 0 : index
        %get3A_1205 = tpu.vector_load %arg15[%get3A_1203, %get3A_1204] {strides = array<i32>} : memref<320x128xf32, #tpu.memory_space<vmem>>, vector<1x16xf32>,
        %get3A_1206 = vector.shape_cast %get3A_1205 : vector<1x16xf32> to vector<16xf32>
        %mul3A_1207 = vector.broadcast %squeeze3A_1200 : f32 to vector<16xf32>
        %mul3A_1208 = arith.mulf %mul3A_1207, %get3A_1206 : vector<16xf32>
        %add3A_1209 = arith.addf %add3A_1171, %mul3A_1208 : vector<16xf32>
        %add3A_1210 = arith.constant 12 : i32
        %add3A_1211 = arith.addi %add3A_737, %add3A_1210 : i32
        %get3A_1212 = arith.index_cast %add3A_1211 : i32 to index
        %get3A_1213 = arith.constant 16 : index
        %get3A_1214 = tpu.vector_load %arg15[%get3A_1212, %get3A_1213] {strides = array<i32>} : memref<320x128xf32, #tpu.memory_space<vmem>>, vector<1x16xf32>,
        %get3A_1215 = vector.shape_cast %get3A_1214 : vector<1x16xf32> to vector<16xf32>
        %mul3A_1216 = vector.broadcast %squeeze3A_1200 : f32 to vector<16xf32>
        %mul3A_1217 = arith.mulf %mul3A_1216, %get3A_1215 : vector<16xf32>
        %add3A_1218 = arith.addf %add3A_1180, %mul3A_1217 : vector<16xf32>
        %add3A_1219 = arith.constant 12 : i32
        %add3A_1220 = arith.addi %add3A_737, %add3A_1219 : i32
        %get3A_1221 = arith.index_cast %add3A_1220 : i32 to index
        %get3A_1222 = arith.constant 32 : index
        %get3A_1223 = tpu.vector_load %arg15[%get3A_1221, %get3A_1222] {strides = array<i32>} : memref<320x128xf32, #tpu.memory_space<vmem>>, vector<1x16xf32>,
        %get3A_1224 = vector.shape_cast %get3A_1223 : vector<1x16xf32> to vector<16xf32>
        %mul3A_1225 = vector.broadcast %squeeze3A_1200 : f32 to vector<16xf32>
        %mul3A_1226 = arith.mulf %mul3A_1225, %get3A_1224 : vector<16xf32>
        %add3A_1227 = arith.addf %add3A_1189, %mul3A_1226 : vector<16xf32>
        %add3A_1228 = arith.constant 12 : i32
        %add3A_1229 = arith.addi %add3A_737, %add3A_1228 : i32
        %get3A_1230 = arith.index_cast %add3A_1229 : i32 to index
        %get3A_1231 = arith.constant 48 : index
        %get3A_1232 = tpu.vector_load %arg15[%get3A_1230, %get3A_1231] {strides = array<i32>} : memref<320x128xf32, #tpu.memory_space<vmem>>, vector<1x16xf32>,
        %get3A_1233 = vector.shape_cast %get3A_1232 : vector<1x16xf32> to vector<16xf32>
        %mul3A_1234 = vector.broadcast %squeeze3A_1200 : f32 to vector<16xf32>
        %mul3A_1235 = arith.mulf %mul3A_1234, %get3A_1233 : vector<16xf32>
        %add3A_1236 = arith.addf %add3A_1198, %mul3A_1235 : vector<16xf32>
        %slice3A_1237 = vector.extract_strided_slice %get3A_729 {offsets = [13], sizes = [1], strides = [1]} : vector<16xf32> to vector<1xf32>
        %squeeze3A_1238 = vector.extract %slice3A_1237[0] : f32 from vector<1xf32>
        %add3A_1239 = arith.constant 13 : i32
        %add3A_1240 = arith.addi %add3A_737, %add3A_1239 : i32
        %get3A_1241 = arith.index_cast %add3A_1240 : i32 to index
        %get3A_1242 = arith.constant 0 : index
        %get3A_1243 = tpu.vector_load %arg15[%get3A_1241, %get3A_1242] {strides = array<i32>} : memref<320x128xf32, #tpu.memory_space<vmem>>, vector<1x16xf32>,
        %get3A_1244 = vector.shape_cast %get3A_1243 : vector<1x16xf32> to vector<16xf32>
        %mul3A_1245 = vector.broadcast %squeeze3A_1238 : f32 to vector<16xf32>
        %mul3A_1246 = arith.mulf %mul3A_1245, %get3A_1244 : vector<16xf32>
        %add3A_1247 = arith.addf %add3A_1209, %mul3A_1246 : vector<16xf32>
        %add3A_1248 = arith.constant 13 : i32
        %add3A_1249 = arith.addi %add3A_737, %add3A_1248 : i32
        %get3A_1250 = arith.index_cast %add3A_1249 : i32 to index
        %get3A_1251 = arith.constant 16 : index
        %get3A_1252 = tpu.vector_load %arg15[%get3A_1250, %get3A_1251] {strides = array<i32>} : memref<320x128xf32, #tpu.memory_space<vmem>>, vector<1x16xf32>,
        %get3A_1253 = vector.shape_cast %get3A_1252 : vector<1x16xf32> to vector<16xf32>
        %mul3A_1254 = vector.broadcast %squeeze3A_1238 : f32 to vector<16xf32>
        %mul3A_1255 = arith.mulf %mul3A_1254, %get3A_1253 : vector<16xf32>
        %add3A_1256 = arith.addf %add3A_1218, %mul3A_1255 : vector<16xf32>
        %add3A_1257 = arith.constant 13 : i32
        %add3A_1258 = arith.addi %add3A_737, %add3A_1257 : i32
        %get3A_1259 = arith.index_cast %add3A_1258 : i32 to index
        %get3A_1260 = arith.constant 32 : index
        %get3A_1261 = tpu.vector_load %arg15[%get3A_1259, %get3A_1260] {strides = array<i32>} : memref<320x128xf32, #tpu.memory_space<vmem>>, vector<1x16xf32>,
        %get3A_1262 = vector.shape_cast %get3A_1261 : vector<1x16xf32> to vector<16xf32>
        %mul3A_1263 = vector.broadcast %squeeze3A_1238 : f32 to vector<16xf32>
        %mul3A_1264 = arith.mulf %mul3A_1263, %get3A_1262 : vector<16xf32>
        %add3A_1265 = arith.addf %add3A_1227, %mul3A_1264 : vector<16xf32>
        %add3A_1266 = arith.constant 13 : i32
        %add3A_1267 = arith.addi %add3A_737, %add3A_1266 : i32
        %get3A_1268 = arith.index_cast %add3A_1267 : i32 to index
        %get3A_1269 = arith.constant 48 : index
        %get3A_1270 = tpu.vector_load %arg15[%get3A_1268, %get3A_1269] {strides = array<i32>} : memref<320x128xf32, #tpu.memory_space<vmem>>, vector<1x16xf32>,
        %get3A_1271 = vector.shape_cast %get3A_1270 : vector<1x16xf32> to vector<16xf32>
        %mul3A_1272 = vector.broadcast %squeeze3A_1238 : f32 to vector<16xf32>
        %mul3A_1273 = arith.mulf %mul3A_1272, %get3A_1271 : vector<16xf32>
        %add3A_1274 = arith.addf %add3A_1236, %mul3A_1273 : vector<16xf32>
        %slice3A_1275 = vector.extract_strided_slice %get3A_729 {offsets = [14], sizes = [1], strides = [1]} : vector<16xf32> to vector<1xf32>
        %squeeze3A_1276 = vector.extract %slice3A_1275[0] : f32 from vector<1xf32>
        %add3A_1277 = arith.constant 14 : i32
        %add3A_1278 = arith.addi %add3A_737, %add3A_1277 : i32
        %get3A_1279 = arith.index_cast %add3A_1278 : i32 to index
        %get3A_1280 = arith.constant 0 : index
        %get3A_1281 = tpu.vector_load %arg15[%get3A_1279, %get3A_1280] {strides = array<i32>} : memref<320x128xf32, #tpu.memory_space<vmem>>, vector<1x16xf32>,
        %get3A_1282 = vector.shape_cast %get3A_1281 : vector<1x16xf32> to vector<16xf32>
        %mul3A_1283 = vector.broadcast %squeeze3A_1276 : f32 to vector<16xf32>
        %mul3A_1284 = arith.mulf %mul3A_1283, %get3A_1282 : vector<16xf32>
        %add3A_1285 = arith.addf %add3A_1247, %mul3A_1284 : vector<16xf32>
        %add3A_1286 = arith.constant 14 : i32
        %add3A_1287 = arith.addi %add3A_737, %add3A_1286 : i32
        %get3A_1288 = arith.index_cast %add3A_1287 : i32 to index
        %get3A_1289 = arith.constant 16 : index
        %get3A_1290 = tpu.vector_load %arg15[%get3A_1288, %get3A_1289] {strides = array<i32>} : memref<320x128xf32, #tpu.memory_space<vmem>>, vector<1x16xf32>,
        %get3A_1291 = vector.shape_cast %get3A_1290 : vector<1x16xf32> to vector<16xf32>
        %mul3A_1292 = vector.broadcast %squeeze3A_1276 : f32 to vector<16xf32>
        %mul3A_1293 = arith.mulf %mul3A_1292, %get3A_1291 : vector<16xf32>
        %add3A_1294 = arith.addf %add3A_1256, %mul3A_1293 : vector<16xf32>
        %add3A_1295 = arith.constant 14 : i32
        %add3A_1296 = arith.addi %add3A_737, %add3A_1295 : i32
        %get3A_1297 = arith.index_cast %add3A_1296 : i32 to index
        %get3A_1298 = arith.constant 32 : index
        %get3A_1299 = tpu.vector_load %arg15[%get3A_1297, %get3A_1298] {strides = array<i32>} : memref<320x128xf32, #tpu.memory_space<vmem>>, vector<1x16xf32>,
        %get3A_1300 = vector.shape_cast %get3A_1299 : vector<1x16xf32> to vector<16xf32>
        %mul3A_1301 = vector.broadcast %squeeze3A_1276 : f32 to vector<16xf32>
        %mul3A_1302 = arith.mulf %mul3A_1301, %get3A_1300 : vector<16xf32>
        %add3A_1303 = arith.addf %add3A_1265, %mul3A_1302 : vector<16xf32>
        %add3A_1304 = arith.constant 14 : i32
        %add3A_1305 = arith.addi %add3A_737, %add3A_1304 : i32
        %get3A_1306 = arith.index_cast %add3A_1305 : i32 to index
        %get3A_1307 = arith.constant 48 : index
        %get3A_1308 = tpu.vector_load %arg15[%get3A_1306, %get3A_1307] {strides = array<i32>} : memref<320x128xf32, #tpu.memory_space<vmem>>, vector<1x16xf32>,
        %get3A_1309 = vector.shape_cast %get3A_1308 : vector<1x16xf32> to vector<16xf32>
        %mul3A_1310 = vector.broadcast %squeeze3A_1276 : f32 to vector<16xf32>
        %mul3A_1311 = arith.mulf %mul3A_1310, %get3A_1309 : vector<16xf32>
        %add3A_1312 = arith.addf %add3A_1274, %mul3A_1311 : vector<16xf32>
        %slice3A_1313 = vector.extract_strided_slice %get3A_729 {offsets = [15], sizes = [1], strides = [1]} : vector<16xf32> to vector<1xf32>
        %squeeze3A_1314 = vector.extract %slice3A_1313[0] : f32 from vector<1xf32>
        %add3A_1315 = arith.constant 15 : i32
        %add3A_1316 = arith.addi %add3A_737, %add3A_1315 : i32
        %get3A_1317 = arith.index_cast %add3A_1316 : i32 to index
        %get3A_1318 = arith.constant 0 : index
        %get3A_1319 = tpu.vector_load %arg15[%get3A_1317, %get3A_1318] {strides = array<i32>} : memref<320x128xf32, #tpu.memory_space<vmem>>, vector<1x16xf32>,
        %get3A_1320 = vector.shape_cast %get3A_1319 : vector<1x16xf32> to vector<16xf32>
        %mul3A_1321 = vector.broadcast %squeeze3A_1314 : f32 to vector<16xf32>
        %mul3A_1322 = arith.mulf %mul3A_1321, %get3A_1320 : vector<16xf32>
        %add3A_1323 = arith.addf %add3A_1285, %mul3A_1322 : vector<16xf32>
        %add3A_1324 = arith.constant 15 : i32
        %add3A_1325 = arith.addi %add3A_737, %add3A_1324 : i32
        %get3A_1326 = arith.index_cast %add3A_1325 : i32 to index
        %get3A_1327 = arith.constant 16 : index
        %get3A_1328 = tpu.vector_load %arg15[%get3A_1326, %get3A_1327] {strides = array<i32>} : memref<320x128xf32, #tpu.memory_space<vmem>>, vector<1x16xf32>,
        %get3A_1329 = vector.shape_cast %get3A_1328 : vector<1x16xf32> to vector<16xf32>
        %mul3A_1330 = vector.broadcast %squeeze3A_1314 : f32 to vector<16xf32>
        %mul3A_1331 = arith.mulf %mul3A_1330, %get3A_1329 : vector<16xf32>
        %add3A_1332 = arith.addf %add3A_1294, %mul3A_1331 : vector<16xf32>
        %add3A_1333 = arith.constant 15 : i32
        %add3A_1334 = arith.addi %add3A_737, %add3A_1333 : i32
        %get3A_1335 = arith.index_cast %add3A_1334 : i32 to index
        %get3A_1336 = arith.constant 32 : index
        %get3A_1337 = tpu.vector_load %arg15[%get3A_1335, %get3A_1336] {strides = array<i32>} : memref<320x128xf32, #tpu.memory_space<vmem>>, vector<1x16xf32>,
        %get3A_1338 = vector.shape_cast %get3A_1337 : vector<1x16xf32> to vector<16xf32>
        %mul3A_1339 = vector.broadcast %squeeze3A_1314 : f32 to vector<16xf32>
        %mul3A_1340 = arith.mulf %mul3A_1339, %get3A_1338 : vector<16xf32>
        %add3A_1341 = arith.addf %add3A_1303, %mul3A_1340 : vector<16xf32>
        %add3A_1342 = arith.constant 15 : i32
        %add3A_1343 = arith.addi %add3A_737, %add3A_1342 : i32
        %get3A_1344 = arith.index_cast %add3A_1343 : i32 to index
        %get3A_1345 = arith.constant 48 : index
        %get3A_1346 = tpu.vector_load %arg15[%get3A_1344, %get3A_1345] {strides = array<i32>} : memref<320x128xf32, #tpu.memory_space<vmem>>, vector<1x16xf32>,
        %get3A_1347 = vector.shape_cast %get3A_1346 : vector<1x16xf32> to vector<16xf32>
        %mul3A_1348 = vector.broadcast %squeeze3A_1314 : f32 to vector<16xf32>
        %mul3A_1349 = arith.mulf %mul3A_1348, %get3A_1347 : vector<16xf32>
        %add3A_1350 = arith.addf %add3A_1312, %mul3A_1349 : vector<16xf32>
        %slice3A_1351 = vector.extract_strided_slice %get3A_735 {offsets = [12], sizes = [1], strides = [1]} : vector<16xf32> to vector<1xf32>
        %squeeze3A_1352 = vector.extract %slice3A_1351[0] : f32 from vector<1xf32>
        %add3A_1353 = arith.constant 16 : i32
        %add3A_1354 = arith.addi %add3A_737, %add3A_1353 : i32
        %get3A_1355 = arith.index_cast %add3A_1354 : i32 to index
        %get3A_1356 = arith.constant 0 : index
        %get3A_1357 = tpu.vector_load %arg15[%get3A_1355, %get3A_1356] {strides = array<i32>} : memref<320x128xf32, #tpu.memory_space<vmem>>, vector<1x16xf32>,
        %get3A_1358 = vector.shape_cast %get3A_1357 : vector<1x16xf32> to vector<16xf32>
        %mul3A_1359 = vector.broadcast %squeeze3A_1352 : f32 to vector<16xf32>
        %mul3A_1360 = arith.mulf %mul3A_1359, %get3A_1358 : vector<16xf32>
        %add3A_1361 = arith.addf %add3A_1323, %mul3A_1360 : vector<16xf32>
        %add3A_1362 = arith.constant 16 : i32
        %add3A_1363 = arith.addi %add3A_737, %add3A_1362 : i32
        %get3A_1364 = arith.index_cast %add3A_1363 : i32 to index
        %get3A_1365 = arith.constant 16 : index
        %get3A_1366 = tpu.vector_load %arg15[%get3A_1364, %get3A_1365] {strides = array<i32>} : memref<320x128xf32, #tpu.memory_space<vmem>>, vector<1x16xf32>,
        %get3A_1367 = vector.shape_cast %get3A_1366 : vector<1x16xf32> to vector<16xf32>
        %mul3A_1368 = vector.broadcast %squeeze3A_1352 : f32 to vector<16xf32>
        %mul3A_1369 = arith.mulf %mul3A_1368, %get3A_1367 : vector<16xf32>
        %add3A_1370 = arith.addf %add3A_1332, %mul3A_1369 : vector<16xf32>
        %add3A_1371 = arith.constant 16 : i32
        %add3A_1372 = arith.addi %add3A_737, %add3A_1371 : i32
        %get3A_1373 = arith.index_cast %add3A_1372 : i32 to index
        %get3A_1374 = arith.constant 32 : index
        %get3A_1375 = tpu.vector_load %arg15[%get3A_1373, %get3A_1374] {strides = array<i32>} : memref<320x128xf32, #tpu.memory_space<vmem>>, vector<1x16xf32>,
        %get3A_1376 = vector.shape_cast %get3A_1375 : vector<1x16xf32> to vector<16xf32>
        %mul3A_1377 = vector.broadcast %squeeze3A_1352 : f32 to vector<16xf32>
        %mul3A_1378 = arith.mulf %mul3A_1377, %get3A_1376 : vector<16xf32>
        %add3A_1379 = arith.addf %add3A_1341, %mul3A_1378 : vector<16xf32>
        %add3A_1380 = arith.constant 16 : i32
        %add3A_1381 = arith.addi %add3A_737, %add3A_1380 : i32
        %get3A_1382 = arith.index_cast %add3A_1381 : i32 to index
        %get3A_1383 = arith.constant 48 : index
        %get3A_1384 = tpu.vector_load %arg15[%get3A_1382, %get3A_1383] {strides = array<i32>} : memref<320x128xf32, #tpu.memory_space<vmem>>, vector<1x16xf32>,
        %get3A_1385 = vector.shape_cast %get3A_1384 : vector<1x16xf32> to vector<16xf32>
        %mul3A_1386 = vector.broadcast %squeeze3A_1352 : f32 to vector<16xf32>
        %mul3A_1387 = arith.mulf %mul3A_1386, %get3A_1385 : vector<16xf32>
        %add3A_1388 = arith.addf %add3A_1350, %mul3A_1387 : vector<16xf32>
        %slice3A_1389 = vector.extract_strided_slice %get3A_735 {offsets = [13], sizes = [1], strides = [1]} : vector<16xf32> to vector<1xf32>
        %squeeze3A_1390 = vector.extract %slice3A_1389[0] : f32 from vector<1xf32>
        %add3A_1391 = arith.constant 17 : i32
        %add3A_1392 = arith.addi %add3A_737, %add3A_1391 : i32
        %get3A_1393 = arith.index_cast %add3A_1392 : i32 to index
        %get3A_1394 = arith.constant 0 : index
        %get3A_1395 = tpu.vector_load %arg15[%get3A_1393, %get3A_1394] {strides = array<i32>} : memref<320x128xf32, #tpu.memory_space<vmem>>, vector<1x16xf32>,
        %get3A_1396 = vector.shape_cast %get3A_1395 : vector<1x16xf32> to vector<16xf32>
        %mul3A_1397 = vector.broadcast %squeeze3A_1390 : f32 to vector<16xf32>
        %mul3A_1398 = arith.mulf %mul3A_1397, %get3A_1396 : vector<16xf32>
        %add3A_1399 = arith.addf %add3A_1361, %mul3A_1398 : vector<16xf32>
        %add3A_1400 = arith.constant 17 : i32
        %add3A_1401 = arith.addi %add3A_737, %add3A_1400 : i32
        %get3A_1402 = arith.index_cast %add3A_1401 : i32 to index
        %get3A_1403 = arith.constant 16 : index
        %get3A_1404 = tpu.vector_load %arg15[%get3A_1402, %get3A_1403] {strides = array<i32>} : memref<320x128xf32, #tpu.memory_space<vmem>>, vector<1x16xf32>,
        %get3A_1405 = vector.shape_cast %get3A_1404 : vector<1x16xf32> to vector<16xf32>
        %mul3A_1406 = vector.broadcast %squeeze3A_1390 : f32 to vector<16xf32>
        %mul3A_1407 = arith.mulf %mul3A_1406, %get3A_1405 : vector<16xf32>
        %add3A_1408 = arith.addf %add3A_1370, %mul3A_1407 : vector<16xf32>
        %add3A_1409 = arith.constant 17 : i32
        %add3A_1410 = arith.addi %add3A_737, %add3A_1409 : i32
        %get3A_1411 = arith.index_cast %add3A_1410 : i32 to index
        %get3A_1412 = arith.constant 32 : index
        %get3A_1413 = tpu.vector_load %arg15[%get3A_1411, %get3A_1412] {strides = array<i32>} : memref<320x128xf32, #tpu.memory_space<vmem>>, vector<1x16xf32>,
        %get3A_1414 = vector.shape_cast %get3A_1413 : vector<1x16xf32> to vector<16xf32>
        %mul3A_1415 = vector.broadcast %squeeze3A_1390 : f32 to vector<16xf32>
        %mul3A_1416 = arith.mulf %mul3A_1415, %get3A_1414 : vector<16xf32>
        %add3A_1417 = arith.addf %add3A_1379, %mul3A_1416 : vector<16xf32>
        %add3A_1418 = arith.constant 17 : i32
        %add3A_1419 = arith.addi %add3A_737, %add3A_1418 : i32
        %get3A_1420 = arith.index_cast %add3A_1419 : i32 to index
        %get3A_1421 = arith.constant 48 : index
        %get3A_1422 = tpu.vector_load %arg15[%get3A_1420, %get3A_1421] {strides = array<i32>} : memref<320x128xf32, #tpu.memory_space<vmem>>, vector<1x16xf32>,
        %get3A_1423 = vector.shape_cast %get3A_1422 : vector<1x16xf32> to vector<16xf32>
        %mul3A_1424 = vector.broadcast %squeeze3A_1390 : f32 to vector<16xf32>
        %mul3A_1425 = arith.mulf %mul3A_1424, %get3A_1423 : vector<16xf32>
        %add3A_1426 = arith.addf %add3A_1388, %mul3A_1425 : vector<16xf32>
        %slice3A_1427 = vector.extract_strided_slice %get3A_735 {offsets = [14], sizes = [1], strides = [1]} : vector<16xf32> to vector<1xf32>
        %squeeze3A_1428 = vector.extract %slice3A_1427[0] : f32 from vector<1xf32>
        %add3A_1429 = arith.constant 18 : i32
        %add3A_1430 = arith.addi %add3A_737, %add3A_1429 : i32
        %get3A_1431 = arith.index_cast %add3A_1430 : i32 to index
        %get3A_1432 = arith.constant 0 : index
        %get3A_1433 = tpu.vector_load %arg15[%get3A_1431, %get3A_1432] {strides = array<i32>} : memref<320x128xf32, #tpu.memory_space<vmem>>, vector<1x16xf32>,
        %get3A_1434 = vector.shape_cast %get3A_1433 : vector<1x16xf32> to vector<16xf32>
        %mul3A_1435 = vector.broadcast %squeeze3A_1428 : f32 to vector<16xf32>
        %mul3A_1436 = arith.mulf %mul3A_1435, %get3A_1434 : vector<16xf32>
        %add3A_1437 = arith.addf %add3A_1399, %mul3A_1436 : vector<16xf32>
        %add3A_1438 = arith.constant 18 : i32
        %add3A_1439 = arith.addi %add3A_737, %add3A_1438 : i32
        %get3A_1440 = arith.index_cast %add3A_1439 : i32 to index
        %get3A_1441 = arith.constant 16 : index
        %get3A_1442 = tpu.vector_load %arg15[%get3A_1440, %get3A_1441] {strides = array<i32>} : memref<320x128xf32, #tpu.memory_space<vmem>>, vector<1x16xf32>,
        %get3A_1443 = vector.shape_cast %get3A_1442 : vector<1x16xf32> to vector<16xf32>
        %mul3A_1444 = vector.broadcast %squeeze3A_1428 : f32 to vector<16xf32>
        %mul3A_1445 = arith.mulf %mul3A_1444, %get3A_1443 : vector<16xf32>
        %add3A_1446 = arith.addf %add3A_1408, %mul3A_1445 : vector<16xf32>
        %add3A_1447 = arith.constant 18 : i32
        %add3A_1448 = arith.addi %add3A_737, %add3A_1447 : i32
        %get3A_1449 = arith.index_cast %add3A_1448 : i32 to index
        %get3A_1450 = arith.constant 32 : index
        %get3A_1451 = tpu.vector_load %arg15[%get3A_1449, %get3A_1450] {strides = array<i32>} : memref<320x128xf32, #tpu.memory_space<vmem>>, vector<1x16xf32>,
        %get3A_1452 = vector.shape_cast %get3A_1451 : vector<1x16xf32> to vector<16xf32>
        %mul3A_1453 = vector.broadcast %squeeze3A_1428 : f32 to vector<16xf32>
        %mul3A_1454 = arith.mulf %mul3A_1453, %get3A_1452 : vector<16xf32>
        %add3A_1455 = arith.addf %add3A_1417, %mul3A_1454 : vector<16xf32>
        %add3A_1456 = arith.constant 18 : i32
        %add3A_1457 = arith.addi %add3A_737, %add3A_1456 : i32
        %get3A_1458 = arith.index_cast %add3A_1457 : i32 to index
        %get3A_1459 = arith.constant 48 : index
        %get3A_1460 = tpu.vector_load %arg15[%get3A_1458, %get3A_1459] {strides = array<i32>} : memref<320x128xf32, #tpu.memory_space<vmem>>, vector<1x16xf32>,
        %get3A_1461 = vector.shape_cast %get3A_1460 : vector<1x16xf32> to vector<16xf32>
        %mul3A_1462 = vector.broadcast %squeeze3A_1428 : f32 to vector<16xf32>
        %mul3A_1463 = arith.mulf %mul3A_1462, %get3A_1461 : vector<16xf32>
        %add3A_1464 = arith.addf %add3A_1426, %mul3A_1463 : vector<16xf32>
        %slice3A_1465 = vector.extract_strided_slice %get3A_735 {offsets = [15], sizes = [1], strides = [1]} : vector<16xf32> to vector<1xf32>
        %squeeze3A_1466 = vector.extract %slice3A_1465[0] : f32 from vector<1xf32>
        %add3A_1467 = arith.constant 19 : i32
        %add3A_1468 = arith.addi %add3A_737, %add3A_1467 : i32
        %get3A_1469 = arith.index_cast %add3A_1468 : i32 to index
        %get3A_1470 = arith.constant 0 : index
        %get3A_1471 = tpu.vector_load %arg15[%get3A_1469, %get3A_1470] {strides = array<i32>} : memref<320x128xf32, #tpu.memory_space<vmem>>, vector<1x16xf32>,
        %get3A_1472 = vector.shape_cast %get3A_1471 : vector<1x16xf32> to vector<16xf32>
        %mul3A_1473 = vector.broadcast %squeeze3A_1466 : f32 to vector<16xf32>
        %mul3A_1474 = arith.mulf %mul3A_1473, %get3A_1472 : vector<16xf32>
        %add3A_1475 = arith.addf %add3A_1437, %mul3A_1474 : vector<16xf32>
        %add3A_1476 = arith.constant 19 : i32
        %add3A_1477 = arith.addi %add3A_737, %add3A_1476 : i32
        %get3A_1478 = arith.index_cast %add3A_1477 : i32 to index
        %get3A_1479 = arith.constant 16 : index
        %get3A_1480 = tpu.vector_load %arg15[%get3A_1478, %get3A_1479] {strides = array<i32>} : memref<320x128xf32, #tpu.memory_space<vmem>>, vector<1x16xf32>,
        %get3A_1481 = vector.shape_cast %get3A_1480 : vector<1x16xf32> to vector<16xf32>
        %mul3A_1482 = vector.broadcast %squeeze3A_1466 : f32 to vector<16xf32>
        %mul3A_1483 = arith.mulf %mul3A_1482, %get3A_1481 : vector<16xf32>
        %add3A_1484 = arith.addf %add3A_1446, %mul3A_1483 : vector<16xf32>
        %add3A_1485 = arith.constant 19 : i32
        %add3A_1486 = arith.addi %add3A_737, %add3A_1485 : i32
        %get3A_1487 = arith.index_cast %add3A_1486 : i32 to index
        %get3A_1488 = arith.constant 32 : index
        %get3A_1489 = tpu.vector_load %arg15[%get3A_1487, %get3A_1488] {strides = array<i32>} : memref<320x128xf32, #tpu.memory_space<vmem>>, vector<1x16xf32>,
        %get3A_1490 = vector.shape_cast %get3A_1489 : vector<1x16xf32> to vector<16xf32>
        %mul3A_1491 = vector.broadcast %squeeze3A_1466 : f32 to vector<16xf32>
        %mul3A_1492 = arith.mulf %mul3A_1491, %get3A_1490 : vector<16xf32>
        %add3A_1493 = arith.addf %add3A_1455, %mul3A_1492 : vector<16xf32>
        %add3A_1494 = arith.constant 19 : i32
        %add3A_1495 = arith.addi %add3A_737, %add3A_1494 : i32
        %get3A_1496 = arith.index_cast %add3A_1495 : i32 to index
        %get3A_1497 = arith.constant 48 : index
        %get3A_1498 = tpu.vector_load %arg15[%get3A_1496, %get3A_1497] {strides = array<i32>} : memref<320x128xf32, #tpu.memory_space<vmem>>, vector<1x16xf32>,
        %get3A_1499 = vector.shape_cast %get3A_1498 : vector<1x16xf32> to vector<16xf32>
        %mul3A_1500 = vector.broadcast %squeeze3A_1466 : f32 to vector<16xf32>
        %mul3A_1501 = arith.mulf %mul3A_1500, %get3A_1499 : vector<16xf32>
        %add3A_1502 = arith.addf %add3A_1464, %mul3A_1501 : vector<16xf32>
        %mul3A_1503 = arith.constant 64 : i32
        %mul3A_1504 = arith.muli %scan3A_723, %mul3A_1503 : i32
        %add3A_1505 = arith.constant 128 : i32
        %add3A_1506 = arith.addi %add3A_1505, %mul3A_1504 : i32
        %add3A_1507 = arith.constant 0 : i32
        %add3A_1508 = arith.addi %add3A_1506, %add3A_1507 : i32
        %swap3A_1509 = arith.index_cast %select_n3A_129 : i32 to index
        %swap3A_1510 = arith.index_cast %select_n3A_203 : i32 to index
        %swap3A_1511 = arith.index_cast %add3A_1508 : i32 to index
        %swap3A_1512 = tpu.vector_load %arg16[%swap3A_1509, %swap3A_1510, %swap3A_1511] {strides = array<i32>} : memref<2x8x384xf32, #tpu.memory_space<vmem>>, vector<1x1x16xf32>,
        %swap3A_1513 = vector.shape_cast %swap3A_1512 : vector<1x1x16xf32> to vector<16xf32>
        %swap3A_1514 = vector.shape_cast %add3A_1475 : vector<16xf32> to vector<1x1x16xf32>
        tpu.vector_store %arg16[%swap3A_1509, %swap3A_1510, %swap3A_1511], %swap3A_1514 {strides = array<i32>} : memref<2x8x384xf32, #tpu.memory_space<vmem>>, vector<1x1x16xf32>,
        %mul3A_1515 = arith.constant 64 : i32
        %mul3A_1516 = arith.muli %scan3A_723, %mul3A_1515 : i32
        %add3A_1517 = arith.constant 128 : i32
        %add3A_1518 = arith.addi %add3A_1517, %mul3A_1516 : i32
        %add3A_1519 = arith.constant 16 : i32
        %add3A_1520 = arith.addi %add3A_1518, %add3A_1519 : i32
        %swap3A_1521 = arith.index_cast %select_n3A_129 : i32 to index
        %swap3A_1522 = arith.index_cast %select_n3A_203 : i32 to index
        %swap3A_1523 = arith.index_cast %add3A_1520 : i32 to index
        %swap3A_1524 = tpu.vector_load %arg16[%swap3A_1521, %swap3A_1522, %swap3A_1523] {strides = array<i32>} : memref<2x8x384xf32, #tpu.memory_space<vmem>>, vector<1x1x16xf32>,
        %swap3A_1525 = vector.shape_cast %swap3A_1524 : vector<1x1x16xf32> to vector<16xf32>
        %swap3A_1526 = vector.shape_cast %add3A_1484 : vector<16xf32> to vector<1x1x16xf32>
        tpu.vector_store %arg16[%swap3A_1521, %swap3A_1522, %swap3A_1523], %swap3A_1526 {strides = array<i32>} : memref<2x8x384xf32, #tpu.memory_space<vmem>>, vector<1x1x16xf32>,
        %mul3A_1527 = arith.constant 64 : i32
        %mul3A_1528 = arith.muli %scan3A_723, %mul3A_1527 : i32
        %add3A_1529 = arith.constant 128 : i32
        %add3A_1530 = arith.addi %add3A_1529, %mul3A_1528 : i32
        %add3A_1531 = arith.constant 32 : i32
        %add3A_1532 = arith.addi %add3A_1530, %add3A_1531 : i32
        %swap3A_1533 = arith.index_cast %select_n3A_129 : i32 to index
        %swap3A_1534 = arith.index_cast %select_n3A_203 : i32 to index
        %swap3A_1535 = arith.index_cast %add3A_1532 : i32 to index
        %swap3A_1536 = tpu.vector_load %arg16[%swap3A_1533, %swap3A_1534, %swap3A_1535] {strides = array<i32>} : memref<2x8x384xf32, #tpu.memory_space<vmem>>, vector<1x1x16xf32>,
        %swap3A_1537 = vector.shape_cast %swap3A_1536 : vector<1x1x16xf32> to vector<16xf32>
        %swap3A_1538 = vector.shape_cast %add3A_1493 : vector<16xf32> to vector<1x1x16xf32>
        tpu.vector_store %arg16[%swap3A_1533, %swap3A_1534, %swap3A_1535], %swap3A_1538 {strides = array<i32>} : memref<2x8x384xf32, #tpu.memory_space<vmem>>, vector<1x1x16xf32>,
        %mul3A_1539 = arith.constant 64 : i32
        %mul3A_1540 = arith.muli %scan3A_723, %mul3A_1539 : i32
        %add3A_1541 = arith.constant 128 : i32
        %add3A_1542 = arith.addi %add3A_1541, %mul3A_1540 : i32
        %add3A_1543 = arith.constant 48 : i32
        %add3A_1544 = arith.addi %add3A_1542, %add3A_1543 : i32
        %swap3A_1545 = arith.index_cast %select_n3A_129 : i32 to index
        %swap3A_1546 = arith.index_cast %select_n3A_203 : i32 to index
        %swap3A_1547 = arith.index_cast %add3A_1544 : i32 to index
        %swap3A_1548 = tpu.vector_load %arg16[%swap3A_1545, %swap3A_1546, %swap3A_1547] {strides = array<i32>} : memref<2x8x384xf32, #tpu.memory_space<vmem>>, vector<1x1x16xf32>,
        %swap3A_1549 = vector.shape_cast %swap3A_1548 : vector<1x1x16xf32> to vector<16xf32>
        %swap3A_1550 = vector.shape_cast %add3A_1502 : vector<16xf32> to vector<1x1x16xf32>
        tpu.vector_store %arg16[%swap3A_1545, %swap3A_1546, %swap3A_1547], %swap3A_1550 {strides = array<i32>} : memref<2x8x384xf32, #tpu.memory_space<vmem>>, vector<1x1x16xf32>,
      }
      %scan3A_209 = arith.constant 4 : i32
      %get3A = arith.index_cast %add3A_187 : i32 to index
      %get3A_210 = arith.constant 0 : index
      %get3A_211 = tpu.vector_load %arg14[%get3A, %get3A_210] {strides = array<i32>} : memref<64x128xf32, #tpu.memory_space<vmem>>, vector<1x16xf32>,
      %get3A_212 = vector.shape_cast %get3A_211 : vector<1x16xf32> to vector<16xf32>
      %swap3A = arith.index_cast %select_n3A_129 : i32 to index
      %swap3A_213 = arith.index_cast %select_n3A_203 : i32 to index
      %swap3A_214 = arith.constant 0 : index
      %swap3A_215 = tpu.vector_load %arg16[%swap3A, %swap3A_213, %swap3A_214] {strides = array<i32>} : memref<2x8x384xf32, #tpu.memory_space<vmem>>, vector<1x1x16xf32>,
      %swap3A_216 = vector.shape_cast %swap3A_215 : vector<1x1x16xf32> to vector<16xf32>
      %swap3A_217 = vector.shape_cast %get3A_212 : vector<16xf32> to vector<1x1x16xf32>
      tpu.vector_store %arg16[%swap3A, %swap3A_213, %swap3A_214], %swap3A_217 {strides = array<i32>} : memref<2x8x384xf32, #tpu.memory_space<vmem>>, vector<1x1x16xf32>,
      %get3A_218 = arith.index_cast %add3A_187 : i32 to index
      %get3A_219 = arith.constant 16 : index
      %get3A_220 = tpu.vector_load %arg14[%get3A_218, %get3A_219] {strides = array<i32>} : memref<64x128xf32, #tpu.memory_space<vmem>>, vector<1x16xf32>,
      %get3A_221 = vector.shape_cast %get3A_220 : vector<1x16xf32> to vector<16xf32>
      %swap3A_222 = arith.index_cast %select_n3A_129 : i32 to index
      %swap3A_223 = arith.index_cast %select_n3A_203 : i32 to index
      %swap3A_224 = arith.constant 16 : index
      %swap3A_225 = tpu.vector_load %arg16[%swap3A_222, %swap3A_223, %swap3A_224] {strides = array<i32>} : memref<2x8x384xf32, #tpu.memory_space<vmem>>, vector<1x1x16xf32>,
      %swap3A_226 = vector.shape_cast %swap3A_225 : vector<1x1x16xf32> to vector<16xf32>
      %swap3A_227 = vector.shape_cast %get3A_221 : vector<16xf32> to vector<1x1x16xf32>
      tpu.vector_store %arg16[%swap3A_222, %swap3A_223, %swap3A_224], %swap3A_227 {strides = array<i32>} : memref<2x8x384xf32, #tpu.memory_space<vmem>>, vector<1x1x16xf32>,
      %get3A_228 = arith.index_cast %add3A_187 : i32 to index
      %get3A_229 = arith.constant 32 : index
      %get3A_230 = tpu.vector_load %arg14[%get3A_228, %get3A_229] {strides = array<i32>} : memref<64x128xf32, #tpu.memory_space<vmem>>, vector<1x16xf32>,
      %get3A_231 = vector.shape_cast %get3A_230 : vector<1x16xf32> to vector<16xf32>
      %swap3A_232 = arith.index_cast %select_n3A_129 : i32 to index
      %swap3A_233 = arith.index_cast %select_n3A_203 : i32 to index
      %swap3A_234 = arith.constant 32 : index
      %swap3A_235 = tpu.vector_load %arg16[%swap3A_232, %swap3A_233, %swap3A_234] {strides = array<i32>} : memref<2x8x384xf32, #tpu.memory_space<vmem>>, vector<1x1x16xf32>,
      %swap3A_236 = vector.shape_cast %swap3A_235 : vector<1x1x16xf32> to vector<16xf32>
      %swap3A_237 = vector.shape_cast %get3A_231 : vector<16xf32> to vector<1x1x16xf32>
      tpu.vector_store %arg16[%swap3A_232, %swap3A_233, %swap3A_234], %swap3A_237 {strides = array<i32>} : memref<2x8x384xf32, #tpu.memory_space<vmem>>, vector<1x1x16xf32>,
      %get3A_238 = arith.index_cast %add3A_187 : i32 to index
      %get3A_239 = arith.constant 48 : index
      %get3A_240 = tpu.vector_load %arg14[%get3A_238, %get3A_239] {strides = array<i32>} : memref<64x128xf32, #tpu.memory_space<vmem>>, vector<1x16xf32>,
      %get3A_241 = vector.shape_cast %get3A_240 : vector<1x16xf32> to vector<16xf32>
      %swap3A_242 = arith.index_cast %select_n3A_129 : i32 to index
      %swap3A_243 = arith.index_cast %select_n3A_203 : i32 to index
      %swap3A_244 = arith.constant 48 : index
      %swap3A_245 = tpu.vector_load %arg16[%swap3A_242, %swap3A_243, %swap3A_244] {strides = array<i32>} : memref<2x8x384xf32, #tpu.memory_space<vmem>>, vector<1x1x16xf32>,
      %swap3A_246 = vector.shape_cast %swap3A_245 : vector<1x1x16xf32> to vector<16xf32>
      %swap3A_247 = vector.shape_cast %get3A_241 : vector<16xf32> to vector<1x1x16xf32>
      tpu.vector_store %arg16[%swap3A_242, %swap3A_243, %swap3A_244], %swap3A_247 {strides = array<i32>} : memref<2x8x384xf32, #tpu.memory_space<vmem>>, vector<1x1x16xf32>,
      %get3A_248 = arith.index_cast %add3A_187 : i32 to index
      %get3A_249 = arith.constant 64 : index
      %get3A_250 = tpu.vector_load %arg14[%get3A_248, %get3A_249] {strides = array<i32>} : memref<64x128xf32, #tpu.memory_space<vmem>>, vector<1x16xf32>,
      %get3A_251 = vector.shape_cast %get3A_250 : vector<1x16xf32> to vector<16xf32>
      %swap3A_252 = arith.index_cast %select_n3A_129 : i32 to index
      %swap3A_253 = arith.index_cast %select_n3A_203 : i32 to index
      %swap3A_254 = arith.constant 64 : index
      %swap3A_255 = tpu.vector_load %arg16[%swap3A_252, %swap3A_253, %swap3A_254] {strides = array<i32>} : memref<2x8x384xf32, #tpu.memory_space<vmem>>, vector<1x1x16xf32>,
      %swap3A_256 = vector.shape_cast %swap3A_255 : vector<1x1x16xf32> to vector<16xf32>
      %swap3A_257 = vector.shape_cast %get3A_251 : vector<16xf32> to vector<1x1x16xf32>
      tpu.vector_store %arg16[%swap3A_252, %swap3A_253, %swap3A_254], %swap3A_257 {strides = array<i32>} : memref<2x8x384xf32, #tpu.memory_space<vmem>>, vector<1x1x16xf32>,
      %get3A_258 = arith.index_cast %add3A_187 : i32 to index
      %get3A_259 = arith.constant 80 : index
      %get3A_260 = tpu.vector_load %arg14[%get3A_258, %get3A_259] {strides = array<i32>} : memref<64x128xf32, #tpu.memory_space<vmem>>, vector<1x16xf32>,
      %get3A_261 = vector.shape_cast %get3A_260 : vector<1x16xf32> to vector<16xf32>
      %swap3A_262 = arith.index_cast %select_n3A_129 : i32 to index
      %swap3A_263 = arith.index_cast %select_n3A_203 : i32 to index
      %swap3A_264 = arith.constant 80 : index
      %swap3A_265 = tpu.vector_load %arg16[%swap3A_262, %swap3A_263, %swap3A_264] {strides = array<i32>} : memref<2x8x384xf32, #tpu.memory_space<vmem>>, vector<1x1x16xf32>,
      %swap3A_266 = vector.shape_cast %swap3A_265 : vector<1x1x16xf32> to vector<16xf32>
      %swap3A_267 = vector.shape_cast %get3A_261 : vector<16xf32> to vector<1x1x16xf32>
      tpu.vector_store %arg16[%swap3A_262, %swap3A_263, %swap3A_264], %swap3A_267 {strides = array<i32>} : memref<2x8x384xf32, #tpu.memory_space<vmem>>, vector<1x1x16xf32>,
      %get3A_268 = arith.index_cast %add3A_187 : i32 to index
      %get3A_269 = arith.constant 96 : index
      %get3A_270 = tpu.vector_load %arg14[%get3A_268, %get3A_269] {strides = array<i32>} : memref<64x128xf32, #tpu.memory_space<vmem>>, vector<1x16xf32>,
      %get3A_271 = vector.shape_cast %get3A_270 : vector<1x16xf32> to vector<16xf32>
      %swap3A_272 = arith.index_cast %select_n3A_129 : i32 to index
      %swap3A_273 = arith.index_cast %select_n3A_203 : i32 to index
      %swap3A_274 = arith.constant 96 : index
      %swap3A_275 = tpu.vector_load %arg16[%swap3A_272, %swap3A_273, %swap3A_274] {strides = array<i32>} : memref<2x8x384xf32, #tpu.memory_space<vmem>>, vector<1x1x16xf32>,
      %swap3A_276 = vector.shape_cast %swap3A_275 : vector<1x1x16xf32> to vector<16xf32>
      %swap3A_277 = vector.shape_cast %get3A_271 : vector<16xf32> to vector<1x1x16xf32>
      tpu.vector_store %arg16[%swap3A_272, %swap3A_273, %swap3A_274], %swap3A_277 {strides = array<i32>} : memref<2x8x384xf32, #tpu.memory_space<vmem>>, vector<1x1x16xf32>,
      %get3A_278 = arith.index_cast %add3A_187 : i32 to index
      %get3A_279 = arith.constant 112 : index
      %get3A_280 = tpu.vector_load %arg14[%get3A_278, %get3A_279] {strides = array<i32>} : memref<64x128xf32, #tpu.memory_space<vmem>>, vector<1x16xf32>,
      %get3A_281 = vector.shape_cast %get3A_280 : vector<1x16xf32> to vector<16xf32>
      %swap3A_282 = arith.index_cast %select_n3A_129 : i32 to index
      %swap3A_283 = arith.index_cast %select_n3A_203 : i32 to index
      %swap3A_284 = arith.constant 112 : index
      %swap3A_285 = tpu.vector_load %arg16[%swap3A_282, %swap3A_283, %swap3A_284] {strides = array<i32>} : memref<2x8x384xf32, #tpu.memory_space<vmem>>, vector<1x1x16xf32>,
      %swap3A_286 = vector.shape_cast %swap3A_285 : vector<1x1x16xf32> to vector<16xf32>
      %swap3A_287 = vector.shape_cast %get3A_281 : vector<16xf32> to vector<1x1x16xf32>
      tpu.vector_store %arg16[%swap3A_282, %swap3A_283, %swap3A_284], %swap3A_287 {strides = array<i32>} : memref<2x8x384xf32, #tpu.memory_space<vmem>>, vector<1x1x16xf32>,
      %mul3A_288 = arith.constant 2 : i32
      %mul3A_289 = arith.muli %add3A_99, %mul3A_288 : i32
      %add3A_290 = arith.constant 1 : i32
      %add3A_291 = arith.addi %mul3A_289, %add3A_290 : i32
      %jit3A_292 = arith.constant 8 : i32
      %eq3A_293 = arith.constant 0 : i32
      %eq3A_294 = arith.cmpi eq, %jit3A_292, %eq3A_293 : i32
      %jit3A_295 = arith.constant 1 : i32
      %select_n3A_296 = arith.select %eq3A_294, %jit3A_295, %jit3A_292 : i32
      %rem3A_297 = arith.remsi %add3A_291, %select_n3A_296 : i32
      %ne3A_298 = arith.constant 0 : i32
      %ne3A_299 = arith.cmpi ne, %rem3A_297, %ne3A_298 : i32
      %lt3A_300 = arith.constant 0 : i32
      %lt3A_301 = arith.cmpi slt, %rem3A_297, %lt3A_300 : i32
      %lt3A_302 = arith.constant 0 : i32
      %lt3A_303 = arith.cmpi slt, %select_n3A_296, %lt3A_302 : i32
      %ne3A_304 = arith.xori %lt3A_301, %lt3A_303 : i1
      %and3A_305 = arith.andi %ne3A_304, %ne3A_299 : i1
      %add3A_306 = arith.addi %rem3A_297, %select_n3A_296 : i32
      %select_n3A_307 = arith.select %and3A_305, %add3A_306, %rem3A_297 : i32
      %scan3A_308 = arith.constant 0 : i32
      %scan3A_309 = arith.constant 0 : i32
      %scan3A_310 = arith.constant 4 : i32
      %scan3A_311 = arith.addi %scan3A_309, %scan3A_310 : i32
      %scan3A_312 = arith.constant 1 : i32
      scf.for %scan3A_723 = %scan3A_309 to %scan3A_311 step %scan3A_312  : i32 {
        %mul3A_724 = arith.constant 20 : i32
        %mul3A_725 = arith.muli %scan3A_723, %mul3A_724 : i32
        %get3A_726 = arith.index_cast %add3A_291 : i32 to index
        %get3A_727 = arith.index_cast %mul3A_725 : i32 to index
        %get3A_728 = tpu.vector_load %arg12[%get3A_726, %get3A_727] {strides = array<i32>} : memref<64x80xf32, #tpu.memory_space<vmem>>, vector<1x16xf32>,
        %get3A_729 = vector.shape_cast %get3A_728 : vector<1x16xf32> to vector<16xf32>
        %add3A_730 = arith.constant 4 : i32
        %add3A_731 = arith.addi %mul3A_725, %add3A_730 : i32
        %get3A_732 = arith.index_cast %add3A_291 : i32 to index
        %get3A_733 = arith.index_cast %add3A_731 : i32 to index
        %get3A_734 = tpu.vector_load %arg12[%get3A_732, %get3A_733] {strides = array<i32>} : memref<64x80xf32, #tpu.memory_space<vmem>>, vector<1x16xf32>,
        %get3A_735 = vector.shape_cast %get3A_734 : vector<1x16xf32> to vector<16xf32>
        %add3A_736 = arith.constant 80 : i32
        %add3A_737 = arith.addi %add3A_736, %mul3A_725 : i32
        %broadcast_in_dim3A = arith.constant 0.000000e+00 : f32
        %broadcast_in_dim3A_738 = vector.broadcast %broadcast_in_dim3A : f32 to vector<16xf32>
        %broadcast_in_dim3A_739 = arith.constant 0.000000e+00 : f32
        %broadcast_in_dim3A_740 = vector.broadcast %broadcast_in_dim3A_739 : f32 to vector<16xf32>
        %broadcast_in_dim3A_741 = arith.constant 0.000000e+00 : f32
        %broadcast_in_dim3A_742 = vector.broadcast %broadcast_in_dim3A_741 : f32 to vector<16xf32>
        %broadcast_in_dim3A_743 = arith.constant 0.000000e+00 : f32
        %broadcast_in_dim3A_744 = vector.broadcast %broadcast_in_dim3A_743 : f32 to vector<16xf32>
        %slice3A = vector.extract_strided_slice %get3A_729 {offsets = [0], sizes = [1], strides = [1]} : vector<16xf32> to vector<1xf32>
        %squeeze3A = vector.extract %slice3A[0] : f32 from vector<1xf32>
        %add3A_745 = arith.constant 0 : i32
        %add3A_746 = arith.addi %add3A_737, %add3A_745 : i32
        %get3A_747 = arith.index_cast %add3A_746 : i32 to index
        %get3A_748 = arith.constant 0 : index
        %get3A_749 = tpu.vector_load %arg15[%get3A_747, %get3A_748] {strides = array<i32>} : memref<320x128xf32, #tpu.memory_space<vmem>>, vector<1x16xf32>,
        %get3A_750 = vector.shape_cast %get3A_749 : vector<1x16xf32> to vector<16xf32>
        %mul3A_751 = vector.broadcast %squeeze3A : f32 to vector<16xf32>
        %mul3A_752 = arith.mulf %mul3A_751, %get3A_750 : vector<16xf32>
        %add3A_753 = arith.addf %broadcast_in_dim3A_738, %mul3A_752 : vector<16xf32>
        %add3A_754 = arith.constant 0 : i32
        %add3A_755 = arith.addi %add3A_737, %add3A_754 : i32
        %get3A_756 = arith.index_cast %add3A_755 : i32 to index
        %get3A_757 = arith.constant 16 : index
        %get3A_758 = tpu.vector_load %arg15[%get3A_756, %get3A_757] {strides = array<i32>} : memref<320x128xf32, #tpu.memory_space<vmem>>, vector<1x16xf32>,
        %get3A_759 = vector.shape_cast %get3A_758 : vector<1x16xf32> to vector<16xf32>
        %mul3A_760 = vector.broadcast %squeeze3A : f32 to vector<16xf32>
        %mul3A_761 = arith.mulf %mul3A_760, %get3A_759 : vector<16xf32>
        %add3A_762 = arith.addf %broadcast_in_dim3A_740, %mul3A_761 : vector<16xf32>
        %add3A_763 = arith.constant 0 : i32
        %add3A_764 = arith.addi %add3A_737, %add3A_763 : i32
        %get3A_765 = arith.index_cast %add3A_764 : i32 to index
        %get3A_766 = arith.constant 32 : index
        %get3A_767 = tpu.vector_load %arg15[%get3A_765, %get3A_766] {strides = array<i32>} : memref<320x128xf32, #tpu.memory_space<vmem>>, vector<1x16xf32>,
        %get3A_768 = vector.shape_cast %get3A_767 : vector<1x16xf32> to vector<16xf32>
        %mul3A_769 = vector.broadcast %squeeze3A : f32 to vector<16xf32>
        %mul3A_770 = arith.mulf %mul3A_769, %get3A_768 : vector<16xf32>
        %add3A_771 = arith.addf %broadcast_in_dim3A_742, %mul3A_770 : vector<16xf32>
        %add3A_772 = arith.constant 0 : i32
        %add3A_773 = arith.addi %add3A_737, %add3A_772 : i32
        %get3A_774 = arith.index_cast %add3A_773 : i32 to index
        %get3A_775 = arith.constant 48 : index
        %get3A_776 = tpu.vector_load %arg15[%get3A_774, %get3A_775] {strides = array<i32>} : memref<320x128xf32, #tpu.memory_space<vmem>>, vector<1x16xf32>,
        %get3A_777 = vector.shape_cast %get3A_776 : vector<1x16xf32> to vector<16xf32>
        %mul3A_778 = vector.broadcast %squeeze3A : f32 to vector<16xf32>
        %mul3A_779 = arith.mulf %mul3A_778, %get3A_777 : vector<16xf32>
        %add3A_780 = arith.addf %broadcast_in_dim3A_744, %mul3A_779 : vector<16xf32>
        %slice3A_781 = vector.extract_strided_slice %get3A_729 {offsets = [1], sizes = [1], strides = [1]} : vector<16xf32> to vector<1xf32>
        %squeeze3A_782 = vector.extract %slice3A_781[0] : f32 from vector<1xf32>
        %add3A_783 = arith.constant 1 : i32
        %add3A_784 = arith.addi %add3A_737, %add3A_783 : i32
        %get3A_785 = arith.index_cast %add3A_784 : i32 to index
        %get3A_786 = arith.constant 0 : index
        %get3A_787 = tpu.vector_load %arg15[%get3A_785, %get3A_786] {strides = array<i32>} : memref<320x128xf32, #tpu.memory_space<vmem>>, vector<1x16xf32>,
        %get3A_788 = vector.shape_cast %get3A_787 : vector<1x16xf32> to vector<16xf32>
        %mul3A_789 = vector.broadcast %squeeze3A_782 : f32 to vector<16xf32>
        %mul3A_790 = arith.mulf %mul3A_789, %get3A_788 : vector<16xf32>
        %add3A_791 = arith.addf %add3A_753, %mul3A_790 : vector<16xf32>
        %add3A_792 = arith.constant 1 : i32
        %add3A_793 = arith.addi %add3A_737, %add3A_792 : i32
        %get3A_794 = arith.index_cast %add3A_793 : i32 to index
        %get3A_795 = arith.constant 16 : index
        %get3A_796 = tpu.vector_load %arg15[%get3A_794, %get3A_795] {strides = array<i32>} : memref<320x128xf32, #tpu.memory_space<vmem>>, vector<1x16xf32>,
        %get3A_797 = vector.shape_cast %get3A_796 : vector<1x16xf32> to vector<16xf32>
        %mul3A_798 = vector.broadcast %squeeze3A_782 : f32 to vector<16xf32>
        %mul3A_799 = arith.mulf %mul3A_798, %get3A_797 : vector<16xf32>
        %add3A_800 = arith.addf %add3A_762, %mul3A_799 : vector<16xf32>
        %add3A_801 = arith.constant 1 : i32
        %add3A_802 = arith.addi %add3A_737, %add3A_801 : i32
        %get3A_803 = arith.index_cast %add3A_802 : i32 to index
        %get3A_804 = arith.constant 32 : index
        %get3A_805 = tpu.vector_load %arg15[%get3A_803, %get3A_804] {strides = array<i32>} : memref<320x128xf32, #tpu.memory_space<vmem>>, vector<1x16xf32>,
        %get3A_806 = vector.shape_cast %get3A_805 : vector<1x16xf32> to vector<16xf32>
        %mul3A_807 = vector.broadcast %squeeze3A_782 : f32 to vector<16xf32>
        %mul3A_808 = arith.mulf %mul3A_807, %get3A_806 : vector<16xf32>
        %add3A_809 = arith.addf %add3A_771, %mul3A_808 : vector<16xf32>
        %add3A_810 = arith.constant 1 : i32
        %add3A_811 = arith.addi %add3A_737, %add3A_810 : i32
        %get3A_812 = arith.index_cast %add3A_811 : i32 to index
        %get3A_813 = arith.constant 48 : index
        %get3A_814 = tpu.vector_load %arg15[%get3A_812, %get3A_813] {strides = array<i32>} : memref<320x128xf32, #tpu.memory_space<vmem>>, vector<1x16xf32>,
        %get3A_815 = vector.shape_cast %get3A_814 : vector<1x16xf32> to vector<16xf32>
        %mul3A_816 = vector.broadcast %squeeze3A_782 : f32 to vector<16xf32>
        %mul3A_817 = arith.mulf %mul3A_816, %get3A_815 : vector<16xf32>
        %add3A_818 = arith.addf %add3A_780, %mul3A_817 : vector<16xf32>
        %slice3A_819 = vector.extract_strided_slice %get3A_729 {offsets = [2], sizes = [1], strides = [1]} : vector<16xf32> to vector<1xf32>
        %squeeze3A_820 = vector.extract %slice3A_819[0] : f32 from vector<1xf32>
        %add3A_821 = arith.constant 2 : i32
        %add3A_822 = arith.addi %add3A_737, %add3A_821 : i32
        %get3A_823 = arith.index_cast %add3A_822 : i32 to index
        %get3A_824 = arith.constant 0 : index
        %get3A_825 = tpu.vector_load %arg15[%get3A_823, %get3A_824] {strides = array<i32>} : memref<320x128xf32, #tpu.memory_space<vmem>>, vector<1x16xf32>,
        %get3A_826 = vector.shape_cast %get3A_825 : vector<1x16xf32> to vector<16xf32>
        %mul3A_827 = vector.broadcast %squeeze3A_820 : f32 to vector<16xf32>
        %mul3A_828 = arith.mulf %mul3A_827, %get3A_826 : vector<16xf32>
        %add3A_829 = arith.addf %add3A_791, %mul3A_828 : vector<16xf32>
        %add3A_830 = arith.constant 2 : i32
        %add3A_831 = arith.addi %add3A_737, %add3A_830 : i32
        %get3A_832 = arith.index_cast %add3A_831 : i32 to index
        %get3A_833 = arith.constant 16 : index
        %get3A_834 = tpu.vector_load %arg15[%get3A_832, %get3A_833] {strides = array<i32>} : memref<320x128xf32, #tpu.memory_space<vmem>>, vector<1x16xf32>,
        %get3A_835 = vector.shape_cast %get3A_834 : vector<1x16xf32> to vector<16xf32>
        %mul3A_836 = vector.broadcast %squeeze3A_820 : f32 to vector<16xf32>
        %mul3A_837 = arith.mulf %mul3A_836, %get3A_835 : vector<16xf32>
        %add3A_838 = arith.addf %add3A_800, %mul3A_837 : vector<16xf32>
        %add3A_839 = arith.constant 2 : i32
        %add3A_840 = arith.addi %add3A_737, %add3A_839 : i32
        %get3A_841 = arith.index_cast %add3A_840 : i32 to index
        %get3A_842 = arith.constant 32 : index
        %get3A_843 = tpu.vector_load %arg15[%get3A_841, %get3A_842] {strides = array<i32>} : memref<320x128xf32, #tpu.memory_space<vmem>>, vector<1x16xf32>,
        %get3A_844 = vector.shape_cast %get3A_843 : vector<1x16xf32> to vector<16xf32>
        %mul3A_845 = vector.broadcast %squeeze3A_820 : f32 to vector<16xf32>
        %mul3A_846 = arith.mulf %mul3A_845, %get3A_844 : vector<16xf32>
        %add3A_847 = arith.addf %add3A_809, %mul3A_846 : vector<16xf32>
        %add3A_848 = arith.constant 2 : i32
        %add3A_849 = arith.addi %add3A_737, %add3A_848 : i32
        %get3A_850 = arith.index_cast %add3A_849 : i32 to index
        %get3A_851 = arith.constant 48 : index
        %get3A_852 = tpu.vector_load %arg15[%get3A_850, %get3A_851] {strides = array<i32>} : memref<320x128xf32, #tpu.memory_space<vmem>>, vector<1x16xf32>,
        %get3A_853 = vector.shape_cast %get3A_852 : vector<1x16xf32> to vector<16xf32>
        %mul3A_854 = vector.broadcast %squeeze3A_820 : f32 to vector<16xf32>
        %mul3A_855 = arith.mulf %mul3A_854, %get3A_853 : vector<16xf32>
        %add3A_856 = arith.addf %add3A_818, %mul3A_855 : vector<16xf32>
        %slice3A_857 = vector.extract_strided_slice %get3A_729 {offsets = [3], sizes = [1], strides = [1]} : vector<16xf32> to vector<1xf32>
        %squeeze3A_858 = vector.extract %slice3A_857[0] : f32 from vector<1xf32>
        %add3A_859 = arith.constant 3 : i32
        %add3A_860 = arith.addi %add3A_737, %add3A_859 : i32
        %get3A_861 = arith.index_cast %add3A_860 : i32 to index
        %get3A_862 = arith.constant 0 : index
        %get3A_863 = tpu.vector_load %arg15[%get3A_861, %get3A_862] {strides = array<i32>} : memref<320x128xf32, #tpu.memory_space<vmem>>, vector<1x16xf32>,
        %get3A_864 = vector.shape_cast %get3A_863 : vector<1x16xf32> to vector<16xf32>
        %mul3A_865 = vector.broadcast %squeeze3A_858 : f32 to vector<16xf32>
        %mul3A_866 = arith.mulf %mul3A_865, %get3A_864 : vector<16xf32>
        %add3A_867 = arith.addf %add3A_829, %mul3A_866 : vector<16xf32>
        %add3A_868 = arith.constant 3 : i32
        %add3A_869 = arith.addi %add3A_737, %add3A_868 : i32
        %get3A_870 = arith.index_cast %add3A_869 : i32 to index
        %get3A_871 = arith.constant 16 : index
        %get3A_872 = tpu.vector_load %arg15[%get3A_870, %get3A_871] {strides = array<i32>} : memref<320x128xf32, #tpu.memory_space<vmem>>, vector<1x16xf32>,
        %get3A_873 = vector.shape_cast %get3A_872 : vector<1x16xf32> to vector<16xf32>
        %mul3A_874 = vector.broadcast %squeeze3A_858 : f32 to vector<16xf32>
        %mul3A_875 = arith.mulf %mul3A_874, %get3A_873 : vector<16xf32>
        %add3A_876 = arith.addf %add3A_838, %mul3A_875 : vector<16xf32>
        %add3A_877 = arith.constant 3 : i32
        %add3A_878 = arith.addi %add3A_737, %add3A_877 : i32
        %get3A_879 = arith.index_cast %add3A_878 : i32 to index
        %get3A_880 = arith.constant 32 : index
        %get3A_881 = tpu.vector_load %arg15[%get3A_879, %get3A_880] {strides = array<i32>} : memref<320x128xf32, #tpu.memory_space<vmem>>, vector<1x16xf32>,
        %get3A_882 = vector.shape_cast %get3A_881 : vector<1x16xf32> to vector<16xf32>
        %mul3A_883 = vector.broadcast %squeeze3A_858 : f32 to vector<16xf32>
        %mul3A_884 = arith.mulf %mul3A_883, %get3A_882 : vector<16xf32>
        %add3A_885 = arith.addf %add3A_847, %mul3A_884 : vector<16xf32>
        %add3A_886 = arith.constant 3 : i32
        %add3A_887 = arith.addi %add3A_737, %add3A_886 : i32
        %get3A_888 = arith.index_cast %add3A_887 : i32 to index
        %get3A_889 = arith.constant 48 : index
        %get3A_890 = tpu.vector_load %arg15[%get3A_888, %get3A_889] {strides = array<i32>} : memref<320x128xf32, #tpu.memory_space<vmem>>, vector<1x16xf32>,
        %get3A_891 = vector.shape_cast %get3A_890 : vector<1x16xf32> to vector<16xf32>
        %mul3A_892 = vector.broadcast %squeeze3A_858 : f32 to vector<16xf32>
        %mul3A_893 = arith.mulf %mul3A_892, %get3A_891 : vector<16xf32>
        %add3A_894 = arith.addf %add3A_856, %mul3A_893 : vector<16xf32>
        %slice3A_895 = vector.extract_strided_slice %get3A_729 {offsets = [4], sizes = [1], strides = [1]} : vector<16xf32> to vector<1xf32>
        %squeeze3A_896 = vector.extract %slice3A_895[0] : f32 from vector<1xf32>
        %add3A_897 = arith.constant 4 : i32
        %add3A_898 = arith.addi %add3A_737, %add3A_897 : i32
        %get3A_899 = arith.index_cast %add3A_898 : i32 to index
        %get3A_900 = arith.constant 0 : index
        %get3A_901 = tpu.vector_load %arg15[%get3A_899, %get3A_900] {strides = array<i32>} : memref<320x128xf32, #tpu.memory_space<vmem>>, vector<1x16xf32>,
        %get3A_902 = vector.shape_cast %get3A_901 : vector<1x16xf32> to vector<16xf32>
        %mul3A_903 = vector.broadcast %squeeze3A_896 : f32 to vector<16xf32>
        %mul3A_904 = arith.mulf %mul3A_903, %get3A_902 : vector<16xf32>
        %add3A_905 = arith.addf %add3A_867, %mul3A_904 : vector<16xf32>
        %add3A_906 = arith.constant 4 : i32
        %add3A_907 = arith.addi %add3A_737, %add3A_906 : i32
        %get3A_908 = arith.index_cast %add3A_907 : i32 to index
        %get3A_909 = arith.constant 16 : index
        %get3A_910 = tpu.vector_load %arg15[%get3A_908, %get3A_909] {strides = array<i32>} : memref<320x128xf32, #tpu.memory_space<vmem>>, vector<1x16xf32>,
        %get3A_911 = vector.shape_cast %get3A_910 : vector<1x16xf32> to vector<16xf32>
        %mul3A_912 = vector.broadcast %squeeze3A_896 : f32 to vector<16xf32>
        %mul3A_913 = arith.mulf %mul3A_912, %get3A_911 : vector<16xf32>
        %add3A_914 = arith.addf %add3A_876, %mul3A_913 : vector<16xf32>
        %add3A_915 = arith.constant 4 : i32
        %add3A_916 = arith.addi %add3A_737, %add3A_915 : i32
        %get3A_917 = arith.index_cast %add3A_916 : i32 to index
        %get3A_918 = arith.constant 32 : index
        %get3A_919 = tpu.vector_load %arg15[%get3A_917, %get3A_918] {strides = array<i32>} : memref<320x128xf32, #tpu.memory_space<vmem>>, vector<1x16xf32>,
        %get3A_920 = vector.shape_cast %get3A_919 : vector<1x16xf32> to vector<16xf32>
        %mul3A_921 = vector.broadcast %squeeze3A_896 : f32 to vector<16xf32>
        %mul3A_922 = arith.mulf %mul3A_921, %get3A_920 : vector<16xf32>
        %add3A_923 = arith.addf %add3A_885, %mul3A_922 : vector<16xf32>
        %add3A_924 = arith.constant 4 : i32
        %add3A_925 = arith.addi %add3A_737, %add3A_924 : i32
        %get3A_926 = arith.index_cast %add3A_925 : i32 to index
        %get3A_927 = arith.constant 48 : index
        %get3A_928 = tpu.vector_load %arg15[%get3A_926, %get3A_927] {strides = array<i32>} : memref<320x128xf32, #tpu.memory_space<vmem>>, vector<1x16xf32>,
        %get3A_929 = vector.shape_cast %get3A_928 : vector<1x16xf32> to vector<16xf32>
        %mul3A_930 = vector.broadcast %squeeze3A_896 : f32 to vector<16xf32>
        %mul3A_931 = arith.mulf %mul3A_930, %get3A_929 : vector<16xf32>
        %add3A_932 = arith.addf %add3A_894, %mul3A_931 : vector<16xf32>
        %slice3A_933 = vector.extract_strided_slice %get3A_729 {offsets = [5], sizes = [1], strides = [1]} : vector<16xf32> to vector<1xf32>
        %squeeze3A_934 = vector.extract %slice3A_933[0] : f32 from vector<1xf32>
        %add3A_935 = arith.constant 5 : i32
        %add3A_936 = arith.addi %add3A_737, %add3A_935 : i32
        %get3A_937 = arith.index_cast %add3A_936 : i32 to index
        %get3A_938 = arith.constant 0 : index
        %get3A_939 = tpu.vector_load %arg15[%get3A_937, %get3A_938] {strides = array<i32>} : memref<320x128xf32, #tpu.memory_space<vmem>>, vector<1x16xf32>,
        %get3A_940 = vector.shape_cast %get3A_939 : vector<1x16xf32> to vector<16xf32>
        %mul3A_941 = vector.broadcast %squeeze3A_934 : f32 to vector<16xf32>
        %mul3A_942 = arith.mulf %mul3A_941, %get3A_940 : vector<16xf32>
        %add3A_943 = arith.addf %add3A_905, %mul3A_942 : vector<16xf32>
        %add3A_944 = arith.constant 5 : i32
        %add3A_945 = arith.addi %add3A_737, %add3A_944 : i32
        %get3A_946 = arith.index_cast %add3A_945 : i32 to index
        %get3A_947 = arith.constant 16 : index
        %get3A_948 = tpu.vector_load %arg15[%get3A_946, %get3A_947] {strides = array<i32>} : memref<320x128xf32, #tpu.memory_space<vmem>>, vector<1x16xf32>,
        %get3A_949 = vector.shape_cast %get3A_948 : vector<1x16xf32> to vector<16xf32>
        %mul3A_950 = vector.broadcast %squeeze3A_934 : f32 to vector<16xf32>
        %mul3A_951 = arith.mulf %mul3A_950, %get3A_949 : vector<16xf32>
        %add3A_952 = arith.addf %add3A_914, %mul3A_951 : vector<16xf32>
        %add3A_953 = arith.constant 5 : i32
        %add3A_954 = arith.addi %add3A_737, %add3A_953 : i32
        %get3A_955 = arith.index_cast %add3A_954 : i32 to index
        %get3A_956 = arith.constant 32 : index
        %get3A_957 = tpu.vector_load %arg15[%get3A_955, %get3A_956] {strides = array<i32>} : memref<320x128xf32, #tpu.memory_space<vmem>>, vector<1x16xf32>,
        %get3A_958 = vector.shape_cast %get3A_957 : vector<1x16xf32> to vector<16xf32>
        %mul3A_959 = vector.broadcast %squeeze3A_934 : f32 to vector<16xf32>
        %mul3A_960 = arith.mulf %mul3A_959, %get3A_958 : vector<16xf32>
        %add3A_961 = arith.addf %add3A_923, %mul3A_960 : vector<16xf32>
        %add3A_962 = arith.constant 5 : i32
        %add3A_963 = arith.addi %add3A_737, %add3A_962 : i32
        %get3A_964 = arith.index_cast %add3A_963 : i32 to index
        %get3A_965 = arith.constant 48 : index
        %get3A_966 = tpu.vector_load %arg15[%get3A_964, %get3A_965] {strides = array<i32>} : memref<320x128xf32, #tpu.memory_space<vmem>>, vector<1x16xf32>,
        %get3A_967 = vector.shape_cast %get3A_966 : vector<1x16xf32> to vector<16xf32>
        %mul3A_968 = vector.broadcast %squeeze3A_934 : f32 to vector<16xf32>
        %mul3A_969 = arith.mulf %mul3A_968, %get3A_967 : vector<16xf32>
        %add3A_970 = arith.addf %add3A_932, %mul3A_969 : vector<16xf32>
        %slice3A_971 = vector.extract_strided_slice %get3A_729 {offsets = [6], sizes = [1], strides = [1]} : vector<16xf32> to vector<1xf32>
        %squeeze3A_972 = vector.extract %slice3A_971[0] : f32 from vector<1xf32>
        %add3A_973 = arith.constant 6 : i32
        %add3A_974 = arith.addi %add3A_737, %add3A_973 : i32
        %get3A_975 = arith.index_cast %add3A_974 : i32 to index
        %get3A_976 = arith.constant 0 : index
        %get3A_977 = tpu.vector_load %arg15[%get3A_975, %get3A_976] {strides = array<i32>} : memref<320x128xf32, #tpu.memory_space<vmem>>, vector<1x16xf32>,
        %get3A_978 = vector.shape_cast %get3A_977 : vector<1x16xf32> to vector<16xf32>
        %mul3A_979 = vector.broadcast %squeeze3A_972 : f32 to vector<16xf32>
        %mul3A_980 = arith.mulf %mul3A_979, %get3A_978 : vector<16xf32>
        %add3A_981 = arith.addf %add3A_943, %mul3A_980 : vector<16xf32>
        %add3A_982 = arith.constant 6 : i32
        %add3A_983 = arith.addi %add3A_737, %add3A_982 : i32
        %get3A_984 = arith.index_cast %add3A_983 : i32 to index
        %get3A_985 = arith.constant 16 : index
        %get3A_986 = tpu.vector_load %arg15[%get3A_984, %get3A_985] {strides = array<i32>} : memref<320x128xf32, #tpu.memory_space<vmem>>, vector<1x16xf32>,
        %get3A_987 = vector.shape_cast %get3A_986 : vector<1x16xf32> to vector<16xf32>
        %mul3A_988 = vector.broadcast %squeeze3A_972 : f32 to vector<16xf32>
        %mul3A_989 = arith.mulf %mul3A_988, %get3A_987 : vector<16xf32>
        %add3A_990 = arith.addf %add3A_952, %mul3A_989 : vector<16xf32>
        %add3A_991 = arith.constant 6 : i32
        %add3A_992 = arith.addi %add3A_737, %add3A_991 : i32
        %get3A_993 = arith.index_cast %add3A_992 : i32 to index
        %get3A_994 = arith.constant 32 : index
        %get3A_995 = tpu.vector_load %arg15[%get3A_993, %get3A_994] {strides = array<i32>} : memref<320x128xf32, #tpu.memory_space<vmem>>, vector<1x16xf32>,
        %get3A_996 = vector.shape_cast %get3A_995 : vector<1x16xf32> to vector<16xf32>
        %mul3A_997 = vector.broadcast %squeeze3A_972 : f32 to vector<16xf32>
        %mul3A_998 = arith.mulf %mul3A_997, %get3A_996 : vector<16xf32>
        %add3A_999 = arith.addf %add3A_961, %mul3A_998 : vector<16xf32>
        %add3A_1000 = arith.constant 6 : i32
        %add3A_1001 = arith.addi %add3A_737, %add3A_1000 : i32
        %get3A_1002 = arith.index_cast %add3A_1001 : i32 to index
        %get3A_1003 = arith.constant 48 : index
        %get3A_1004 = tpu.vector_load %arg15[%get3A_1002, %get3A_1003] {strides = array<i32>} : memref<320x128xf32, #tpu.memory_space<vmem>>, vector<1x16xf32>,
        %get3A_1005 = vector.shape_cast %get3A_1004 : vector<1x16xf32> to vector<16xf32>
        %mul3A_1006 = vector.broadcast %squeeze3A_972 : f32 to vector<16xf32>
        %mul3A_1007 = arith.mulf %mul3A_1006, %get3A_1005 : vector<16xf32>
        %add3A_1008 = arith.addf %add3A_970, %mul3A_1007 : vector<16xf32>
        %slice3A_1009 = vector.extract_strided_slice %get3A_729 {offsets = [7], sizes = [1], strides = [1]} : vector<16xf32> to vector<1xf32>
        %squeeze3A_1010 = vector.extract %slice3A_1009[0] : f32 from vector<1xf32>
        %add3A_1011 = arith.constant 7 : i32
        %add3A_1012 = arith.addi %add3A_737, %add3A_1011 : i32
        %get3A_1013 = arith.index_cast %add3A_1012 : i32 to index
        %get3A_1014 = arith.constant 0 : index
        %get3A_1015 = tpu.vector_load %arg15[%get3A_1013, %get3A_1014] {strides = array<i32>} : memref<320x128xf32, #tpu.memory_space<vmem>>, vector<1x16xf32>,
        %get3A_1016 = vector.shape_cast %get3A_1015 : vector<1x16xf32> to vector<16xf32>
        %mul3A_1017 = vector.broadcast %squeeze3A_1010 : f32 to vector<16xf32>
        %mul3A_1018 = arith.mulf %mul3A_1017, %get3A_1016 : vector<16xf32>
        %add3A_1019 = arith.addf %add3A_981, %mul3A_1018 : vector<16xf32>
        %add3A_1020 = arith.constant 7 : i32
        %add3A_1021 = arith.addi %add3A_737, %add3A_1020 : i32
        %get3A_1022 = arith.index_cast %add3A_1021 : i32 to index
        %get3A_1023 = arith.constant 16 : index
        %get3A_1024 = tpu.vector_load %arg15[%get3A_1022, %get3A_1023] {strides = array<i32>} : memref<320x128xf32, #tpu.memory_space<vmem>>, vector<1x16xf32>,
        %get3A_1025 = vector.shape_cast %get3A_1024 : vector<1x16xf32> to vector<16xf32>
        %mul3A_1026 = vector.broadcast %squeeze3A_1010 : f32 to vector<16xf32>
        %mul3A_1027 = arith.mulf %mul3A_1026, %get3A_1025 : vector<16xf32>
        %add3A_1028 = arith.addf %add3A_990, %mul3A_1027 : vector<16xf32>
        %add3A_1029 = arith.constant 7 : i32
        %add3A_1030 = arith.addi %add3A_737, %add3A_1029 : i32
        %get3A_1031 = arith.index_cast %add3A_1030 : i32 to index
        %get3A_1032 = arith.constant 32 : index
        %get3A_1033 = tpu.vector_load %arg15[%get3A_1031, %get3A_1032] {strides = array<i32>} : memref<320x128xf32, #tpu.memory_space<vmem>>, vector<1x16xf32>,
        %get3A_1034 = vector.shape_cast %get3A_1033 : vector<1x16xf32> to vector<16xf32>
        %mul3A_1035 = vector.broadcast %squeeze3A_1010 : f32 to vector<16xf32>
        %mul3A_1036 = arith.mulf %mul3A_1035, %get3A_1034 : vector<16xf32>
        %add3A_1037 = arith.addf %add3A_999, %mul3A_1036 : vector<16xf32>
        %add3A_1038 = arith.constant 7 : i32
        %add3A_1039 = arith.addi %add3A_737, %add3A_1038 : i32
        %get3A_1040 = arith.index_cast %add3A_1039 : i32 to index
        %get3A_1041 = arith.constant 48 : index
        %get3A_1042 = tpu.vector_load %arg15[%get3A_1040, %get3A_1041] {strides = array<i32>} : memref<320x128xf32, #tpu.memory_space<vmem>>, vector<1x16xf32>,
        %get3A_1043 = vector.shape_cast %get3A_1042 : vector<1x16xf32> to vector<16xf32>
        %mul3A_1044 = vector.broadcast %squeeze3A_1010 : f32 to vector<16xf32>
        %mul3A_1045 = arith.mulf %mul3A_1044, %get3A_1043 : vector<16xf32>
        %add3A_1046 = arith.addf %add3A_1008, %mul3A_1045 : vector<16xf32>
        %slice3A_1047 = vector.extract_strided_slice %get3A_729 {offsets = [8], sizes = [1], strides = [1]} : vector<16xf32> to vector<1xf32>
        %squeeze3A_1048 = vector.extract %slice3A_1047[0] : f32 from vector<1xf32>
        %add3A_1049 = arith.constant 8 : i32
        %add3A_1050 = arith.addi %add3A_737, %add3A_1049 : i32
        %get3A_1051 = arith.index_cast %add3A_1050 : i32 to index
        %get3A_1052 = arith.constant 0 : index
        %get3A_1053 = tpu.vector_load %arg15[%get3A_1051, %get3A_1052] {strides = array<i32>} : memref<320x128xf32, #tpu.memory_space<vmem>>, vector<1x16xf32>,
        %get3A_1054 = vector.shape_cast %get3A_1053 : vector<1x16xf32> to vector<16xf32>
        %mul3A_1055 = vector.broadcast %squeeze3A_1048 : f32 to vector<16xf32>
        %mul3A_1056 = arith.mulf %mul3A_1055, %get3A_1054 : vector<16xf32>
        %add3A_1057 = arith.addf %add3A_1019, %mul3A_1056 : vector<16xf32>
        %add3A_1058 = arith.constant 8 : i32
        %add3A_1059 = arith.addi %add3A_737, %add3A_1058 : i32
        %get3A_1060 = arith.index_cast %add3A_1059 : i32 to index
        %get3A_1061 = arith.constant 16 : index
        %get3A_1062 = tpu.vector_load %arg15[%get3A_1060, %get3A_1061] {strides = array<i32>} : memref<320x128xf32, #tpu.memory_space<vmem>>, vector<1x16xf32>,
        %get3A_1063 = vector.shape_cast %get3A_1062 : vector<1x16xf32> to vector<16xf32>
        %mul3A_1064 = vector.broadcast %squeeze3A_1048 : f32 to vector<16xf32>
        %mul3A_1065 = arith.mulf %mul3A_1064, %get3A_1063 : vector<16xf32>
        %add3A_1066 = arith.addf %add3A_1028, %mul3A_1065 : vector<16xf32>
        %add3A_1067 = arith.constant 8 : i32
        %add3A_1068 = arith.addi %add3A_737, %add3A_1067 : i32
        %get3A_1069 = arith.index_cast %add3A_1068 : i32 to index
        %get3A_1070 = arith.constant 32 : index
        %get3A_1071 = tpu.vector_load %arg15[%get3A_1069, %get3A_1070] {strides = array<i32>} : memref<320x128xf32, #tpu.memory_space<vmem>>, vector<1x16xf32>,
        %get3A_1072 = vector.shape_cast %get3A_1071 : vector<1x16xf32> to vector<16xf32>
        %mul3A_1073 = vector.broadcast %squeeze3A_1048 : f32 to vector<16xf32>
        %mul3A_1074 = arith.mulf %mul3A_1073, %get3A_1072 : vector<16xf32>
        %add3A_1075 = arith.addf %add3A_1037, %mul3A_1074 : vector<16xf32>
        %add3A_1076 = arith.constant 8 : i32
        %add3A_1077 = arith.addi %add3A_737, %add3A_1076 : i32
        %get3A_1078 = arith.index_cast %add3A_1077 : i32 to index
        %get3A_1079 = arith.constant 48 : index
        %get3A_1080 = tpu.vector_load %arg15[%get3A_1078, %get3A_1079] {strides = array<i32>} : memref<320x128xf32, #tpu.memory_space<vmem>>, vector<1x16xf32>,
        %get3A_1081 = vector.shape_cast %get3A_1080 : vector<1x16xf32> to vector<16xf32>
        %mul3A_1082 = vector.broadcast %squeeze3A_1048 : f32 to vector<16xf32>
        %mul3A_1083 = arith.mulf %mul3A_1082, %get3A_1081 : vector<16xf32>
        %add3A_1084 = arith.addf %add3A_1046, %mul3A_1083 : vector<16xf32>
        %slice3A_1085 = vector.extract_strided_slice %get3A_729 {offsets = [9], sizes = [1], strides = [1]} : vector<16xf32> to vector<1xf32>
        %squeeze3A_1086 = vector.extract %slice3A_1085[0] : f32 from vector<1xf32>
        %add3A_1087 = arith.constant 9 : i32
        %add3A_1088 = arith.addi %add3A_737, %add3A_1087 : i32
        %get3A_1089 = arith.index_cast %add3A_1088 : i32 to index
        %get3A_1090 = arith.constant 0 : index
        %get3A_1091 = tpu.vector_load %arg15[%get3A_1089, %get3A_1090] {strides = array<i32>} : memref<320x128xf32, #tpu.memory_space<vmem>>, vector<1x16xf32>,
        %get3A_1092 = vector.shape_cast %get3A_1091 : vector<1x16xf32> to vector<16xf32>
        %mul3A_1093 = vector.broadcast %squeeze3A_1086 : f32 to vector<16xf32>
        %mul3A_1094 = arith.mulf %mul3A_1093, %get3A_1092 : vector<16xf32>
        %add3A_1095 = arith.addf %add3A_1057, %mul3A_1094 : vector<16xf32>
        %add3A_1096 = arith.constant 9 : i32
        %add3A_1097 = arith.addi %add3A_737, %add3A_1096 : i32
        %get3A_1098 = arith.index_cast %add3A_1097 : i32 to index
        %get3A_1099 = arith.constant 16 : index
        %get3A_1100 = tpu.vector_load %arg15[%get3A_1098, %get3A_1099] {strides = array<i32>} : memref<320x128xf32, #tpu.memory_space<vmem>>, vector<1x16xf32>,
        %get3A_1101 = vector.shape_cast %get3A_1100 : vector<1x16xf32> to vector<16xf32>
        %mul3A_1102 = vector.broadcast %squeeze3A_1086 : f32 to vector<16xf32>
        %mul3A_1103 = arith.mulf %mul3A_1102, %get3A_1101 : vector<16xf32>
        %add3A_1104 = arith.addf %add3A_1066, %mul3A_1103 : vector<16xf32>
        %add3A_1105 = arith.constant 9 : i32
        %add3A_1106 = arith.addi %add3A_737, %add3A_1105 : i32
        %get3A_1107 = arith.index_cast %add3A_1106 : i32 to index
        %get3A_1108 = arith.constant 32 : index
        %get3A_1109 = tpu.vector_load %arg15[%get3A_1107, %get3A_1108] {strides = array<i32>} : memref<320x128xf32, #tpu.memory_space<vmem>>, vector<1x16xf32>,
        %get3A_1110 = vector.shape_cast %get3A_1109 : vector<1x16xf32> to vector<16xf32>
        %mul3A_1111 = vector.broadcast %squeeze3A_1086 : f32 to vector<16xf32>
        %mul3A_1112 = arith.mulf %mul3A_1111, %get3A_1110 : vector<16xf32>
        %add3A_1113 = arith.addf %add3A_1075, %mul3A_1112 : vector<16xf32>
        %add3A_1114 = arith.constant 9 : i32
        %add3A_1115 = arith.addi %add3A_737, %add3A_1114 : i32
        %get3A_1116 = arith.index_cast %add3A_1115 : i32 to index
        %get3A_1117 = arith.constant 48 : index
        %get3A_1118 = tpu.vector_load %arg15[%get3A_1116, %get3A_1117] {strides = array<i32>} : memref<320x128xf32, #tpu.memory_space<vmem>>, vector<1x16xf32>,
        %get3A_1119 = vector.shape_cast %get3A_1118 : vector<1x16xf32> to vector<16xf32>
        %mul3A_1120 = vector.broadcast %squeeze3A_1086 : f32 to vector<16xf32>
        %mul3A_1121 = arith.mulf %mul3A_1120, %get3A_1119 : vector<16xf32>
        %add3A_1122 = arith.addf %add3A_1084, %mul3A_1121 : vector<16xf32>
        %slice3A_1123 = vector.extract_strided_slice %get3A_729 {offsets = [10], sizes = [1], strides = [1]} : vector<16xf32> to vector<1xf32>
        %squeeze3A_1124 = vector.extract %slice3A_1123[0] : f32 from vector<1xf32>
        %add3A_1125 = arith.constant 10 : i32
        %add3A_1126 = arith.addi %add3A_737, %add3A_1125 : i32
        %get3A_1127 = arith.index_cast %add3A_1126 : i32 to index
        %get3A_1128 = arith.constant 0 : index
        %get3A_1129 = tpu.vector_load %arg15[%get3A_1127, %get3A_1128] {strides = array<i32>} : memref<320x128xf32, #tpu.memory_space<vmem>>, vector<1x16xf32>,
        %get3A_1130 = vector.shape_cast %get3A_1129 : vector<1x16xf32> to vector<16xf32>
        %mul3A_1131 = vector.broadcast %squeeze3A_1124 : f32 to vector<16xf32>
        %mul3A_1132 = arith.mulf %mul3A_1131, %get3A_1130 : vector<16xf32>
        %add3A_1133 = arith.addf %add3A_1095, %mul3A_1132 : vector<16xf32>
        %add3A_1134 = arith.constant 10 : i32
        %add3A_1135 = arith.addi %add3A_737, %add3A_1134 : i32
        %get3A_1136 = arith.index_cast %add3A_1135 : i32 to index
        %get3A_1137 = arith.constant 16 : index
        %get3A_1138 = tpu.vector_load %arg15[%get3A_1136, %get3A_1137] {strides = array<i32>} : memref<320x128xf32, #tpu.memory_space<vmem>>, vector<1x16xf32>,
        %get3A_1139 = vector.shape_cast %get3A_1138 : vector<1x16xf32> to vector<16xf32>
        %mul3A_1140 = vector.broadcast %squeeze3A_1124 : f32 to vector<16xf32>
        %mul3A_1141 = arith.mulf %mul3A_1140, %get3A_1139 : vector<16xf32>
        %add3A_1142 = arith.addf %add3A_1104, %mul3A_1141 : vector<16xf32>
        %add3A_1143 = arith.constant 10 : i32
        %add3A_1144 = arith.addi %add3A_737, %add3A_1143 : i32
        %get3A_1145 = arith.index_cast %add3A_1144 : i32 to index
        %get3A_1146 = arith.constant 32 : index
        %get3A_1147 = tpu.vector_load %arg15[%get3A_1145, %get3A_1146] {strides = array<i32>} : memref<320x128xf32, #tpu.memory_space<vmem>>, vector<1x16xf32>,
        %get3A_1148 = vector.shape_cast %get3A_1147 : vector<1x16xf32> to vector<16xf32>
        %mul3A_1149 = vector.broadcast %squeeze3A_1124 : f32 to vector<16xf32>
        %mul3A_1150 = arith.mulf %mul3A_1149, %get3A_1148 : vector<16xf32>
        %add3A_1151 = arith.addf %add3A_1113, %mul3A_1150 : vector<16xf32>
        %add3A_1152 = arith.constant 10 : i32
        %add3A_1153 = arith.addi %add3A_737, %add3A_1152 : i32
        %get3A_1154 = arith.index_cast %add3A_1153 : i32 to index
        %get3A_1155 = arith.constant 48 : index
        %get3A_1156 = tpu.vector_load %arg15[%get3A_1154, %get3A_1155] {strides = array<i32>} : memref<320x128xf32, #tpu.memory_space<vmem>>, vector<1x16xf32>,
        %get3A_1157 = vector.shape_cast %get3A_1156 : vector<1x16xf32> to vector<16xf32>
        %mul3A_1158 = vector.broadcast %squeeze3A_1124 : f32 to vector<16xf32>
        %mul3A_1159 = arith.mulf %mul3A_1158, %get3A_1157 : vector<16xf32>
        %add3A_1160 = arith.addf %add3A_1122, %mul3A_1159 : vector<16xf32>
        %slice3A_1161 = vector.extract_strided_slice %get3A_729 {offsets = [11], sizes = [1], strides = [1]} : vector<16xf32> to vector<1xf32>
        %squeeze3A_1162 = vector.extract %slice3A_1161[0] : f32 from vector<1xf32>
        %add3A_1163 = arith.constant 11 : i32
        %add3A_1164 = arith.addi %add3A_737, %add3A_1163 : i32
        %get3A_1165 = arith.index_cast %add3A_1164 : i32 to index
        %get3A_1166 = arith.constant 0 : index
        %get3A_1167 = tpu.vector_load %arg15[%get3A_1165, %get3A_1166] {strides = array<i32>} : memref<320x128xf32, #tpu.memory_space<vmem>>, vector<1x16xf32>,
        %get3A_1168 = vector.shape_cast %get3A_1167 : vector<1x16xf32> to vector<16xf32>
        %mul3A_1169 = vector.broadcast %squeeze3A_1162 : f32 to vector<16xf32>
        %mul3A_1170 = arith.mulf %mul3A_1169, %get3A_1168 : vector<16xf32>
        %add3A_1171 = arith.addf %add3A_1133, %mul3A_1170 : vector<16xf32>
        %add3A_1172 = arith.constant 11 : i32
        %add3A_1173 = arith.addi %add3A_737, %add3A_1172 : i32
        %get3A_1174 = arith.index_cast %add3A_1173 : i32 to index
        %get3A_1175 = arith.constant 16 : index
        %get3A_1176 = tpu.vector_load %arg15[%get3A_1174, %get3A_1175] {strides = array<i32>} : memref<320x128xf32, #tpu.memory_space<vmem>>, vector<1x16xf32>,
        %get3A_1177 = vector.shape_cast %get3A_1176 : vector<1x16xf32> to vector<16xf32>
        %mul3A_1178 = vector.broadcast %squeeze3A_1162 : f32 to vector<16xf32>
        %mul3A_1179 = arith.mulf %mul3A_1178, %get3A_1177 : vector<16xf32>
        %add3A_1180 = arith.addf %add3A_1142, %mul3A_1179 : vector<16xf32>
        %add3A_1181 = arith.constant 11 : i32
        %add3A_1182 = arith.addi %add3A_737, %add3A_1181 : i32
        %get3A_1183 = arith.index_cast %add3A_1182 : i32 to index
        %get3A_1184 = arith.constant 32 : index
        %get3A_1185 = tpu.vector_load %arg15[%get3A_1183, %get3A_1184] {strides = array<i32>} : memref<320x128xf32, #tpu.memory_space<vmem>>, vector<1x16xf32>,
        %get3A_1186 = vector.shape_cast %get3A_1185 : vector<1x16xf32> to vector<16xf32>
        %mul3A_1187 = vector.broadcast %squeeze3A_1162 : f32 to vector<16xf32>
        %mul3A_1188 = arith.mulf %mul3A_1187, %get3A_1186 : vector<16xf32>
        %add3A_1189 = arith.addf %add3A_1151, %mul3A_1188 : vector<16xf32>
        %add3A_1190 = arith.constant 11 : i32
        %add3A_1191 = arith.addi %add3A_737, %add3A_1190 : i32
        %get3A_1192 = arith.index_cast %add3A_1191 : i32 to index
        %get3A_1193 = arith.constant 48 : index
        %get3A_1194 = tpu.vector_load %arg15[%get3A_1192, %get3A_1193] {strides = array<i32>} : memref<320x128xf32, #tpu.memory_space<vmem>>, vector<1x16xf32>,
        %get3A_1195 = vector.shape_cast %get3A_1194 : vector<1x16xf32> to vector<16xf32>
        %mul3A_1196 = vector.broadcast %squeeze3A_1162 : f32 to vector<16xf32>
        %mul3A_1197 = arith.mulf %mul3A_1196, %get3A_1195 : vector<16xf32>
        %add3A_1198 = arith.addf %add3A_1160, %mul3A_1197 : vector<16xf32>
        %slice3A_1199 = vector.extract_strided_slice %get3A_729 {offsets = [12], sizes = [1], strides = [1]} : vector<16xf32> to vector<1xf32>
        %squeeze3A_1200 = vector.extract %slice3A_1199[0] : f32 from vector<1xf32>
        %add3A_1201 = arith.constant 12 : i32
        %add3A_1202 = arith.addi %add3A_737, %add3A_1201 : i32
        %get3A_1203 = arith.index_cast %add3A_1202 : i32 to index
        %get3A_1204 = arith.constant 0 : index
        %get3A_1205 = tpu.vector_load %arg15[%get3A_1203, %get3A_1204] {strides = array<i32>} : memref<320x128xf32, #tpu.memory_space<vmem>>, vector<1x16xf32>,
        %get3A_1206 = vector.shape_cast %get3A_1205 : vector<1x16xf32> to vector<16xf32>
        %mul3A_1207 = vector.broadcast %squeeze3A_1200 : f32 to vector<16xf32>
        %mul3A_1208 = arith.mulf %mul3A_1207, %get3A_1206 : vector<16xf32>
        %add3A_1209 = arith.addf %add3A_1171, %mul3A_1208 : vector<16xf32>
        %add3A_1210 = arith.constant 12 : i32
        %add3A_1211 = arith.addi %add3A_737, %add3A_1210 : i32
        %get3A_1212 = arith.index_cast %add3A_1211 : i32 to index
        %get3A_1213 = arith.constant 16 : index
        %get3A_1214 = tpu.vector_load %arg15[%get3A_1212, %get3A_1213] {strides = array<i32>} : memref<320x128xf32, #tpu.memory_space<vmem>>, vector<1x16xf32>,
        %get3A_1215 = vector.shape_cast %get3A_1214 : vector<1x16xf32> to vector<16xf32>
        %mul3A_1216 = vector.broadcast %squeeze3A_1200 : f32 to vector<16xf32>
        %mul3A_1217 = arith.mulf %mul3A_1216, %get3A_1215 : vector<16xf32>
        %add3A_1218 = arith.addf %add3A_1180, %mul3A_1217 : vector<16xf32>
        %add3A_1219 = arith.constant 12 : i32
        %add3A_1220 = arith.addi %add3A_737, %add3A_1219 : i32
        %get3A_1221 = arith.index_cast %add3A_1220 : i32 to index
        %get3A_1222 = arith.constant 32 : index
        %get3A_1223 = tpu.vector_load %arg15[%get3A_1221, %get3A_1222] {strides = array<i32>} : memref<320x128xf32, #tpu.memory_space<vmem>>, vector<1x16xf32>,
        %get3A_1224 = vector.shape_cast %get3A_1223 : vector<1x16xf32> to vector<16xf32>
        %mul3A_1225 = vector.broadcast %squeeze3A_1200 : f32 to vector<16xf32>
        %mul3A_1226 = arith.mulf %mul3A_1225, %get3A_1224 : vector<16xf32>
        %add3A_1227 = arith.addf %add3A_1189, %mul3A_1226 : vector<16xf32>
        %add3A_1228 = arith.constant 12 : i32
        %add3A_1229 = arith.addi %add3A_737, %add3A_1228 : i32
        %get3A_1230 = arith.index_cast %add3A_1229 : i32 to index
        %get3A_1231 = arith.constant 48 : index
        %get3A_1232 = tpu.vector_load %arg15[%get3A_1230, %get3A_1231] {strides = array<i32>} : memref<320x128xf32, #tpu.memory_space<vmem>>, vector<1x16xf32>,
        %get3A_1233 = vector.shape_cast %get3A_1232 : vector<1x16xf32> to vector<16xf32>
        %mul3A_1234 = vector.broadcast %squeeze3A_1200 : f32 to vector<16xf32>
        %mul3A_1235 = arith.mulf %mul3A_1234, %get3A_1233 : vector<16xf32>
        %add3A_1236 = arith.addf %add3A_1198, %mul3A_1235 : vector<16xf32>
        %slice3A_1237 = vector.extract_strided_slice %get3A_729 {offsets = [13], sizes = [1], strides = [1]} : vector<16xf32> to vector<1xf32>
        %squeeze3A_1238 = vector.extract %slice3A_1237[0] : f32 from vector<1xf32>
        %add3A_1239 = arith.constant 13 : i32
        %add3A_1240 = arith.addi %add3A_737, %add3A_1239 : i32
        %get3A_1241 = arith.index_cast %add3A_1240 : i32 to index
        %get3A_1242 = arith.constant 0 : index
        %get3A_1243 = tpu.vector_load %arg15[%get3A_1241, %get3A_1242] {strides = array<i32>} : memref<320x128xf32, #tpu.memory_space<vmem>>, vector<1x16xf32>,
        %get3A_1244 = vector.shape_cast %get3A_1243 : vector<1x16xf32> to vector<16xf32>
        %mul3A_1245 = vector.broadcast %squeeze3A_1238 : f32 to vector<16xf32>
        %mul3A_1246 = arith.mulf %mul3A_1245, %get3A_1244 : vector<16xf32>
        %add3A_1247 = arith.addf %add3A_1209, %mul3A_1246 : vector<16xf32>
        %add3A_1248 = arith.constant 13 : i32
        %add3A_1249 = arith.addi %add3A_737, %add3A_1248 : i32
        %get3A_1250 = arith.index_cast %add3A_1249 : i32 to index
        %get3A_1251 = arith.constant 16 : index
        %get3A_1252 = tpu.vector_load %arg15[%get3A_1250, %get3A_1251] {strides = array<i32>} : memref<320x128xf32, #tpu.memory_space<vmem>>, vector<1x16xf32>,
        %get3A_1253 = vector.shape_cast %get3A_1252 : vector<1x16xf32> to vector<16xf32>
        %mul3A_1254 = vector.broadcast %squeeze3A_1238 : f32 to vector<16xf32>
        %mul3A_1255 = arith.mulf %mul3A_1254, %get3A_1253 : vector<16xf32>
        %add3A_1256 = arith.addf %add3A_1218, %mul3A_1255 : vector<16xf32>
        %add3A_1257 = arith.constant 13 : i32
        %add3A_1258 = arith.addi %add3A_737, %add3A_1257 : i32
        %get3A_1259 = arith.index_cast %add3A_1258 : i32 to index
        %get3A_1260 = arith.constant 32 : index
        %get3A_1261 = tpu.vector_load %arg15[%get3A_1259, %get3A_1260] {strides = array<i32>} : memref<320x128xf32, #tpu.memory_space<vmem>>, vector<1x16xf32>,
        %get3A_1262 = vector.shape_cast %get3A_1261 : vector<1x16xf32> to vector<16xf32>
        %mul3A_1263 = vector.broadcast %squeeze3A_1238 : f32 to vector<16xf32>
        %mul3A_1264 = arith.mulf %mul3A_1263, %get3A_1262 : vector<16xf32>
        %add3A_1265 = arith.addf %add3A_1227, %mul3A_1264 : vector<16xf32>
        %add3A_1266 = arith.constant 13 : i32
        %add3A_1267 = arith.addi %add3A_737, %add3A_1266 : i32
        %get3A_1268 = arith.index_cast %add3A_1267 : i32 to index
        %get3A_1269 = arith.constant 48 : index
        %get3A_1270 = tpu.vector_load %arg15[%get3A_1268, %get3A_1269] {strides = array<i32>} : memref<320x128xf32, #tpu.memory_space<vmem>>, vector<1x16xf32>,
        %get3A_1271 = vector.shape_cast %get3A_1270 : vector<1x16xf32> to vector<16xf32>
        %mul3A_1272 = vector.broadcast %squeeze3A_1238 : f32 to vector<16xf32>
        %mul3A_1273 = arith.mulf %mul3A_1272, %get3A_1271 : vector<16xf32>
        %add3A_1274 = arith.addf %add3A_1236, %mul3A_1273 : vector<16xf32>
        %slice3A_1275 = vector.extract_strided_slice %get3A_729 {offsets = [14], sizes = [1], strides = [1]} : vector<16xf32> to vector<1xf32>
        %squeeze3A_1276 = vector.extract %slice3A_1275[0] : f32 from vector<1xf32>
        %add3A_1277 = arith.constant 14 : i32
        %add3A_1278 = arith.addi %add3A_737, %add3A_1277 : i32
        %get3A_1279 = arith.index_cast %add3A_1278 : i32 to index
        %get3A_1280 = arith.constant 0 : index
        %get3A_1281 = tpu.vector_load %arg15[%get3A_1279, %get3A_1280] {strides = array<i32>} : memref<320x128xf32, #tpu.memory_space<vmem>>, vector<1x16xf32>,
        %get3A_1282 = vector.shape_cast %get3A_1281 : vector<1x16xf32> to vector<16xf32>
        %mul3A_1283 = vector.broadcast %squeeze3A_1276 : f32 to vector<16xf32>
        %mul3A_1284 = arith.mulf %mul3A_1283, %get3A_1282 : vector<16xf32>
        %add3A_1285 = arith.addf %add3A_1247, %mul3A_1284 : vector<16xf32>
        %add3A_1286 = arith.constant 14 : i32
        %add3A_1287 = arith.addi %add3A_737, %add3A_1286 : i32
        %get3A_1288 = arith.index_cast %add3A_1287 : i32 to index
        %get3A_1289 = arith.constant 16 : index
        %get3A_1290 = tpu.vector_load %arg15[%get3A_1288, %get3A_1289] {strides = array<i32>} : memref<320x128xf32, #tpu.memory_space<vmem>>, vector<1x16xf32>,
        %get3A_1291 = vector.shape_cast %get3A_1290 : vector<1x16xf32> to vector<16xf32>
        %mul3A_1292 = vector.broadcast %squeeze3A_1276 : f32 to vector<16xf32>
        %mul3A_1293 = arith.mulf %mul3A_1292, %get3A_1291 : vector<16xf32>
        %add3A_1294 = arith.addf %add3A_1256, %mul3A_1293 : vector<16xf32>
        %add3A_1295 = arith.constant 14 : i32
        %add3A_1296 = arith.addi %add3A_737, %add3A_1295 : i32
        %get3A_1297 = arith.index_cast %add3A_1296 : i32 to index
        %get3A_1298 = arith.constant 32 : index
        %get3A_1299 = tpu.vector_load %arg15[%get3A_1297, %get3A_1298] {strides = array<i32>} : memref<320x128xf32, #tpu.memory_space<vmem>>, vector<1x16xf32>,
        %get3A_1300 = vector.shape_cast %get3A_1299 : vector<1x16xf32> to vector<16xf32>
        %mul3A_1301 = vector.broadcast %squeeze3A_1276 : f32 to vector<16xf32>
        %mul3A_1302 = arith.mulf %mul3A_1301, %get3A_1300 : vector<16xf32>
        %add3A_1303 = arith.addf %add3A_1265, %mul3A_1302 : vector<16xf32>
        %add3A_1304 = arith.constant 14 : i32
        %add3A_1305 = arith.addi %add3A_737, %add3A_1304 : i32
        %get3A_1306 = arith.index_cast %add3A_1305 : i32 to index
        %get3A_1307 = arith.constant 48 : index
        %get3A_1308 = tpu.vector_load %arg15[%get3A_1306, %get3A_1307] {strides = array<i32>} : memref<320x128xf32, #tpu.memory_space<vmem>>, vector<1x16xf32>,
        %get3A_1309 = vector.shape_cast %get3A_1308 : vector<1x16xf32> to vector<16xf32>
        %mul3A_1310 = vector.broadcast %squeeze3A_1276 : f32 to vector<16xf32>
        %mul3A_1311 = arith.mulf %mul3A_1310, %get3A_1309 : vector<16xf32>
        %add3A_1312 = arith.addf %add3A_1274, %mul3A_1311 : vector<16xf32>
        %slice3A_1313 = vector.extract_strided_slice %get3A_729 {offsets = [15], sizes = [1], strides = [1]} : vector<16xf32> to vector<1xf32>
        %squeeze3A_1314 = vector.extract %slice3A_1313[0] : f32 from vector<1xf32>
        %add3A_1315 = arith.constant 15 : i32
        %add3A_1316 = arith.addi %add3A_737, %add3A_1315 : i32
        %get3A_1317 = arith.index_cast %add3A_1316 : i32 to index
        %get3A_1318 = arith.constant 0 : index
        %get3A_1319 = tpu.vector_load %arg15[%get3A_1317, %get3A_1318] {strides = array<i32>} : memref<320x128xf32, #tpu.memory_space<vmem>>, vector<1x16xf32>,
        %get3A_1320 = vector.shape_cast %get3A_1319 : vector<1x16xf32> to vector<16xf32>
        %mul3A_1321 = vector.broadcast %squeeze3A_1314 : f32 to vector<16xf32>
        %mul3A_1322 = arith.mulf %mul3A_1321, %get3A_1320 : vector<16xf32>
        %add3A_1323 = arith.addf %add3A_1285, %mul3A_1322 : vector<16xf32>
        %add3A_1324 = arith.constant 15 : i32
        %add3A_1325 = arith.addi %add3A_737, %add3A_1324 : i32
        %get3A_1326 = arith.index_cast %add3A_1325 : i32 to index
        %get3A_1327 = arith.constant 16 : index
        %get3A_1328 = tpu.vector_load %arg15[%get3A_1326, %get3A_1327] {strides = array<i32>} : memref<320x128xf32, #tpu.memory_space<vmem>>, vector<1x16xf32>,
        %get3A_1329 = vector.shape_cast %get3A_1328 : vector<1x16xf32> to vector<16xf32>
        %mul3A_1330 = vector.broadcast %squeeze3A_1314 : f32 to vector<16xf32>
        %mul3A_1331 = arith.mulf %mul3A_1330, %get3A_1329 : vector<16xf32>
        %add3A_1332 = arith.addf %add3A_1294, %mul3A_1331 : vector<16xf32>
        %add3A_1333 = arith.constant 15 : i32
        %add3A_1334 = arith.addi %add3A_737, %add3A_1333 : i32
        %get3A_1335 = arith.index_cast %add3A_1334 : i32 to index
        %get3A_1336 = arith.constant 32 : index
        %get3A_1337 = tpu.vector_load %arg15[%get3A_1335, %get3A_1336] {strides = array<i32>} : memref<320x128xf32, #tpu.memory_space<vmem>>, vector<1x16xf32>,
        %get3A_1338 = vector.shape_cast %get3A_1337 : vector<1x16xf32> to vector<16xf32>
        %mul3A_1339 = vector.broadcast %squeeze3A_1314 : f32 to vector<16xf32>
        %mul3A_1340 = arith.mulf %mul3A_1339, %get3A_1338 : vector<16xf32>
        %add3A_1341 = arith.addf %add3A_1303, %mul3A_1340 : vector<16xf32>
        %add3A_1342 = arith.constant 15 : i32
        %add3A_1343 = arith.addi %add3A_737, %add3A_1342 : i32
        %get3A_1344 = arith.index_cast %add3A_1343 : i32 to index
        %get3A_1345 = arith.constant 48 : index
        %get3A_1346 = tpu.vector_load %arg15[%get3A_1344, %get3A_1345] {strides = array<i32>} : memref<320x128xf32, #tpu.memory_space<vmem>>, vector<1x16xf32>,
        %get3A_1347 = vector.shape_cast %get3A_1346 : vector<1x16xf32> to vector<16xf32>
        %mul3A_1348 = vector.broadcast %squeeze3A_1314 : f32 to vector<16xf32>
        %mul3A_1349 = arith.mulf %mul3A_1348, %get3A_1347 : vector<16xf32>
        %add3A_1350 = arith.addf %add3A_1312, %mul3A_1349 : vector<16xf32>
        %slice3A_1351 = vector.extract_strided_slice %get3A_735 {offsets = [12], sizes = [1], strides = [1]} : vector<16xf32> to vector<1xf32>
        %squeeze3A_1352 = vector.extract %slice3A_1351[0] : f32 from vector<1xf32>
        %add3A_1353 = arith.constant 16 : i32
        %add3A_1354 = arith.addi %add3A_737, %add3A_1353 : i32
        %get3A_1355 = arith.index_cast %add3A_1354 : i32 to index
        %get3A_1356 = arith.constant 0 : index
        %get3A_1357 = tpu.vector_load %arg15[%get3A_1355, %get3A_1356] {strides = array<i32>} : memref<320x128xf32, #tpu.memory_space<vmem>>, vector<1x16xf32>,
        %get3A_1358 = vector.shape_cast %get3A_1357 : vector<1x16xf32> to vector<16xf32>
        %mul3A_1359 = vector.broadcast %squeeze3A_1352 : f32 to vector<16xf32>
        %mul3A_1360 = arith.mulf %mul3A_1359, %get3A_1358 : vector<16xf32>
        %add3A_1361 = arith.addf %add3A_1323, %mul3A_1360 : vector<16xf32>
        %add3A_1362 = arith.constant 16 : i32
        %add3A_1363 = arith.addi %add3A_737, %add3A_1362 : i32
        %get3A_1364 = arith.index_cast %add3A_1363 : i32 to index
        %get3A_1365 = arith.constant 16 : index
        %get3A_1366 = tpu.vector_load %arg15[%get3A_1364, %get3A_1365] {strides = array<i32>} : memref<320x128xf32, #tpu.memory_space<vmem>>, vector<1x16xf32>,
        %get3A_1367 = vector.shape_cast %get3A_1366 : vector<1x16xf32> to vector<16xf32>
        %mul3A_1368 = vector.broadcast %squeeze3A_1352 : f32 to vector<16xf32>
        %mul3A_1369 = arith.mulf %mul3A_1368, %get3A_1367 : vector<16xf32>
        %add3A_1370 = arith.addf %add3A_1332, %mul3A_1369 : vector<16xf32>
        %add3A_1371 = arith.constant 16 : i32
        %add3A_1372 = arith.addi %add3A_737, %add3A_1371 : i32
        %get3A_1373 = arith.index_cast %add3A_1372 : i32 to index
        %get3A_1374 = arith.constant 32 : index
        %get3A_1375 = tpu.vector_load %arg15[%get3A_1373, %get3A_1374] {strides = array<i32>} : memref<320x128xf32, #tpu.memory_space<vmem>>, vector<1x16xf32>,
        %get3A_1376 = vector.shape_cast %get3A_1375 : vector<1x16xf32> to vector<16xf32>
        %mul3A_1377 = vector.broadcast %squeeze3A_1352 : f32 to vector<16xf32>
        %mul3A_1378 = arith.mulf %mul3A_1377, %get3A_1376 : vector<16xf32>
        %add3A_1379 = arith.addf %add3A_1341, %mul3A_1378 : vector<16xf32>
        %add3A_1380 = arith.constant 16 : i32
        %add3A_1381 = arith.addi %add3A_737, %add3A_1380 : i32
        %get3A_1382 = arith.index_cast %add3A_1381 : i32 to index
        %get3A_1383 = arith.constant 48 : index
        %get3A_1384 = tpu.vector_load %arg15[%get3A_1382, %get3A_1383] {strides = array<i32>} : memref<320x128xf32, #tpu.memory_space<vmem>>, vector<1x16xf32>,
        %get3A_1385 = vector.shape_cast %get3A_1384 : vector<1x16xf32> to vector<16xf32>
        %mul3A_1386 = vector.broadcast %squeeze3A_1352 : f32 to vector<16xf32>
        %mul3A_1387 = arith.mulf %mul3A_1386, %get3A_1385 : vector<16xf32>
        %add3A_1388 = arith.addf %add3A_1350, %mul3A_1387 : vector<16xf32>
        %slice3A_1389 = vector.extract_strided_slice %get3A_735 {offsets = [13], sizes = [1], strides = [1]} : vector<16xf32> to vector<1xf32>
        %squeeze3A_1390 = vector.extract %slice3A_1389[0] : f32 from vector<1xf32>
        %add3A_1391 = arith.constant 17 : i32
        %add3A_1392 = arith.addi %add3A_737, %add3A_1391 : i32
        %get3A_1393 = arith.index_cast %add3A_1392 : i32 to index
        %get3A_1394 = arith.constant 0 : index
        %get3A_1395 = tpu.vector_load %arg15[%get3A_1393, %get3A_1394] {strides = array<i32>} : memref<320x128xf32, #tpu.memory_space<vmem>>, vector<1x16xf32>,
        %get3A_1396 = vector.shape_cast %get3A_1395 : vector<1x16xf32> to vector<16xf32>
        %mul3A_1397 = vector.broadcast %squeeze3A_1390 : f32 to vector<16xf32>
        %mul3A_1398 = arith.mulf %mul3A_1397, %get3A_1396 : vector<16xf32>
        %add3A_1399 = arith.addf %add3A_1361, %mul3A_1398 : vector<16xf32>
        %add3A_1400 = arith.constant 17 : i32
        %add3A_1401 = arith.addi %add3A_737, %add3A_1400 : i32
        %get3A_1402 = arith.index_cast %add3A_1401 : i32 to index
        %get3A_1403 = arith.constant 16 : index
        %get3A_1404 = tpu.vector_load %arg15[%get3A_1402, %get3A_1403] {strides = array<i32>} : memref<320x128xf32, #tpu.memory_space<vmem>>, vector<1x16xf32>,
        %get3A_1405 = vector.shape_cast %get3A_1404 : vector<1x16xf32> to vector<16xf32>
        %mul3A_1406 = vector.broadcast %squeeze3A_1390 : f32 to vector<16xf32>
        %mul3A_1407 = arith.mulf %mul3A_1406, %get3A_1405 : vector<16xf32>
        %add3A_1408 = arith.addf %add3A_1370, %mul3A_1407 : vector<16xf32>
        %add3A_1409 = arith.constant 17 : i32
        %add3A_1410 = arith.addi %add3A_737, %add3A_1409 : i32
        %get3A_1411 = arith.index_cast %add3A_1410 : i32 to index
        %get3A_1412 = arith.constant 32 : index
        %get3A_1413 = tpu.vector_load %arg15[%get3A_1411, %get3A_1412] {strides = array<i32>} : memref<320x128xf32, #tpu.memory_space<vmem>>, vector<1x16xf32>,
        %get3A_1414 = vector.shape_cast %get3A_1413 : vector<1x16xf32> to vector<16xf32>
        %mul3A_1415 = vector.broadcast %squeeze3A_1390 : f32 to vector<16xf32>
        %mul3A_1416 = arith.mulf %mul3A_1415, %get3A_1414 : vector<16xf32>
        %add3A_1417 = arith.addf %add3A_1379, %mul3A_1416 : vector<16xf32>
        %add3A_1418 = arith.constant 17 : i32
        %add3A_1419 = arith.addi %add3A_737, %add3A_1418 : i32
        %get3A_1420 = arith.index_cast %add3A_1419 : i32 to index
        %get3A_1421 = arith.constant 48 : index
        %get3A_1422 = tpu.vector_load %arg15[%get3A_1420, %get3A_1421] {strides = array<i32>} : memref<320x128xf32, #tpu.memory_space<vmem>>, vector<1x16xf32>,
        %get3A_1423 = vector.shape_cast %get3A_1422 : vector<1x16xf32> to vector<16xf32>
        %mul3A_1424 = vector.broadcast %squeeze3A_1390 : f32 to vector<16xf32>
        %mul3A_1425 = arith.mulf %mul3A_1424, %get3A_1423 : vector<16xf32>
        %add3A_1426 = arith.addf %add3A_1388, %mul3A_1425 : vector<16xf32>
        %slice3A_1427 = vector.extract_strided_slice %get3A_735 {offsets = [14], sizes = [1], strides = [1]} : vector<16xf32> to vector<1xf32>
        %squeeze3A_1428 = vector.extract %slice3A_1427[0] : f32 from vector<1xf32>
        %add3A_1429 = arith.constant 18 : i32
        %add3A_1430 = arith.addi %add3A_737, %add3A_1429 : i32
        %get3A_1431 = arith.index_cast %add3A_1430 : i32 to index
        %get3A_1432 = arith.constant 0 : index
        %get3A_1433 = tpu.vector_load %arg15[%get3A_1431, %get3A_1432] {strides = array<i32>} : memref<320x128xf32, #tpu.memory_space<vmem>>, vector<1x16xf32>,
        %get3A_1434 = vector.shape_cast %get3A_1433 : vector<1x16xf32> to vector<16xf32>
        %mul3A_1435 = vector.broadcast %squeeze3A_1428 : f32 to vector<16xf32>
        %mul3A_1436 = arith.mulf %mul3A_1435, %get3A_1434 : vector<16xf32>
        %add3A_1437 = arith.addf %add3A_1399, %mul3A_1436 : vector<16xf32>
        %add3A_1438 = arith.constant 18 : i32
        %add3A_1439 = arith.addi %add3A_737, %add3A_1438 : i32
        %get3A_1440 = arith.index_cast %add3A_1439 : i32 to index
        %get3A_1441 = arith.constant 16 : index
        %get3A_1442 = tpu.vector_load %arg15[%get3A_1440, %get3A_1441] {strides = array<i32>} : memref<320x128xf32, #tpu.memory_space<vmem>>, vector<1x16xf32>,
        %get3A_1443 = vector.shape_cast %get3A_1442 : vector<1x16xf32> to vector<16xf32>
        %mul3A_1444 = vector.broadcast %squeeze3A_1428 : f32 to vector<16xf32>
        %mul3A_1445 = arith.mulf %mul3A_1444, %get3A_1443 : vector<16xf32>
        %add3A_1446 = arith.addf %add3A_1408, %mul3A_1445 : vector<16xf32>
        %add3A_1447 = arith.constant 18 : i32
        %add3A_1448 = arith.addi %add3A_737, %add3A_1447 : i32
        %get3A_1449 = arith.index_cast %add3A_1448 : i32 to index
        %get3A_1450 = arith.constant 32 : index
        %get3A_1451 = tpu.vector_load %arg15[%get3A_1449, %get3A_1450] {strides = array<i32>} : memref<320x128xf32, #tpu.memory_space<vmem>>, vector<1x16xf32>,
        %get3A_1452 = vector.shape_cast %get3A_1451 : vector<1x16xf32> to vector<16xf32>
        %mul3A_1453 = vector.broadcast %squeeze3A_1428 : f32 to vector<16xf32>
        %mul3A_1454 = arith.mulf %mul3A_1453, %get3A_1452 : vector<16xf32>
        %add3A_1455 = arith.addf %add3A_1417, %mul3A_1454 : vector<16xf32>
        %add3A_1456 = arith.constant 18 : i32
        %add3A_1457 = arith.addi %add3A_737, %add3A_1456 : i32
        %get3A_1458 = arith.index_cast %add3A_1457 : i32 to index
        %get3A_1459 = arith.constant 48 : index
        %get3A_1460 = tpu.vector_load %arg15[%get3A_1458, %get3A_1459] {strides = array<i32>} : memref<320x128xf32, #tpu.memory_space<vmem>>, vector<1x16xf32>,
        %get3A_1461 = vector.shape_cast %get3A_1460 : vector<1x16xf32> to vector<16xf32>
        %mul3A_1462 = vector.broadcast %squeeze3A_1428 : f32 to vector<16xf32>
        %mul3A_1463 = arith.mulf %mul3A_1462, %get3A_1461 : vector<16xf32>
        %add3A_1464 = arith.addf %add3A_1426, %mul3A_1463 : vector<16xf32>
        %slice3A_1465 = vector.extract_strided_slice %get3A_735 {offsets = [15], sizes = [1], strides = [1]} : vector<16xf32> to vector<1xf32>
        %squeeze3A_1466 = vector.extract %slice3A_1465[0] : f32 from vector<1xf32>
        %add3A_1467 = arith.constant 19 : i32
        %add3A_1468 = arith.addi %add3A_737, %add3A_1467 : i32
        %get3A_1469 = arith.index_cast %add3A_1468 : i32 to index
        %get3A_1470 = arith.constant 0 : index
        %get3A_1471 = tpu.vector_load %arg15[%get3A_1469, %get3A_1470] {strides = array<i32>} : memref<320x128xf32, #tpu.memory_space<vmem>>, vector<1x16xf32>,
        %get3A_1472 = vector.shape_cast %get3A_1471 : vector<1x16xf32> to vector<16xf32>
        %mul3A_1473 = vector.broadcast %squeeze3A_1466 : f32 to vector<16xf32>
        %mul3A_1474 = arith.mulf %mul3A_1473, %get3A_1472 : vector<16xf32>
        %add3A_1475 = arith.addf %add3A_1437, %mul3A_1474 : vector<16xf32>
        %add3A_1476 = arith.constant 19 : i32
        %add3A_1477 = arith.addi %add3A_737, %add3A_1476 : i32
        %get3A_1478 = arith.index_cast %add3A_1477 : i32 to index
        %get3A_1479 = arith.constant 16 : index
        %get3A_1480 = tpu.vector_load %arg15[%get3A_1478, %get3A_1479] {strides = array<i32>} : memref<320x128xf32, #tpu.memory_space<vmem>>, vector<1x16xf32>,
        %get3A_1481 = vector.shape_cast %get3A_1480 : vector<1x16xf32> to vector<16xf32>
        %mul3A_1482 = vector.broadcast %squeeze3A_1466 : f32 to vector<16xf32>
        %mul3A_1483 = arith.mulf %mul3A_1482, %get3A_1481 : vector<16xf32>
        %add3A_1484 = arith.addf %add3A_1446, %mul3A_1483 : vector<16xf32>
        %add3A_1485 = arith.constant 19 : i32
        %add3A_1486 = arith.addi %add3A_737, %add3A_1485 : i32
        %get3A_1487 = arith.index_cast %add3A_1486 : i32 to index
        %get3A_1488 = arith.constant 32 : index
        %get3A_1489 = tpu.vector_load %arg15[%get3A_1487, %get3A_1488] {strides = array<i32>} : memref<320x128xf32, #tpu.memory_space<vmem>>, vector<1x16xf32>,
        %get3A_1490 = vector.shape_cast %get3A_1489 : vector<1x16xf32> to vector<16xf32>
        %mul3A_1491 = vector.broadcast %squeeze3A_1466 : f32 to vector<16xf32>
        %mul3A_1492 = arith.mulf %mul3A_1491, %get3A_1490 : vector<16xf32>
        %add3A_1493 = arith.addf %add3A_1455, %mul3A_1492 : vector<16xf32>
        %add3A_1494 = arith.constant 19 : i32
        %add3A_1495 = arith.addi %add3A_737, %add3A_1494 : i32
        %get3A_1496 = arith.index_cast %add3A_1495 : i32 to index
        %get3A_1497 = arith.constant 48 : index
        %get3A_1498 = tpu.vector_load %arg15[%get3A_1496, %get3A_1497] {strides = array<i32>} : memref<320x128xf32, #tpu.memory_space<vmem>>, vector<1x16xf32>,
        %get3A_1499 = vector.shape_cast %get3A_1498 : vector<1x16xf32> to vector<16xf32>
        %mul3A_1500 = vector.broadcast %squeeze3A_1466 : f32 to vector<16xf32>
        %mul3A_1501 = arith.mulf %mul3A_1500, %get3A_1499 : vector<16xf32>
        %add3A_1502 = arith.addf %add3A_1464, %mul3A_1501 : vector<16xf32>
        %mul3A_1503 = arith.constant 64 : i32
        %mul3A_1504 = arith.muli %scan3A_723, %mul3A_1503 : i32
        %add3A_1505 = arith.constant 128 : i32
        %add3A_1506 = arith.addi %add3A_1505, %mul3A_1504 : i32
        %add3A_1507 = arith.constant 0 : i32
        %add3A_1508 = arith.addi %add3A_1506, %add3A_1507 : i32
        %swap3A_1509 = arith.index_cast %select_n3A_129 : i32 to index
        %swap3A_1510 = arith.index_cast %select_n3A_307 : i32 to index
        %swap3A_1511 = arith.index_cast %add3A_1508 : i32 to index
        %swap3A_1512 = tpu.vector_load %arg16[%swap3A_1509, %swap3A_1510, %swap3A_1511] {strides = array<i32>} : memref<2x8x384xf32, #tpu.memory_space<vmem>>, vector<1x1x16xf32>,
        %swap3A_1513 = vector.shape_cast %swap3A_1512 : vector<1x1x16xf32> to vector<16xf32>
        %swap3A_1514 = vector.shape_cast %add3A_1475 : vector<16xf32> to vector<1x1x16xf32>
        tpu.vector_store %arg16[%swap3A_1509, %swap3A_1510, %swap3A_1511], %swap3A_1514 {strides = array<i32>} : memref<2x8x384xf32, #tpu.memory_space<vmem>>, vector<1x1x16xf32>,
        %mul3A_1515 = arith.constant 64 : i32
        %mul3A_1516 = arith.muli %scan3A_723, %mul3A_1515 : i32
        %add3A_1517 = arith.constant 128 : i32
        %add3A_1518 = arith.addi %add3A_1517, %mul3A_1516 : i32
        %add3A_1519 = arith.constant 16 : i32
        %add3A_1520 = arith.addi %add3A_1518, %add3A_1519 : i32
        %swap3A_1521 = arith.index_cast %select_n3A_129 : i32 to index
        %swap3A_1522 = arith.index_cast %select_n3A_307 : i32 to index
        %swap3A_1523 = arith.index_cast %add3A_1520 : i32 to index
        %swap3A_1524 = tpu.vector_load %arg16[%swap3A_1521, %swap3A_1522, %swap3A_1523] {strides = array<i32>} : memref<2x8x384xf32, #tpu.memory_space<vmem>>, vector<1x1x16xf32>,
        %swap3A_1525 = vector.shape_cast %swap3A_1524 : vector<1x1x16xf32> to vector<16xf32>
        %swap3A_1526 = vector.shape_cast %add3A_1484 : vector<16xf32> to vector<1x1x16xf32>
        tpu.vector_store %arg16[%swap3A_1521, %swap3A_1522, %swap3A_1523], %swap3A_1526 {strides = array<i32>} : memref<2x8x384xf32, #tpu.memory_space<vmem>>, vector<1x1x16xf32>,
        %mul3A_1527 = arith.constant 64 : i32
        %mul3A_1528 = arith.muli %scan3A_723, %mul3A_1527 : i32
        %add3A_1529 = arith.constant 128 : i32
        %add3A_1530 = arith.addi %add3A_1529, %mul3A_1528 : i32
        %add3A_1531 = arith.constant 32 : i32
        %add3A_1532 = arith.addi %add3A_1530, %add3A_1531 : i32
        %swap3A_1533 = arith.index_cast %select_n3A_129 : i32 to index
        %swap3A_1534 = arith.index_cast %select_n3A_307 : i32 to index
        %swap3A_1535 = arith.index_cast %add3A_1532 : i32 to index
        %swap3A_1536 = tpu.vector_load %arg16[%swap3A_1533, %swap3A_1534, %swap3A_1535] {strides = array<i32>} : memref<2x8x384xf32, #tpu.memory_space<vmem>>, vector<1x1x16xf32>,
        %swap3A_1537 = vector.shape_cast %swap3A_1536 : vector<1x1x16xf32> to vector<16xf32>
        %swap3A_1538 = vector.shape_cast %add3A_1493 : vector<16xf32> to vector<1x1x16xf32>
        tpu.vector_store %arg16[%swap3A_1533, %swap3A_1534, %swap3A_1535], %swap3A_1538 {strides = array<i32>} : memref<2x8x384xf32, #tpu.memory_space<vmem>>, vector<1x1x16xf32>,
        %mul3A_1539 = arith.constant 64 : i32
        %mul3A_1540 = arith.muli %scan3A_723, %mul3A_1539 : i32
        %add3A_1541 = arith.constant 128 : i32
        %add3A_1542 = arith.addi %add3A_1541, %mul3A_1540 : i32
        %add3A_1543 = arith.constant 48 : i32
        %add3A_1544 = arith.addi %add3A_1542, %add3A_1543 : i32
        %swap3A_1545 = arith.index_cast %select_n3A_129 : i32 to index
        %swap3A_1546 = arith.index_cast %select_n3A_307 : i32 to index
        %swap3A_1547 = arith.index_cast %add3A_1544 : i32 to index
        %swap3A_1548 = tpu.vector_load %arg16[%swap3A_1545, %swap3A_1546, %swap3A_1547] {strides = array<i32>} : memref<2x8x384xf32, #tpu.memory_space<vmem>>, vector<1x1x16xf32>,
        %swap3A_1549 = vector.shape_cast %swap3A_1548 : vector<1x1x16xf32> to vector<16xf32>
        %swap3A_1550 = vector.shape_cast %add3A_1502 : vector<16xf32> to vector<1x1x16xf32>
        tpu.vector_store %arg16[%swap3A_1545, %swap3A_1546, %swap3A_1547], %swap3A_1550 {strides = array<i32>} : memref<2x8x384xf32, #tpu.memory_space<vmem>>, vector<1x1x16xf32>,
      }
      %scan3A_313 = arith.constant 4 : i32
      %get3A_314 = arith.index_cast %add3A_291 : i32 to index
      %get3A_315 = arith.constant 0 : index
      %get3A_316 = tpu.vector_load %arg14[%get3A_314, %get3A_315] {strides = array<i32>} : memref<64x128xf32, #tpu.memory_space<vmem>>, vector<1x16xf32>,
      %get3A_317 = vector.shape_cast %get3A_316 : vector<1x16xf32> to vector<16xf32>
      %swap3A_318 = arith.index_cast %select_n3A_129 : i32 to index
      %swap3A_319 = arith.index_cast %select_n3A_307 : i32 to index
      %swap3A_320 = arith.constant 0 : index
      %swap3A_321 = tpu.vector_load %arg16[%swap3A_318, %swap3A_319, %swap3A_320] {strides = array<i32>} : memref<2x8x384xf32, #tpu.memory_space<vmem>>, vector<1x1x16xf32>,
      %swap3A_322 = vector.shape_cast %swap3A_321 : vector<1x1x16xf32> to vector<16xf32>
      %swap3A_323 = vector.shape_cast %get3A_317 : vector<16xf32> to vector<1x1x16xf32>
      tpu.vector_store %arg16[%swap3A_318, %swap3A_319, %swap3A_320], %swap3A_323 {strides = array<i32>} : memref<2x8x384xf32, #tpu.memory_space<vmem>>, vector<1x1x16xf32>,
      %get3A_324 = arith.index_cast %add3A_291 : i32 to index
      %get3A_325 = arith.constant 16 : index
      %get3A_326 = tpu.vector_load %arg14[%get3A_324, %get3A_325] {strides = array<i32>} : memref<64x128xf32, #tpu.memory_space<vmem>>, vector<1x16xf32>,
      %get3A_327 = vector.shape_cast %get3A_326 : vector<1x16xf32> to vector<16xf32>
      %swap3A_328 = arith.index_cast %select_n3A_129 : i32 to index
      %swap3A_329 = arith.index_cast %select_n3A_307 : i32 to index
      %swap3A_330 = arith.constant 16 : index
      %swap3A_331 = tpu.vector_load %arg16[%swap3A_328, %swap3A_329, %swap3A_330] {strides = array<i32>} : memref<2x8x384xf32, #tpu.memory_space<vmem>>, vector<1x1x16xf32>,
      %swap3A_332 = vector.shape_cast %swap3A_331 : vector<1x1x16xf32> to vector<16xf32>
      %swap3A_333 = vector.shape_cast %get3A_327 : vector<16xf32> to vector<1x1x16xf32>
      tpu.vector_store %arg16[%swap3A_328, %swap3A_329, %swap3A_330], %swap3A_333 {strides = array<i32>} : memref<2x8x384xf32, #tpu.memory_space<vmem>>, vector<1x1x16xf32>,
      %get3A_334 = arith.index_cast %add3A_291 : i32 to index
      %get3A_335 = arith.constant 32 : index
      %get3A_336 = tpu.vector_load %arg14[%get3A_334, %get3A_335] {strides = array<i32>} : memref<64x128xf32, #tpu.memory_space<vmem>>, vector<1x16xf32>,
      %get3A_337 = vector.shape_cast %get3A_336 : vector<1x16xf32> to vector<16xf32>
      %swap3A_338 = arith.index_cast %select_n3A_129 : i32 to index
      %swap3A_339 = arith.index_cast %select_n3A_307 : i32 to index
      %swap3A_340 = arith.constant 32 : index
      %swap3A_341 = tpu.vector_load %arg16[%swap3A_338, %swap3A_339, %swap3A_340] {strides = array<i32>} : memref<2x8x384xf32, #tpu.memory_space<vmem>>, vector<1x1x16xf32>,
      %swap3A_342 = vector.shape_cast %swap3A_341 : vector<1x1x16xf32> to vector<16xf32>
      %swap3A_343 = vector.shape_cast %get3A_337 : vector<16xf32> to vector<1x1x16xf32>
      tpu.vector_store %arg16[%swap3A_338, %swap3A_339, %swap3A_340], %swap3A_343 {strides = array<i32>} : memref<2x8x384xf32, #tpu.memory_space<vmem>>, vector<1x1x16xf32>,
      %get3A_344 = arith.index_cast %add3A_291 : i32 to index
      %get3A_345 = arith.constant 48 : index
      %get3A_346 = tpu.vector_load %arg14[%get3A_344, %get3A_345] {strides = array<i32>} : memref<64x128xf32, #tpu.memory_space<vmem>>, vector<1x16xf32>,
      %get3A_347 = vector.shape_cast %get3A_346 : vector<1x16xf32> to vector<16xf32>
      %swap3A_348 = arith.index_cast %select_n3A_129 : i32 to index
      %swap3A_349 = arith.index_cast %select_n3A_307 : i32 to index
      %swap3A_350 = arith.constant 48 : index
      %swap3A_351 = tpu.vector_load %arg16[%swap3A_348, %swap3A_349, %swap3A_350] {strides = array<i32>} : memref<2x8x384xf32, #tpu.memory_space<vmem>>, vector<1x1x16xf32>,
      %swap3A_352 = vector.shape_cast %swap3A_351 : vector<1x1x16xf32> to vector<16xf32>
      %swap3A_353 = vector.shape_cast %get3A_347 : vector<16xf32> to vector<1x1x16xf32>
      tpu.vector_store %arg16[%swap3A_348, %swap3A_349, %swap3A_350], %swap3A_353 {strides = array<i32>} : memref<2x8x384xf32, #tpu.memory_space<vmem>>, vector<1x1x16xf32>,
      %get3A_354 = arith.index_cast %add3A_291 : i32 to index
      %get3A_355 = arith.constant 64 : index
      %get3A_356 = tpu.vector_load %arg14[%get3A_354, %get3A_355] {strides = array<i32>} : memref<64x128xf32, #tpu.memory_space<vmem>>, vector<1x16xf32>,
      %get3A_357 = vector.shape_cast %get3A_356 : vector<1x16xf32> to vector<16xf32>
      %swap3A_358 = arith.index_cast %select_n3A_129 : i32 to index
      %swap3A_359 = arith.index_cast %select_n3A_307 : i32 to index
      %swap3A_360 = arith.constant 64 : index
      %swap3A_361 = tpu.vector_load %arg16[%swap3A_358, %swap3A_359, %swap3A_360] {strides = array<i32>} : memref<2x8x384xf32, #tpu.memory_space<vmem>>, vector<1x1x16xf32>,
      %swap3A_362 = vector.shape_cast %swap3A_361 : vector<1x1x16xf32> to vector<16xf32>
      %swap3A_363 = vector.shape_cast %get3A_357 : vector<16xf32> to vector<1x1x16xf32>
      tpu.vector_store %arg16[%swap3A_358, %swap3A_359, %swap3A_360], %swap3A_363 {strides = array<i32>} : memref<2x8x384xf32, #tpu.memory_space<vmem>>, vector<1x1x16xf32>,
      %get3A_364 = arith.index_cast %add3A_291 : i32 to index
      %get3A_365 = arith.constant 80 : index
      %get3A_366 = tpu.vector_load %arg14[%get3A_364, %get3A_365] {strides = array<i32>} : memref<64x128xf32, #tpu.memory_space<vmem>>, vector<1x16xf32>,
      %get3A_367 = vector.shape_cast %get3A_366 : vector<1x16xf32> to vector<16xf32>
      %swap3A_368 = arith.index_cast %select_n3A_129 : i32 to index
      %swap3A_369 = arith.index_cast %select_n3A_307 : i32 to index
      %swap3A_370 = arith.constant 80 : index
      %swap3A_371 = tpu.vector_load %arg16[%swap3A_368, %swap3A_369, %swap3A_370] {strides = array<i32>} : memref<2x8x384xf32, #tpu.memory_space<vmem>>, vector<1x1x16xf32>,
      %swap3A_372 = vector.shape_cast %swap3A_371 : vector<1x1x16xf32> to vector<16xf32>
      %swap3A_373 = vector.shape_cast %get3A_367 : vector<16xf32> to vector<1x1x16xf32>
      tpu.vector_store %arg16[%swap3A_368, %swap3A_369, %swap3A_370], %swap3A_373 {strides = array<i32>} : memref<2x8x384xf32, #tpu.memory_space<vmem>>, vector<1x1x16xf32>,
      %get3A_374 = arith.index_cast %add3A_291 : i32 to index
      %get3A_375 = arith.constant 96 : index
      %get3A_376 = tpu.vector_load %arg14[%get3A_374, %get3A_375] {strides = array<i32>} : memref<64x128xf32, #tpu.memory_space<vmem>>, vector<1x16xf32>,
      %get3A_377 = vector.shape_cast %get3A_376 : vector<1x16xf32> to vector<16xf32>
      %swap3A_378 = arith.index_cast %select_n3A_129 : i32 to index
      %swap3A_379 = arith.index_cast %select_n3A_307 : i32 to index
      %swap3A_380 = arith.constant 96 : index
      %swap3A_381 = tpu.vector_load %arg16[%swap3A_378, %swap3A_379, %swap3A_380] {strides = array<i32>} : memref<2x8x384xf32, #tpu.memory_space<vmem>>, vector<1x1x16xf32>,
      %swap3A_382 = vector.shape_cast %swap3A_381 : vector<1x1x16xf32> to vector<16xf32>
      %swap3A_383 = vector.shape_cast %get3A_377 : vector<16xf32> to vector<1x1x16xf32>
      tpu.vector_store %arg16[%swap3A_378, %swap3A_379, %swap3A_380], %swap3A_383 {strides = array<i32>} : memref<2x8x384xf32, #tpu.memory_space<vmem>>, vector<1x1x16xf32>,
      %get3A_384 = arith.index_cast %add3A_291 : i32 to index
      %get3A_385 = arith.constant 112 : index
      %get3A_386 = tpu.vector_load %arg14[%get3A_384, %get3A_385] {strides = array<i32>} : memref<64x128xf32, #tpu.memory_space<vmem>>, vector<1x16xf32>,
      %get3A_387 = vector.shape_cast %get3A_386 : vector<1x16xf32> to vector<16xf32>
      %swap3A_388 = arith.index_cast %select_n3A_129 : i32 to index
      %swap3A_389 = arith.index_cast %select_n3A_307 : i32 to index
      %swap3A_390 = arith.constant 112 : index
      %swap3A_391 = tpu.vector_load %arg16[%swap3A_388, %swap3A_389, %swap3A_390] {strides = array<i32>} : memref<2x8x384xf32, #tpu.memory_space<vmem>>, vector<1x1x16xf32>,
      %swap3A_392 = vector.shape_cast %swap3A_391 : vector<1x1x16xf32> to vector<16xf32>
      %swap3A_393 = vector.shape_cast %get3A_387 : vector<16xf32> to vector<1x1x16xf32>
      tpu.vector_store %arg16[%swap3A_388, %swap3A_389, %swap3A_390], %swap3A_393 {strides = array<i32>} : memref<2x8x384xf32, #tpu.memory_space<vmem>>, vector<1x1x16xf32>,
      %mul3A_394 = arith.constant 2 : i32
      %mul3A_395 = arith.muli %mul3A_394, %scan3A_95 : i32
      %add3A_396 = arith.constant 1 : i32
      %add3A_397 = arith.addi %mul3A_395, %add3A_396 : i32
      %jit3A_398 = arith.constant 4 : i32
      %div3A_399 = arith.divsi %add3A_397, %jit3A_398 : i32
      %sign3A_400 = arith.constant 0 : i32
      %sign3A_401 = arith.cmpi sgt, %add3A_397, %sign3A_400 : i32
      %sign3A_402 = arith.extui %sign3A_401 : i1 to i32
      %sign3A_403 = arith.constant 0 : i32
      %sign3A_404 = arith.cmpi slt, %add3A_397, %sign3A_403 : i32
      %sign3A_405 = arith.extui %sign3A_404 : i1 to i32
      %sign3A_406 = arith.subi %sign3A_402, %sign3A_405 : i32
      %sign3A_407 = arith.constant 0 : i32
      %sign3A_408 = arith.cmpi sgt, %jit3A_398, %sign3A_407 : i32
      %sign3A_409 = arith.extui %sign3A_408 : i1 to i32
      %sign3A_410 = arith.constant 0 : i32
      %sign3A_411 = arith.cmpi slt, %jit3A_398, %sign3A_410 : i32
      %sign3A_412 = arith.extui %sign3A_411 : i1 to i32
      %sign3A_413 = arith.subi %sign3A_409, %sign3A_412 : i32
      %ne3A_414 = arith.cmpi ne, %sign3A_406, %sign3A_413 : i32
      %rem3A_415 = arith.remsi %add3A_397, %jit3A_398 : i32
      %ne3A_416 = arith.constant 0 : i32
      %ne3A_417 = arith.cmpi ne, %rem3A_415, %ne3A_416 : i32
      %and3A_418 = arith.andi %ne3A_414, %ne3A_417 : i1
      %sub3A_419 = arith.constant 1 : i32
      %sub3A_420 = arith.subi %div3A_399, %sub3A_419 : i32
      %select_n3A_421 = arith.select %and3A_418, %sub3A_420, %div3A_399 : i32
      %jit3A_422 = arith.constant 2 : i32
      %eq3A_423 = arith.constant 0 : i32
      %eq3A_424 = arith.cmpi eq, %jit3A_422, %eq3A_423 : i32
      %jit3A_425 = arith.constant 1 : i32
      %select_n3A_426 = arith.select %eq3A_424, %jit3A_425, %jit3A_422 : i32
      %rem3A_427 = arith.remsi %select_n3A_421, %select_n3A_426 : i32
      %ne3A_428 = arith.constant 0 : i32
      %ne3A_429 = arith.cmpi ne, %rem3A_427, %ne3A_428 : i32
      %lt3A_430 = arith.constant 0 : i32
      %lt3A_431 = arith.cmpi slt, %rem3A_427, %lt3A_430 : i32
      %lt3A_432 = arith.constant 0 : i32
      %lt3A_433 = arith.cmpi slt, %select_n3A_426, %lt3A_432 : i32
      %ne3A_434 = arith.xori %lt3A_431, %lt3A_433 : i1
      %and3A_435 = arith.andi %ne3A_434, %ne3A_429 : i1
      %add3A_436 = arith.addi %rem3A_427, %select_n3A_426 : i32
      %select_n3A_437 = arith.select %and3A_435, %add3A_436, %rem3A_427 : i32
      %lt3A_438 = arith.constant 15 : i32
      %lt3A_439 = arith.cmpi slt, %scan3A_95, %lt3A_438 : i32
      %convert_element_type3A = arith.extui %lt3A_439 : i1 to i32
      %cond3A = arith.constant 0 : i32
      %cond3A_440 = arith.cmpi ne, %convert_element_type3A, %cond3A : i32
      scf.if %cond3A_440 {
        %add3A_723 = arith.constant 1 : i32
        %add3A_724 = arith.addi %add3A_397, %add3A_723 : i32
        %mul3A_725 = arith.constant 2 : i32
        %mul3A_726 = arith.muli %add3A_724, %mul3A_725 : i32
        %add3A_727 = arith.constant 0 : i32
        %add3A_728 = arith.addi %mul3A_726, %add3A_727 : i32
        %dma_start3A_729 = arith.constant 0 : i32
        %dma_start3A_730 = arith.constant 0 : i32
        %dma_start3A_731 = tpu.memref_slice %arg15[%dma_start3A_729, %dma_start3A_730] : memref<320x128xf32, #tpu.memory_space<vmem>> -> memref<80x128xf32, #tpu.memory_space<vmem>>
        %dma_start3A_732 = arith.constant 0 : i32
        %dma_start3A_733 = tpu.memref_slice %arg9[%add3A_728, %dma_start3A_732] : memref<64x80xi32, #tpu.memory_space<vmem>> -> memref<1x80xi32, #tpu.memory_space<vmem>>
        %dma_start3A_734 = tpu.memref_squeeze %dma_start3A_733 : memref<1x80xi32, #tpu.memory_space<vmem>> -> memref<80xi32, #tpu.memory_space<vmem>>
        %dma_start3A_735 = arith.constant 0 : i32
        %dma_start3A_736 = arith.constant 0 : i32
        %dma_start3A_737 = tpu.memref_slice %arg7[%dma_start3A_735, %dma_start3A_736] : memref<1000000x128xf32, #tpu.memory_space<hbm>> -> memref<1000000x128xf32, #tpu.memory_space<hbm>>
        tpu.enqueue_indirect_dma source(%dma_start3A_737 : memref<1000000x128xf32, #tpu.memory_space<hbm>>) target(%dma_start3A_731 : memref<80x128xf32, #tpu.memory_space<vmem>>) offsets(%dma_start3A_734 : memref<80xi32, #tpu.memory_space<vmem>>) semaphore(%arg17 : memref<!tpu.dma_semaphore, #tpu.memory_space<semaphore_mem>>)
        %mul3A_738 = arith.constant 2 : i32
        %mul3A_739 = arith.muli %add3A_724, %mul3A_738 : i32
        %add3A_740 = arith.constant 1 : i32
        %add3A_741 = arith.addi %mul3A_739, %add3A_740 : i32
        %dma_start3A_742 = arith.constant 80 : i32
        %dma_start3A_743 = arith.constant 0 : i32
        %dma_start3A_744 = tpu.memref_slice %arg15[%dma_start3A_742, %dma_start3A_743] : memref<320x128xf32, #tpu.memory_space<vmem>> -> memref<80x128xf32, #tpu.memory_space<vmem>>
        %dma_start3A_745 = arith.constant 0 : i32
        %dma_start3A_746 = tpu.memref_slice %arg9[%add3A_741, %dma_start3A_745] : memref<64x80xi32, #tpu.memory_space<vmem>> -> memref<1x80xi32, #tpu.memory_space<vmem>>
        %dma_start3A_747 = tpu.memref_squeeze %dma_start3A_746 : memref<1x80xi32, #tpu.memory_space<vmem>> -> memref<80xi32, #tpu.memory_space<vmem>>
        %dma_start3A_748 = arith.constant 0 : i32
        %dma_start3A_749 = arith.constant 0 : i32
        %dma_start3A_750 = tpu.memref_slice %arg7[%dma_start3A_748, %dma_start3A_749] : memref<1000000x128xf32, #tpu.memory_space<hbm>> -> memref<1000000x128xf32, #tpu.memory_space<hbm>>
        tpu.enqueue_indirect_dma source(%dma_start3A_750 : memref<1000000x128xf32, #tpu.memory_space<hbm>>) target(%dma_start3A_744 : memref<80x128xf32, #tpu.memory_space<vmem>>) offsets(%dma_start3A_747 : memref<80xi32, #tpu.memory_space<vmem>>) semaphore(%arg17 : memref<!tpu.dma_semaphore, #tpu.memory_space<semaphore_mem>>)
      } else {
      }
      %mul3A_441 = arith.constant 2 : i32
      %mul3A_442 = arith.muli %add3A_397, %mul3A_441 : i32
      %add3A_443 = arith.constant 0 : i32
      %add3A_444 = arith.addi %mul3A_442, %add3A_443 : i32
      %dma_wait3A_445 = arith.constant 160 : i32
      %dma_wait3A_446 = arith.constant 0 : i32
      %dma_wait3A_447 = tpu.memref_slice %arg15[%dma_wait3A_445, %dma_wait3A_446] : memref<320x128xf32, #tpu.memory_space<vmem>> -> memref<80x128xf32, #tpu.memory_space<vmem>>
      %dma_wait3A_448 = arith.constant 0 : i32
      %dma_wait3A_449 = tpu.memref_slice %arg9[%add3A_444, %dma_wait3A_448] : memref<64x80xi32, #tpu.memory_space<vmem>> -> memref<1x80xi32, #tpu.memory_space<vmem>>
      %dma_wait3A_450 = tpu.memref_squeeze %dma_wait3A_449 : memref<1x80xi32, #tpu.memory_space<vmem>> -> memref<80xi32, #tpu.memory_space<vmem>>
      %dma_wait3A_451 = arith.constant 0 : i32
      %dma_wait3A_452 = arith.constant 0 : i32
      %dma_wait3A_453 = tpu.memref_slice %arg7[%dma_wait3A_451, %dma_wait3A_452] : memref<1000000x128xf32, #tpu.memory_space<hbm>> -> memref<1000000x128xf32, #tpu.memory_space<hbm>>
      tpu.wait_indirect_dma semaphore(%arg18 : memref<!tpu.dma_semaphore, #tpu.memory_space<semaphore_mem>>) src(%dma_wait3A_453 : memref<1000000x128xf32, #tpu.memory_space<hbm>>) dst(%dma_wait3A_447 : memref<80x128xf32, #tpu.memory_space<vmem>>)
      %mul3A_454 = arith.constant 2 : i32
      %mul3A_455 = arith.muli %add3A_397, %mul3A_454 : i32
      %add3A_456 = arith.constant 1 : i32
      %add3A_457 = arith.addi %mul3A_455, %add3A_456 : i32
      %dma_wait3A_458 = arith.constant 240 : i32
      %dma_wait3A_459 = arith.constant 0 : i32
      %dma_wait3A_460 = tpu.memref_slice %arg15[%dma_wait3A_458, %dma_wait3A_459] : memref<320x128xf32, #tpu.memory_space<vmem>> -> memref<80x128xf32, #tpu.memory_space<vmem>>
      %dma_wait3A_461 = arith.constant 0 : i32
      %dma_wait3A_462 = tpu.memref_slice %arg9[%add3A_457, %dma_wait3A_461] : memref<64x80xi32, #tpu.memory_space<vmem>> -> memref<1x80xi32, #tpu.memory_space<vmem>>
      %dma_wait3A_463 = tpu.memref_squeeze %dma_wait3A_462 : memref<1x80xi32, #tpu.memory_space<vmem>> -> memref<80xi32, #tpu.memory_space<vmem>>
      %dma_wait3A_464 = arith.constant 0 : i32
      %dma_wait3A_465 = arith.constant 0 : i32
      %dma_wait3A_466 = tpu.memref_slice %arg7[%dma_wait3A_464, %dma_wait3A_465] : memref<1000000x128xf32, #tpu.memory_space<hbm>> -> memref<1000000x128xf32, #tpu.memory_space<hbm>>
      tpu.wait_indirect_dma semaphore(%arg18 : memref<!tpu.dma_semaphore, #tpu.memory_space<semaphore_mem>>) src(%dma_wait3A_466 : memref<1000000x128xf32, #tpu.memory_space<hbm>>) dst(%dma_wait3A_460 : memref<80x128xf32, #tpu.memory_space<vmem>>)
      %mul3A_467 = arith.constant 2 : i32
      %mul3A_468 = arith.muli %add3A_397, %mul3A_467 : i32
      %add3A_469 = arith.constant 0 : i32
      %add3A_470 = arith.addi %mul3A_468, %add3A_469 : i32
      %jit3A_471 = arith.constant 8 : i32
      %eq3A_472 = arith.constant 0 : i32
      %eq3A_473 = arith.cmpi eq, %jit3A_471, %eq3A_472 : i32
      %jit3A_474 = arith.constant 1 : i32
      %select_n3A_475 = arith.select %eq3A_473, %jit3A_474, %jit3A_471 : i32
      %rem3A_476 = arith.remsi %add3A_470, %select_n3A_475 : i32
      %ne3A_477 = arith.constant 0 : i32
      %ne3A_478 = arith.cmpi ne, %rem3A_476, %ne3A_477 : i32
      %lt3A_479 = arith.constant 0 : i32
      %lt3A_480 = arith.cmpi slt, %rem3A_476, %lt3A_479 : i32
      %lt3A_481 = arith.constant 0 : i32
      %lt3A_482 = arith.cmpi slt, %select_n3A_475, %lt3A_481 : i32
      %ne3A_483 = arith.xori %lt3A_480, %lt3A_482 : i1
      %and3A_484 = arith.andi %ne3A_483, %ne3A_478 : i1
      %add3A_485 = arith.addi %rem3A_476, %select_n3A_475 : i32
      %select_n3A_486 = arith.select %and3A_484, %add3A_485, %rem3A_476 : i32
      %scan3A_487 = arith.constant 0 : i32
      %scan3A_488 = arith.constant 0 : i32
      %scan3A_489 = arith.constant 4 : i32
      %scan3A_490 = arith.addi %scan3A_488, %scan3A_489 : i32
      %scan3A_491 = arith.constant 1 : i32
      scf.for %scan3A_723 = %scan3A_488 to %scan3A_490 step %scan3A_491  : i32 {
        %mul3A_724 = arith.constant 20 : i32
        %mul3A_725 = arith.muli %scan3A_723, %mul3A_724 : i32
        %get3A_726 = arith.index_cast %add3A_470 : i32 to index
        %get3A_727 = arith.index_cast %mul3A_725 : i32 to index
        %get3A_728 = tpu.vector_load %arg12[%get3A_726, %get3A_727] {strides = array<i32>} : memref<64x80xf32, #tpu.memory_space<vmem>>, vector<1x16xf32>,
        %get3A_729 = vector.shape_cast %get3A_728 : vector<1x16xf32> to vector<16xf32>
        %add3A_730 = arith.constant 4 : i32
        %add3A_731 = arith.addi %mul3A_725, %add3A_730 : i32
        %get3A_732 = arith.index_cast %add3A_470 : i32 to index
        %get3A_733 = arith.index_cast %add3A_731 : i32 to index
        %get3A_734 = tpu.vector_load %arg12[%get3A_732, %get3A_733] {strides = array<i32>} : memref<64x80xf32, #tpu.memory_space<vmem>>, vector<1x16xf32>,
        %get3A_735 = vector.shape_cast %get3A_734 : vector<1x16xf32> to vector<16xf32>
        %add3A_736 = arith.constant 160 : i32
        %add3A_737 = arith.addi %add3A_736, %mul3A_725 : i32
        %broadcast_in_dim3A = arith.constant 0.000000e+00 : f32
        %broadcast_in_dim3A_738 = vector.broadcast %broadcast_in_dim3A : f32 to vector<16xf32>
        %broadcast_in_dim3A_739 = arith.constant 0.000000e+00 : f32
        %broadcast_in_dim3A_740 = vector.broadcast %broadcast_in_dim3A_739 : f32 to vector<16xf32>
        %broadcast_in_dim3A_741 = arith.constant 0.000000e+00 : f32
        %broadcast_in_dim3A_742 = vector.broadcast %broadcast_in_dim3A_741 : f32 to vector<16xf32>
        %broadcast_in_dim3A_743 = arith.constant 0.000000e+00 : f32
        %broadcast_in_dim3A_744 = vector.broadcast %broadcast_in_dim3A_743 : f32 to vector<16xf32>
        %slice3A = vector.extract_strided_slice %get3A_729 {offsets = [0], sizes = [1], strides = [1]} : vector<16xf32> to vector<1xf32>
        %squeeze3A = vector.extract %slice3A[0] : f32 from vector<1xf32>
        %add3A_745 = arith.constant 0 : i32
        %add3A_746 = arith.addi %add3A_737, %add3A_745 : i32
        %get3A_747 = arith.index_cast %add3A_746 : i32 to index
        %get3A_748 = arith.constant 0 : index
        %get3A_749 = tpu.vector_load %arg15[%get3A_747, %get3A_748] {strides = array<i32>} : memref<320x128xf32, #tpu.memory_space<vmem>>, vector<1x16xf32>,
        %get3A_750 = vector.shape_cast %get3A_749 : vector<1x16xf32> to vector<16xf32>
        %mul3A_751 = vector.broadcast %squeeze3A : f32 to vector<16xf32>
        %mul3A_752 = arith.mulf %mul3A_751, %get3A_750 : vector<16xf32>
        %add3A_753 = arith.addf %broadcast_in_dim3A_738, %mul3A_752 : vector<16xf32>
        %add3A_754 = arith.constant 0 : i32
        %add3A_755 = arith.addi %add3A_737, %add3A_754 : i32
        %get3A_756 = arith.index_cast %add3A_755 : i32 to index
        %get3A_757 = arith.constant 16 : index
        %get3A_758 = tpu.vector_load %arg15[%get3A_756, %get3A_757] {strides = array<i32>} : memref<320x128xf32, #tpu.memory_space<vmem>>, vector<1x16xf32>,
        %get3A_759 = vector.shape_cast %get3A_758 : vector<1x16xf32> to vector<16xf32>
        %mul3A_760 = vector.broadcast %squeeze3A : f32 to vector<16xf32>
        %mul3A_761 = arith.mulf %mul3A_760, %get3A_759 : vector<16xf32>
        %add3A_762 = arith.addf %broadcast_in_dim3A_740, %mul3A_761 : vector<16xf32>
        %add3A_763 = arith.constant 0 : i32
        %add3A_764 = arith.addi %add3A_737, %add3A_763 : i32
        %get3A_765 = arith.index_cast %add3A_764 : i32 to index
        %get3A_766 = arith.constant 32 : index
        %get3A_767 = tpu.vector_load %arg15[%get3A_765, %get3A_766] {strides = array<i32>} : memref<320x128xf32, #tpu.memory_space<vmem>>, vector<1x16xf32>,
        %get3A_768 = vector.shape_cast %get3A_767 : vector<1x16xf32> to vector<16xf32>
        %mul3A_769 = vector.broadcast %squeeze3A : f32 to vector<16xf32>
        %mul3A_770 = arith.mulf %mul3A_769, %get3A_768 : vector<16xf32>
        %add3A_771 = arith.addf %broadcast_in_dim3A_742, %mul3A_770 : vector<16xf32>
        %add3A_772 = arith.constant 0 : i32
        %add3A_773 = arith.addi %add3A_737, %add3A_772 : i32
        %get3A_774 = arith.index_cast %add3A_773 : i32 to index
        %get3A_775 = arith.constant 48 : index
        %get3A_776 = tpu.vector_load %arg15[%get3A_774, %get3A_775] {strides = array<i32>} : memref<320x128xf32, #tpu.memory_space<vmem>>, vector<1x16xf32>,
        %get3A_777 = vector.shape_cast %get3A_776 : vector<1x16xf32> to vector<16xf32>
        %mul3A_778 = vector.broadcast %squeeze3A : f32 to vector<16xf32>
        %mul3A_779 = arith.mulf %mul3A_778, %get3A_777 : vector<16xf32>
        %add3A_780 = arith.addf %broadcast_in_dim3A_744, %mul3A_779 : vector<16xf32>
        %slice3A_781 = vector.extract_strided_slice %get3A_729 {offsets = [1], sizes = [1], strides = [1]} : vector<16xf32> to vector<1xf32>
        %squeeze3A_782 = vector.extract %slice3A_781[0] : f32 from vector<1xf32>
        %add3A_783 = arith.constant 1 : i32
        %add3A_784 = arith.addi %add3A_737, %add3A_783 : i32
        %get3A_785 = arith.index_cast %add3A_784 : i32 to index
        %get3A_786 = arith.constant 0 : index
        %get3A_787 = tpu.vector_load %arg15[%get3A_785, %get3A_786] {strides = array<i32>} : memref<320x128xf32, #tpu.memory_space<vmem>>, vector<1x16xf32>,
        %get3A_788 = vector.shape_cast %get3A_787 : vector<1x16xf32> to vector<16xf32>
        %mul3A_789 = vector.broadcast %squeeze3A_782 : f32 to vector<16xf32>
        %mul3A_790 = arith.mulf %mul3A_789, %get3A_788 : vector<16xf32>
        %add3A_791 = arith.addf %add3A_753, %mul3A_790 : vector<16xf32>
        %add3A_792 = arith.constant 1 : i32
        %add3A_793 = arith.addi %add3A_737, %add3A_792 : i32
        %get3A_794 = arith.index_cast %add3A_793 : i32 to index
        %get3A_795 = arith.constant 16 : index
        %get3A_796 = tpu.vector_load %arg15[%get3A_794, %get3A_795] {strides = array<i32>} : memref<320x128xf32, #tpu.memory_space<vmem>>, vector<1x16xf32>,
        %get3A_797 = vector.shape_cast %get3A_796 : vector<1x16xf32> to vector<16xf32>
        %mul3A_798 = vector.broadcast %squeeze3A_782 : f32 to vector<16xf32>
        %mul3A_799 = arith.mulf %mul3A_798, %get3A_797 : vector<16xf32>
        %add3A_800 = arith.addf %add3A_762, %mul3A_799 : vector<16xf32>
        %add3A_801 = arith.constant 1 : i32
        %add3A_802 = arith.addi %add3A_737, %add3A_801 : i32
        %get3A_803 = arith.index_cast %add3A_802 : i32 to index
        %get3A_804 = arith.constant 32 : index
        %get3A_805 = tpu.vector_load %arg15[%get3A_803, %get3A_804] {strides = array<i32>} : memref<320x128xf32, #tpu.memory_space<vmem>>, vector<1x16xf32>,
        %get3A_806 = vector.shape_cast %get3A_805 : vector<1x16xf32> to vector<16xf32>
        %mul3A_807 = vector.broadcast %squeeze3A_782 : f32 to vector<16xf32>
        %mul3A_808 = arith.mulf %mul3A_807, %get3A_806 : vector<16xf32>
        %add3A_809 = arith.addf %add3A_771, %mul3A_808 : vector<16xf32>
        %add3A_810 = arith.constant 1 : i32
        %add3A_811 = arith.addi %add3A_737, %add3A_810 : i32
        %get3A_812 = arith.index_cast %add3A_811 : i32 to index
        %get3A_813 = arith.constant 48 : index
        %get3A_814 = tpu.vector_load %arg15[%get3A_812, %get3A_813] {strides = array<i32>} : memref<320x128xf32, #tpu.memory_space<vmem>>, vector<1x16xf32>,
        %get3A_815 = vector.shape_cast %get3A_814 : vector<1x16xf32> to vector<16xf32>
        %mul3A_816 = vector.broadcast %squeeze3A_782 : f32 to vector<16xf32>
        %mul3A_817 = arith.mulf %mul3A_816, %get3A_815 : vector<16xf32>
        %add3A_818 = arith.addf %add3A_780, %mul3A_817 : vector<16xf32>
        %slice3A_819 = vector.extract_strided_slice %get3A_729 {offsets = [2], sizes = [1], strides = [1]} : vector<16xf32> to vector<1xf32>
        %squeeze3A_820 = vector.extract %slice3A_819[0] : f32 from vector<1xf32>
        %add3A_821 = arith.constant 2 : i32
        %add3A_822 = arith.addi %add3A_737, %add3A_821 : i32
        %get3A_823 = arith.index_cast %add3A_822 : i32 to index
        %get3A_824 = arith.constant 0 : index
        %get3A_825 = tpu.vector_load %arg15[%get3A_823, %get3A_824] {strides = array<i32>} : memref<320x128xf32, #tpu.memory_space<vmem>>, vector<1x16xf32>,
        %get3A_826 = vector.shape_cast %get3A_825 : vector<1x16xf32> to vector<16xf32>
        %mul3A_827 = vector.broadcast %squeeze3A_820 : f32 to vector<16xf32>
        %mul3A_828 = arith.mulf %mul3A_827, %get3A_826 : vector<16xf32>
        %add3A_829 = arith.addf %add3A_791, %mul3A_828 : vector<16xf32>
        %add3A_830 = arith.constant 2 : i32
        %add3A_831 = arith.addi %add3A_737, %add3A_830 : i32
        %get3A_832 = arith.index_cast %add3A_831 : i32 to index
        %get3A_833 = arith.constant 16 : index
        %get3A_834 = tpu.vector_load %arg15[%get3A_832, %get3A_833] {strides = array<i32>} : memref<320x128xf32, #tpu.memory_space<vmem>>, vector<1x16xf32>,
        %get3A_835 = vector.shape_cast %get3A_834 : vector<1x16xf32> to vector<16xf32>
        %mul3A_836 = vector.broadcast %squeeze3A_820 : f32 to vector<16xf32>
        %mul3A_837 = arith.mulf %mul3A_836, %get3A_835 : vector<16xf32>
        %add3A_838 = arith.addf %add3A_800, %mul3A_837 : vector<16xf32>
        %add3A_839 = arith.constant 2 : i32
        %add3A_840 = arith.addi %add3A_737, %add3A_839 : i32
        %get3A_841 = arith.index_cast %add3A_840 : i32 to index
        %get3A_842 = arith.constant 32 : index
        %get3A_843 = tpu.vector_load %arg15[%get3A_841, %get3A_842] {strides = array<i32>} : memref<320x128xf32, #tpu.memory_space<vmem>>, vector<1x16xf32>,
        %get3A_844 = vector.shape_cast %get3A_843 : vector<1x16xf32> to vector<16xf32>
        %mul3A_845 = vector.broadcast %squeeze3A_820 : f32 to vector<16xf32>
        %mul3A_846 = arith.mulf %mul3A_845, %get3A_844 : vector<16xf32>
        %add3A_847 = arith.addf %add3A_809, %mul3A_846 : vector<16xf32>
        %add3A_848 = arith.constant 2 : i32
        %add3A_849 = arith.addi %add3A_737, %add3A_848 : i32
        %get3A_850 = arith.index_cast %add3A_849 : i32 to index
        %get3A_851 = arith.constant 48 : index
        %get3A_852 = tpu.vector_load %arg15[%get3A_850, %get3A_851] {strides = array<i32>} : memref<320x128xf32, #tpu.memory_space<vmem>>, vector<1x16xf32>,
        %get3A_853 = vector.shape_cast %get3A_852 : vector<1x16xf32> to vector<16xf32>
        %mul3A_854 = vector.broadcast %squeeze3A_820 : f32 to vector<16xf32>
        %mul3A_855 = arith.mulf %mul3A_854, %get3A_853 : vector<16xf32>
        %add3A_856 = arith.addf %add3A_818, %mul3A_855 : vector<16xf32>
        %slice3A_857 = vector.extract_strided_slice %get3A_729 {offsets = [3], sizes = [1], strides = [1]} : vector<16xf32> to vector<1xf32>
        %squeeze3A_858 = vector.extract %slice3A_857[0] : f32 from vector<1xf32>
        %add3A_859 = arith.constant 3 : i32
        %add3A_860 = arith.addi %add3A_737, %add3A_859 : i32
        %get3A_861 = arith.index_cast %add3A_860 : i32 to index
        %get3A_862 = arith.constant 0 : index
        %get3A_863 = tpu.vector_load %arg15[%get3A_861, %get3A_862] {strides = array<i32>} : memref<320x128xf32, #tpu.memory_space<vmem>>, vector<1x16xf32>,
        %get3A_864 = vector.shape_cast %get3A_863 : vector<1x16xf32> to vector<16xf32>
        %mul3A_865 = vector.broadcast %squeeze3A_858 : f32 to vector<16xf32>
        %mul3A_866 = arith.mulf %mul3A_865, %get3A_864 : vector<16xf32>
        %add3A_867 = arith.addf %add3A_829, %mul3A_866 : vector<16xf32>
        %add3A_868 = arith.constant 3 : i32
        %add3A_869 = arith.addi %add3A_737, %add3A_868 : i32
        %get3A_870 = arith.index_cast %add3A_869 : i32 to index
        %get3A_871 = arith.constant 16 : index
        %get3A_872 = tpu.vector_load %arg15[%get3A_870, %get3A_871] {strides = array<i32>} : memref<320x128xf32, #tpu.memory_space<vmem>>, vector<1x16xf32>,
        %get3A_873 = vector.shape_cast %get3A_872 : vector<1x16xf32> to vector<16xf32>
        %mul3A_874 = vector.broadcast %squeeze3A_858 : f32 to vector<16xf32>
        %mul3A_875 = arith.mulf %mul3A_874, %get3A_873 : vector<16xf32>
        %add3A_876 = arith.addf %add3A_838, %mul3A_875 : vector<16xf32>
        %add3A_877 = arith.constant 3 : i32
        %add3A_878 = arith.addi %add3A_737, %add3A_877 : i32
        %get3A_879 = arith.index_cast %add3A_878 : i32 to index
        %get3A_880 = arith.constant 32 : index
        %get3A_881 = tpu.vector_load %arg15[%get3A_879, %get3A_880] {strides = array<i32>} : memref<320x128xf32, #tpu.memory_space<vmem>>, vector<1x16xf32>,
        %get3A_882 = vector.shape_cast %get3A_881 : vector<1x16xf32> to vector<16xf32>
        %mul3A_883 = vector.broadcast %squeeze3A_858 : f32 to vector<16xf32>
        %mul3A_884 = arith.mulf %mul3A_883, %get3A_882 : vector<16xf32>
        %add3A_885 = arith.addf %add3A_847, %mul3A_884 : vector<16xf32>
        %add3A_886 = arith.constant 3 : i32
        %add3A_887 = arith.addi %add3A_737, %add3A_886 : i32
        %get3A_888 = arith.index_cast %add3A_887 : i32 to index
        %get3A_889 = arith.constant 48 : index
        %get3A_890 = tpu.vector_load %arg15[%get3A_888, %get3A_889] {strides = array<i32>} : memref<320x128xf32, #tpu.memory_space<vmem>>, vector<1x16xf32>,
        %get3A_891 = vector.shape_cast %get3A_890 : vector<1x16xf32> to vector<16xf32>
        %mul3A_892 = vector.broadcast %squeeze3A_858 : f32 to vector<16xf32>
        %mul3A_893 = arith.mulf %mul3A_892, %get3A_891 : vector<16xf32>
        %add3A_894 = arith.addf %add3A_856, %mul3A_893 : vector<16xf32>
        %slice3A_895 = vector.extract_strided_slice %get3A_729 {offsets = [4], sizes = [1], strides = [1]} : vector<16xf32> to vector<1xf32>
        %squeeze3A_896 = vector.extract %slice3A_895[0] : f32 from vector<1xf32>
        %add3A_897 = arith.constant 4 : i32
        %add3A_898 = arith.addi %add3A_737, %add3A_897 : i32
        %get3A_899 = arith.index_cast %add3A_898 : i32 to index
        %get3A_900 = arith.constant 0 : index
        %get3A_901 = tpu.vector_load %arg15[%get3A_899, %get3A_900] {strides = array<i32>} : memref<320x128xf32, #tpu.memory_space<vmem>>, vector<1x16xf32>,
        %get3A_902 = vector.shape_cast %get3A_901 : vector<1x16xf32> to vector<16xf32>
        %mul3A_903 = vector.broadcast %squeeze3A_896 : f32 to vector<16xf32>
        %mul3A_904 = arith.mulf %mul3A_903, %get3A_902 : vector<16xf32>
        %add3A_905 = arith.addf %add3A_867, %mul3A_904 : vector<16xf32>
        %add3A_906 = arith.constant 4 : i32
        %add3A_907 = arith.addi %add3A_737, %add3A_906 : i32
        %get3A_908 = arith.index_cast %add3A_907 : i32 to index
        %get3A_909 = arith.constant 16 : index
        %get3A_910 = tpu.vector_load %arg15[%get3A_908, %get3A_909] {strides = array<i32>} : memref<320x128xf32, #tpu.memory_space<vmem>>, vector<1x16xf32>,
        %get3A_911 = vector.shape_cast %get3A_910 : vector<1x16xf32> to vector<16xf32>
        %mul3A_912 = vector.broadcast %squeeze3A_896 : f32 to vector<16xf32>
        %mul3A_913 = arith.mulf %mul3A_912, %get3A_911 : vector<16xf32>
        %add3A_914 = arith.addf %add3A_876, %mul3A_913 : vector<16xf32>
        %add3A_915 = arith.constant 4 : i32
        %add3A_916 = arith.addi %add3A_737, %add3A_915 : i32
        %get3A_917 = arith.index_cast %add3A_916 : i32 to index
        %get3A_918 = arith.constant 32 : index
        %get3A_919 = tpu.vector_load %arg15[%get3A_917, %get3A_918] {strides = array<i32>} : memref<320x128xf32, #tpu.memory_space<vmem>>, vector<1x16xf32>,
        %get3A_920 = vector.shape_cast %get3A_919 : vector<1x16xf32> to vector<16xf32>
        %mul3A_921 = vector.broadcast %squeeze3A_896 : f32 to vector<16xf32>
        %mul3A_922 = arith.mulf %mul3A_921, %get3A_920 : vector<16xf32>
        %add3A_923 = arith.addf %add3A_885, %mul3A_922 : vector<16xf32>
        %add3A_924 = arith.constant 4 : i32
        %add3A_925 = arith.addi %add3A_737, %add3A_924 : i32
        %get3A_926 = arith.index_cast %add3A_925 : i32 to index
        %get3A_927 = arith.constant 48 : index
        %get3A_928 = tpu.vector_load %arg15[%get3A_926, %get3A_927] {strides = array<i32>} : memref<320x128xf32, #tpu.memory_space<vmem>>, vector<1x16xf32>,
        %get3A_929 = vector.shape_cast %get3A_928 : vector<1x16xf32> to vector<16xf32>
        %mul3A_930 = vector.broadcast %squeeze3A_896 : f32 to vector<16xf32>
        %mul3A_931 = arith.mulf %mul3A_930, %get3A_929 : vector<16xf32>
        %add3A_932 = arith.addf %add3A_894, %mul3A_931 : vector<16xf32>
        %slice3A_933 = vector.extract_strided_slice %get3A_729 {offsets = [5], sizes = [1], strides = [1]} : vector<16xf32> to vector<1xf32>
        %squeeze3A_934 = vector.extract %slice3A_933[0] : f32 from vector<1xf32>
        %add3A_935 = arith.constant 5 : i32
        %add3A_936 = arith.addi %add3A_737, %add3A_935 : i32
        %get3A_937 = arith.index_cast %add3A_936 : i32 to index
        %get3A_938 = arith.constant 0 : index
        %get3A_939 = tpu.vector_load %arg15[%get3A_937, %get3A_938] {strides = array<i32>} : memref<320x128xf32, #tpu.memory_space<vmem>>, vector<1x16xf32>,
        %get3A_940 = vector.shape_cast %get3A_939 : vector<1x16xf32> to vector<16xf32>
        %mul3A_941 = vector.broadcast %squeeze3A_934 : f32 to vector<16xf32>
        %mul3A_942 = arith.mulf %mul3A_941, %get3A_940 : vector<16xf32>
        %add3A_943 = arith.addf %add3A_905, %mul3A_942 : vector<16xf32>
        %add3A_944 = arith.constant 5 : i32
        %add3A_945 = arith.addi %add3A_737, %add3A_944 : i32
        %get3A_946 = arith.index_cast %add3A_945 : i32 to index
        %get3A_947 = arith.constant 16 : index
        %get3A_948 = tpu.vector_load %arg15[%get3A_946, %get3A_947] {strides = array<i32>} : memref<320x128xf32, #tpu.memory_space<vmem>>, vector<1x16xf32>,
        %get3A_949 = vector.shape_cast %get3A_948 : vector<1x16xf32> to vector<16xf32>
        %mul3A_950 = vector.broadcast %squeeze3A_934 : f32 to vector<16xf32>
        %mul3A_951 = arith.mulf %mul3A_950, %get3A_949 : vector<16xf32>
        %add3A_952 = arith.addf %add3A_914, %mul3A_951 : vector<16xf32>
        %add3A_953 = arith.constant 5 : i32
        %add3A_954 = arith.addi %add3A_737, %add3A_953 : i32
        %get3A_955 = arith.index_cast %add3A_954 : i32 to index
        %get3A_956 = arith.constant 32 : index
        %get3A_957 = tpu.vector_load %arg15[%get3A_955, %get3A_956] {strides = array<i32>} : memref<320x128xf32, #tpu.memory_space<vmem>>, vector<1x16xf32>,
        %get3A_958 = vector.shape_cast %get3A_957 : vector<1x16xf32> to vector<16xf32>
        %mul3A_959 = vector.broadcast %squeeze3A_934 : f32 to vector<16xf32>
        %mul3A_960 = arith.mulf %mul3A_959, %get3A_958 : vector<16xf32>
        %add3A_961 = arith.addf %add3A_923, %mul3A_960 : vector<16xf32>
        %add3A_962 = arith.constant 5 : i32
        %add3A_963 = arith.addi %add3A_737, %add3A_962 : i32
        %get3A_964 = arith.index_cast %add3A_963 : i32 to index
        %get3A_965 = arith.constant 48 : index
        %get3A_966 = tpu.vector_load %arg15[%get3A_964, %get3A_965] {strides = array<i32>} : memref<320x128xf32, #tpu.memory_space<vmem>>, vector<1x16xf32>,
        %get3A_967 = vector.shape_cast %get3A_966 : vector<1x16xf32> to vector<16xf32>
        %mul3A_968 = vector.broadcast %squeeze3A_934 : f32 to vector<16xf32>
        %mul3A_969 = arith.mulf %mul3A_968, %get3A_967 : vector<16xf32>
        %add3A_970 = arith.addf %add3A_932, %mul3A_969 : vector<16xf32>
        %slice3A_971 = vector.extract_strided_slice %get3A_729 {offsets = [6], sizes = [1], strides = [1]} : vector<16xf32> to vector<1xf32>
        %squeeze3A_972 = vector.extract %slice3A_971[0] : f32 from vector<1xf32>
        %add3A_973 = arith.constant 6 : i32
        %add3A_974 = arith.addi %add3A_737, %add3A_973 : i32
        %get3A_975 = arith.index_cast %add3A_974 : i32 to index
        %get3A_976 = arith.constant 0 : index
        %get3A_977 = tpu.vector_load %arg15[%get3A_975, %get3A_976] {strides = array<i32>} : memref<320x128xf32, #tpu.memory_space<vmem>>, vector<1x16xf32>,
        %get3A_978 = vector.shape_cast %get3A_977 : vector<1x16xf32> to vector<16xf32>
        %mul3A_979 = vector.broadcast %squeeze3A_972 : f32 to vector<16xf32>
        %mul3A_980 = arith.mulf %mul3A_979, %get3A_978 : vector<16xf32>
        %add3A_981 = arith.addf %add3A_943, %mul3A_980 : vector<16xf32>
        %add3A_982 = arith.constant 6 : i32
        %add3A_983 = arith.addi %add3A_737, %add3A_982 : i32
        %get3A_984 = arith.index_cast %add3A_983 : i32 to index
        %get3A_985 = arith.constant 16 : index
        %get3A_986 = tpu.vector_load %arg15[%get3A_984, %get3A_985] {strides = array<i32>} : memref<320x128xf32, #tpu.memory_space<vmem>>, vector<1x16xf32>,
        %get3A_987 = vector.shape_cast %get3A_986 : vector<1x16xf32> to vector<16xf32>
        %mul3A_988 = vector.broadcast %squeeze3A_972 : f32 to vector<16xf32>
        %mul3A_989 = arith.mulf %mul3A_988, %get3A_987 : vector<16xf32>
        %add3A_990 = arith.addf %add3A_952, %mul3A_989 : vector<16xf32>
        %add3A_991 = arith.constant 6 : i32
        %add3A_992 = arith.addi %add3A_737, %add3A_991 : i32
        %get3A_993 = arith.index_cast %add3A_992 : i32 to index
        %get3A_994 = arith.constant 32 : index
        %get3A_995 = tpu.vector_load %arg15[%get3A_993, %get3A_994] {strides = array<i32>} : memref<320x128xf32, #tpu.memory_space<vmem>>, vector<1x16xf32>,
        %get3A_996 = vector.shape_cast %get3A_995 : vector<1x16xf32> to vector<16xf32>
        %mul3A_997 = vector.broadcast %squeeze3A_972 : f32 to vector<16xf32>
        %mul3A_998 = arith.mulf %mul3A_997, %get3A_996 : vector<16xf32>
        %add3A_999 = arith.addf %add3A_961, %mul3A_998 : vector<16xf32>
        %add3A_1000 = arith.constant 6 : i32
        %add3A_1001 = arith.addi %add3A_737, %add3A_1000 : i32
        %get3A_1002 = arith.index_cast %add3A_1001 : i32 to index
        %get3A_1003 = arith.constant 48 : index
        %get3A_1004 = tpu.vector_load %arg15[%get3A_1002, %get3A_1003] {strides = array<i32>} : memref<320x128xf32, #tpu.memory_space<vmem>>, vector<1x16xf32>,
        %get3A_1005 = vector.shape_cast %get3A_1004 : vector<1x16xf32> to vector<16xf32>
        %mul3A_1006 = vector.broadcast %squeeze3A_972 : f32 to vector<16xf32>
        %mul3A_1007 = arith.mulf %mul3A_1006, %get3A_1005 : vector<16xf32>
        %add3A_1008 = arith.addf %add3A_970, %mul3A_1007 : vector<16xf32>
        %slice3A_1009 = vector.extract_strided_slice %get3A_729 {offsets = [7], sizes = [1], strides = [1]} : vector<16xf32> to vector<1xf32>
        %squeeze3A_1010 = vector.extract %slice3A_1009[0] : f32 from vector<1xf32>
        %add3A_1011 = arith.constant 7 : i32
        %add3A_1012 = arith.addi %add3A_737, %add3A_1011 : i32
        %get3A_1013 = arith.index_cast %add3A_1012 : i32 to index
        %get3A_1014 = arith.constant 0 : index
        %get3A_1015 = tpu.vector_load %arg15[%get3A_1013, %get3A_1014] {strides = array<i32>} : memref<320x128xf32, #tpu.memory_space<vmem>>, vector<1x16xf32>,
        %get3A_1016 = vector.shape_cast %get3A_1015 : vector<1x16xf32> to vector<16xf32>
        %mul3A_1017 = vector.broadcast %squeeze3A_1010 : f32 to vector<16xf32>
        %mul3A_1018 = arith.mulf %mul3A_1017, %get3A_1016 : vector<16xf32>
        %add3A_1019 = arith.addf %add3A_981, %mul3A_1018 : vector<16xf32>
        %add3A_1020 = arith.constant 7 : i32
        %add3A_1021 = arith.addi %add3A_737, %add3A_1020 : i32
        %get3A_1022 = arith.index_cast %add3A_1021 : i32 to index
        %get3A_1023 = arith.constant 16 : index
        %get3A_1024 = tpu.vector_load %arg15[%get3A_1022, %get3A_1023] {strides = array<i32>} : memref<320x128xf32, #tpu.memory_space<vmem>>, vector<1x16xf32>,
        %get3A_1025 = vector.shape_cast %get3A_1024 : vector<1x16xf32> to vector<16xf32>
        %mul3A_1026 = vector.broadcast %squeeze3A_1010 : f32 to vector<16xf32>
        %mul3A_1027 = arith.mulf %mul3A_1026, %get3A_1025 : vector<16xf32>
        %add3A_1028 = arith.addf %add3A_990, %mul3A_1027 : vector<16xf32>
        %add3A_1029 = arith.constant 7 : i32
        %add3A_1030 = arith.addi %add3A_737, %add3A_1029 : i32
        %get3A_1031 = arith.index_cast %add3A_1030 : i32 to index
        %get3A_1032 = arith.constant 32 : index
        %get3A_1033 = tpu.vector_load %arg15[%get3A_1031, %get3A_1032] {strides = array<i32>} : memref<320x128xf32, #tpu.memory_space<vmem>>, vector<1x16xf32>,
        %get3A_1034 = vector.shape_cast %get3A_1033 : vector<1x16xf32> to vector<16xf32>
        %mul3A_1035 = vector.broadcast %squeeze3A_1010 : f32 to vector<16xf32>
        %mul3A_1036 = arith.mulf %mul3A_1035, %get3A_1034 : vector<16xf32>
        %add3A_1037 = arith.addf %add3A_999, %mul3A_1036 : vector<16xf32>
        %add3A_1038 = arith.constant 7 : i32
        %add3A_1039 = arith.addi %add3A_737, %add3A_1038 : i32
        %get3A_1040 = arith.index_cast %add3A_1039 : i32 to index
        %get3A_1041 = arith.constant 48 : index
        %get3A_1042 = tpu.vector_load %arg15[%get3A_1040, %get3A_1041] {strides = array<i32>} : memref<320x128xf32, #tpu.memory_space<vmem>>, vector<1x16xf32>,
        %get3A_1043 = vector.shape_cast %get3A_1042 : vector<1x16xf32> to vector<16xf32>
        %mul3A_1044 = vector.broadcast %squeeze3A_1010 : f32 to vector<16xf32>
        %mul3A_1045 = arith.mulf %mul3A_1044, %get3A_1043 : vector<16xf32>
        %add3A_1046 = arith.addf %add3A_1008, %mul3A_1045 : vector<16xf32>
        %slice3A_1047 = vector.extract_strided_slice %get3A_729 {offsets = [8], sizes = [1], strides = [1]} : vector<16xf32> to vector<1xf32>
        %squeeze3A_1048 = vector.extract %slice3A_1047[0] : f32 from vector<1xf32>
        %add3A_1049 = arith.constant 8 : i32
        %add3A_1050 = arith.addi %add3A_737, %add3A_1049 : i32
        %get3A_1051 = arith.index_cast %add3A_1050 : i32 to index
        %get3A_1052 = arith.constant 0 : index
        %get3A_1053 = tpu.vector_load %arg15[%get3A_1051, %get3A_1052] {strides = array<i32>} : memref<320x128xf32, #tpu.memory_space<vmem>>, vector<1x16xf32>,
        %get3A_1054 = vector.shape_cast %get3A_1053 : vector<1x16xf32> to vector<16xf32>
        %mul3A_1055 = vector.broadcast %squeeze3A_1048 : f32 to vector<16xf32>
        %mul3A_1056 = arith.mulf %mul3A_1055, %get3A_1054 : vector<16xf32>
        %add3A_1057 = arith.addf %add3A_1019, %mul3A_1056 : vector<16xf32>
        %add3A_1058 = arith.constant 8 : i32
        %add3A_1059 = arith.addi %add3A_737, %add3A_1058 : i32
        %get3A_1060 = arith.index_cast %add3A_1059 : i32 to index
        %get3A_1061 = arith.constant 16 : index
        %get3A_1062 = tpu.vector_load %arg15[%get3A_1060, %get3A_1061] {strides = array<i32>} : memref<320x128xf32, #tpu.memory_space<vmem>>, vector<1x16xf32>,
        %get3A_1063 = vector.shape_cast %get3A_1062 : vector<1x16xf32> to vector<16xf32>
        %mul3A_1064 = vector.broadcast %squeeze3A_1048 : f32 to vector<16xf32>
        %mul3A_1065 = arith.mulf %mul3A_1064, %get3A_1063 : vector<16xf32>
        %add3A_1066 = arith.addf %add3A_1028, %mul3A_1065 : vector<16xf32>
        %add3A_1067 = arith.constant 8 : i32
        %add3A_1068 = arith.addi %add3A_737, %add3A_1067 : i32
        %get3A_1069 = arith.index_cast %add3A_1068 : i32 to index
        %get3A_1070 = arith.constant 32 : index
        %get3A_1071 = tpu.vector_load %arg15[%get3A_1069, %get3A_1070] {strides = array<i32>} : memref<320x128xf32, #tpu.memory_space<vmem>>, vector<1x16xf32>,
        %get3A_1072 = vector.shape_cast %get3A_1071 : vector<1x16xf32> to vector<16xf32>
        %mul3A_1073 = vector.broadcast %squeeze3A_1048 : f32 to vector<16xf32>
        %mul3A_1074 = arith.mulf %mul3A_1073, %get3A_1072 : vector<16xf32>
        %add3A_1075 = arith.addf %add3A_1037, %mul3A_1074 : vector<16xf32>
        %add3A_1076 = arith.constant 8 : i32
        %add3A_1077 = arith.addi %add3A_737, %add3A_1076 : i32
        %get3A_1078 = arith.index_cast %add3A_1077 : i32 to index
        %get3A_1079 = arith.constant 48 : index
        %get3A_1080 = tpu.vector_load %arg15[%get3A_1078, %get3A_1079] {strides = array<i32>} : memref<320x128xf32, #tpu.memory_space<vmem>>, vector<1x16xf32>,
        %get3A_1081 = vector.shape_cast %get3A_1080 : vector<1x16xf32> to vector<16xf32>
        %mul3A_1082 = vector.broadcast %squeeze3A_1048 : f32 to vector<16xf32>
        %mul3A_1083 = arith.mulf %mul3A_1082, %get3A_1081 : vector<16xf32>
        %add3A_1084 = arith.addf %add3A_1046, %mul3A_1083 : vector<16xf32>
        %slice3A_1085 = vector.extract_strided_slice %get3A_729 {offsets = [9], sizes = [1], strides = [1]} : vector<16xf32> to vector<1xf32>
        %squeeze3A_1086 = vector.extract %slice3A_1085[0] : f32 from vector<1xf32>
        %add3A_1087 = arith.constant 9 : i32
        %add3A_1088 = arith.addi %add3A_737, %add3A_1087 : i32
        %get3A_1089 = arith.index_cast %add3A_1088 : i32 to index
        %get3A_1090 = arith.constant 0 : index
        %get3A_1091 = tpu.vector_load %arg15[%get3A_1089, %get3A_1090] {strides = array<i32>} : memref<320x128xf32, #tpu.memory_space<vmem>>, vector<1x16xf32>,
        %get3A_1092 = vector.shape_cast %get3A_1091 : vector<1x16xf32> to vector<16xf32>
        %mul3A_1093 = vector.broadcast %squeeze3A_1086 : f32 to vector<16xf32>
        %mul3A_1094 = arith.mulf %mul3A_1093, %get3A_1092 : vector<16xf32>
        %add3A_1095 = arith.addf %add3A_1057, %mul3A_1094 : vector<16xf32>
        %add3A_1096 = arith.constant 9 : i32
        %add3A_1097 = arith.addi %add3A_737, %add3A_1096 : i32
        %get3A_1098 = arith.index_cast %add3A_1097 : i32 to index
        %get3A_1099 = arith.constant 16 : index
        %get3A_1100 = tpu.vector_load %arg15[%get3A_1098, %get3A_1099] {strides = array<i32>} : memref<320x128xf32, #tpu.memory_space<vmem>>, vector<1x16xf32>,
        %get3A_1101 = vector.shape_cast %get3A_1100 : vector<1x16xf32> to vector<16xf32>
        %mul3A_1102 = vector.broadcast %squeeze3A_1086 : f32 to vector<16xf32>
        %mul3A_1103 = arith.mulf %mul3A_1102, %get3A_1101 : vector<16xf32>
        %add3A_1104 = arith.addf %add3A_1066, %mul3A_1103 : vector<16xf32>
        %add3A_1105 = arith.constant 9 : i32
        %add3A_1106 = arith.addi %add3A_737, %add3A_1105 : i32
        %get3A_1107 = arith.index_cast %add3A_1106 : i32 to index
        %get3A_1108 = arith.constant 32 : index
        %get3A_1109 = tpu.vector_load %arg15[%get3A_1107, %get3A_1108] {strides = array<i32>} : memref<320x128xf32, #tpu.memory_space<vmem>>, vector<1x16xf32>,
        %get3A_1110 = vector.shape_cast %get3A_1109 : vector<1x16xf32> to vector<16xf32>
        %mul3A_1111 = vector.broadcast %squeeze3A_1086 : f32 to vector<16xf32>
        %mul3A_1112 = arith.mulf %mul3A_1111, %get3A_1110 : vector<16xf32>
        %add3A_1113 = arith.addf %add3A_1075, %mul3A_1112 : vector<16xf32>
        %add3A_1114 = arith.constant 9 : i32
        %add3A_1115 = arith.addi %add3A_737, %add3A_1114 : i32
        %get3A_1116 = arith.index_cast %add3A_1115 : i32 to index
        %get3A_1117 = arith.constant 48 : index
        %get3A_1118 = tpu.vector_load %arg15[%get3A_1116, %get3A_1117] {strides = array<i32>} : memref<320x128xf32, #tpu.memory_space<vmem>>, vector<1x16xf32>,
        %get3A_1119 = vector.shape_cast %get3A_1118 : vector<1x16xf32> to vector<16xf32>
        %mul3A_1120 = vector.broadcast %squeeze3A_1086 : f32 to vector<16xf32>
        %mul3A_1121 = arith.mulf %mul3A_1120, %get3A_1119 : vector<16xf32>
        %add3A_1122 = arith.addf %add3A_1084, %mul3A_1121 : vector<16xf32>
        %slice3A_1123 = vector.extract_strided_slice %get3A_729 {offsets = [10], sizes = [1], strides = [1]} : vector<16xf32> to vector<1xf32>
        %squeeze3A_1124 = vector.extract %slice3A_1123[0] : f32 from vector<1xf32>
        %add3A_1125 = arith.constant 10 : i32
        %add3A_1126 = arith.addi %add3A_737, %add3A_1125 : i32
        %get3A_1127 = arith.index_cast %add3A_1126 : i32 to index
        %get3A_1128 = arith.constant 0 : index
        %get3A_1129 = tpu.vector_load %arg15[%get3A_1127, %get3A_1128] {strides = array<i32>} : memref<320x128xf32, #tpu.memory_space<vmem>>, vector<1x16xf32>,
        %get3A_1130 = vector.shape_cast %get3A_1129 : vector<1x16xf32> to vector<16xf32>
        %mul3A_1131 = vector.broadcast %squeeze3A_1124 : f32 to vector<16xf32>
        %mul3A_1132 = arith.mulf %mul3A_1131, %get3A_1130 : vector<16xf32>
        %add3A_1133 = arith.addf %add3A_1095, %mul3A_1132 : vector<16xf32>
        %add3A_1134 = arith.constant 10 : i32
        %add3A_1135 = arith.addi %add3A_737, %add3A_1134 : i32
        %get3A_1136 = arith.index_cast %add3A_1135 : i32 to index
        %get3A_1137 = arith.constant 16 : index
        %get3A_1138 = tpu.vector_load %arg15[%get3A_1136, %get3A_1137] {strides = array<i32>} : memref<320x128xf32, #tpu.memory_space<vmem>>, vector<1x16xf32>,
        %get3A_1139 = vector.shape_cast %get3A_1138 : vector<1x16xf32> to vector<16xf32>
        %mul3A_1140 = vector.broadcast %squeeze3A_1124 : f32 to vector<16xf32>
        %mul3A_1141 = arith.mulf %mul3A_1140, %get3A_1139 : vector<16xf32>
        %add3A_1142 = arith.addf %add3A_1104, %mul3A_1141 : vector<16xf32>
        %add3A_1143 = arith.constant 10 : i32
        %add3A_1144 = arith.addi %add3A_737, %add3A_1143 : i32
        %get3A_1145 = arith.index_cast %add3A_1144 : i32 to index
        %get3A_1146 = arith.constant 32 : index
        %get3A_1147 = tpu.vector_load %arg15[%get3A_1145, %get3A_1146] {strides = array<i32>} : memref<320x128xf32, #tpu.memory_space<vmem>>, vector<1x16xf32>,
        %get3A_1148 = vector.shape_cast %get3A_1147 : vector<1x16xf32> to vector<16xf32>
        %mul3A_1149 = vector.broadcast %squeeze3A_1124 : f32 to vector<16xf32>
        %mul3A_1150 = arith.mulf %mul3A_1149, %get3A_1148 : vector<16xf32>
        %add3A_1151 = arith.addf %add3A_1113, %mul3A_1150 : vector<16xf32>
        %add3A_1152 = arith.constant 10 : i32
        %add3A_1153 = arith.addi %add3A_737, %add3A_1152 : i32
        %get3A_1154 = arith.index_cast %add3A_1153 : i32 to index
        %get3A_1155 = arith.constant 48 : index
        %get3A_1156 = tpu.vector_load %arg15[%get3A_1154, %get3A_1155] {strides = array<i32>} : memref<320x128xf32, #tpu.memory_space<vmem>>, vector<1x16xf32>,
        %get3A_1157 = vector.shape_cast %get3A_1156 : vector<1x16xf32> to vector<16xf32>
        %mul3A_1158 = vector.broadcast %squeeze3A_1124 : f32 to vector<16xf32>
        %mul3A_1159 = arith.mulf %mul3A_1158, %get3A_1157 : vector<16xf32>
        %add3A_1160 = arith.addf %add3A_1122, %mul3A_1159 : vector<16xf32>
        %slice3A_1161 = vector.extract_strided_slice %get3A_729 {offsets = [11], sizes = [1], strides = [1]} : vector<16xf32> to vector<1xf32>
        %squeeze3A_1162 = vector.extract %slice3A_1161[0] : f32 from vector<1xf32>
        %add3A_1163 = arith.constant 11 : i32
        %add3A_1164 = arith.addi %add3A_737, %add3A_1163 : i32
        %get3A_1165 = arith.index_cast %add3A_1164 : i32 to index
        %get3A_1166 = arith.constant 0 : index
        %get3A_1167 = tpu.vector_load %arg15[%get3A_1165, %get3A_1166] {strides = array<i32>} : memref<320x128xf32, #tpu.memory_space<vmem>>, vector<1x16xf32>,
        %get3A_1168 = vector.shape_cast %get3A_1167 : vector<1x16xf32> to vector<16xf32>
        %mul3A_1169 = vector.broadcast %squeeze3A_1162 : f32 to vector<16xf32>
        %mul3A_1170 = arith.mulf %mul3A_1169, %get3A_1168 : vector<16xf32>
        %add3A_1171 = arith.addf %add3A_1133, %mul3A_1170 : vector<16xf32>
        %add3A_1172 = arith.constant 11 : i32
        %add3A_1173 = arith.addi %add3A_737, %add3A_1172 : i32
        %get3A_1174 = arith.index_cast %add3A_1173 : i32 to index
        %get3A_1175 = arith.constant 16 : index
        %get3A_1176 = tpu.vector_load %arg15[%get3A_1174, %get3A_1175] {strides = array<i32>} : memref<320x128xf32, #tpu.memory_space<vmem>>, vector<1x16xf32>,
        %get3A_1177 = vector.shape_cast %get3A_1176 : vector<1x16xf32> to vector<16xf32>
        %mul3A_1178 = vector.broadcast %squeeze3A_1162 : f32 to vector<16xf32>
        %mul3A_1179 = arith.mulf %mul3A_1178, %get3A_1177 : vector<16xf32>
        %add3A_1180 = arith.addf %add3A_1142, %mul3A_1179 : vector<16xf32>
        %add3A_1181 = arith.constant 11 : i32
        %add3A_1182 = arith.addi %add3A_737, %add3A_1181 : i32
        %get3A_1183 = arith.index_cast %add3A_1182 : i32 to index
        %get3A_1184 = arith.constant 32 : index
        %get3A_1185 = tpu.vector_load %arg15[%get3A_1183, %get3A_1184] {strides = array<i32>} : memref<320x128xf32, #tpu.memory_space<vmem>>, vector<1x16xf32>,
        %get3A_1186 = vector.shape_cast %get3A_1185 : vector<1x16xf32> to vector<16xf32>
        %mul3A_1187 = vector.broadcast %squeeze3A_1162 : f32 to vector<16xf32>
        %mul3A_1188 = arith.mulf %mul3A_1187, %get3A_1186 : vector<16xf32>
        %add3A_1189 = arith.addf %add3A_1151, %mul3A_1188 : vector<16xf32>
        %add3A_1190 = arith.constant 11 : i32
        %add3A_1191 = arith.addi %add3A_737, %add3A_1190 : i32
        %get3A_1192 = arith.index_cast %add3A_1191 : i32 to index
        %get3A_1193 = arith.constant 48 : index
        %get3A_1194 = tpu.vector_load %arg15[%get3A_1192, %get3A_1193] {strides = array<i32>} : memref<320x128xf32, #tpu.memory_space<vmem>>, vector<1x16xf32>,
        %get3A_1195 = vector.shape_cast %get3A_1194 : vector<1x16xf32> to vector<16xf32>
        %mul3A_1196 = vector.broadcast %squeeze3A_1162 : f32 to vector<16xf32>
        %mul3A_1197 = arith.mulf %mul3A_1196, %get3A_1195 : vector<16xf32>
        %add3A_1198 = arith.addf %add3A_1160, %mul3A_1197 : vector<16xf32>
        %slice3A_1199 = vector.extract_strided_slice %get3A_729 {offsets = [12], sizes = [1], strides = [1]} : vector<16xf32> to vector<1xf32>
        %squeeze3A_1200 = vector.extract %slice3A_1199[0] : f32 from vector<1xf32>
        %add3A_1201 = arith.constant 12 : i32
        %add3A_1202 = arith.addi %add3A_737, %add3A_1201 : i32
        %get3A_1203 = arith.index_cast %add3A_1202 : i32 to index
        %get3A_1204 = arith.constant 0 : index
        %get3A_1205 = tpu.vector_load %arg15[%get3A_1203, %get3A_1204] {strides = array<i32>} : memref<320x128xf32, #tpu.memory_space<vmem>>, vector<1x16xf32>,
        %get3A_1206 = vector.shape_cast %get3A_1205 : vector<1x16xf32> to vector<16xf32>
        %mul3A_1207 = vector.broadcast %squeeze3A_1200 : f32 to vector<16xf32>
        %mul3A_1208 = arith.mulf %mul3A_1207, %get3A_1206 : vector<16xf32>
        %add3A_1209 = arith.addf %add3A_1171, %mul3A_1208 : vector<16xf32>
        %add3A_1210 = arith.constant 12 : i32
        %add3A_1211 = arith.addi %add3A_737, %add3A_1210 : i32
        %get3A_1212 = arith.index_cast %add3A_1211 : i32 to index
        %get3A_1213 = arith.constant 16 : index
        %get3A_1214 = tpu.vector_load %arg15[%get3A_1212, %get3A_1213] {strides = array<i32>} : memref<320x128xf32, #tpu.memory_space<vmem>>, vector<1x16xf32>,
        %get3A_1215 = vector.shape_cast %get3A_1214 : vector<1x16xf32> to vector<16xf32>
        %mul3A_1216 = vector.broadcast %squeeze3A_1200 : f32 to vector<16xf32>
        %mul3A_1217 = arith.mulf %mul3A_1216, %get3A_1215 : vector<16xf32>
        %add3A_1218 = arith.addf %add3A_1180, %mul3A_1217 : vector<16xf32>
        %add3A_1219 = arith.constant 12 : i32
        %add3A_1220 = arith.addi %add3A_737, %add3A_1219 : i32
        %get3A_1221 = arith.index_cast %add3A_1220 : i32 to index
        %get3A_1222 = arith.constant 32 : index
        %get3A_1223 = tpu.vector_load %arg15[%get3A_1221, %get3A_1222] {strides = array<i32>} : memref<320x128xf32, #tpu.memory_space<vmem>>, vector<1x16xf32>,
        %get3A_1224 = vector.shape_cast %get3A_1223 : vector<1x16xf32> to vector<16xf32>
        %mul3A_1225 = vector.broadcast %squeeze3A_1200 : f32 to vector<16xf32>
        %mul3A_1226 = arith.mulf %mul3A_1225, %get3A_1224 : vector<16xf32>
        %add3A_1227 = arith.addf %add3A_1189, %mul3A_1226 : vector<16xf32>
        %add3A_1228 = arith.constant 12 : i32
        %add3A_1229 = arith.addi %add3A_737, %add3A_1228 : i32
        %get3A_1230 = arith.index_cast %add3A_1229 : i32 to index
        %get3A_1231 = arith.constant 48 : index
        %get3A_1232 = tpu.vector_load %arg15[%get3A_1230, %get3A_1231] {strides = array<i32>} : memref<320x128xf32, #tpu.memory_space<vmem>>, vector<1x16xf32>,
        %get3A_1233 = vector.shape_cast %get3A_1232 : vector<1x16xf32> to vector<16xf32>
        %mul3A_1234 = vector.broadcast %squeeze3A_1200 : f32 to vector<16xf32>
        %mul3A_1235 = arith.mulf %mul3A_1234, %get3A_1233 : vector<16xf32>
        %add3A_1236 = arith.addf %add3A_1198, %mul3A_1235 : vector<16xf32>
        %slice3A_1237 = vector.extract_strided_slice %get3A_729 {offsets = [13], sizes = [1], strides = [1]} : vector<16xf32> to vector<1xf32>
        %squeeze3A_1238 = vector.extract %slice3A_1237[0] : f32 from vector<1xf32>
        %add3A_1239 = arith.constant 13 : i32
        %add3A_1240 = arith.addi %add3A_737, %add3A_1239 : i32
        %get3A_1241 = arith.index_cast %add3A_1240 : i32 to index
        %get3A_1242 = arith.constant 0 : index
        %get3A_1243 = tpu.vector_load %arg15[%get3A_1241, %get3A_1242] {strides = array<i32>} : memref<320x128xf32, #tpu.memory_space<vmem>>, vector<1x16xf32>,
        %get3A_1244 = vector.shape_cast %get3A_1243 : vector<1x16xf32> to vector<16xf32>
        %mul3A_1245 = vector.broadcast %squeeze3A_1238 : f32 to vector<16xf32>
        %mul3A_1246 = arith.mulf %mul3A_1245, %get3A_1244 : vector<16xf32>
        %add3A_1247 = arith.addf %add3A_1209, %mul3A_1246 : vector<16xf32>
        %add3A_1248 = arith.constant 13 : i32
        %add3A_1249 = arith.addi %add3A_737, %add3A_1248 : i32
        %get3A_1250 = arith.index_cast %add3A_1249 : i32 to index
        %get3A_1251 = arith.constant 16 : index
        %get3A_1252 = tpu.vector_load %arg15[%get3A_1250, %get3A_1251] {strides = array<i32>} : memref<320x128xf32, #tpu.memory_space<vmem>>, vector<1x16xf32>,
        %get3A_1253 = vector.shape_cast %get3A_1252 : vector<1x16xf32> to vector<16xf32>
        %mul3A_1254 = vector.broadcast %squeeze3A_1238 : f32 to vector<16xf32>
        %mul3A_1255 = arith.mulf %mul3A_1254, %get3A_1253 : vector<16xf32>
        %add3A_1256 = arith.addf %add3A_1218, %mul3A_1255 : vector<16xf32>
        %add3A_1257 = arith.constant 13 : i32
        %add3A_1258 = arith.addi %add3A_737, %add3A_1257 : i32
        %get3A_1259 = arith.index_cast %add3A_1258 : i32 to index
        %get3A_1260 = arith.constant 32 : index
        %get3A_1261 = tpu.vector_load %arg15[%get3A_1259, %get3A_1260] {strides = array<i32>} : memref<320x128xf32, #tpu.memory_space<vmem>>, vector<1x16xf32>,
        %get3A_1262 = vector.shape_cast %get3A_1261 : vector<1x16xf32> to vector<16xf32>
        %mul3A_1263 = vector.broadcast %squeeze3A_1238 : f32 to vector<16xf32>
        %mul3A_1264 = arith.mulf %mul3A_1263, %get3A_1262 : vector<16xf32>
        %add3A_1265 = arith.addf %add3A_1227, %mul3A_1264 : vector<16xf32>
        %add3A_1266 = arith.constant 13 : i32
        %add3A_1267 = arith.addi %add3A_737, %add3A_1266 : i32
        %get3A_1268 = arith.index_cast %add3A_1267 : i32 to index
        %get3A_1269 = arith.constant 48 : index
        %get3A_1270 = tpu.vector_load %arg15[%get3A_1268, %get3A_1269] {strides = array<i32>} : memref<320x128xf32, #tpu.memory_space<vmem>>, vector<1x16xf32>,
        %get3A_1271 = vector.shape_cast %get3A_1270 : vector<1x16xf32> to vector<16xf32>
        %mul3A_1272 = vector.broadcast %squeeze3A_1238 : f32 to vector<16xf32>
        %mul3A_1273 = arith.mulf %mul3A_1272, %get3A_1271 : vector<16xf32>
        %add3A_1274 = arith.addf %add3A_1236, %mul3A_1273 : vector<16xf32>
        %slice3A_1275 = vector.extract_strided_slice %get3A_729 {offsets = [14], sizes = [1], strides = [1]} : vector<16xf32> to vector<1xf32>
        %squeeze3A_1276 = vector.extract %slice3A_1275[0] : f32 from vector<1xf32>
        %add3A_1277 = arith.constant 14 : i32
        %add3A_1278 = arith.addi %add3A_737, %add3A_1277 : i32
        %get3A_1279 = arith.index_cast %add3A_1278 : i32 to index
        %get3A_1280 = arith.constant 0 : index
        %get3A_1281 = tpu.vector_load %arg15[%get3A_1279, %get3A_1280] {strides = array<i32>} : memref<320x128xf32, #tpu.memory_space<vmem>>, vector<1x16xf32>,
        %get3A_1282 = vector.shape_cast %get3A_1281 : vector<1x16xf32> to vector<16xf32>
        %mul3A_1283 = vector.broadcast %squeeze3A_1276 : f32 to vector<16xf32>
        %mul3A_1284 = arith.mulf %mul3A_1283, %get3A_1282 : vector<16xf32>
        %add3A_1285 = arith.addf %add3A_1247, %mul3A_1284 : vector<16xf32>
        %add3A_1286 = arith.constant 14 : i32
        %add3A_1287 = arith.addi %add3A_737, %add3A_1286 : i32
        %get3A_1288 = arith.index_cast %add3A_1287 : i32 to index
        %get3A_1289 = arith.constant 16 : index
        %get3A_1290 = tpu.vector_load %arg15[%get3A_1288, %get3A_1289] {strides = array<i32>} : memref<320x128xf32, #tpu.memory_space<vmem>>, vector<1x16xf32>,
        %get3A_1291 = vector.shape_cast %get3A_1290 : vector<1x16xf32> to vector<16xf32>
        %mul3A_1292 = vector.broadcast %squeeze3A_1276 : f32 to vector<16xf32>
        %mul3A_1293 = arith.mulf %mul3A_1292, %get3A_1291 : vector<16xf32>
        %add3A_1294 = arith.addf %add3A_1256, %mul3A_1293 : vector<16xf32>
        %add3A_1295 = arith.constant 14 : i32
        %add3A_1296 = arith.addi %add3A_737, %add3A_1295 : i32
        %get3A_1297 = arith.index_cast %add3A_1296 : i32 to index
        %get3A_1298 = arith.constant 32 : index
        %get3A_1299 = tpu.vector_load %arg15[%get3A_1297, %get3A_1298] {strides = array<i32>} : memref<320x128xf32, #tpu.memory_space<vmem>>, vector<1x16xf32>,
        %get3A_1300 = vector.shape_cast %get3A_1299 : vector<1x16xf32> to vector<16xf32>
        %mul3A_1301 = vector.broadcast %squeeze3A_1276 : f32 to vector<16xf32>
        %mul3A_1302 = arith.mulf %mul3A_1301, %get3A_1300 : vector<16xf32>
        %add3A_1303 = arith.addf %add3A_1265, %mul3A_1302 : vector<16xf32>
        %add3A_1304 = arith.constant 14 : i32
        %add3A_1305 = arith.addi %add3A_737, %add3A_1304 : i32
        %get3A_1306 = arith.index_cast %add3A_1305 : i32 to index
        %get3A_1307 = arith.constant 48 : index
        %get3A_1308 = tpu.vector_load %arg15[%get3A_1306, %get3A_1307] {strides = array<i32>} : memref<320x128xf32, #tpu.memory_space<vmem>>, vector<1x16xf32>,
        %get3A_1309 = vector.shape_cast %get3A_1308 : vector<1x16xf32> to vector<16xf32>
        %mul3A_1310 = vector.broadcast %squeeze3A_1276 : f32 to vector<16xf32>
        %mul3A_1311 = arith.mulf %mul3A_1310, %get3A_1309 : vector<16xf32>
        %add3A_1312 = arith.addf %add3A_1274, %mul3A_1311 : vector<16xf32>
        %slice3A_1313 = vector.extract_strided_slice %get3A_729 {offsets = [15], sizes = [1], strides = [1]} : vector<16xf32> to vector<1xf32>
        %squeeze3A_1314 = vector.extract %slice3A_1313[0] : f32 from vector<1xf32>
        %add3A_1315 = arith.constant 15 : i32
        %add3A_1316 = arith.addi %add3A_737, %add3A_1315 : i32
        %get3A_1317 = arith.index_cast %add3A_1316 : i32 to index
        %get3A_1318 = arith.constant 0 : index
        %get3A_1319 = tpu.vector_load %arg15[%get3A_1317, %get3A_1318] {strides = array<i32>} : memref<320x128xf32, #tpu.memory_space<vmem>>, vector<1x16xf32>,
        %get3A_1320 = vector.shape_cast %get3A_1319 : vector<1x16xf32> to vector<16xf32>
        %mul3A_1321 = vector.broadcast %squeeze3A_1314 : f32 to vector<16xf32>
        %mul3A_1322 = arith.mulf %mul3A_1321, %get3A_1320 : vector<16xf32>
        %add3A_1323 = arith.addf %add3A_1285, %mul3A_1322 : vector<16xf32>
        %add3A_1324 = arith.constant 15 : i32
        %add3A_1325 = arith.addi %add3A_737, %add3A_1324 : i32
        %get3A_1326 = arith.index_cast %add3A_1325 : i32 to index
        %get3A_1327 = arith.constant 16 : index
        %get3A_1328 = tpu.vector_load %arg15[%get3A_1326, %get3A_1327] {strides = array<i32>} : memref<320x128xf32, #tpu.memory_space<vmem>>, vector<1x16xf32>,
        %get3A_1329 = vector.shape_cast %get3A_1328 : vector<1x16xf32> to vector<16xf32>
        %mul3A_1330 = vector.broadcast %squeeze3A_1314 : f32 to vector<16xf32>
        %mul3A_1331 = arith.mulf %mul3A_1330, %get3A_1329 : vector<16xf32>
        %add3A_1332 = arith.addf %add3A_1294, %mul3A_1331 : vector<16xf32>
        %add3A_1333 = arith.constant 15 : i32
        %add3A_1334 = arith.addi %add3A_737, %add3A_1333 : i32
        %get3A_1335 = arith.index_cast %add3A_1334 : i32 to index
        %get3A_1336 = arith.constant 32 : index
        %get3A_1337 = tpu.vector_load %arg15[%get3A_1335, %get3A_1336] {strides = array<i32>} : memref<320x128xf32, #tpu.memory_space<vmem>>, vector<1x16xf32>,
        %get3A_1338 = vector.shape_cast %get3A_1337 : vector<1x16xf32> to vector<16xf32>
        %mul3A_1339 = vector.broadcast %squeeze3A_1314 : f32 to vector<16xf32>
        %mul3A_1340 = arith.mulf %mul3A_1339, %get3A_1338 : vector<16xf32>
        %add3A_1341 = arith.addf %add3A_1303, %mul3A_1340 : vector<16xf32>
        %add3A_1342 = arith.constant 15 : i32
        %add3A_1343 = arith.addi %add3A_737, %add3A_1342 : i32
        %get3A_1344 = arith.index_cast %add3A_1343 : i32 to index
        %get3A_1345 = arith.constant 48 : index
        %get3A_1346 = tpu.vector_load %arg15[%get3A_1344, %get3A_1345] {strides = array<i32>} : memref<320x128xf32, #tpu.memory_space<vmem>>, vector<1x16xf32>,
        %get3A_1347 = vector.shape_cast %get3A_1346 : vector<1x16xf32> to vector<16xf32>
        %mul3A_1348 = vector.broadcast %squeeze3A_1314 : f32 to vector<16xf32>
        %mul3A_1349 = arith.mulf %mul3A_1348, %get3A_1347 : vector<16xf32>
        %add3A_1350 = arith.addf %add3A_1312, %mul3A_1349 : vector<16xf32>
        %slice3A_1351 = vector.extract_strided_slice %get3A_735 {offsets = [12], sizes = [1], strides = [1]} : vector<16xf32> to vector<1xf32>
        %squeeze3A_1352 = vector.extract %slice3A_1351[0] : f32 from vector<1xf32>
        %add3A_1353 = arith.constant 16 : i32
        %add3A_1354 = arith.addi %add3A_737, %add3A_1353 : i32
        %get3A_1355 = arith.index_cast %add3A_1354 : i32 to index
        %get3A_1356 = arith.constant 0 : index
        %get3A_1357 = tpu.vector_load %arg15[%get3A_1355, %get3A_1356] {strides = array<i32>} : memref<320x128xf32, #tpu.memory_space<vmem>>, vector<1x16xf32>,
        %get3A_1358 = vector.shape_cast %get3A_1357 : vector<1x16xf32> to vector<16xf32>
        %mul3A_1359 = vector.broadcast %squeeze3A_1352 : f32 to vector<16xf32>
        %mul3A_1360 = arith.mulf %mul3A_1359, %get3A_1358 : vector<16xf32>
        %add3A_1361 = arith.addf %add3A_1323, %mul3A_1360 : vector<16xf32>
        %add3A_1362 = arith.constant 16 : i32
        %add3A_1363 = arith.addi %add3A_737, %add3A_1362 : i32
        %get3A_1364 = arith.index_cast %add3A_1363 : i32 to index
        %get3A_1365 = arith.constant 16 : index
        %get3A_1366 = tpu.vector_load %arg15[%get3A_1364, %get3A_1365] {strides = array<i32>} : memref<320x128xf32, #tpu.memory_space<vmem>>, vector<1x16xf32>,
        %get3A_1367 = vector.shape_cast %get3A_1366 : vector<1x16xf32> to vector<16xf32>
        %mul3A_1368 = vector.broadcast %squeeze3A_1352 : f32 to vector<16xf32>
        %mul3A_1369 = arith.mulf %mul3A_1368, %get3A_1367 : vector<16xf32>
        %add3A_1370 = arith.addf %add3A_1332, %mul3A_1369 : vector<16xf32>
        %add3A_1371 = arith.constant 16 : i32
        %add3A_1372 = arith.addi %add3A_737, %add3A_1371 : i32
        %get3A_1373 = arith.index_cast %add3A_1372 : i32 to index
        %get3A_1374 = arith.constant 32 : index
        %get3A_1375 = tpu.vector_load %arg15[%get3A_1373, %get3A_1374] {strides = array<i32>} : memref<320x128xf32, #tpu.memory_space<vmem>>, vector<1x16xf32>,
        %get3A_1376 = vector.shape_cast %get3A_1375 : vector<1x16xf32> to vector<16xf32>
        %mul3A_1377 = vector.broadcast %squeeze3A_1352 : f32 to vector<16xf32>
        %mul3A_1378 = arith.mulf %mul3A_1377, %get3A_1376 : vector<16xf32>
        %add3A_1379 = arith.addf %add3A_1341, %mul3A_1378 : vector<16xf32>
        %add3A_1380 = arith.constant 16 : i32
        %add3A_1381 = arith.addi %add3A_737, %add3A_1380 : i32
        %get3A_1382 = arith.index_cast %add3A_1381 : i32 to index
        %get3A_1383 = arith.constant 48 : index
        %get3A_1384 = tpu.vector_load %arg15[%get3A_1382, %get3A_1383] {strides = array<i32>} : memref<320x128xf32, #tpu.memory_space<vmem>>, vector<1x16xf32>,
        %get3A_1385 = vector.shape_cast %get3A_1384 : vector<1x16xf32> to vector<16xf32>
        %mul3A_1386 = vector.broadcast %squeeze3A_1352 : f32 to vector<16xf32>
        %mul3A_1387 = arith.mulf %mul3A_1386, %get3A_1385 : vector<16xf32>
        %add3A_1388 = arith.addf %add3A_1350, %mul3A_1387 : vector<16xf32>
        %slice3A_1389 = vector.extract_strided_slice %get3A_735 {offsets = [13], sizes = [1], strides = [1]} : vector<16xf32> to vector<1xf32>
        %squeeze3A_1390 = vector.extract %slice3A_1389[0] : f32 from vector<1xf32>
        %add3A_1391 = arith.constant 17 : i32
        %add3A_1392 = arith.addi %add3A_737, %add3A_1391 : i32
        %get3A_1393 = arith.index_cast %add3A_1392 : i32 to index
        %get3A_1394 = arith.constant 0 : index
        %get3A_1395 = tpu.vector_load %arg15[%get3A_1393, %get3A_1394] {strides = array<i32>} : memref<320x128xf32, #tpu.memory_space<vmem>>, vector<1x16xf32>,
        %get3A_1396 = vector.shape_cast %get3A_1395 : vector<1x16xf32> to vector<16xf32>
        %mul3A_1397 = vector.broadcast %squeeze3A_1390 : f32 to vector<16xf32>
        %mul3A_1398 = arith.mulf %mul3A_1397, %get3A_1396 : vector<16xf32>
        %add3A_1399 = arith.addf %add3A_1361, %mul3A_1398 : vector<16xf32>
        %add3A_1400 = arith.constant 17 : i32
        %add3A_1401 = arith.addi %add3A_737, %add3A_1400 : i32
        %get3A_1402 = arith.index_cast %add3A_1401 : i32 to index
        %get3A_1403 = arith.constant 16 : index
        %get3A_1404 = tpu.vector_load %arg15[%get3A_1402, %get3A_1403] {strides = array<i32>} : memref<320x128xf32, #tpu.memory_space<vmem>>, vector<1x16xf32>,
        %get3A_1405 = vector.shape_cast %get3A_1404 : vector<1x16xf32> to vector<16xf32>
        %mul3A_1406 = vector.broadcast %squeeze3A_1390 : f32 to vector<16xf32>
        %mul3A_1407 = arith.mulf %mul3A_1406, %get3A_1405 : vector<16xf32>
        %add3A_1408 = arith.addf %add3A_1370, %mul3A_1407 : vector<16xf32>
        %add3A_1409 = arith.constant 17 : i32
        %add3A_1410 = arith.addi %add3A_737, %add3A_1409 : i32
        %get3A_1411 = arith.index_cast %add3A_1410 : i32 to index
        %get3A_1412 = arith.constant 32 : index
        %get3A_1413 = tpu.vector_load %arg15[%get3A_1411, %get3A_1412] {strides = array<i32>} : memref<320x128xf32, #tpu.memory_space<vmem>>, vector<1x16xf32>,
        %get3A_1414 = vector.shape_cast %get3A_1413 : vector<1x16xf32> to vector<16xf32>
        %mul3A_1415 = vector.broadcast %squeeze3A_1390 : f32 to vector<16xf32>
        %mul3A_1416 = arith.mulf %mul3A_1415, %get3A_1414 : vector<16xf32>
        %add3A_1417 = arith.addf %add3A_1379, %mul3A_1416 : vector<16xf32>
        %add3A_1418 = arith.constant 17 : i32
        %add3A_1419 = arith.addi %add3A_737, %add3A_1418 : i32
        %get3A_1420 = arith.index_cast %add3A_1419 : i32 to index
        %get3A_1421 = arith.constant 48 : index
        %get3A_1422 = tpu.vector_load %arg15[%get3A_1420, %get3A_1421] {strides = array<i32>} : memref<320x128xf32, #tpu.memory_space<vmem>>, vector<1x16xf32>,
        %get3A_1423 = vector.shape_cast %get3A_1422 : vector<1x16xf32> to vector<16xf32>
        %mul3A_1424 = vector.broadcast %squeeze3A_1390 : f32 to vector<16xf32>
        %mul3A_1425 = arith.mulf %mul3A_1424, %get3A_1423 : vector<16xf32>
        %add3A_1426 = arith.addf %add3A_1388, %mul3A_1425 : vector<16xf32>
        %slice3A_1427 = vector.extract_strided_slice %get3A_735 {offsets = [14], sizes = [1], strides = [1]} : vector<16xf32> to vector<1xf32>
        %squeeze3A_1428 = vector.extract %slice3A_1427[0] : f32 from vector<1xf32>
        %add3A_1429 = arith.constant 18 : i32
        %add3A_1430 = arith.addi %add3A_737, %add3A_1429 : i32
        %get3A_1431 = arith.index_cast %add3A_1430 : i32 to index
        %get3A_1432 = arith.constant 0 : index
        %get3A_1433 = tpu.vector_load %arg15[%get3A_1431, %get3A_1432] {strides = array<i32>} : memref<320x128xf32, #tpu.memory_space<vmem>>, vector<1x16xf32>,
        %get3A_1434 = vector.shape_cast %get3A_1433 : vector<1x16xf32> to vector<16xf32>
        %mul3A_1435 = vector.broadcast %squeeze3A_1428 : f32 to vector<16xf32>
        %mul3A_1436 = arith.mulf %mul3A_1435, %get3A_1434 : vector<16xf32>
        %add3A_1437 = arith.addf %add3A_1399, %mul3A_1436 : vector<16xf32>
        %add3A_1438 = arith.constant 18 : i32
        %add3A_1439 = arith.addi %add3A_737, %add3A_1438 : i32
        %get3A_1440 = arith.index_cast %add3A_1439 : i32 to index
        %get3A_1441 = arith.constant 16 : index
        %get3A_1442 = tpu.vector_load %arg15[%get3A_1440, %get3A_1441] {strides = array<i32>} : memref<320x128xf32, #tpu.memory_space<vmem>>, vector<1x16xf32>,
        %get3A_1443 = vector.shape_cast %get3A_1442 : vector<1x16xf32> to vector<16xf32>
        %mul3A_1444 = vector.broadcast %squeeze3A_1428 : f32 to vector<16xf32>
        %mul3A_1445 = arith.mulf %mul3A_1444, %get3A_1443 : vector<16xf32>
        %add3A_1446 = arith.addf %add3A_1408, %mul3A_1445 : vector<16xf32>
        %add3A_1447 = arith.constant 18 : i32
        %add3A_1448 = arith.addi %add3A_737, %add3A_1447 : i32
        %get3A_1449 = arith.index_cast %add3A_1448 : i32 to index
        %get3A_1450 = arith.constant 32 : index
        %get3A_1451 = tpu.vector_load %arg15[%get3A_1449, %get3A_1450] {strides = array<i32>} : memref<320x128xf32, #tpu.memory_space<vmem>>, vector<1x16xf32>,
        %get3A_1452 = vector.shape_cast %get3A_1451 : vector<1x16xf32> to vector<16xf32>
        %mul3A_1453 = vector.broadcast %squeeze3A_1428 : f32 to vector<16xf32>
        %mul3A_1454 = arith.mulf %mul3A_1453, %get3A_1452 : vector<16xf32>
        %add3A_1455 = arith.addf %add3A_1417, %mul3A_1454 : vector<16xf32>
        %add3A_1456 = arith.constant 18 : i32
        %add3A_1457 = arith.addi %add3A_737, %add3A_1456 : i32
        %get3A_1458 = arith.index_cast %add3A_1457 : i32 to index
        %get3A_1459 = arith.constant 48 : index
        %get3A_1460 = tpu.vector_load %arg15[%get3A_1458, %get3A_1459] {strides = array<i32>} : memref<320x128xf32, #tpu.memory_space<vmem>>, vector<1x16xf32>,
        %get3A_1461 = vector.shape_cast %get3A_1460 : vector<1x16xf32> to vector<16xf32>
        %mul3A_1462 = vector.broadcast %squeeze3A_1428 : f32 to vector<16xf32>
        %mul3A_1463 = arith.mulf %mul3A_1462, %get3A_1461 : vector<16xf32>
        %add3A_1464 = arith.addf %add3A_1426, %mul3A_1463 : vector<16xf32>
        %slice3A_1465 = vector.extract_strided_slice %get3A_735 {offsets = [15], sizes = [1], strides = [1]} : vector<16xf32> to vector<1xf32>
        %squeeze3A_1466 = vector.extract %slice3A_1465[0] : f32 from vector<1xf32>
        %add3A_1467 = arith.constant 19 : i32
        %add3A_1468 = arith.addi %add3A_737, %add3A_1467 : i32
        %get3A_1469 = arith.index_cast %add3A_1468 : i32 to index
        %get3A_1470 = arith.constant 0 : index
        %get3A_1471 = tpu.vector_load %arg15[%get3A_1469, %get3A_1470] {strides = array<i32>} : memref<320x128xf32, #tpu.memory_space<vmem>>, vector<1x16xf32>,
        %get3A_1472 = vector.shape_cast %get3A_1471 : vector<1x16xf32> to vector<16xf32>
        %mul3A_1473 = vector.broadcast %squeeze3A_1466 : f32 to vector<16xf32>
        %mul3A_1474 = arith.mulf %mul3A_1473, %get3A_1472 : vector<16xf32>
        %add3A_1475 = arith.addf %add3A_1437, %mul3A_1474 : vector<16xf32>
        %add3A_1476 = arith.constant 19 : i32
        %add3A_1477 = arith.addi %add3A_737, %add3A_1476 : i32
        %get3A_1478 = arith.index_cast %add3A_1477 : i32 to index
        %get3A_1479 = arith.constant 16 : index
        %get3A_1480 = tpu.vector_load %arg15[%get3A_1478, %get3A_1479] {strides = array<i32>} : memref<320x128xf32, #tpu.memory_space<vmem>>, vector<1x16xf32>,
        %get3A_1481 = vector.shape_cast %get3A_1480 : vector<1x16xf32> to vector<16xf32>
        %mul3A_1482 = vector.broadcast %squeeze3A_1466 : f32 to vector<16xf32>
        %mul3A_1483 = arith.mulf %mul3A_1482, %get3A_1481 : vector<16xf32>
        %add3A_1484 = arith.addf %add3A_1446, %mul3A_1483 : vector<16xf32>
        %add3A_1485 = arith.constant 19 : i32
        %add3A_1486 = arith.addi %add3A_737, %add3A_1485 : i32
        %get3A_1487 = arith.index_cast %add3A_1486 : i32 to index
        %get3A_1488 = arith.constant 32 : index
        %get3A_1489 = tpu.vector_load %arg15[%get3A_1487, %get3A_1488] {strides = array<i32>} : memref<320x128xf32, #tpu.memory_space<vmem>>, vector<1x16xf32>,
        %get3A_1490 = vector.shape_cast %get3A_1489 : vector<1x16xf32> to vector<16xf32>
        %mul3A_1491 = vector.broadcast %squeeze3A_1466 : f32 to vector<16xf32>
        %mul3A_1492 = arith.mulf %mul3A_1491, %get3A_1490 : vector<16xf32>
        %add3A_1493 = arith.addf %add3A_1455, %mul3A_1492 : vector<16xf32>
        %add3A_1494 = arith.constant 19 : i32
        %add3A_1495 = arith.addi %add3A_737, %add3A_1494 : i32
        %get3A_1496 = arith.index_cast %add3A_1495 : i32 to index
        %get3A_1497 = arith.constant 48 : index
        %get3A_1498 = tpu.vector_load %arg15[%get3A_1496, %get3A_1497] {strides = array<i32>} : memref<320x128xf32, #tpu.memory_space<vmem>>, vector<1x16xf32>,
        %get3A_1499 = vector.shape_cast %get3A_1498 : vector<1x16xf32> to vector<16xf32>
        %mul3A_1500 = vector.broadcast %squeeze3A_1466 : f32 to vector<16xf32>
        %mul3A_1501 = arith.mulf %mul3A_1500, %get3A_1499 : vector<16xf32>
        %add3A_1502 = arith.addf %add3A_1464, %mul3A_1501 : vector<16xf32>
        %mul3A_1503 = arith.constant 64 : i32
        %mul3A_1504 = arith.muli %scan3A_723, %mul3A_1503 : i32
        %add3A_1505 = arith.constant 128 : i32
        %add3A_1506 = arith.addi %add3A_1505, %mul3A_1504 : i32
        %add3A_1507 = arith.constant 0 : i32
        %add3A_1508 = arith.addi %add3A_1506, %add3A_1507 : i32
        %swap3A_1509 = arith.index_cast %select_n3A_437 : i32 to index
        %swap3A_1510 = arith.index_cast %select_n3A_486 : i32 to index
        %swap3A_1511 = arith.index_cast %add3A_1508 : i32 to index
        %swap3A_1512 = tpu.vector_load %arg16[%swap3A_1509, %swap3A_1510, %swap3A_1511] {strides = array<i32>} : memref<2x8x384xf32, #tpu.memory_space<vmem>>, vector<1x1x16xf32>,
        %swap3A_1513 = vector.shape_cast %swap3A_1512 : vector<1x1x16xf32> to vector<16xf32>
        %swap3A_1514 = vector.shape_cast %add3A_1475 : vector<16xf32> to vector<1x1x16xf32>
        tpu.vector_store %arg16[%swap3A_1509, %swap3A_1510, %swap3A_1511], %swap3A_1514 {strides = array<i32>} : memref<2x8x384xf32, #tpu.memory_space<vmem>>, vector<1x1x16xf32>,
        %mul3A_1515 = arith.constant 64 : i32
        %mul3A_1516 = arith.muli %scan3A_723, %mul3A_1515 : i32
        %add3A_1517 = arith.constant 128 : i32
        %add3A_1518 = arith.addi %add3A_1517, %mul3A_1516 : i32
        %add3A_1519 = arith.constant 16 : i32
        %add3A_1520 = arith.addi %add3A_1518, %add3A_1519 : i32
        %swap3A_1521 = arith.index_cast %select_n3A_437 : i32 to index
        %swap3A_1522 = arith.index_cast %select_n3A_486 : i32 to index
        %swap3A_1523 = arith.index_cast %add3A_1520 : i32 to index
        %swap3A_1524 = tpu.vector_load %arg16[%swap3A_1521, %swap3A_1522, %swap3A_1523] {strides = array<i32>} : memref<2x8x384xf32, #tpu.memory_space<vmem>>, vector<1x1x16xf32>,
        %swap3A_1525 = vector.shape_cast %swap3A_1524 : vector<1x1x16xf32> to vector<16xf32>
        %swap3A_1526 = vector.shape_cast %add3A_1484 : vector<16xf32> to vector<1x1x16xf32>
        tpu.vector_store %arg16[%swap3A_1521, %swap3A_1522, %swap3A_1523], %swap3A_1526 {strides = array<i32>} : memref<2x8x384xf32, #tpu.memory_space<vmem>>, vector<1x1x16xf32>,
        %mul3A_1527 = arith.constant 64 : i32
        %mul3A_1528 = arith.muli %scan3A_723, %mul3A_1527 : i32
        %add3A_1529 = arith.constant 128 : i32
        %add3A_1530 = arith.addi %add3A_1529, %mul3A_1528 : i32
        %add3A_1531 = arith.constant 32 : i32
        %add3A_1532 = arith.addi %add3A_1530, %add3A_1531 : i32
        %swap3A_1533 = arith.index_cast %select_n3A_437 : i32 to index
        %swap3A_1534 = arith.index_cast %select_n3A_486 : i32 to index
        %swap3A_1535 = arith.index_cast %add3A_1532 : i32 to index
        %swap3A_1536 = tpu.vector_load %arg16[%swap3A_1533, %swap3A_1534, %swap3A_1535] {strides = array<i32>} : memref<2x8x384xf32, #tpu.memory_space<vmem>>, vector<1x1x16xf32>,
        %swap3A_1537 = vector.shape_cast %swap3A_1536 : vector<1x1x16xf32> to vector<16xf32>
        %swap3A_1538 = vector.shape_cast %add3A_1493 : vector<16xf32> to vector<1x1x16xf32>
        tpu.vector_store %arg16[%swap3A_1533, %swap3A_1534, %swap3A_1535], %swap3A_1538 {strides = array<i32>} : memref<2x8x384xf32, #tpu.memory_space<vmem>>, vector<1x1x16xf32>,
        %mul3A_1539 = arith.constant 64 : i32
        %mul3A_1540 = arith.muli %scan3A_723, %mul3A_1539 : i32
        %add3A_1541 = arith.constant 128 : i32
        %add3A_1542 = arith.addi %add3A_1541, %mul3A_1540 : i32
        %add3A_1543 = arith.constant 48 : i32
        %add3A_1544 = arith.addi %add3A_1542, %add3A_1543 : i32
        %swap3A_1545 = arith.index_cast %select_n3A_437 : i32 to index
        %swap3A_1546 = arith.index_cast %select_n3A_486 : i32 to index
        %swap3A_1547 = arith.index_cast %add3A_1544 : i32 to index
        %swap3A_1548 = tpu.vector_load %arg16[%swap3A_1545, %swap3A_1546, %swap3A_1547] {strides = array<i32>} : memref<2x8x384xf32, #tpu.memory_space<vmem>>, vector<1x1x16xf32>,
        %swap3A_1549 = vector.shape_cast %swap3A_1548 : vector<1x1x16xf32> to vector<16xf32>
        %swap3A_1550 = vector.shape_cast %add3A_1502 : vector<16xf32> to vector<1x1x16xf32>
        tpu.vector_store %arg16[%swap3A_1545, %swap3A_1546, %swap3A_1547], %swap3A_1550 {strides = array<i32>} : memref<2x8x384xf32, #tpu.memory_space<vmem>>, vector<1x1x16xf32>,
      }
      %scan3A_492 = arith.constant 4 : i32
      %get3A_493 = arith.index_cast %add3A_470 : i32 to index
      %get3A_494 = arith.constant 0 : index
      %get3A_495 = tpu.vector_load %arg14[%get3A_493, %get3A_494] {strides = array<i32>} : memref<64x128xf32, #tpu.memory_space<vmem>>, vector<1x16xf32>,
      %get3A_496 = vector.shape_cast %get3A_495 : vector<1x16xf32> to vector<16xf32>
      %swap3A_497 = arith.index_cast %select_n3A_437 : i32 to index
      %swap3A_498 = arith.index_cast %select_n3A_486 : i32 to index
      %swap3A_499 = arith.constant 0 : index
      %swap3A_500 = tpu.vector_load %arg16[%swap3A_497, %swap3A_498, %swap3A_499] {strides = array<i32>} : memref<2x8x384xf32, #tpu.memory_space<vmem>>, vector<1x1x16xf32>,
      %swap3A_501 = vector.shape_cast %swap3A_500 : vector<1x1x16xf32> to vector<16xf32>
      %swap3A_502 = vector.shape_cast %get3A_496 : vector<16xf32> to vector<1x1x16xf32>
      tpu.vector_store %arg16[%swap3A_497, %swap3A_498, %swap3A_499], %swap3A_502 {strides = array<i32>} : memref<2x8x384xf32, #tpu.memory_space<vmem>>, vector<1x1x16xf32>,
      %get3A_503 = arith.index_cast %add3A_470 : i32 to index
      %get3A_504 = arith.constant 16 : index
      %get3A_505 = tpu.vector_load %arg14[%get3A_503, %get3A_504] {strides = array<i32>} : memref<64x128xf32, #tpu.memory_space<vmem>>, vector<1x16xf32>,
      %get3A_506 = vector.shape_cast %get3A_505 : vector<1x16xf32> to vector<16xf32>
      %swap3A_507 = arith.index_cast %select_n3A_437 : i32 to index
      %swap3A_508 = arith.index_cast %select_n3A_486 : i32 to index
      %swap3A_509 = arith.constant 16 : index
      %swap3A_510 = tpu.vector_load %arg16[%swap3A_507, %swap3A_508, %swap3A_509] {strides = array<i32>} : memref<2x8x384xf32, #tpu.memory_space<vmem>>, vector<1x1x16xf32>,
      %swap3A_511 = vector.shape_cast %swap3A_510 : vector<1x1x16xf32> to vector<16xf32>
      %swap3A_512 = vector.shape_cast %get3A_506 : vector<16xf32> to vector<1x1x16xf32>
      tpu.vector_store %arg16[%swap3A_507, %swap3A_508, %swap3A_509], %swap3A_512 {strides = array<i32>} : memref<2x8x384xf32, #tpu.memory_space<vmem>>, vector<1x1x16xf32>,
      %get3A_513 = arith.index_cast %add3A_470 : i32 to index
      %get3A_514 = arith.constant 32 : index
      %get3A_515 = tpu.vector_load %arg14[%get3A_513, %get3A_514] {strides = array<i32>} : memref<64x128xf32, #tpu.memory_space<vmem>>, vector<1x16xf32>,
      %get3A_516 = vector.shape_cast %get3A_515 : vector<1x16xf32> to vector<16xf32>
      %swap3A_517 = arith.index_cast %select_n3A_437 : i32 to index
      %swap3A_518 = arith.index_cast %select_n3A_486 : i32 to index
      %swap3A_519 = arith.constant 32 : index
      %swap3A_520 = tpu.vector_load %arg16[%swap3A_517, %swap3A_518, %swap3A_519] {strides = array<i32>} : memref<2x8x384xf32, #tpu.memory_space<vmem>>, vector<1x1x16xf32>,
      %swap3A_521 = vector.shape_cast %swap3A_520 : vector<1x1x16xf32> to vector<16xf32>
      %swap3A_522 = vector.shape_cast %get3A_516 : vector<16xf32> to vector<1x1x16xf32>
      tpu.vector_store %arg16[%swap3A_517, %swap3A_518, %swap3A_519], %swap3A_522 {strides = array<i32>} : memref<2x8x384xf32, #tpu.memory_space<vmem>>, vector<1x1x16xf32>,
      %get3A_523 = arith.index_cast %add3A_470 : i32 to index
      %get3A_524 = arith.constant 48 : index
      %get3A_525 = tpu.vector_load %arg14[%get3A_523, %get3A_524] {strides = array<i32>} : memref<64x128xf32, #tpu.memory_space<vmem>>, vector<1x16xf32>,
      %get3A_526 = vector.shape_cast %get3A_525 : vector<1x16xf32> to vector<16xf32>
      %swap3A_527 = arith.index_cast %select_n3A_437 : i32 to index
      %swap3A_528 = arith.index_cast %select_n3A_486 : i32 to index
      %swap3A_529 = arith.constant 48 : index
      %swap3A_530 = tpu.vector_load %arg16[%swap3A_527, %swap3A_528, %swap3A_529] {strides = array<i32>} : memref<2x8x384xf32, #tpu.memory_space<vmem>>, vector<1x1x16xf32>,
      %swap3A_531 = vector.shape_cast %swap3A_530 : vector<1x1x16xf32> to vector<16xf32>
      %swap3A_532 = vector.shape_cast %get3A_526 : vector<16xf32> to vector<1x1x16xf32>
      tpu.vector_store %arg16[%swap3A_527, %swap3A_528, %swap3A_529], %swap3A_532 {strides = array<i32>} : memref<2x8x384xf32, #tpu.memory_space<vmem>>, vector<1x1x16xf32>,
      %get3A_533 = arith.index_cast %add3A_470 : i32 to index
      %get3A_534 = arith.constant 64 : index
      %get3A_535 = tpu.vector_load %arg14[%get3A_533, %get3A_534] {strides = array<i32>} : memref<64x128xf32, #tpu.memory_space<vmem>>, vector<1x16xf32>,
      %get3A_536 = vector.shape_cast %get3A_535 : vector<1x16xf32> to vector<16xf32>
      %swap3A_537 = arith.index_cast %select_n3A_437 : i32 to index
      %swap3A_538 = arith.index_cast %select_n3A_486 : i32 to index
      %swap3A_539 = arith.constant 64 : index
      %swap3A_540 = tpu.vector_load %arg16[%swap3A_537, %swap3A_538, %swap3A_539] {strides = array<i32>} : memref<2x8x384xf32, #tpu.memory_space<vmem>>, vector<1x1x16xf32>,
      %swap3A_541 = vector.shape_cast %swap3A_540 : vector<1x1x16xf32> to vector<16xf32>
      %swap3A_542 = vector.shape_cast %get3A_536 : vector<16xf32> to vector<1x1x16xf32>
      tpu.vector_store %arg16[%swap3A_537, %swap3A_538, %swap3A_539], %swap3A_542 {strides = array<i32>} : memref<2x8x384xf32, #tpu.memory_space<vmem>>, vector<1x1x16xf32>,
      %get3A_543 = arith.index_cast %add3A_470 : i32 to index
      %get3A_544 = arith.constant 80 : index
      %get3A_545 = tpu.vector_load %arg14[%get3A_543, %get3A_544] {strides = array<i32>} : memref<64x128xf32, #tpu.memory_space<vmem>>, vector<1x16xf32>,
      %get3A_546 = vector.shape_cast %get3A_545 : vector<1x16xf32> to vector<16xf32>
      %swap3A_547 = arith.index_cast %select_n3A_437 : i32 to index
      %swap3A_548 = arith.index_cast %select_n3A_486 : i32 to index
      %swap3A_549 = arith.constant 80 : index
      %swap3A_550 = tpu.vector_load %arg16[%swap3A_547, %swap3A_548, %swap3A_549] {strides = array<i32>} : memref<2x8x384xf32, #tpu.memory_space<vmem>>, vector<1x1x16xf32>,
      %swap3A_551 = vector.shape_cast %swap3A_550 : vector<1x1x16xf32> to vector<16xf32>
      %swap3A_552 = vector.shape_cast %get3A_546 : vector<16xf32> to vector<1x1x16xf32>
      tpu.vector_store %arg16[%swap3A_547, %swap3A_548, %swap3A_549], %swap3A_552 {strides = array<i32>} : memref<2x8x384xf32, #tpu.memory_space<vmem>>, vector<1x1x16xf32>,
      %get3A_553 = arith.index_cast %add3A_470 : i32 to index
      %get3A_554 = arith.constant 96 : index
      %get3A_555 = tpu.vector_load %arg14[%get3A_553, %get3A_554] {strides = array<i32>} : memref<64x128xf32, #tpu.memory_space<vmem>>, vector<1x16xf32>,
      %get3A_556 = vector.shape_cast %get3A_555 : vector<1x16xf32> to vector<16xf32>
      %swap3A_557 = arith.index_cast %select_n3A_437 : i32 to index
      %swap3A_558 = arith.index_cast %select_n3A_486 : i32 to index
      %swap3A_559 = arith.constant 96 : index
      %swap3A_560 = tpu.vector_load %arg16[%swap3A_557, %swap3A_558, %swap3A_559] {strides = array<i32>} : memref<2x8x384xf32, #tpu.memory_space<vmem>>, vector<1x1x16xf32>,
      %swap3A_561 = vector.shape_cast %swap3A_560 : vector<1x1x16xf32> to vector<16xf32>
      %swap3A_562 = vector.shape_cast %get3A_556 : vector<16xf32> to vector<1x1x16xf32>
      tpu.vector_store %arg16[%swap3A_557, %swap3A_558, %swap3A_559], %swap3A_562 {strides = array<i32>} : memref<2x8x384xf32, #tpu.memory_space<vmem>>, vector<1x1x16xf32>,
      %get3A_563 = arith.index_cast %add3A_470 : i32 to index
      %get3A_564 = arith.constant 112 : index
      %get3A_565 = tpu.vector_load %arg14[%get3A_563, %get3A_564] {strides = array<i32>} : memref<64x128xf32, #tpu.memory_space<vmem>>, vector<1x16xf32>,
      %get3A_566 = vector.shape_cast %get3A_565 : vector<1x16xf32> to vector<16xf32>
      %swap3A_567 = arith.index_cast %select_n3A_437 : i32 to index
      %swap3A_568 = arith.index_cast %select_n3A_486 : i32 to index
      %swap3A_569 = arith.constant 112 : index
      %swap3A_570 = tpu.vector_load %arg16[%swap3A_567, %swap3A_568, %swap3A_569] {strides = array<i32>} : memref<2x8x384xf32, #tpu.memory_space<vmem>>, vector<1x1x16xf32>,
      %swap3A_571 = vector.shape_cast %swap3A_570 : vector<1x1x16xf32> to vector<16xf32>
      %swap3A_572 = vector.shape_cast %get3A_566 : vector<16xf32> to vector<1x1x16xf32>
      tpu.vector_store %arg16[%swap3A_567, %swap3A_568, %swap3A_569], %swap3A_572 {strides = array<i32>} : memref<2x8x384xf32, #tpu.memory_space<vmem>>, vector<1x1x16xf32>,
      %mul3A_573 = arith.constant 2 : i32
      %mul3A_574 = arith.muli %add3A_397, %mul3A_573 : i32
      %add3A_575 = arith.constant 1 : i32
      %add3A_576 = arith.addi %mul3A_574, %add3A_575 : i32
      %jit3A_577 = arith.constant 8 : i32
      %eq3A_578 = arith.constant 0 : i32
      %eq3A_579 = arith.cmpi eq, %jit3A_577, %eq3A_578 : i32
      %jit3A_580 = arith.constant 1 : i32
      %select_n3A_581 = arith.select %eq3A_579, %jit3A_580, %jit3A_577 : i32
      %rem3A_582 = arith.remsi %add3A_576, %select_n3A_581 : i32
      %ne3A_583 = arith.constant 0 : i32
      %ne3A_584 = arith.cmpi ne, %rem3A_582, %ne3A_583 : i32
      %lt3A_585 = arith.constant 0 : i32
      %lt3A_586 = arith.cmpi slt, %rem3A_582, %lt3A_585 : i32
      %lt3A_587 = arith.constant 0 : i32
      %lt3A_588 = arith.cmpi slt, %select_n3A_581, %lt3A_587 : i32
      %ne3A_589 = arith.xori %lt3A_586, %lt3A_588 : i1
      %and3A_590 = arith.andi %ne3A_589, %ne3A_584 : i1
      %add3A_591 = arith.addi %rem3A_582, %select_n3A_581 : i32
      %select_n3A_592 = arith.select %and3A_590, %add3A_591, %rem3A_582 : i32
      %scan3A_593 = arith.constant 0 : i32
      %scan3A_594 = arith.constant 0 : i32
      %scan3A_595 = arith.constant 4 : i32
      %scan3A_596 = arith.addi %scan3A_594, %scan3A_595 : i32
      %scan3A_597 = arith.constant 1 : i32
      scf.for %scan3A_723 = %scan3A_594 to %scan3A_596 step %scan3A_597  : i32 {
        %mul3A_724 = arith.constant 20 : i32
        %mul3A_725 = arith.muli %scan3A_723, %mul3A_724 : i32
        %get3A_726 = arith.index_cast %add3A_576 : i32 to index
        %get3A_727 = arith.index_cast %mul3A_725 : i32 to index
        %get3A_728 = tpu.vector_load %arg12[%get3A_726, %get3A_727] {strides = array<i32>} : memref<64x80xf32, #tpu.memory_space<vmem>>, vector<1x16xf32>,
        %get3A_729 = vector.shape_cast %get3A_728 : vector<1x16xf32> to vector<16xf32>
        %add3A_730 = arith.constant 4 : i32
        %add3A_731 = arith.addi %mul3A_725, %add3A_730 : i32
        %get3A_732 = arith.index_cast %add3A_576 : i32 to index
        %get3A_733 = arith.index_cast %add3A_731 : i32 to index
        %get3A_734 = tpu.vector_load %arg12[%get3A_732, %get3A_733] {strides = array<i32>} : memref<64x80xf32, #tpu.memory_space<vmem>>, vector<1x16xf32>,
        %get3A_735 = vector.shape_cast %get3A_734 : vector<1x16xf32> to vector<16xf32>
        %add3A_736 = arith.constant 240 : i32
        %add3A_737 = arith.addi %add3A_736, %mul3A_725 : i32
        %broadcast_in_dim3A = arith.constant 0.000000e+00 : f32
        %broadcast_in_dim3A_738 = vector.broadcast %broadcast_in_dim3A : f32 to vector<16xf32>
        %broadcast_in_dim3A_739 = arith.constant 0.000000e+00 : f32
        %broadcast_in_dim3A_740 = vector.broadcast %broadcast_in_dim3A_739 : f32 to vector<16xf32>
        %broadcast_in_dim3A_741 = arith.constant 0.000000e+00 : f32
        %broadcast_in_dim3A_742 = vector.broadcast %broadcast_in_dim3A_741 : f32 to vector<16xf32>
        %broadcast_in_dim3A_743 = arith.constant 0.000000e+00 : f32
        %broadcast_in_dim3A_744 = vector.broadcast %broadcast_in_dim3A_743 : f32 to vector<16xf32>
        %slice3A = vector.extract_strided_slice %get3A_729 {offsets = [0], sizes = [1], strides = [1]} : vector<16xf32> to vector<1xf32>
        %squeeze3A = vector.extract %slice3A[0] : f32 from vector<1xf32>
        %add3A_745 = arith.constant 0 : i32
        %add3A_746 = arith.addi %add3A_737, %add3A_745 : i32
        %get3A_747 = arith.index_cast %add3A_746 : i32 to index
        %get3A_748 = arith.constant 0 : index
        %get3A_749 = tpu.vector_load %arg15[%get3A_747, %get3A_748] {strides = array<i32>} : memref<320x128xf32, #tpu.memory_space<vmem>>, vector<1x16xf32>,
        %get3A_750 = vector.shape_cast %get3A_749 : vector<1x16xf32> to vector<16xf32>
        %mul3A_751 = vector.broadcast %squeeze3A : f32 to vector<16xf32>
        %mul3A_752 = arith.mulf %mul3A_751, %get3A_750 : vector<16xf32>
        %add3A_753 = arith.addf %broadcast_in_dim3A_738, %mul3A_752 : vector<16xf32>
        %add3A_754 = arith.constant 0 : i32
        %add3A_755 = arith.addi %add3A_737, %add3A_754 : i32
        %get3A_756 = arith.index_cast %add3A_755 : i32 to index
        %get3A_757 = arith.constant 16 : index
        %get3A_758 = tpu.vector_load %arg15[%get3A_756, %get3A_757] {strides = array<i32>} : memref<320x128xf32, #tpu.memory_space<vmem>>, vector<1x16xf32>,
        %get3A_759 = vector.shape_cast %get3A_758 : vector<1x16xf32> to vector<16xf32>
        %mul3A_760 = vector.broadcast %squeeze3A : f32 to vector<16xf32>
        %mul3A_761 = arith.mulf %mul3A_760, %get3A_759 : vector<16xf32>
        %add3A_762 = arith.addf %broadcast_in_dim3A_740, %mul3A_761 : vector<16xf32>
        %add3A_763 = arith.constant 0 : i32
        %add3A_764 = arith.addi %add3A_737, %add3A_763 : i32
        %get3A_765 = arith.index_cast %add3A_764 : i32 to index
        %get3A_766 = arith.constant 32 : index
        %get3A_767 = tpu.vector_load %arg15[%get3A_765, %get3A_766] {strides = array<i32>} : memref<320x128xf32, #tpu.memory_space<vmem>>, vector<1x16xf32>,
        %get3A_768 = vector.shape_cast %get3A_767 : vector<1x16xf32> to vector<16xf32>
        %mul3A_769 = vector.broadcast %squeeze3A : f32 to vector<16xf32>
        %mul3A_770 = arith.mulf %mul3A_769, %get3A_768 : vector<16xf32>
        %add3A_771 = arith.addf %broadcast_in_dim3A_742, %mul3A_770 : vector<16xf32>
        %add3A_772 = arith.constant 0 : i32
        %add3A_773 = arith.addi %add3A_737, %add3A_772 : i32
        %get3A_774 = arith.index_cast %add3A_773 : i32 to index
        %get3A_775 = arith.constant 48 : index
        %get3A_776 = tpu.vector_load %arg15[%get3A_774, %get3A_775] {strides = array<i32>} : memref<320x128xf32, #tpu.memory_space<vmem>>, vector<1x16xf32>,
        %get3A_777 = vector.shape_cast %get3A_776 : vector<1x16xf32> to vector<16xf32>
        %mul3A_778 = vector.broadcast %squeeze3A : f32 to vector<16xf32>
        %mul3A_779 = arith.mulf %mul3A_778, %get3A_777 : vector<16xf32>
        %add3A_780 = arith.addf %broadcast_in_dim3A_744, %mul3A_779 : vector<16xf32>
        %slice3A_781 = vector.extract_strided_slice %get3A_729 {offsets = [1], sizes = [1], strides = [1]} : vector<16xf32> to vector<1xf32>
        %squeeze3A_782 = vector.extract %slice3A_781[0] : f32 from vector<1xf32>
        %add3A_783 = arith.constant 1 : i32
        %add3A_784 = arith.addi %add3A_737, %add3A_783 : i32
        %get3A_785 = arith.index_cast %add3A_784 : i32 to index
        %get3A_786 = arith.constant 0 : index
        %get3A_787 = tpu.vector_load %arg15[%get3A_785, %get3A_786] {strides = array<i32>} : memref<320x128xf32, #tpu.memory_space<vmem>>, vector<1x16xf32>,
        %get3A_788 = vector.shape_cast %get3A_787 : vector<1x16xf32> to vector<16xf32>
        %mul3A_789 = vector.broadcast %squeeze3A_782 : f32 to vector<16xf32>
        %mul3A_790 = arith.mulf %mul3A_789, %get3A_788 : vector<16xf32>
        %add3A_791 = arith.addf %add3A_753, %mul3A_790 : vector<16xf32>
        %add3A_792 = arith.constant 1 : i32
        %add3A_793 = arith.addi %add3A_737, %add3A_792 : i32
        %get3A_794 = arith.index_cast %add3A_793 : i32 to index
        %get3A_795 = arith.constant 16 : index
        %get3A_796 = tpu.vector_load %arg15[%get3A_794, %get3A_795] {strides = array<i32>} : memref<320x128xf32, #tpu.memory_space<vmem>>, vector<1x16xf32>,
        %get3A_797 = vector.shape_cast %get3A_796 : vector<1x16xf32> to vector<16xf32>
        %mul3A_798 = vector.broadcast %squeeze3A_782 : f32 to vector<16xf32>
        %mul3A_799 = arith.mulf %mul3A_798, %get3A_797 : vector<16xf32>
        %add3A_800 = arith.addf %add3A_762, %mul3A_799 : vector<16xf32>
        %add3A_801 = arith.constant 1 : i32
        %add3A_802 = arith.addi %add3A_737, %add3A_801 : i32
        %get3A_803 = arith.index_cast %add3A_802 : i32 to index
        %get3A_804 = arith.constant 32 : index
        %get3A_805 = tpu.vector_load %arg15[%get3A_803, %get3A_804] {strides = array<i32>} : memref<320x128xf32, #tpu.memory_space<vmem>>, vector<1x16xf32>,
        %get3A_806 = vector.shape_cast %get3A_805 : vector<1x16xf32> to vector<16xf32>
        %mul3A_807 = vector.broadcast %squeeze3A_782 : f32 to vector<16xf32>
        %mul3A_808 = arith.mulf %mul3A_807, %get3A_806 : vector<16xf32>
        %add3A_809 = arith.addf %add3A_771, %mul3A_808 : vector<16xf32>
        %add3A_810 = arith.constant 1 : i32
        %add3A_811 = arith.addi %add3A_737, %add3A_810 : i32
        %get3A_812 = arith.index_cast %add3A_811 : i32 to index
        %get3A_813 = arith.constant 48 : index
        %get3A_814 = tpu.vector_load %arg15[%get3A_812, %get3A_813] {strides = array<i32>} : memref<320x128xf32, #tpu.memory_space<vmem>>, vector<1x16xf32>,
        %get3A_815 = vector.shape_cast %get3A_814 : vector<1x16xf32> to vector<16xf32>
        %mul3A_816 = vector.broadcast %squeeze3A_782 : f32 to vector<16xf32>
        %mul3A_817 = arith.mulf %mul3A_816, %get3A_815 : vector<16xf32>
        %add3A_818 = arith.addf %add3A_780, %mul3A_817 : vector<16xf32>
        %slice3A_819 = vector.extract_strided_slice %get3A_729 {offsets = [2], sizes = [1], strides = [1]} : vector<16xf32> to vector<1xf32>
        %squeeze3A_820 = vector.extract %slice3A_819[0] : f32 from vector<1xf32>
        %add3A_821 = arith.constant 2 : i32
        %add3A_822 = arith.addi %add3A_737, %add3A_821 : i32
        %get3A_823 = arith.index_cast %add3A_822 : i32 to index
        %get3A_824 = arith.constant 0 : index
        %get3A_825 = tpu.vector_load %arg15[%get3A_823, %get3A_824] {strides = array<i32>} : memref<320x128xf32, #tpu.memory_space<vmem>>, vector<1x16xf32>,
        %get3A_826 = vector.shape_cast %get3A_825 : vector<1x16xf32> to vector<16xf32>
        %mul3A_827 = vector.broadcast %squeeze3A_820 : f32 to vector<16xf32>
        %mul3A_828 = arith.mulf %mul3A_827, %get3A_826 : vector<16xf32>
        %add3A_829 = arith.addf %add3A_791, %mul3A_828 : vector<16xf32>
        %add3A_830 = arith.constant 2 : i32
        %add3A_831 = arith.addi %add3A_737, %add3A_830 : i32
        %get3A_832 = arith.index_cast %add3A_831 : i32 to index
        %get3A_833 = arith.constant 16 : index
        %get3A_834 = tpu.vector_load %arg15[%get3A_832, %get3A_833] {strides = array<i32>} : memref<320x128xf32, #tpu.memory_space<vmem>>, vector<1x16xf32>,
        %get3A_835 = vector.shape_cast %get3A_834 : vector<1x16xf32> to vector<16xf32>
        %mul3A_836 = vector.broadcast %squeeze3A_820 : f32 to vector<16xf32>
        %mul3A_837 = arith.mulf %mul3A_836, %get3A_835 : vector<16xf32>
        %add3A_838 = arith.addf %add3A_800, %mul3A_837 : vector<16xf32>
        %add3A_839 = arith.constant 2 : i32
        %add3A_840 = arith.addi %add3A_737, %add3A_839 : i32
        %get3A_841 = arith.index_cast %add3A_840 : i32 to index
        %get3A_842 = arith.constant 32 : index
        %get3A_843 = tpu.vector_load %arg15[%get3A_841, %get3A_842] {strides = array<i32>} : memref<320x128xf32, #tpu.memory_space<vmem>>, vector<1x16xf32>,
        %get3A_844 = vector.shape_cast %get3A_843 : vector<1x16xf32> to vector<16xf32>
        %mul3A_845 = vector.broadcast %squeeze3A_820 : f32 to vector<16xf32>
        %mul3A_846 = arith.mulf %mul3A_845, %get3A_844 : vector<16xf32>
        %add3A_847 = arith.addf %add3A_809, %mul3A_846 : vector<16xf32>
        %add3A_848 = arith.constant 2 : i32
        %add3A_849 = arith.addi %add3A_737, %add3A_848 : i32
        %get3A_850 = arith.index_cast %add3A_849 : i32 to index
        %get3A_851 = arith.constant 48 : index
        %get3A_852 = tpu.vector_load %arg15[%get3A_850, %get3A_851] {strides = array<i32>} : memref<320x128xf32, #tpu.memory_space<vmem>>, vector<1x16xf32>,
        %get3A_853 = vector.shape_cast %get3A_852 : vector<1x16xf32> to vector<16xf32>
        %mul3A_854 = vector.broadcast %squeeze3A_820 : f32 to vector<16xf32>
        %mul3A_855 = arith.mulf %mul3A_854, %get3A_853 : vector<16xf32>
        %add3A_856 = arith.addf %add3A_818, %mul3A_855 : vector<16xf32>
        %slice3A_857 = vector.extract_strided_slice %get3A_729 {offsets = [3], sizes = [1], strides = [1]} : vector<16xf32> to vector<1xf32>
        %squeeze3A_858 = vector.extract %slice3A_857[0] : f32 from vector<1xf32>
        %add3A_859 = arith.constant 3 : i32
        %add3A_860 = arith.addi %add3A_737, %add3A_859 : i32
        %get3A_861 = arith.index_cast %add3A_860 : i32 to index
        %get3A_862 = arith.constant 0 : index
        %get3A_863 = tpu.vector_load %arg15[%get3A_861, %get3A_862] {strides = array<i32>} : memref<320x128xf32, #tpu.memory_space<vmem>>, vector<1x16xf32>,
        %get3A_864 = vector.shape_cast %get3A_863 : vector<1x16xf32> to vector<16xf32>
        %mul3A_865 = vector.broadcast %squeeze3A_858 : f32 to vector<16xf32>
        %mul3A_866 = arith.mulf %mul3A_865, %get3A_864 : vector<16xf32>
        %add3A_867 = arith.addf %add3A_829, %mul3A_866 : vector<16xf32>
        %add3A_868 = arith.constant 3 : i32
        %add3A_869 = arith.addi %add3A_737, %add3A_868 : i32
        %get3A_870 = arith.index_cast %add3A_869 : i32 to index
        %get3A_871 = arith.constant 16 : index
        %get3A_872 = tpu.vector_load %arg15[%get3A_870, %get3A_871] {strides = array<i32>} : memref<320x128xf32, #tpu.memory_space<vmem>>, vector<1x16xf32>,
        %get3A_873 = vector.shape_cast %get3A_872 : vector<1x16xf32> to vector<16xf32>
        %mul3A_874 = vector.broadcast %squeeze3A_858 : f32 to vector<16xf32>
        %mul3A_875 = arith.mulf %mul3A_874, %get3A_873 : vector<16xf32>
        %add3A_876 = arith.addf %add3A_838, %mul3A_875 : vector<16xf32>
        %add3A_877 = arith.constant 3 : i32
        %add3A_878 = arith.addi %add3A_737, %add3A_877 : i32
        %get3A_879 = arith.index_cast %add3A_878 : i32 to index
        %get3A_880 = arith.constant 32 : index
        %get3A_881 = tpu.vector_load %arg15[%get3A_879, %get3A_880] {strides = array<i32>} : memref<320x128xf32, #tpu.memory_space<vmem>>, vector<1x16xf32>,
        %get3A_882 = vector.shape_cast %get3A_881 : vector<1x16xf32> to vector<16xf32>
        %mul3A_883 = vector.broadcast %squeeze3A_858 : f32 to vector<16xf32>
        %mul3A_884 = arith.mulf %mul3A_883, %get3A_882 : vector<16xf32>
        %add3A_885 = arith.addf %add3A_847, %mul3A_884 : vector<16xf32>
        %add3A_886 = arith.constant 3 : i32
        %add3A_887 = arith.addi %add3A_737, %add3A_886 : i32
        %get3A_888 = arith.index_cast %add3A_887 : i32 to index
        %get3A_889 = arith.constant 48 : index
        %get3A_890 = tpu.vector_load %arg15[%get3A_888, %get3A_889] {strides = array<i32>} : memref<320x128xf32, #tpu.memory_space<vmem>>, vector<1x16xf32>,
        %get3A_891 = vector.shape_cast %get3A_890 : vector<1x16xf32> to vector<16xf32>
        %mul3A_892 = vector.broadcast %squeeze3A_858 : f32 to vector<16xf32>
        %mul3A_893 = arith.mulf %mul3A_892, %get3A_891 : vector<16xf32>
        %add3A_894 = arith.addf %add3A_856, %mul3A_893 : vector<16xf32>
        %slice3A_895 = vector.extract_strided_slice %get3A_729 {offsets = [4], sizes = [1], strides = [1]} : vector<16xf32> to vector<1xf32>
        %squeeze3A_896 = vector.extract %slice3A_895[0] : f32 from vector<1xf32>
        %add3A_897 = arith.constant 4 : i32
        %add3A_898 = arith.addi %add3A_737, %add3A_897 : i32
        %get3A_899 = arith.index_cast %add3A_898 : i32 to index
        %get3A_900 = arith.constant 0 : index
        %get3A_901 = tpu.vector_load %arg15[%get3A_899, %get3A_900] {strides = array<i32>} : memref<320x128xf32, #tpu.memory_space<vmem>>, vector<1x16xf32>,
        %get3A_902 = vector.shape_cast %get3A_901 : vector<1x16xf32> to vector<16xf32>
        %mul3A_903 = vector.broadcast %squeeze3A_896 : f32 to vector<16xf32>
        %mul3A_904 = arith.mulf %mul3A_903, %get3A_902 : vector<16xf32>
        %add3A_905 = arith.addf %add3A_867, %mul3A_904 : vector<16xf32>
        %add3A_906 = arith.constant 4 : i32
        %add3A_907 = arith.addi %add3A_737, %add3A_906 : i32
        %get3A_908 = arith.index_cast %add3A_907 : i32 to index
        %get3A_909 = arith.constant 16 : index
        %get3A_910 = tpu.vector_load %arg15[%get3A_908, %get3A_909] {strides = array<i32>} : memref<320x128xf32, #tpu.memory_space<vmem>>, vector<1x16xf32>,
        %get3A_911 = vector.shape_cast %get3A_910 : vector<1x16xf32> to vector<16xf32>
        %mul3A_912 = vector.broadcast %squeeze3A_896 : f32 to vector<16xf32>
        %mul3A_913 = arith.mulf %mul3A_912, %get3A_911 : vector<16xf32>
        %add3A_914 = arith.addf %add3A_876, %mul3A_913 : vector<16xf32>
        %add3A_915 = arith.constant 4 : i32
        %add3A_916 = arith.addi %add3A_737, %add3A_915 : i32
        %get3A_917 = arith.index_cast %add3A_916 : i32 to index
        %get3A_918 = arith.constant 32 : index
        %get3A_919 = tpu.vector_load %arg15[%get3A_917, %get3A_918] {strides = array<i32>} : memref<320x128xf32, #tpu.memory_space<vmem>>, vector<1x16xf32>,
        %get3A_920 = vector.shape_cast %get3A_919 : vector<1x16xf32> to vector<16xf32>
        %mul3A_921 = vector.broadcast %squeeze3A_896 : f32 to vector<16xf32>
        %mul3A_922 = arith.mulf %mul3A_921, %get3A_920 : vector<16xf32>
        %add3A_923 = arith.addf %add3A_885, %mul3A_922 : vector<16xf32>
        %add3A_924 = arith.constant 4 : i32
        %add3A_925 = arith.addi %add3A_737, %add3A_924 : i32
        %get3A_926 = arith.index_cast %add3A_925 : i32 to index
        %get3A_927 = arith.constant 48 : index
        %get3A_928 = tpu.vector_load %arg15[%get3A_926, %get3A_927] {strides = array<i32>} : memref<320x128xf32, #tpu.memory_space<vmem>>, vector<1x16xf32>,
        %get3A_929 = vector.shape_cast %get3A_928 : vector<1x16xf32> to vector<16xf32>
        %mul3A_930 = vector.broadcast %squeeze3A_896 : f32 to vector<16xf32>
        %mul3A_931 = arith.mulf %mul3A_930, %get3A_929 : vector<16xf32>
        %add3A_932 = arith.addf %add3A_894, %mul3A_931 : vector<16xf32>
        %slice3A_933 = vector.extract_strided_slice %get3A_729 {offsets = [5], sizes = [1], strides = [1]} : vector<16xf32> to vector<1xf32>
        %squeeze3A_934 = vector.extract %slice3A_933[0] : f32 from vector<1xf32>
        %add3A_935 = arith.constant 5 : i32
        %add3A_936 = arith.addi %add3A_737, %add3A_935 : i32
        %get3A_937 = arith.index_cast %add3A_936 : i32 to index
        %get3A_938 = arith.constant 0 : index
        %get3A_939 = tpu.vector_load %arg15[%get3A_937, %get3A_938] {strides = array<i32>} : memref<320x128xf32, #tpu.memory_space<vmem>>, vector<1x16xf32>,
        %get3A_940 = vector.shape_cast %get3A_939 : vector<1x16xf32> to vector<16xf32>
        %mul3A_941 = vector.broadcast %squeeze3A_934 : f32 to vector<16xf32>
        %mul3A_942 = arith.mulf %mul3A_941, %get3A_940 : vector<16xf32>
        %add3A_943 = arith.addf %add3A_905, %mul3A_942 : vector<16xf32>
        %add3A_944 = arith.constant 5 : i32
        %add3A_945 = arith.addi %add3A_737, %add3A_944 : i32
        %get3A_946 = arith.index_cast %add3A_945 : i32 to index
        %get3A_947 = arith.constant 16 : index
        %get3A_948 = tpu.vector_load %arg15[%get3A_946, %get3A_947] {strides = array<i32>} : memref<320x128xf32, #tpu.memory_space<vmem>>, vector<1x16xf32>,
        %get3A_949 = vector.shape_cast %get3A_948 : vector<1x16xf32> to vector<16xf32>
        %mul3A_950 = vector.broadcast %squeeze3A_934 : f32 to vector<16xf32>
        %mul3A_951 = arith.mulf %mul3A_950, %get3A_949 : vector<16xf32>
        %add3A_952 = arith.addf %add3A_914, %mul3A_951 : vector<16xf32>
        %add3A_953 = arith.constant 5 : i32
        %add3A_954 = arith.addi %add3A_737, %add3A_953 : i32
        %get3A_955 = arith.index_cast %add3A_954 : i32 to index
        %get3A_956 = arith.constant 32 : index
        %get3A_957 = tpu.vector_load %arg15[%get3A_955, %get3A_956] {strides = array<i32>} : memref<320x128xf32, #tpu.memory_space<vmem>>, vector<1x16xf32>,
        %get3A_958 = vector.shape_cast %get3A_957 : vector<1x16xf32> to vector<16xf32>
        %mul3A_959 = vector.broadcast %squeeze3A_934 : f32 to vector<16xf32>
        %mul3A_960 = arith.mulf %mul3A_959, %get3A_958 : vector<16xf32>
        %add3A_961 = arith.addf %add3A_923, %mul3A_960 : vector<16xf32>
        %add3A_962 = arith.constant 5 : i32
        %add3A_963 = arith.addi %add3A_737, %add3A_962 : i32
        %get3A_964 = arith.index_cast %add3A_963 : i32 to index
        %get3A_965 = arith.constant 48 : index
        %get3A_966 = tpu.vector_load %arg15[%get3A_964, %get3A_965] {strides = array<i32>} : memref<320x128xf32, #tpu.memory_space<vmem>>, vector<1x16xf32>,
        %get3A_967 = vector.shape_cast %get3A_966 : vector<1x16xf32> to vector<16xf32>
        %mul3A_968 = vector.broadcast %squeeze3A_934 : f32 to vector<16xf32>
        %mul3A_969 = arith.mulf %mul3A_968, %get3A_967 : vector<16xf32>
        %add3A_970 = arith.addf %add3A_932, %mul3A_969 : vector<16xf32>
        %slice3A_971 = vector.extract_strided_slice %get3A_729 {offsets = [6], sizes = [1], strides = [1]} : vector<16xf32> to vector<1xf32>
        %squeeze3A_972 = vector.extract %slice3A_971[0] : f32 from vector<1xf32>
        %add3A_973 = arith.constant 6 : i32
        %add3A_974 = arith.addi %add3A_737, %add3A_973 : i32
        %get3A_975 = arith.index_cast %add3A_974 : i32 to index
        %get3A_976 = arith.constant 0 : index
        %get3A_977 = tpu.vector_load %arg15[%get3A_975, %get3A_976] {strides = array<i32>} : memref<320x128xf32, #tpu.memory_space<vmem>>, vector<1x16xf32>,
        %get3A_978 = vector.shape_cast %get3A_977 : vector<1x16xf32> to vector<16xf32>
        %mul3A_979 = vector.broadcast %squeeze3A_972 : f32 to vector<16xf32>
        %mul3A_980 = arith.mulf %mul3A_979, %get3A_978 : vector<16xf32>
        %add3A_981 = arith.addf %add3A_943, %mul3A_980 : vector<16xf32>
        %add3A_982 = arith.constant 6 : i32
        %add3A_983 = arith.addi %add3A_737, %add3A_982 : i32
        %get3A_984 = arith.index_cast %add3A_983 : i32 to index
        %get3A_985 = arith.constant 16 : index
        %get3A_986 = tpu.vector_load %arg15[%get3A_984, %get3A_985] {strides = array<i32>} : memref<320x128xf32, #tpu.memory_space<vmem>>, vector<1x16xf32>,
        %get3A_987 = vector.shape_cast %get3A_986 : vector<1x16xf32> to vector<16xf32>
        %mul3A_988 = vector.broadcast %squeeze3A_972 : f32 to vector<16xf32>
        %mul3A_989 = arith.mulf %mul3A_988, %get3A_987 : vector<16xf32>
        %add3A_990 = arith.addf %add3A_952, %mul3A_989 : vector<16xf32>
        %add3A_991 = arith.constant 6 : i32
        %add3A_992 = arith.addi %add3A_737, %add3A_991 : i32
        %get3A_993 = arith.index_cast %add3A_992 : i32 to index
        %get3A_994 = arith.constant 32 : index
        %get3A_995 = tpu.vector_load %arg15[%get3A_993, %get3A_994] {strides = array<i32>} : memref<320x128xf32, #tpu.memory_space<vmem>>, vector<1x16xf32>,
        %get3A_996 = vector.shape_cast %get3A_995 : vector<1x16xf32> to vector<16xf32>
        %mul3A_997 = vector.broadcast %squeeze3A_972 : f32 to vector<16xf32>
        %mul3A_998 = arith.mulf %mul3A_997, %get3A_996 : vector<16xf32>
        %add3A_999 = arith.addf %add3A_961, %mul3A_998 : vector<16xf32>
        %add3A_1000 = arith.constant 6 : i32
        %add3A_1001 = arith.addi %add3A_737, %add3A_1000 : i32
        %get3A_1002 = arith.index_cast %add3A_1001 : i32 to index
        %get3A_1003 = arith.constant 48 : index
        %get3A_1004 = tpu.vector_load %arg15[%get3A_1002, %get3A_1003] {strides = array<i32>} : memref<320x128xf32, #tpu.memory_space<vmem>>, vector<1x16xf32>,
        %get3A_1005 = vector.shape_cast %get3A_1004 : vector<1x16xf32> to vector<16xf32>
        %mul3A_1006 = vector.broadcast %squeeze3A_972 : f32 to vector<16xf32>
        %mul3A_1007 = arith.mulf %mul3A_1006, %get3A_1005 : vector<16xf32>
        %add3A_1008 = arith.addf %add3A_970, %mul3A_1007 : vector<16xf32>
        %slice3A_1009 = vector.extract_strided_slice %get3A_729 {offsets = [7], sizes = [1], strides = [1]} : vector<16xf32> to vector<1xf32>
        %squeeze3A_1010 = vector.extract %slice3A_1009[0] : f32 from vector<1xf32>
        %add3A_1011 = arith.constant 7 : i32
        %add3A_1012 = arith.addi %add3A_737, %add3A_1011 : i32
        %get3A_1013 = arith.index_cast %add3A_1012 : i32 to index
        %get3A_1014 = arith.constant 0 : index
        %get3A_1015 = tpu.vector_load %arg15[%get3A_1013, %get3A_1014] {strides = array<i32>} : memref<320x128xf32, #tpu.memory_space<vmem>>, vector<1x16xf32>,
        %get3A_1016 = vector.shape_cast %get3A_1015 : vector<1x16xf32> to vector<16xf32>
        %mul3A_1017 = vector.broadcast %squeeze3A_1010 : f32 to vector<16xf32>
        %mul3A_1018 = arith.mulf %mul3A_1017, %get3A_1016 : vector<16xf32>
        %add3A_1019 = arith.addf %add3A_981, %mul3A_1018 : vector<16xf32>
        %add3A_1020 = arith.constant 7 : i32
        %add3A_1021 = arith.addi %add3A_737, %add3A_1020 : i32
        %get3A_1022 = arith.index_cast %add3A_1021 : i32 to index
        %get3A_1023 = arith.constant 16 : index
        %get3A_1024 = tpu.vector_load %arg15[%get3A_1022, %get3A_1023] {strides = array<i32>} : memref<320x128xf32, #tpu.memory_space<vmem>>, vector<1x16xf32>,
        %get3A_1025 = vector.shape_cast %get3A_1024 : vector<1x16xf32> to vector<16xf32>
        %mul3A_1026 = vector.broadcast %squeeze3A_1010 : f32 to vector<16xf32>
        %mul3A_1027 = arith.mulf %mul3A_1026, %get3A_1025 : vector<16xf32>
        %add3A_1028 = arith.addf %add3A_990, %mul3A_1027 : vector<16xf32>
        %add3A_1029 = arith.constant 7 : i32
        %add3A_1030 = arith.addi %add3A_737, %add3A_1029 : i32
        %get3A_1031 = arith.index_cast %add3A_1030 : i32 to index
        %get3A_1032 = arith.constant 32 : index
        %get3A_1033 = tpu.vector_load %arg15[%get3A_1031, %get3A_1032] {strides = array<i32>} : memref<320x128xf32, #tpu.memory_space<vmem>>, vector<1x16xf32>,
        %get3A_1034 = vector.shape_cast %get3A_1033 : vector<1x16xf32> to vector<16xf32>
        %mul3A_1035 = vector.broadcast %squeeze3A_1010 : f32 to vector<16xf32>
        %mul3A_1036 = arith.mulf %mul3A_1035, %get3A_1034 : vector<16xf32>
        %add3A_1037 = arith.addf %add3A_999, %mul3A_1036 : vector<16xf32>
        %add3A_1038 = arith.constant 7 : i32
        %add3A_1039 = arith.addi %add3A_737, %add3A_1038 : i32
        %get3A_1040 = arith.index_cast %add3A_1039 : i32 to index
        %get3A_1041 = arith.constant 48 : index
        %get3A_1042 = tpu.vector_load %arg15[%get3A_1040, %get3A_1041] {strides = array<i32>} : memref<320x128xf32, #tpu.memory_space<vmem>>, vector<1x16xf32>,
        %get3A_1043 = vector.shape_cast %get3A_1042 : vector<1x16xf32> to vector<16xf32>
        %mul3A_1044 = vector.broadcast %squeeze3A_1010 : f32 to vector<16xf32>
        %mul3A_1045 = arith.mulf %mul3A_1044, %get3A_1043 : vector<16xf32>
        %add3A_1046 = arith.addf %add3A_1008, %mul3A_1045 : vector<16xf32>
        %slice3A_1047 = vector.extract_strided_slice %get3A_729 {offsets = [8], sizes = [1], strides = [1]} : vector<16xf32> to vector<1xf32>
        %squeeze3A_1048 = vector.extract %slice3A_1047[0] : f32 from vector<1xf32>
        %add3A_1049 = arith.constant 8 : i32
        %add3A_1050 = arith.addi %add3A_737, %add3A_1049 : i32
        %get3A_1051 = arith.index_cast %add3A_1050 : i32 to index
        %get3A_1052 = arith.constant 0 : index
        %get3A_1053 = tpu.vector_load %arg15[%get3A_1051, %get3A_1052] {strides = array<i32>} : memref<320x128xf32, #tpu.memory_space<vmem>>, vector<1x16xf32>,
        %get3A_1054 = vector.shape_cast %get3A_1053 : vector<1x16xf32> to vector<16xf32>
        %mul3A_1055 = vector.broadcast %squeeze3A_1048 : f32 to vector<16xf32>
        %mul3A_1056 = arith.mulf %mul3A_1055, %get3A_1054 : vector<16xf32>
        %add3A_1057 = arith.addf %add3A_1019, %mul3A_1056 : vector<16xf32>
        %add3A_1058 = arith.constant 8 : i32
        %add3A_1059 = arith.addi %add3A_737, %add3A_1058 : i32
        %get3A_1060 = arith.index_cast %add3A_1059 : i32 to index
        %get3A_1061 = arith.constant 16 : index
        %get3A_1062 = tpu.vector_load %arg15[%get3A_1060, %get3A_1061] {strides = array<i32>} : memref<320x128xf32, #tpu.memory_space<vmem>>, vector<1x16xf32>,
        %get3A_1063 = vector.shape_cast %get3A_1062 : vector<1x16xf32> to vector<16xf32>
        %mul3A_1064 = vector.broadcast %squeeze3A_1048 : f32 to vector<16xf32>
        %mul3A_1065 = arith.mulf %mul3A_1064, %get3A_1063 : vector<16xf32>
        %add3A_1066 = arith.addf %add3A_1028, %mul3A_1065 : vector<16xf32>
        %add3A_1067 = arith.constant 8 : i32
        %add3A_1068 = arith.addi %add3A_737, %add3A_1067 : i32
        %get3A_1069 = arith.index_cast %add3A_1068 : i32 to index
        %get3A_1070 = arith.constant 32 : index
        %get3A_1071 = tpu.vector_load %arg15[%get3A_1069, %get3A_1070] {strides = array<i32>} : memref<320x128xf32, #tpu.memory_space<vmem>>, vector<1x16xf32>,
        %get3A_1072 = vector.shape_cast %get3A_1071 : vector<1x16xf32> to vector<16xf32>
        %mul3A_1073 = vector.broadcast %squeeze3A_1048 : f32 to vector<16xf32>
        %mul3A_1074 = arith.mulf %mul3A_1073, %get3A_1072 : vector<16xf32>
        %add3A_1075 = arith.addf %add3A_1037, %mul3A_1074 : vector<16xf32>
        %add3A_1076 = arith.constant 8 : i32
        %add3A_1077 = arith.addi %add3A_737, %add3A_1076 : i32
        %get3A_1078 = arith.index_cast %add3A_1077 : i32 to index
        %get3A_1079 = arith.constant 48 : index
        %get3A_1080 = tpu.vector_load %arg15[%get3A_1078, %get3A_1079] {strides = array<i32>} : memref<320x128xf32, #tpu.memory_space<vmem>>, vector<1x16xf32>,
        %get3A_1081 = vector.shape_cast %get3A_1080 : vector<1x16xf32> to vector<16xf32>
        %mul3A_1082 = vector.broadcast %squeeze3A_1048 : f32 to vector<16xf32>
        %mul3A_1083 = arith.mulf %mul3A_1082, %get3A_1081 : vector<16xf32>
        %add3A_1084 = arith.addf %add3A_1046, %mul3A_1083 : vector<16xf32>
        %slice3A_1085 = vector.extract_strided_slice %get3A_729 {offsets = [9], sizes = [1], strides = [1]} : vector<16xf32> to vector<1xf32>
        %squeeze3A_1086 = vector.extract %slice3A_1085[0] : f32 from vector<1xf32>
        %add3A_1087 = arith.constant 9 : i32
        %add3A_1088 = arith.addi %add3A_737, %add3A_1087 : i32
        %get3A_1089 = arith.index_cast %add3A_1088 : i32 to index
        %get3A_1090 = arith.constant 0 : index
        %get3A_1091 = tpu.vector_load %arg15[%get3A_1089, %get3A_1090] {strides = array<i32>} : memref<320x128xf32, #tpu.memory_space<vmem>>, vector<1x16xf32>,
        %get3A_1092 = vector.shape_cast %get3A_1091 : vector<1x16xf32> to vector<16xf32>
        %mul3A_1093 = vector.broadcast %squeeze3A_1086 : f32 to vector<16xf32>
        %mul3A_1094 = arith.mulf %mul3A_1093, %get3A_1092 : vector<16xf32>
        %add3A_1095 = arith.addf %add3A_1057, %mul3A_1094 : vector<16xf32>
        %add3A_1096 = arith.constant 9 : i32
        %add3A_1097 = arith.addi %add3A_737, %add3A_1096 : i32
        %get3A_1098 = arith.index_cast %add3A_1097 : i32 to index
        %get3A_1099 = arith.constant 16 : index
        %get3A_1100 = tpu.vector_load %arg15[%get3A_1098, %get3A_1099] {strides = array<i32>} : memref<320x128xf32, #tpu.memory_space<vmem>>, vector<1x16xf32>,
        %get3A_1101 = vector.shape_cast %get3A_1100 : vector<1x16xf32> to vector<16xf32>
        %mul3A_1102 = vector.broadcast %squeeze3A_1086 : f32 to vector<16xf32>
        %mul3A_1103 = arith.mulf %mul3A_1102, %get3A_1101 : vector<16xf32>
        %add3A_1104 = arith.addf %add3A_1066, %mul3A_1103 : vector<16xf32>
        %add3A_1105 = arith.constant 9 : i32
        %add3A_1106 = arith.addi %add3A_737, %add3A_1105 : i32
        %get3A_1107 = arith.index_cast %add3A_1106 : i32 to index
        %get3A_1108 = arith.constant 32 : index
        %get3A_1109 = tpu.vector_load %arg15[%get3A_1107, %get3A_1108] {strides = array<i32>} : memref<320x128xf32, #tpu.memory_space<vmem>>, vector<1x16xf32>,
        %get3A_1110 = vector.shape_cast %get3A_1109 : vector<1x16xf32> to vector<16xf32>
        %mul3A_1111 = vector.broadcast %squeeze3A_1086 : f32 to vector<16xf32>
        %mul3A_1112 = arith.mulf %mul3A_1111, %get3A_1110 : vector<16xf32>
        %add3A_1113 = arith.addf %add3A_1075, %mul3A_1112 : vector<16xf32>
        %add3A_1114 = arith.constant 9 : i32
        %add3A_1115 = arith.addi %add3A_737, %add3A_1114 : i32
        %get3A_1116 = arith.index_cast %add3A_1115 : i32 to index
        %get3A_1117 = arith.constant 48 : index
        %get3A_1118 = tpu.vector_load %arg15[%get3A_1116, %get3A_1117] {strides = array<i32>} : memref<320x128xf32, #tpu.memory_space<vmem>>, vector<1x16xf32>,
        %get3A_1119 = vector.shape_cast %get3A_1118 : vector<1x16xf32> to vector<16xf32>
        %mul3A_1120 = vector.broadcast %squeeze3A_1086 : f32 to vector<16xf32>
        %mul3A_1121 = arith.mulf %mul3A_1120, %get3A_1119 : vector<16xf32>
        %add3A_1122 = arith.addf %add3A_1084, %mul3A_1121 : vector<16xf32>
        %slice3A_1123 = vector.extract_strided_slice %get3A_729 {offsets = [10], sizes = [1], strides = [1]} : vector<16xf32> to vector<1xf32>
        %squeeze3A_1124 = vector.extract %slice3A_1123[0] : f32 from vector<1xf32>
        %add3A_1125 = arith.constant 10 : i32
        %add3A_1126 = arith.addi %add3A_737, %add3A_1125 : i32
        %get3A_1127 = arith.index_cast %add3A_1126 : i32 to index
        %get3A_1128 = arith.constant 0 : index
        %get3A_1129 = tpu.vector_load %arg15[%get3A_1127, %get3A_1128] {strides = array<i32>} : memref<320x128xf32, #tpu.memory_space<vmem>>, vector<1x16xf32>,
        %get3A_1130 = vector.shape_cast %get3A_1129 : vector<1x16xf32> to vector<16xf32>
        %mul3A_1131 = vector.broadcast %squeeze3A_1124 : f32 to vector<16xf32>
        %mul3A_1132 = arith.mulf %mul3A_1131, %get3A_1130 : vector<16xf32>
        %add3A_1133 = arith.addf %add3A_1095, %mul3A_1132 : vector<16xf32>
        %add3A_1134 = arith.constant 10 : i32
        %add3A_1135 = arith.addi %add3A_737, %add3A_1134 : i32
        %get3A_1136 = arith.index_cast %add3A_1135 : i32 to index
        %get3A_1137 = arith.constant 16 : index
        %get3A_1138 = tpu.vector_load %arg15[%get3A_1136, %get3A_1137] {strides = array<i32>} : memref<320x128xf32, #tpu.memory_space<vmem>>, vector<1x16xf32>,
        %get3A_1139 = vector.shape_cast %get3A_1138 : vector<1x16xf32> to vector<16xf32>
        %mul3A_1140 = vector.broadcast %squeeze3A_1124 : f32 to vector<16xf32>
        %mul3A_1141 = arith.mulf %mul3A_1140, %get3A_1139 : vector<16xf32>
        %add3A_1142 = arith.addf %add3A_1104, %mul3A_1141 : vector<16xf32>
        %add3A_1143 = arith.constant 10 : i32
        %add3A_1144 = arith.addi %add3A_737, %add3A_1143 : i32
        %get3A_1145 = arith.index_cast %add3A_1144 : i32 to index
        %get3A_1146 = arith.constant 32 : index
        %get3A_1147 = tpu.vector_load %arg15[%get3A_1145, %get3A_1146] {strides = array<i32>} : memref<320x128xf32, #tpu.memory_space<vmem>>, vector<1x16xf32>,
        %get3A_1148 = vector.shape_cast %get3A_1147 : vector<1x16xf32> to vector<16xf32>
        %mul3A_1149 = vector.broadcast %squeeze3A_1124 : f32 to vector<16xf32>
        %mul3A_1150 = arith.mulf %mul3A_1149, %get3A_1148 : vector<16xf32>
        %add3A_1151 = arith.addf %add3A_1113, %mul3A_1150 : vector<16xf32>
        %add3A_1152 = arith.constant 10 : i32
        %add3A_1153 = arith.addi %add3A_737, %add3A_1152 : i32
        %get3A_1154 = arith.index_cast %add3A_1153 : i32 to index
        %get3A_1155 = arith.constant 48 : index
        %get3A_1156 = tpu.vector_load %arg15[%get3A_1154, %get3A_1155] {strides = array<i32>} : memref<320x128xf32, #tpu.memory_space<vmem>>, vector<1x16xf32>,
        %get3A_1157 = vector.shape_cast %get3A_1156 : vector<1x16xf32> to vector<16xf32>
        %mul3A_1158 = vector.broadcast %squeeze3A_1124 : f32 to vector<16xf32>
        %mul3A_1159 = arith.mulf %mul3A_1158, %get3A_1157 : vector<16xf32>
        %add3A_1160 = arith.addf %add3A_1122, %mul3A_1159 : vector<16xf32>
        %slice3A_1161 = vector.extract_strided_slice %get3A_729 {offsets = [11], sizes = [1], strides = [1]} : vector<16xf32> to vector<1xf32>
        %squeeze3A_1162 = vector.extract %slice3A_1161[0] : f32 from vector<1xf32>
        %add3A_1163 = arith.constant 11 : i32
        %add3A_1164 = arith.addi %add3A_737, %add3A_1163 : i32
        %get3A_1165 = arith.index_cast %add3A_1164 : i32 to index
        %get3A_1166 = arith.constant 0 : index
        %get3A_1167 = tpu.vector_load %arg15[%get3A_1165, %get3A_1166] {strides = array<i32>} : memref<320x128xf32, #tpu.memory_space<vmem>>, vector<1x16xf32>,
        %get3A_1168 = vector.shape_cast %get3A_1167 : vector<1x16xf32> to vector<16xf32>
        %mul3A_1169 = vector.broadcast %squeeze3A_1162 : f32 to vector<16xf32>
        %mul3A_1170 = arith.mulf %mul3A_1169, %get3A_1168 : vector<16xf32>
        %add3A_1171 = arith.addf %add3A_1133, %mul3A_1170 : vector<16xf32>
        %add3A_1172 = arith.constant 11 : i32
        %add3A_1173 = arith.addi %add3A_737, %add3A_1172 : i32
        %get3A_1174 = arith.index_cast %add3A_1173 : i32 to index
        %get3A_1175 = arith.constant 16 : index
        %get3A_1176 = tpu.vector_load %arg15[%get3A_1174, %get3A_1175] {strides = array<i32>} : memref<320x128xf32, #tpu.memory_space<vmem>>, vector<1x16xf32>,
        %get3A_1177 = vector.shape_cast %get3A_1176 : vector<1x16xf32> to vector<16xf32>
        %mul3A_1178 = vector.broadcast %squeeze3A_1162 : f32 to vector<16xf32>
        %mul3A_1179 = arith.mulf %mul3A_1178, %get3A_1177 : vector<16xf32>
        %add3A_1180 = arith.addf %add3A_1142, %mul3A_1179 : vector<16xf32>
        %add3A_1181 = arith.constant 11 : i32
        %add3A_1182 = arith.addi %add3A_737, %add3A_1181 : i32
        %get3A_1183 = arith.index_cast %add3A_1182 : i32 to index
        %get3A_1184 = arith.constant 32 : index
        %get3A_1185 = tpu.vector_load %arg15[%get3A_1183, %get3A_1184] {strides = array<i32>} : memref<320x128xf32, #tpu.memory_space<vmem>>, vector<1x16xf32>,
        %get3A_1186 = vector.shape_cast %get3A_1185 : vector<1x16xf32> to vector<16xf32>
        %mul3A_1187 = vector.broadcast %squeeze3A_1162 : f32 to vector<16xf32>
        %mul3A_1188 = arith.mulf %mul3A_1187, %get3A_1186 : vector<16xf32>
        %add3A_1189 = arith.addf %add3A_1151, %mul3A_1188 : vector<16xf32>
        %add3A_1190 = arith.constant 11 : i32
        %add3A_1191 = arith.addi %add3A_737, %add3A_1190 : i32
        %get3A_1192 = arith.index_cast %add3A_1191 : i32 to index
        %get3A_1193 = arith.constant 48 : index
        %get3A_1194 = tpu.vector_load %arg15[%get3A_1192, %get3A_1193] {strides = array<i32>} : memref<320x128xf32, #tpu.memory_space<vmem>>, vector<1x16xf32>,
        %get3A_1195 = vector.shape_cast %get3A_1194 : vector<1x16xf32> to vector<16xf32>
        %mul3A_1196 = vector.broadcast %squeeze3A_1162 : f32 to vector<16xf32>
        %mul3A_1197 = arith.mulf %mul3A_1196, %get3A_1195 : vector<16xf32>
        %add3A_1198 = arith.addf %add3A_1160, %mul3A_1197 : vector<16xf32>
        %slice3A_1199 = vector.extract_strided_slice %get3A_729 {offsets = [12], sizes = [1], strides = [1]} : vector<16xf32> to vector<1xf32>
        %squeeze3A_1200 = vector.extract %slice3A_1199[0] : f32 from vector<1xf32>
        %add3A_1201 = arith.constant 12 : i32
        %add3A_1202 = arith.addi %add3A_737, %add3A_1201 : i32
        %get3A_1203 = arith.index_cast %add3A_1202 : i32 to index
        %get3A_1204 = arith.constant 0 : index
        %get3A_1205 = tpu.vector_load %arg15[%get3A_1203, %get3A_1204] {strides = array<i32>} : memref<320x128xf32, #tpu.memory_space<vmem>>, vector<1x16xf32>,
        %get3A_1206 = vector.shape_cast %get3A_1205 : vector<1x16xf32> to vector<16xf32>
        %mul3A_1207 = vector.broadcast %squeeze3A_1200 : f32 to vector<16xf32>
        %mul3A_1208 = arith.mulf %mul3A_1207, %get3A_1206 : vector<16xf32>
        %add3A_1209 = arith.addf %add3A_1171, %mul3A_1208 : vector<16xf32>
        %add3A_1210 = arith.constant 12 : i32
        %add3A_1211 = arith.addi %add3A_737, %add3A_1210 : i32
        %get3A_1212 = arith.index_cast %add3A_1211 : i32 to index
        %get3A_1213 = arith.constant 16 : index
        %get3A_1214 = tpu.vector_load %arg15[%get3A_1212, %get3A_1213] {strides = array<i32>} : memref<320x128xf32, #tpu.memory_space<vmem>>, vector<1x16xf32>,
        %get3A_1215 = vector.shape_cast %get3A_1214 : vector<1x16xf32> to vector<16xf32>
        %mul3A_1216 = vector.broadcast %squeeze3A_1200 : f32 to vector<16xf32>
        %mul3A_1217 = arith.mulf %mul3A_1216, %get3A_1215 : vector<16xf32>
        %add3A_1218 = arith.addf %add3A_1180, %mul3A_1217 : vector<16xf32>
        %add3A_1219 = arith.constant 12 : i32
        %add3A_1220 = arith.addi %add3A_737, %add3A_1219 : i32
        %get3A_1221 = arith.index_cast %add3A_1220 : i32 to index
        %get3A_1222 = arith.constant 32 : index
        %get3A_1223 = tpu.vector_load %arg15[%get3A_1221, %get3A_1222] {strides = array<i32>} : memref<320x128xf32, #tpu.memory_space<vmem>>, vector<1x16xf32>,
        %get3A_1224 = vector.shape_cast %get3A_1223 : vector<1x16xf32> to vector<16xf32>
        %mul3A_1225 = vector.broadcast %squeeze3A_1200 : f32 to vector<16xf32>
        %mul3A_1226 = arith.mulf %mul3A_1225, %get3A_1224 : vector<16xf32>
        %add3A_1227 = arith.addf %add3A_1189, %mul3A_1226 : vector<16xf32>
        %add3A_1228 = arith.constant 12 : i32
        %add3A_1229 = arith.addi %add3A_737, %add3A_1228 : i32
        %get3A_1230 = arith.index_cast %add3A_1229 : i32 to index
        %get3A_1231 = arith.constant 48 : index
        %get3A_1232 = tpu.vector_load %arg15[%get3A_1230, %get3A_1231] {strides = array<i32>} : memref<320x128xf32, #tpu.memory_space<vmem>>, vector<1x16xf32>,
        %get3A_1233 = vector.shape_cast %get3A_1232 : vector<1x16xf32> to vector<16xf32>
        %mul3A_1234 = vector.broadcast %squeeze3A_1200 : f32 to vector<16xf32>
        %mul3A_1235 = arith.mulf %mul3A_1234, %get3A_1233 : vector<16xf32>
        %add3A_1236 = arith.addf %add3A_1198, %mul3A_1235 : vector<16xf32>
        %slice3A_1237 = vector.extract_strided_slice %get3A_729 {offsets = [13], sizes = [1], strides = [1]} : vector<16xf32> to vector<1xf32>
        %squeeze3A_1238 = vector.extract %slice3A_1237[0] : f32 from vector<1xf32>
        %add3A_1239 = arith.constant 13 : i32
        %add3A_1240 = arith.addi %add3A_737, %add3A_1239 : i32
        %get3A_1241 = arith.index_cast %add3A_1240 : i32 to index
        %get3A_1242 = arith.constant 0 : index
        %get3A_1243 = tpu.vector_load %arg15[%get3A_1241, %get3A_1242] {strides = array<i32>} : memref<320x128xf32, #tpu.memory_space<vmem>>, vector<1x16xf32>,
        %get3A_1244 = vector.shape_cast %get3A_1243 : vector<1x16xf32> to vector<16xf32>
        %mul3A_1245 = vector.broadcast %squeeze3A_1238 : f32 to vector<16xf32>
        %mul3A_1246 = arith.mulf %mul3A_1245, %get3A_1244 : vector<16xf32>
        %add3A_1247 = arith.addf %add3A_1209, %mul3A_1246 : vector<16xf32>
        %add3A_1248 = arith.constant 13 : i32
        %add3A_1249 = arith.addi %add3A_737, %add3A_1248 : i32
        %get3A_1250 = arith.index_cast %add3A_1249 : i32 to index
        %get3A_1251 = arith.constant 16 : index
        %get3A_1252 = tpu.vector_load %arg15[%get3A_1250, %get3A_1251] {strides = array<i32>} : memref<320x128xf32, #tpu.memory_space<vmem>>, vector<1x16xf32>,
        %get3A_1253 = vector.shape_cast %get3A_1252 : vector<1x16xf32> to vector<16xf32>
        %mul3A_1254 = vector.broadcast %squeeze3A_1238 : f32 to vector<16xf32>
        %mul3A_1255 = arith.mulf %mul3A_1254, %get3A_1253 : vector<16xf32>
        %add3A_1256 = arith.addf %add3A_1218, %mul3A_1255 : vector<16xf32>
        %add3A_1257 = arith.constant 13 : i32
        %add3A_1258 = arith.addi %add3A_737, %add3A_1257 : i32
        %get3A_1259 = arith.index_cast %add3A_1258 : i32 to index
        %get3A_1260 = arith.constant 32 : index
        %get3A_1261 = tpu.vector_load %arg15[%get3A_1259, %get3A_1260] {strides = array<i32>} : memref<320x128xf32, #tpu.memory_space<vmem>>, vector<1x16xf32>,
        %get3A_1262 = vector.shape_cast %get3A_1261 : vector<1x16xf32> to vector<16xf32>
        %mul3A_1263 = vector.broadcast %squeeze3A_1238 : f32 to vector<16xf32>
        %mul3A_1264 = arith.mulf %mul3A_1263, %get3A_1262 : vector<16xf32>
        %add3A_1265 = arith.addf %add3A_1227, %mul3A_1264 : vector<16xf32>
        %add3A_1266 = arith.constant 13 : i32
        %add3A_1267 = arith.addi %add3A_737, %add3A_1266 : i32
        %get3A_1268 = arith.index_cast %add3A_1267 : i32 to index
        %get3A_1269 = arith.constant 48 : index
        %get3A_1270 = tpu.vector_load %arg15[%get3A_1268, %get3A_1269] {strides = array<i32>} : memref<320x128xf32, #tpu.memory_space<vmem>>, vector<1x16xf32>,
        %get3A_1271 = vector.shape_cast %get3A_1270 : vector<1x16xf32> to vector<16xf32>
        %mul3A_1272 = vector.broadcast %squeeze3A_1238 : f32 to vector<16xf32>
        %mul3A_1273 = arith.mulf %mul3A_1272, %get3A_1271 : vector<16xf32>
        %add3A_1274 = arith.addf %add3A_1236, %mul3A_1273 : vector<16xf32>
        %slice3A_1275 = vector.extract_strided_slice %get3A_729 {offsets = [14], sizes = [1], strides = [1]} : vector<16xf32> to vector<1xf32>
        %squeeze3A_1276 = vector.extract %slice3A_1275[0] : f32 from vector<1xf32>
        %add3A_1277 = arith.constant 14 : i32
        %add3A_1278 = arith.addi %add3A_737, %add3A_1277 : i32
        %get3A_1279 = arith.index_cast %add3A_1278 : i32 to index
        %get3A_1280 = arith.constant 0 : index
        %get3A_1281 = tpu.vector_load %arg15[%get3A_1279, %get3A_1280] {strides = array<i32>} : memref<320x128xf32, #tpu.memory_space<vmem>>, vector<1x16xf32>,
        %get3A_1282 = vector.shape_cast %get3A_1281 : vector<1x16xf32> to vector<16xf32>
        %mul3A_1283 = vector.broadcast %squeeze3A_1276 : f32 to vector<16xf32>
        %mul3A_1284 = arith.mulf %mul3A_1283, %get3A_1282 : vector<16xf32>
        %add3A_1285 = arith.addf %add3A_1247, %mul3A_1284 : vector<16xf32>
        %add3A_1286 = arith.constant 14 : i32
        %add3A_1287 = arith.addi %add3A_737, %add3A_1286 : i32
        %get3A_1288 = arith.index_cast %add3A_1287 : i32 to index
        %get3A_1289 = arith.constant 16 : index
        %get3A_1290 = tpu.vector_load %arg15[%get3A_1288, %get3A_1289] {strides = array<i32>} : memref<320x128xf32, #tpu.memory_space<vmem>>, vector<1x16xf32>,
        %get3A_1291 = vector.shape_cast %get3A_1290 : vector<1x16xf32> to vector<16xf32>
        %mul3A_1292 = vector.broadcast %squeeze3A_1276 : f32 to vector<16xf32>
        %mul3A_1293 = arith.mulf %mul3A_1292, %get3A_1291 : vector<16xf32>
        %add3A_1294 = arith.addf %add3A_1256, %mul3A_1293 : vector<16xf32>
        %add3A_1295 = arith.constant 14 : i32
        %add3A_1296 = arith.addi %add3A_737, %add3A_1295 : i32
        %get3A_1297 = arith.index_cast %add3A_1296 : i32 to index
        %get3A_1298 = arith.constant 32 : index
        %get3A_1299 = tpu.vector_load %arg15[%get3A_1297, %get3A_1298] {strides = array<i32>} : memref<320x128xf32, #tpu.memory_space<vmem>>, vector<1x16xf32>,
        %get3A_1300 = vector.shape_cast %get3A_1299 : vector<1x16xf32> to vector<16xf32>
        %mul3A_1301 = vector.broadcast %squeeze3A_1276 : f32 to vector<16xf32>
        %mul3A_1302 = arith.mulf %mul3A_1301, %get3A_1300 : vector<16xf32>
        %add3A_1303 = arith.addf %add3A_1265, %mul3A_1302 : vector<16xf32>
        %add3A_1304 = arith.constant 14 : i32
        %add3A_1305 = arith.addi %add3A_737, %add3A_1304 : i32
        %get3A_1306 = arith.index_cast %add3A_1305 : i32 to index
        %get3A_1307 = arith.constant 48 : index
        %get3A_1308 = tpu.vector_load %arg15[%get3A_1306, %get3A_1307] {strides = array<i32>} : memref<320x128xf32, #tpu.memory_space<vmem>>, vector<1x16xf32>,
        %get3A_1309 = vector.shape_cast %get3A_1308 : vector<1x16xf32> to vector<16xf32>
        %mul3A_1310 = vector.broadcast %squeeze3A_1276 : f32 to vector<16xf32>
        %mul3A_1311 = arith.mulf %mul3A_1310, %get3A_1309 : vector<16xf32>
        %add3A_1312 = arith.addf %add3A_1274, %mul3A_1311 : vector<16xf32>
        %slice3A_1313 = vector.extract_strided_slice %get3A_729 {offsets = [15], sizes = [1], strides = [1]} : vector<16xf32> to vector<1xf32>
        %squeeze3A_1314 = vector.extract %slice3A_1313[0] : f32 from vector<1xf32>
        %add3A_1315 = arith.constant 15 : i32
        %add3A_1316 = arith.addi %add3A_737, %add3A_1315 : i32
        %get3A_1317 = arith.index_cast %add3A_1316 : i32 to index
        %get3A_1318 = arith.constant 0 : index
        %get3A_1319 = tpu.vector_load %arg15[%get3A_1317, %get3A_1318] {strides = array<i32>} : memref<320x128xf32, #tpu.memory_space<vmem>>, vector<1x16xf32>,
        %get3A_1320 = vector.shape_cast %get3A_1319 : vector<1x16xf32> to vector<16xf32>
        %mul3A_1321 = vector.broadcast %squeeze3A_1314 : f32 to vector<16xf32>
        %mul3A_1322 = arith.mulf %mul3A_1321, %get3A_1320 : vector<16xf32>
        %add3A_1323 = arith.addf %add3A_1285, %mul3A_1322 : vector<16xf32>
        %add3A_1324 = arith.constant 15 : i32
        %add3A_1325 = arith.addi %add3A_737, %add3A_1324 : i32
        %get3A_1326 = arith.index_cast %add3A_1325 : i32 to index
        %get3A_1327 = arith.constant 16 : index
        %get3A_1328 = tpu.vector_load %arg15[%get3A_1326, %get3A_1327] {strides = array<i32>} : memref<320x128xf32, #tpu.memory_space<vmem>>, vector<1x16xf32>,
        %get3A_1329 = vector.shape_cast %get3A_1328 : vector<1x16xf32> to vector<16xf32>
        %mul3A_1330 = vector.broadcast %squeeze3A_1314 : f32 to vector<16xf32>
        %mul3A_1331 = arith.mulf %mul3A_1330, %get3A_1329 : vector<16xf32>
        %add3A_1332 = arith.addf %add3A_1294, %mul3A_1331 : vector<16xf32>
        %add3A_1333 = arith.constant 15 : i32
        %add3A_1334 = arith.addi %add3A_737, %add3A_1333 : i32
        %get3A_1335 = arith.index_cast %add3A_1334 : i32 to index
        %get3A_1336 = arith.constant 32 : index
        %get3A_1337 = tpu.vector_load %arg15[%get3A_1335, %get3A_1336] {strides = array<i32>} : memref<320x128xf32, #tpu.memory_space<vmem>>, vector<1x16xf32>,
        %get3A_1338 = vector.shape_cast %get3A_1337 : vector<1x16xf32> to vector<16xf32>
        %mul3A_1339 = vector.broadcast %squeeze3A_1314 : f32 to vector<16xf32>
        %mul3A_1340 = arith.mulf %mul3A_1339, %get3A_1338 : vector<16xf32>
        %add3A_1341 = arith.addf %add3A_1303, %mul3A_1340 : vector<16xf32>
        %add3A_1342 = arith.constant 15 : i32
        %add3A_1343 = arith.addi %add3A_737, %add3A_1342 : i32
        %get3A_1344 = arith.index_cast %add3A_1343 : i32 to index
        %get3A_1345 = arith.constant 48 : index
        %get3A_1346 = tpu.vector_load %arg15[%get3A_1344, %get3A_1345] {strides = array<i32>} : memref<320x128xf32, #tpu.memory_space<vmem>>, vector<1x16xf32>,
        %get3A_1347 = vector.shape_cast %get3A_1346 : vector<1x16xf32> to vector<16xf32>
        %mul3A_1348 = vector.broadcast %squeeze3A_1314 : f32 to vector<16xf32>
        %mul3A_1349 = arith.mulf %mul3A_1348, %get3A_1347 : vector<16xf32>
        %add3A_1350 = arith.addf %add3A_1312, %mul3A_1349 : vector<16xf32>
        %slice3A_1351 = vector.extract_strided_slice %get3A_735 {offsets = [12], sizes = [1], strides = [1]} : vector<16xf32> to vector<1xf32>
        %squeeze3A_1352 = vector.extract %slice3A_1351[0] : f32 from vector<1xf32>
        %add3A_1353 = arith.constant 16 : i32
        %add3A_1354 = arith.addi %add3A_737, %add3A_1353 : i32
        %get3A_1355 = arith.index_cast %add3A_1354 : i32 to index
        %get3A_1356 = arith.constant 0 : index
        %get3A_1357 = tpu.vector_load %arg15[%get3A_1355, %get3A_1356] {strides = array<i32>} : memref<320x128xf32, #tpu.memory_space<vmem>>, vector<1x16xf32>,
        %get3A_1358 = vector.shape_cast %get3A_1357 : vector<1x16xf32> to vector<16xf32>
        %mul3A_1359 = vector.broadcast %squeeze3A_1352 : f32 to vector<16xf32>
        %mul3A_1360 = arith.mulf %mul3A_1359, %get3A_1358 : vector<16xf32>
        %add3A_1361 = arith.addf %add3A_1323, %mul3A_1360 : vector<16xf32>
        %add3A_1362 = arith.constant 16 : i32
        %add3A_1363 = arith.addi %add3A_737, %add3A_1362 : i32
        %get3A_1364 = arith.index_cast %add3A_1363 : i32 to index
        %get3A_1365 = arith.constant 16 : index
        %get3A_1366 = tpu.vector_load %arg15[%get3A_1364, %get3A_1365] {strides = array<i32>} : memref<320x128xf32, #tpu.memory_space<vmem>>, vector<1x16xf32>,
        %get3A_1367 = vector.shape_cast %get3A_1366 : vector<1x16xf32> to vector<16xf32>
        %mul3A_1368 = vector.broadcast %squeeze3A_1352 : f32 to vector<16xf32>
        %mul3A_1369 = arith.mulf %mul3A_1368, %get3A_1367 : vector<16xf32>
        %add3A_1370 = arith.addf %add3A_1332, %mul3A_1369 : vector<16xf32>
        %add3A_1371 = arith.constant 16 : i32
        %add3A_1372 = arith.addi %add3A_737, %add3A_1371 : i32
        %get3A_1373 = arith.index_cast %add3A_1372 : i32 to index
        %get3A_1374 = arith.constant 32 : index
        %get3A_1375 = tpu.vector_load %arg15[%get3A_1373, %get3A_1374] {strides = array<i32>} : memref<320x128xf32, #tpu.memory_space<vmem>>, vector<1x16xf32>,
        %get3A_1376 = vector.shape_cast %get3A_1375 : vector<1x16xf32> to vector<16xf32>
        %mul3A_1377 = vector.broadcast %squeeze3A_1352 : f32 to vector<16xf32>
        %mul3A_1378 = arith.mulf %mul3A_1377, %get3A_1376 : vector<16xf32>
        %add3A_1379 = arith.addf %add3A_1341, %mul3A_1378 : vector<16xf32>
        %add3A_1380 = arith.constant 16 : i32
        %add3A_1381 = arith.addi %add3A_737, %add3A_1380 : i32
        %get3A_1382 = arith.index_cast %add3A_1381 : i32 to index
        %get3A_1383 = arith.constant 48 : index
        %get3A_1384 = tpu.vector_load %arg15[%get3A_1382, %get3A_1383] {strides = array<i32>} : memref<320x128xf32, #tpu.memory_space<vmem>>, vector<1x16xf32>,
        %get3A_1385 = vector.shape_cast %get3A_1384 : vector<1x16xf32> to vector<16xf32>
        %mul3A_1386 = vector.broadcast %squeeze3A_1352 : f32 to vector<16xf32>
        %mul3A_1387 = arith.mulf %mul3A_1386, %get3A_1385 : vector<16xf32>
        %add3A_1388 = arith.addf %add3A_1350, %mul3A_1387 : vector<16xf32>
        %slice3A_1389 = vector.extract_strided_slice %get3A_735 {offsets = [13], sizes = [1], strides = [1]} : vector<16xf32> to vector<1xf32>
        %squeeze3A_1390 = vector.extract %slice3A_1389[0] : f32 from vector<1xf32>
        %add3A_1391 = arith.constant 17 : i32
        %add3A_1392 = arith.addi %add3A_737, %add3A_1391 : i32
        %get3A_1393 = arith.index_cast %add3A_1392 : i32 to index
        %get3A_1394 = arith.constant 0 : index
        %get3A_1395 = tpu.vector_load %arg15[%get3A_1393, %get3A_1394] {strides = array<i32>} : memref<320x128xf32, #tpu.memory_space<vmem>>, vector<1x16xf32>,
        %get3A_1396 = vector.shape_cast %get3A_1395 : vector<1x16xf32> to vector<16xf32>
        %mul3A_1397 = vector.broadcast %squeeze3A_1390 : f32 to vector<16xf32>
        %mul3A_1398 = arith.mulf %mul3A_1397, %get3A_1396 : vector<16xf32>
        %add3A_1399 = arith.addf %add3A_1361, %mul3A_1398 : vector<16xf32>
        %add3A_1400 = arith.constant 17 : i32
        %add3A_1401 = arith.addi %add3A_737, %add3A_1400 : i32
        %get3A_1402 = arith.index_cast %add3A_1401 : i32 to index
        %get3A_1403 = arith.constant 16 : index
        %get3A_1404 = tpu.vector_load %arg15[%get3A_1402, %get3A_1403] {strides = array<i32>} : memref<320x128xf32, #tpu.memory_space<vmem>>, vector<1x16xf32>,
        %get3A_1405 = vector.shape_cast %get3A_1404 : vector<1x16xf32> to vector<16xf32>
        %mul3A_1406 = vector.broadcast %squeeze3A_1390 : f32 to vector<16xf32>
        %mul3A_1407 = arith.mulf %mul3A_1406, %get3A_1405 : vector<16xf32>
        %add3A_1408 = arith.addf %add3A_1370, %mul3A_1407 : vector<16xf32>
        %add3A_1409 = arith.constant 17 : i32
        %add3A_1410 = arith.addi %add3A_737, %add3A_1409 : i32
        %get3A_1411 = arith.index_cast %add3A_1410 : i32 to index
        %get3A_1412 = arith.constant 32 : index
        %get3A_1413 = tpu.vector_load %arg15[%get3A_1411, %get3A_1412] {strides = array<i32>} : memref<320x128xf32, #tpu.memory_space<vmem>>, vector<1x16xf32>,
        %get3A_1414 = vector.shape_cast %get3A_1413 : vector<1x16xf32> to vector<16xf32>
        %mul3A_1415 = vector.broadcast %squeeze3A_1390 : f32 to vector<16xf32>
        %mul3A_1416 = arith.mulf %mul3A_1415, %get3A_1414 : vector<16xf32>
        %add3A_1417 = arith.addf %add3A_1379, %mul3A_1416 : vector<16xf32>
        %add3A_1418 = arith.constant 17 : i32
        %add3A_1419 = arith.addi %add3A_737, %add3A_1418 : i32
        %get3A_1420 = arith.index_cast %add3A_1419 : i32 to index
        %get3A_1421 = arith.constant 48 : index
        %get3A_1422 = tpu.vector_load %arg15[%get3A_1420, %get3A_1421] {strides = array<i32>} : memref<320x128xf32, #tpu.memory_space<vmem>>, vector<1x16xf32>,
        %get3A_1423 = vector.shape_cast %get3A_1422 : vector<1x16xf32> to vector<16xf32>
        %mul3A_1424 = vector.broadcast %squeeze3A_1390 : f32 to vector<16xf32>
        %mul3A_1425 = arith.mulf %mul3A_1424, %get3A_1423 : vector<16xf32>
        %add3A_1426 = arith.addf %add3A_1388, %mul3A_1425 : vector<16xf32>
        %slice3A_1427 = vector.extract_strided_slice %get3A_735 {offsets = [14], sizes = [1], strides = [1]} : vector<16xf32> to vector<1xf32>
        %squeeze3A_1428 = vector.extract %slice3A_1427[0] : f32 from vector<1xf32>
        %add3A_1429 = arith.constant 18 : i32
        %add3A_1430 = arith.addi %add3A_737, %add3A_1429 : i32
        %get3A_1431 = arith.index_cast %add3A_1430 : i32 to index
        %get3A_1432 = arith.constant 0 : index
        %get3A_1433 = tpu.vector_load %arg15[%get3A_1431, %get3A_1432] {strides = array<i32>} : memref<320x128xf32, #tpu.memory_space<vmem>>, vector<1x16xf32>,
        %get3A_1434 = vector.shape_cast %get3A_1433 : vector<1x16xf32> to vector<16xf32>
        %mul3A_1435 = vector.broadcast %squeeze3A_1428 : f32 to vector<16xf32>
        %mul3A_1436 = arith.mulf %mul3A_1435, %get3A_1434 : vector<16xf32>
        %add3A_1437 = arith.addf %add3A_1399, %mul3A_1436 : vector<16xf32>
        %add3A_1438 = arith.constant 18 : i32
        %add3A_1439 = arith.addi %add3A_737, %add3A_1438 : i32
        %get3A_1440 = arith.index_cast %add3A_1439 : i32 to index
        %get3A_1441 = arith.constant 16 : index
        %get3A_1442 = tpu.vector_load %arg15[%get3A_1440, %get3A_1441] {strides = array<i32>} : memref<320x128xf32, #tpu.memory_space<vmem>>, vector<1x16xf32>,
        %get3A_1443 = vector.shape_cast %get3A_1442 : vector<1x16xf32> to vector<16xf32>
        %mul3A_1444 = vector.broadcast %squeeze3A_1428 : f32 to vector<16xf32>
        %mul3A_1445 = arith.mulf %mul3A_1444, %get3A_1443 : vector<16xf32>
        %add3A_1446 = arith.addf %add3A_1408, %mul3A_1445 : vector<16xf32>
        %add3A_1447 = arith.constant 18 : i32
        %add3A_1448 = arith.addi %add3A_737, %add3A_1447 : i32
        %get3A_1449 = arith.index_cast %add3A_1448 : i32 to index
        %get3A_1450 = arith.constant 32 : index
        %get3A_1451 = tpu.vector_load %arg15[%get3A_1449, %get3A_1450] {strides = array<i32>} : memref<320x128xf32, #tpu.memory_space<vmem>>, vector<1x16xf32>,
        %get3A_1452 = vector.shape_cast %get3A_1451 : vector<1x16xf32> to vector<16xf32>
        %mul3A_1453 = vector.broadcast %squeeze3A_1428 : f32 to vector<16xf32>
        %mul3A_1454 = arith.mulf %mul3A_1453, %get3A_1452 : vector<16xf32>
        %add3A_1455 = arith.addf %add3A_1417, %mul3A_1454 : vector<16xf32>
        %add3A_1456 = arith.constant 18 : i32
        %add3A_1457 = arith.addi %add3A_737, %add3A_1456 : i32
        %get3A_1458 = arith.index_cast %add3A_1457 : i32 to index
        %get3A_1459 = arith.constant 48 : index
        %get3A_1460 = tpu.vector_load %arg15[%get3A_1458, %get3A_1459] {strides = array<i32>} : memref<320x128xf32, #tpu.memory_space<vmem>>, vector<1x16xf32>,
        %get3A_1461 = vector.shape_cast %get3A_1460 : vector<1x16xf32> to vector<16xf32>
        %mul3A_1462 = vector.broadcast %squeeze3A_1428 : f32 to vector<16xf32>
        %mul3A_1463 = arith.mulf %mul3A_1462, %get3A_1461 : vector<16xf32>
        %add3A_1464 = arith.addf %add3A_1426, %mul3A_1463 : vector<16xf32>
        %slice3A_1465 = vector.extract_strided_slice %get3A_735 {offsets = [15], sizes = [1], strides = [1]} : vector<16xf32> to vector<1xf32>
        %squeeze3A_1466 = vector.extract %slice3A_1465[0] : f32 from vector<1xf32>
        %add3A_1467 = arith.constant 19 : i32
        %add3A_1468 = arith.addi %add3A_737, %add3A_1467 : i32
        %get3A_1469 = arith.index_cast %add3A_1468 : i32 to index
        %get3A_1470 = arith.constant 0 : index
        %get3A_1471 = tpu.vector_load %arg15[%get3A_1469, %get3A_1470] {strides = array<i32>} : memref<320x128xf32, #tpu.memory_space<vmem>>, vector<1x16xf32>,
        %get3A_1472 = vector.shape_cast %get3A_1471 : vector<1x16xf32> to vector<16xf32>
        %mul3A_1473 = vector.broadcast %squeeze3A_1466 : f32 to vector<16xf32>
        %mul3A_1474 = arith.mulf %mul3A_1473, %get3A_1472 : vector<16xf32>
        %add3A_1475 = arith.addf %add3A_1437, %mul3A_1474 : vector<16xf32>
        %add3A_1476 = arith.constant 19 : i32
        %add3A_1477 = arith.addi %add3A_737, %add3A_1476 : i32
        %get3A_1478 = arith.index_cast %add3A_1477 : i32 to index
        %get3A_1479 = arith.constant 16 : index
        %get3A_1480 = tpu.vector_load %arg15[%get3A_1478, %get3A_1479] {strides = array<i32>} : memref<320x128xf32, #tpu.memory_space<vmem>>, vector<1x16xf32>,
        %get3A_1481 = vector.shape_cast %get3A_1480 : vector<1x16xf32> to vector<16xf32>
        %mul3A_1482 = vector.broadcast %squeeze3A_1466 : f32 to vector<16xf32>
        %mul3A_1483 = arith.mulf %mul3A_1482, %get3A_1481 : vector<16xf32>
        %add3A_1484 = arith.addf %add3A_1446, %mul3A_1483 : vector<16xf32>
        %add3A_1485 = arith.constant 19 : i32
        %add3A_1486 = arith.addi %add3A_737, %add3A_1485 : i32
        %get3A_1487 = arith.index_cast %add3A_1486 : i32 to index
        %get3A_1488 = arith.constant 32 : index
        %get3A_1489 = tpu.vector_load %arg15[%get3A_1487, %get3A_1488] {strides = array<i32>} : memref<320x128xf32, #tpu.memory_space<vmem>>, vector<1x16xf32>,
        %get3A_1490 = vector.shape_cast %get3A_1489 : vector<1x16xf32> to vector<16xf32>
        %mul3A_1491 = vector.broadcast %squeeze3A_1466 : f32 to vector<16xf32>
        %mul3A_1492 = arith.mulf %mul3A_1491, %get3A_1490 : vector<16xf32>
        %add3A_1493 = arith.addf %add3A_1455, %mul3A_1492 : vector<16xf32>
        %add3A_1494 = arith.constant 19 : i32
        %add3A_1495 = arith.addi %add3A_737, %add3A_1494 : i32
        %get3A_1496 = arith.index_cast %add3A_1495 : i32 to index
        %get3A_1497 = arith.constant 48 : index
        %get3A_1498 = tpu.vector_load %arg15[%get3A_1496, %get3A_1497] {strides = array<i32>} : memref<320x128xf32, #tpu.memory_space<vmem>>, vector<1x16xf32>,
        %get3A_1499 = vector.shape_cast %get3A_1498 : vector<1x16xf32> to vector<16xf32>
        %mul3A_1500 = vector.broadcast %squeeze3A_1466 : f32 to vector<16xf32>
        %mul3A_1501 = arith.mulf %mul3A_1500, %get3A_1499 : vector<16xf32>
        %add3A_1502 = arith.addf %add3A_1464, %mul3A_1501 : vector<16xf32>
        %mul3A_1503 = arith.constant 64 : i32
        %mul3A_1504 = arith.muli %scan3A_723, %mul3A_1503 : i32
        %add3A_1505 = arith.constant 128 : i32
        %add3A_1506 = arith.addi %add3A_1505, %mul3A_1504 : i32
        %add3A_1507 = arith.constant 0 : i32
        %add3A_1508 = arith.addi %add3A_1506, %add3A_1507 : i32
        %swap3A_1509 = arith.index_cast %select_n3A_437 : i32 to index
        %swap3A_1510 = arith.index_cast %select_n3A_592 : i32 to index
        %swap3A_1511 = arith.index_cast %add3A_1508 : i32 to index
        %swap3A_1512 = tpu.vector_load %arg16[%swap3A_1509, %swap3A_1510, %swap3A_1511] {strides = array<i32>} : memref<2x8x384xf32, #tpu.memory_space<vmem>>, vector<1x1x16xf32>,
        %swap3A_1513 = vector.shape_cast %swap3A_1512 : vector<1x1x16xf32> to vector<16xf32>
        %swap3A_1514 = vector.shape_cast %add3A_1475 : vector<16xf32> to vector<1x1x16xf32>
        tpu.vector_store %arg16[%swap3A_1509, %swap3A_1510, %swap3A_1511], %swap3A_1514 {strides = array<i32>} : memref<2x8x384xf32, #tpu.memory_space<vmem>>, vector<1x1x16xf32>,
        %mul3A_1515 = arith.constant 64 : i32
        %mul3A_1516 = arith.muli %scan3A_723, %mul3A_1515 : i32
        %add3A_1517 = arith.constant 128 : i32
        %add3A_1518 = arith.addi %add3A_1517, %mul3A_1516 : i32
        %add3A_1519 = arith.constant 16 : i32
        %add3A_1520 = arith.addi %add3A_1518, %add3A_1519 : i32
        %swap3A_1521 = arith.index_cast %select_n3A_437 : i32 to index
        %swap3A_1522 = arith.index_cast %select_n3A_592 : i32 to index
        %swap3A_1523 = arith.index_cast %add3A_1520 : i32 to index
        %swap3A_1524 = tpu.vector_load %arg16[%swap3A_1521, %swap3A_1522, %swap3A_1523] {strides = array<i32>} : memref<2x8x384xf32, #tpu.memory_space<vmem>>, vector<1x1x16xf32>,
        %swap3A_1525 = vector.shape_cast %swap3A_1524 : vector<1x1x16xf32> to vector<16xf32>
        %swap3A_1526 = vector.shape_cast %add3A_1484 : vector<16xf32> to vector<1x1x16xf32>
        tpu.vector_store %arg16[%swap3A_1521, %swap3A_1522, %swap3A_1523], %swap3A_1526 {strides = array<i32>} : memref<2x8x384xf32, #tpu.memory_space<vmem>>, vector<1x1x16xf32>,
        %mul3A_1527 = arith.constant 64 : i32
        %mul3A_1528 = arith.muli %scan3A_723, %mul3A_1527 : i32
        %add3A_1529 = arith.constant 128 : i32
        %add3A_1530 = arith.addi %add3A_1529, %mul3A_1528 : i32
        %add3A_1531 = arith.constant 32 : i32
        %add3A_1532 = arith.addi %add3A_1530, %add3A_1531 : i32
        %swap3A_1533 = arith.index_cast %select_n3A_437 : i32 to index
        %swap3A_1534 = arith.index_cast %select_n3A_592 : i32 to index
        %swap3A_1535 = arith.index_cast %add3A_1532 : i32 to index
        %swap3A_1536 = tpu.vector_load %arg16[%swap3A_1533, %swap3A_1534, %swap3A_1535] {strides = array<i32>} : memref<2x8x384xf32, #tpu.memory_space<vmem>>, vector<1x1x16xf32>,
        %swap3A_1537 = vector.shape_cast %swap3A_1536 : vector<1x1x16xf32> to vector<16xf32>
        %swap3A_1538 = vector.shape_cast %add3A_1493 : vector<16xf32> to vector<1x1x16xf32>
        tpu.vector_store %arg16[%swap3A_1533, %swap3A_1534, %swap3A_1535], %swap3A_1538 {strides = array<i32>} : memref<2x8x384xf32, #tpu.memory_space<vmem>>, vector<1x1x16xf32>,
        %mul3A_1539 = arith.constant 64 : i32
        %mul3A_1540 = arith.muli %scan3A_723, %mul3A_1539 : i32
        %add3A_1541 = arith.constant 128 : i32
        %add3A_1542 = arith.addi %add3A_1541, %mul3A_1540 : i32
        %add3A_1543 = arith.constant 48 : i32
        %add3A_1544 = arith.addi %add3A_1542, %add3A_1543 : i32
        %swap3A_1545 = arith.index_cast %select_n3A_437 : i32 to index
        %swap3A_1546 = arith.index_cast %select_n3A_592 : i32 to index
        %swap3A_1547 = arith.index_cast %add3A_1544 : i32 to index
        %swap3A_1548 = tpu.vector_load %arg16[%swap3A_1545, %swap3A_1546, %swap3A_1547] {strides = array<i32>} : memref<2x8x384xf32, #tpu.memory_space<vmem>>, vector<1x1x16xf32>,
        %swap3A_1549 = vector.shape_cast %swap3A_1548 : vector<1x1x16xf32> to vector<16xf32>
        %swap3A_1550 = vector.shape_cast %add3A_1502 : vector<16xf32> to vector<1x1x16xf32>
        tpu.vector_store %arg16[%swap3A_1545, %swap3A_1546, %swap3A_1547], %swap3A_1550 {strides = array<i32>} : memref<2x8x384xf32, #tpu.memory_space<vmem>>, vector<1x1x16xf32>,
      }
      %scan3A_598 = arith.constant 4 : i32
      %get3A_599 = arith.index_cast %add3A_576 : i32 to index
      %get3A_600 = arith.constant 0 : index
      %get3A_601 = tpu.vector_load %arg14[%get3A_599, %get3A_600] {strides = array<i32>} : memref<64x128xf32, #tpu.memory_space<vmem>>, vector<1x16xf32>,
      %get3A_602 = vector.shape_cast %get3A_601 : vector<1x16xf32> to vector<16xf32>
      %swap3A_603 = arith.index_cast %select_n3A_437 : i32 to index
      %swap3A_604 = arith.index_cast %select_n3A_592 : i32 to index
      %swap3A_605 = arith.constant 0 : index
      %swap3A_606 = tpu.vector_load %arg16[%swap3A_603, %swap3A_604, %swap3A_605] {strides = array<i32>} : memref<2x8x384xf32, #tpu.memory_space<vmem>>, vector<1x1x16xf32>,
      %swap3A_607 = vector.shape_cast %swap3A_606 : vector<1x1x16xf32> to vector<16xf32>
      %swap3A_608 = vector.shape_cast %get3A_602 : vector<16xf32> to vector<1x1x16xf32>
      tpu.vector_store %arg16[%swap3A_603, %swap3A_604, %swap3A_605], %swap3A_608 {strides = array<i32>} : memref<2x8x384xf32, #tpu.memory_space<vmem>>, vector<1x1x16xf32>,
      %get3A_609 = arith.index_cast %add3A_576 : i32 to index
      %get3A_610 = arith.constant 16 : index
      %get3A_611 = tpu.vector_load %arg14[%get3A_609, %get3A_610] {strides = array<i32>} : memref<64x128xf32, #tpu.memory_space<vmem>>, vector<1x16xf32>,
      %get3A_612 = vector.shape_cast %get3A_611 : vector<1x16xf32> to vector<16xf32>
      %swap3A_613 = arith.index_cast %select_n3A_437 : i32 to index
      %swap3A_614 = arith.index_cast %select_n3A_592 : i32 to index
      %swap3A_615 = arith.constant 16 : index
      %swap3A_616 = tpu.vector_load %arg16[%swap3A_613, %swap3A_614, %swap3A_615] {strides = array<i32>} : memref<2x8x384xf32, #tpu.memory_space<vmem>>, vector<1x1x16xf32>,
      %swap3A_617 = vector.shape_cast %swap3A_616 : vector<1x1x16xf32> to vector<16xf32>
      %swap3A_618 = vector.shape_cast %get3A_612 : vector<16xf32> to vector<1x1x16xf32>
      tpu.vector_store %arg16[%swap3A_613, %swap3A_614, %swap3A_615], %swap3A_618 {strides = array<i32>} : memref<2x8x384xf32, #tpu.memory_space<vmem>>, vector<1x1x16xf32>,
      %get3A_619 = arith.index_cast %add3A_576 : i32 to index
      %get3A_620 = arith.constant 32 : index
      %get3A_621 = tpu.vector_load %arg14[%get3A_619, %get3A_620] {strides = array<i32>} : memref<64x128xf32, #tpu.memory_space<vmem>>, vector<1x16xf32>,
      %get3A_622 = vector.shape_cast %get3A_621 : vector<1x16xf32> to vector<16xf32>
      %swap3A_623 = arith.index_cast %select_n3A_437 : i32 to index
      %swap3A_624 = arith.index_cast %select_n3A_592 : i32 to index
      %swap3A_625 = arith.constant 32 : index
      %swap3A_626 = tpu.vector_load %arg16[%swap3A_623, %swap3A_624, %swap3A_625] {strides = array<i32>} : memref<2x8x384xf32, #tpu.memory_space<vmem>>, vector<1x1x16xf32>,
      %swap3A_627 = vector.shape_cast %swap3A_626 : vector<1x1x16xf32> to vector<16xf32>
      %swap3A_628 = vector.shape_cast %get3A_622 : vector<16xf32> to vector<1x1x16xf32>
      tpu.vector_store %arg16[%swap3A_623, %swap3A_624, %swap3A_625], %swap3A_628 {strides = array<i32>} : memref<2x8x384xf32, #tpu.memory_space<vmem>>, vector<1x1x16xf32>,
      %get3A_629 = arith.index_cast %add3A_576 : i32 to index
      %get3A_630 = arith.constant 48 : index
      %get3A_631 = tpu.vector_load %arg14[%get3A_629, %get3A_630] {strides = array<i32>} : memref<64x128xf32, #tpu.memory_space<vmem>>, vector<1x16xf32>,
      %get3A_632 = vector.shape_cast %get3A_631 : vector<1x16xf32> to vector<16xf32>
      %swap3A_633 = arith.index_cast %select_n3A_437 : i32 to index
      %swap3A_634 = arith.index_cast %select_n3A_592 : i32 to index
      %swap3A_635 = arith.constant 48 : index
      %swap3A_636 = tpu.vector_load %arg16[%swap3A_633, %swap3A_634, %swap3A_635] {strides = array<i32>} : memref<2x8x384xf32, #tpu.memory_space<vmem>>, vector<1x1x16xf32>,
      %swap3A_637 = vector.shape_cast %swap3A_636 : vector<1x1x16xf32> to vector<16xf32>
      %swap3A_638 = vector.shape_cast %get3A_632 : vector<16xf32> to vector<1x1x16xf32>
      tpu.vector_store %arg16[%swap3A_633, %swap3A_634, %swap3A_635], %swap3A_638 {strides = array<i32>} : memref<2x8x384xf32, #tpu.memory_space<vmem>>, vector<1x1x16xf32>,
      %get3A_639 = arith.index_cast %add3A_576 : i32 to index
      %get3A_640 = arith.constant 64 : index
      %get3A_641 = tpu.vector_load %arg14[%get3A_639, %get3A_640] {strides = array<i32>} : memref<64x128xf32, #tpu.memory_space<vmem>>, vector<1x16xf32>,
      %get3A_642 = vector.shape_cast %get3A_641 : vector<1x16xf32> to vector<16xf32>
      %swap3A_643 = arith.index_cast %select_n3A_437 : i32 to index
      %swap3A_644 = arith.index_cast %select_n3A_592 : i32 to index
      %swap3A_645 = arith.constant 64 : index
      %swap3A_646 = tpu.vector_load %arg16[%swap3A_643, %swap3A_644, %swap3A_645] {strides = array<i32>} : memref<2x8x384xf32, #tpu.memory_space<vmem>>, vector<1x1x16xf32>,
      %swap3A_647 = vector.shape_cast %swap3A_646 : vector<1x1x16xf32> to vector<16xf32>
      %swap3A_648 = vector.shape_cast %get3A_642 : vector<16xf32> to vector<1x1x16xf32>
      tpu.vector_store %arg16[%swap3A_643, %swap3A_644, %swap3A_645], %swap3A_648 {strides = array<i32>} : memref<2x8x384xf32, #tpu.memory_space<vmem>>, vector<1x1x16xf32>,
      %get3A_649 = arith.index_cast %add3A_576 : i32 to index
      %get3A_650 = arith.constant 80 : index
      %get3A_651 = tpu.vector_load %arg14[%get3A_649, %get3A_650] {strides = array<i32>} : memref<64x128xf32, #tpu.memory_space<vmem>>, vector<1x16xf32>,
      %get3A_652 = vector.shape_cast %get3A_651 : vector<1x16xf32> to vector<16xf32>
      %swap3A_653 = arith.index_cast %select_n3A_437 : i32 to index
      %swap3A_654 = arith.index_cast %select_n3A_592 : i32 to index
      %swap3A_655 = arith.constant 80 : index
      %swap3A_656 = tpu.vector_load %arg16[%swap3A_653, %swap3A_654, %swap3A_655] {strides = array<i32>} : memref<2x8x384xf32, #tpu.memory_space<vmem>>, vector<1x1x16xf32>,
      %swap3A_657 = vector.shape_cast %swap3A_656 : vector<1x1x16xf32> to vector<16xf32>
      %swap3A_658 = vector.shape_cast %get3A_652 : vector<16xf32> to vector<1x1x16xf32>
      tpu.vector_store %arg16[%swap3A_653, %swap3A_654, %swap3A_655], %swap3A_658 {strides = array<i32>} : memref<2x8x384xf32, #tpu.memory_space<vmem>>, vector<1x1x16xf32>,
      %get3A_659 = arith.index_cast %add3A_576 : i32 to index
      %get3A_660 = arith.constant 96 : index
      %get3A_661 = tpu.vector_load %arg14[%get3A_659, %get3A_660] {strides = array<i32>} : memref<64x128xf32, #tpu.memory_space<vmem>>, vector<1x16xf32>,
      %get3A_662 = vector.shape_cast %get3A_661 : vector<1x16xf32> to vector<16xf32>
      %swap3A_663 = arith.index_cast %select_n3A_437 : i32 to index
      %swap3A_664 = arith.index_cast %select_n3A_592 : i32 to index
      %swap3A_665 = arith.constant 96 : index
      %swap3A_666 = tpu.vector_load %arg16[%swap3A_663, %swap3A_664, %swap3A_665] {strides = array<i32>} : memref<2x8x384xf32, #tpu.memory_space<vmem>>, vector<1x1x16xf32>,
      %swap3A_667 = vector.shape_cast %swap3A_666 : vector<1x1x16xf32> to vector<16xf32>
      %swap3A_668 = vector.shape_cast %get3A_662 : vector<16xf32> to vector<1x1x16xf32>
      tpu.vector_store %arg16[%swap3A_663, %swap3A_664, %swap3A_665], %swap3A_668 {strides = array<i32>} : memref<2x8x384xf32, #tpu.memory_space<vmem>>, vector<1x1x16xf32>,
      %get3A_669 = arith.index_cast %add3A_576 : i32 to index
      %get3A_670 = arith.constant 112 : index
      %get3A_671 = tpu.vector_load %arg14[%get3A_669, %get3A_670] {strides = array<i32>} : memref<64x128xf32, #tpu.memory_space<vmem>>, vector<1x16xf32>,
      %get3A_672 = vector.shape_cast %get3A_671 : vector<1x16xf32> to vector<16xf32>
      %swap3A_673 = arith.index_cast %select_n3A_437 : i32 to index
      %swap3A_674 = arith.index_cast %select_n3A_592 : i32 to index
      %swap3A_675 = arith.constant 112 : index
      %swap3A_676 = tpu.vector_load %arg16[%swap3A_673, %swap3A_674, %swap3A_675] {strides = array<i32>} : memref<2x8x384xf32, #tpu.memory_space<vmem>>, vector<1x1x16xf32>,
      %swap3A_677 = vector.shape_cast %swap3A_676 : vector<1x1x16xf32> to vector<16xf32>
      %swap3A_678 = vector.shape_cast %get3A_672 : vector<16xf32> to vector<1x1x16xf32>
      tpu.vector_store %arg16[%swap3A_673, %swap3A_674, %swap3A_675], %swap3A_678 {strides = array<i32>} : memref<2x8x384xf32, #tpu.memory_space<vmem>>, vector<1x1x16xf32>,
      %jit3A_679 = arith.constant 2 : i32
      %eq3A_680 = arith.constant 0 : i32
      %eq3A_681 = arith.cmpi eq, %jit3A_679, %eq3A_680 : i32
      %jit3A_682 = arith.constant 1 : i32
      %select_n3A_683 = arith.select %eq3A_681, %jit3A_682, %jit3A_679 : i32
      %rem3A_684 = arith.remsi %scan3A_95, %select_n3A_683 : i32
      %ne3A_685 = arith.constant 0 : i32
      %ne3A_686 = arith.cmpi ne, %rem3A_684, %ne3A_685 : i32
      %lt3A_687 = arith.constant 0 : i32
      %lt3A_688 = arith.cmpi slt, %rem3A_684, %lt3A_687 : i32
      %lt3A_689 = arith.constant 0 : i32
      %lt3A_690 = arith.cmpi slt, %select_n3A_683, %lt3A_689 : i32
      %ne3A_691 = arith.xori %lt3A_688, %lt3A_690 : i1
      %and3A_692 = arith.andi %ne3A_691, %ne3A_686 : i1
      %add3A_693 = arith.addi %rem3A_684, %select_n3A_683 : i32
      %select_n3A_694 = arith.select %and3A_692, %add3A_693, %rem3A_684 : i32
      %eq3A_695 = arith.constant 1 : i32
      %eq3A_696 = arith.cmpi eq, %select_n3A_694, %eq3A_695 : i32
      %ge3A = arith.constant 3 : i32
      %ge3A_697 = arith.cmpi sge, %scan3A_95, %ge3A : i32
      %and3A_698 = arith.andi %eq3A_696, %ge3A_697 : i1
      %convert_element_type3A_699 = arith.extui %and3A_698 : i1 to i32
      %cond3A_700 = arith.constant 0 : i32
      %cond3A_701 = arith.cmpi ne, %convert_element_type3A_699, %cond3A_700 : i32
      scf.if %cond3A_701 {
        %sub3A_723 = arith.constant 11 : i32
        %sub3A_724 = arith.subi %add3A_397, %sub3A_723 : i32
        %mul3A_725 = arith.constant 64 : i32
        %mul3A_726 = arith.muli %add3A, %mul3A_725 : i32
        %mul3A_727 = arith.constant 2 : i32
        %mul3A_728 = arith.muli %sub3A_724, %mul3A_727 : i32
        %add3A_729 = arith.addi %mul3A_726, %mul3A_728 : i32
        %multiple_of3A = tpu.assume_multiple %add3A_729, 8 : i32
        %dma_wait3A_730 = arith.constant 0 : i32
        %dma_wait3A_731 = arith.constant 0 : i32
        %dma_wait3A_732 = arith.constant 0 : i32
        %dma_wait3A_733 = tpu.memref_slice %arg16[%dma_wait3A_730, %dma_wait3A_731, %dma_wait3A_732] : memref<2x8x384xf32, #tpu.memory_space<vmem>> -> memref<1x8x384xf32, #tpu.memory_space<vmem>>
        %dma_wait3A_734 = tpu.memref_squeeze %dma_wait3A_733 : memref<1x8x384xf32, #tpu.memory_space<vmem>> -> memref<8x384xf32, #tpu.memory_space<vmem>>
        %dma_wait3A_735 = arith.constant 0 : i32
        %dma_wait3A_736 = tpu.memref_slice %arg8[%multiple_of3A, %dma_wait3A_735] : memref<2048x384xf32, #tpu.memory_space<hbm>> -> memref<8x384xf32, #tpu.memory_space<hbm>>
        %dma_wait3A_737 = arith.constant 0 : i32
        %dma_wait3A_738 = tpu.memref_slice %arg8[%multiple_of3A, %dma_wait3A_737] : memref<2048x384xf32, #tpu.memory_space<hbm>> -> memref<8x384xf32, #tpu.memory_space<hbm>>
        %dma_wait3A_739 = arith.constant 0 : i32
        %dma_wait3A_740 = arith.constant 0 : i32
        %dma_wait3A_741 = tpu.memref_slice %arg16[%dma_wait3A_730, %dma_wait3A_739, %dma_wait3A_740] : memref<2x8x384xf32, #tpu.memory_space<vmem>> -> memref<1x8x384xf32, #tpu.memory_space<vmem>>
        %dma_wait3A_742 = tpu.memref_squeeze %dma_wait3A_741 : memref<1x8x384xf32, #tpu.memory_space<vmem>> -> memref<8x384xf32, #tpu.memory_space<vmem>>
        tpu.wait_dma2 semaphore(%arg21 : memref<!tpu.dma_semaphore, #tpu.memory_space<semaphore_mem>>) src(%dma_wait3A_742 : memref<8x384xf32, #tpu.memory_space<vmem>>) dst(%dma_wait3A_738 : memref<8x384xf32, #tpu.memory_space<hbm>>)
      } else {
      }
      %jit3A_702 = arith.constant 2 : i32
      %eq3A_703 = arith.constant 0 : i32
      %eq3A_704 = arith.cmpi eq, %jit3A_702, %eq3A_703 : i32
      %jit3A_705 = arith.constant 1 : i32
      %select_n3A_706 = arith.select %eq3A_704, %jit3A_705, %jit3A_702 : i32
      %rem3A_707 = arith.remsi %scan3A_95, %select_n3A_706 : i32
      %ne3A_708 = arith.constant 0 : i32
      %ne3A_709 = arith.cmpi ne, %rem3A_707, %ne3A_708 : i32
      %lt3A_710 = arith.constant 0 : i32
      %lt3A_711 = arith.cmpi slt, %rem3A_707, %lt3A_710 : i32
      %lt3A_712 = arith.constant 0 : i32
      %lt3A_713 = arith.cmpi slt, %select_n3A_706, %lt3A_712 : i32
      %ne3A_714 = arith.xori %lt3A_711, %lt3A_713 : i1
      %and3A_715 = arith.andi %ne3A_714, %ne3A_709 : i1
      %add3A_716 = arith.addi %rem3A_707, %select_n3A_706 : i32
      %select_n3A_717 = arith.select %and3A_715, %add3A_716, %rem3A_707 : i32
      %eq3A_718 = arith.constant 1 : i32
      %eq3A_719 = arith.cmpi eq, %select_n3A_717, %eq3A_718 : i32
      %convert_element_type3A_720 = arith.extui %eq3A_719 : i1 to i32
      %cond3A_721 = arith.constant 0 : i32
      %cond3A_722 = arith.cmpi ne, %convert_element_type3A_720, %cond3A_721 : i32
      scf.if %cond3A_722 {
        %sub3A_723 = arith.constant 3 : i32
        %sub3A_724 = arith.subi %add3A_397, %sub3A_723 : i32
        %mul3A_725 = arith.constant 64 : i32
        %mul3A_726 = arith.muli %add3A, %mul3A_725 : i32
        %mul3A_727 = arith.constant 2 : i32
        %mul3A_728 = arith.muli %sub3A_724, %mul3A_727 : i32
        %add3A_729 = arith.addi %mul3A_726, %mul3A_728 : i32
        %multiple_of3A = tpu.assume_multiple %add3A_729, 8 : i32
        %dma_start3A_730 = arith.constant 0 : i32
        %dma_start3A_731 = arith.constant 0 : i32
        %dma_start3A_732 = tpu.memref_slice %arg16[%select_n3A_437, %dma_start3A_730, %dma_start3A_731] : memref<2x8x384xf32, #tpu.memory_space<vmem>> -> memref<1x8x384xf32, #tpu.memory_space<vmem>>
        %dma_start3A_733 = tpu.memref_squeeze %dma_start3A_732 : memref<1x8x384xf32, #tpu.memory_space<vmem>> -> memref<8x384xf32, #tpu.memory_space<vmem>>
        %dma_start3A_734 = arith.constant 0 : i32
        %dma_start3A_735 = tpu.memref_slice %arg8[%multiple_of3A, %dma_start3A_734] : memref<2048x384xf32, #tpu.memory_space<hbm>> -> memref<8x384xf32, #tpu.memory_space<hbm>>
        %dma_start3A_736 = arith.constant 0 : i32
        %dma_start3A_737 = tpu.memref_slice %arg8[%multiple_of3A, %dma_start3A_736] : memref<2048x384xf32, #tpu.memory_space<hbm>> -> memref<8x384xf32, #tpu.memory_space<hbm>>
        %dma_start3A_738 = arith.constant 0 : i32
        %dma_start3A_739 = arith.constant 0 : i32
        %dma_start3A_740 = tpu.memref_slice %arg16[%select_n3A_437, %dma_start3A_738, %dma_start3A_739] : memref<2x8x384xf32, #tpu.memory_space<vmem>> -> memref<1x8x384xf32, #tpu.memory_space<vmem>>
        %dma_start3A_741 = tpu.memref_squeeze %dma_start3A_740 : memref<1x8x384xf32, #tpu.memory_space<vmem>> -> memref<8x384xf32, #tpu.memory_space<vmem>>
        tpu.enqueue_dma source(%dma_start3A_741 : memref<8x384xf32, #tpu.memory_space<vmem>>) target(%dma_start3A_737 : memref<8x384xf32, #tpu.memory_space<hbm>>) target_semaphore(%arg21 : memref<!tpu.dma_semaphore, #tpu.memory_space<semaphore_mem>>)
      } else {
      }
    }
    %scan3A_79 = arith.constant 16 : i32
    %mul3A_80 = arith.constant 64 : i32
    %mul3A_81 = arith.muli %add3A, %mul3A_80 : i32
    %dma_wait3A_82 = arith.constant 0 : i32
    %dma_wait3A_83 = arith.constant 0 : i32
    %dma_wait3A_84 = arith.constant 0 : i32
    %dma_wait3A_85 = tpu.memref_slice %arg16[%dma_wait3A_82, %dma_wait3A_83, %dma_wait3A_84] : memref<2x8x384xf32, #tpu.memory_space<vmem>> -> memref<1x8x384xf32, #tpu.memory_space<vmem>>
    %dma_wait3A_86 = tpu.memref_squeeze %dma_wait3A_85 : memref<1x8x384xf32, #tpu.memory_space<vmem>> -> memref<8x384xf32, #tpu.memory_space<vmem>>
    %dma_wait3A_87 = arith.constant 0 : i32
    %dma_wait3A_88 = tpu.memref_slice %arg8[%mul3A_81, %dma_wait3A_87] : memref<2048x384xf32, #tpu.memory_space<hbm>> -> memref<8x384xf32, #tpu.memory_space<hbm>>
    %dma_wait3A_89 = arith.constant 0 : i32
    %dma_wait3A_90 = tpu.memref_slice %arg8[%mul3A_81, %dma_wait3A_89] : memref<2048x384xf32, #tpu.memory_space<hbm>> -> memref<8x384xf32, #tpu.memory_space<hbm>>
    %dma_wait3A_91 = arith.constant 0 : i32
    %dma_wait3A_92 = arith.constant 0 : i32
    %dma_wait3A_93 = tpu.memref_slice %arg16[%dma_wait3A_82, %dma_wait3A_91, %dma_wait3A_92] : memref<2x8x384xf32, #tpu.memory_space<vmem>> -> memref<1x8x384xf32, #tpu.memory_space<vmem>>
    %dma_wait3A_94 = tpu.memref_squeeze %dma_wait3A_93 : memref<1x8x384xf32, #tpu.memory_space<vmem>> -> memref<8x384xf32, #tpu.memory_space<vmem>>
    tpu.wait_dma2 semaphore(%arg21 : memref<!tpu.dma_semaphore, #tpu.memory_space<semaphore_mem>>) src(%dma_wait3A_94 : memref<8x384xf32, #tpu.memory_space<vmem>>) dst(%dma_wait3A_90 : memref<8x384xf32, #tpu.memory_space<hbm>>)
    return
  }
}

</mosaic_0001>

<sc_bundles>
// kernel: kernel.3.cloned.1.call-start
scs
__scs_entry_jumppad:
0x0: {  	(pc) =	sbr.rel $0x88, $3  }
0x1: {  	(tag) =	ssettag $0x0;
	lr =	simm.s32 $0x1  }
0x2: {  	[smem:$0x3F9B] =	sst lr;
	_ =	strace $0xD0000000  }
0x3: {  	_ = 	snop  }
0x4: {  	_ = 	snop  }
0x5: {  	_ = 	snop  }
0x6: {  	_ = 	snop  }
0x7: {  	_ = 	snop  }
__scs_overlays_trampoline_lowered:
0x8: {  	[smem:$0x3FAA] =	sst s0  }
0x9: {  	[smem:$0x3FAB] =	sst s1  }
0xa: {  	[smem:$0x3FAC] =	sst s2  }
0xb: {  	[smem:$0x3FAD] =	sst s3  }
0xc: {  	[smem:$0x3FAE] =	sst s4  }
0xd: {  	[smem:$0x3FAF] =	sst s5  }
0xe: {  	[smem:$0x3FB0] =	sst s6  }
0xf: {  	[smem:$0x3FB1] =	sst s7  }
0x10: {  	[smem:$0x3FB2] =	sst s8  }
0x11: {  	[smem:$0x3FB3] =	sst s9;
	s0 =	simm.s32 @!p0 $0x0  }
0x12: {  	s1 =	sld [smem:$0x3F99];
	s0 =	simm.s32 @p0 $0x1  }
0x13: {  	[smem:$0x3FB4] =	sst s0;
	s0 =	simm.s32 @!p1 $0x0  }
0x14: {  	s2 =	sld [smem:$0x3F98];
	s0 =	simm.s32 @p1 $0x1  }
0x15: {  	[smem:$0x3FB5] =	sst s0;
	s0 =	simm.s32 @!p2 $0x0  }
0x16: {  	s3 =	sld [smem:$0x3FDB];
	s0 =	simm.s32 @p2 $0x1  }
0x17: {  	s4 =	simm.s32 $0x1BF5;
	[smem:$0x3FB7] =	sst s0  }
0x18: {  	s0 =	sld [smem:$0x3F9A];
	_ =	swait.ge [sflag:s4], $0x0  }
0x19: {  	s7 =	sld [smem:$0x3F9B]  }
0x1a: {  	s8 =	sadd.s32 $0xFFFFE003, lr  }
0x1b: {  	s9 =	sadd.s32 $0xFFFFFEF7, lr;
	s5 =	simm.s32 $0xFFFFFFFF;
	p2 =	slt.u32 s8, $0xFFFFF086  }
0x1c: {  	p1 =	slt.u32 s9, $0xF7A;
	s5 =	simm.s32 @!p2 $0x0  }
0x1d: {  	s5 =	simm.s32 @p1 $0x1;
	p0 =	seq.s32 s7, s2  }
0x1e: {  	s7 =	smul.u32 @!p0 $0xF7A, s2;
	p2 =	seq.s32 @!p0 s5, $0x0  }
0x1f: {  	s9 =	smul.u32 $0xF7A, s1;
	s8 =	simm.s32 @!p0 $0x1BF5;
	p2 =	por !p2, p0  }
0x20: {  	[sflag:s8] =	ssyncset.s32 @!p0 $0xFFFFF086;
	s6 =	sadd.s32 @!p0 s3, s7;
	s7 =	simm.s32 @!p0 $0x108  }
0x21: {  	s3 =	sadd.s32 s3, s9;
	s6 =	sadd.s32 @!p0 $0x88, s6;
	s7 =	simm.s32 @p2 $0x1082  }
0x22: {  	[simem:s7], [sflag:s8] =	dma.local @!p0 [hbm:s6], $0xF7A  }
0x23: {  	s9 =	sor.u32 $0xD0000000, s2;
	s6 =	simm.s32 $0x108;
	_ =	swait.ge @!p0 [sflag:s8], $0x0  }
0x24: {  	s3 =	sadd.s32 $0x88, s3;
	s6 =	simm.s32 @!p1 $0x1082;
	[sflag:s4] =	ssyncset.s32 $0xFFFFF086  }
0x25: {  	[simem:s6], [sflag:s4] =	dma.local [hbm:s3], $0xF7A  }
0x26: {  	[smem:$0x3F9B] =	sst s1;
	(tag) =	ssettag s2;
	_ =	strace s9  }
0x27: {  	s1 =	sld [smem:$0x3FAB]  }
0x28: {  	s2 =	sld [smem:$0x3FAC]  }
0x29: {  	s4 =	sld [smem:$0x3FAE]  }
0x2a: {  	p0 =	seq.s32 s5, $0x0;
	s5 =	sld [smem:$0x3FAF]  }
0x2b: {  	s6 =	sld [smem:$0x3FB0]  }
0x2c: {  	s7 =	sld [smem:$0x3FB1]  }
0x2d: {  	s3 =	simm.s32 $0x108;
	s8 =	sld [smem:$0x3FB2]  }
0x2e: {  	s3 =	simm.s32 @!p0 $0x1082;
	s9 =	sld [smem:$0x3FB3]  }
0x2f: {  	lr =	sadd.s32 s0, s3;
	s0 =	sld [smem:$0x3FAA]  }
0x30: {  	s3 =	sld [smem:$0x3FAD]  }
0x31: {  	[smem:$0x3FB6] =	sst s10  }
0x32: {  	s10 =	sld [smem:$0x3FB4];
	_ =	sdelay $0x3  }
0x33: {  	p0 =	seq.s32 s10, $0x1;
	s10 =	sld [smem:$0x3FB6];
	_ =	sdelay $0x3  }
0x34: {  	[smem:$0x3FB6] =	sst s10  }
0x35: {  	s10 =	sld [smem:$0x3FB5];
	_ =	sdelay $0x3  }
0x36: {  	p1 =	seq.s32 s10, $0x1;
	s10 =	sld [smem:$0x3FB6];
	_ =	sdelay $0x3  }
0x37: {  	[smem:$0x3FB6] =	sst s10  }
0x38: {  	s10 =	sld [smem:$0x3FB7]  }
0x39: {  	_ = 	snop;
	(pc) =	sbr.ind lr, $3  }
0x3a: {  	_ = 	snop  }
0x3b: {  	_ = 	snop  }
0x3c: {  	p2 =	seq.s32 s10, $0x1;
	s10 =	sld [smem:$0x3FB6]  }
0x3d: {  	_ =	shalt  }
0x3e: {  	_ =	shalt  }
0x3f: {  	_ =	shalt  }
0x40: {  	_ =	shalt  }
0x41: {  	_ =	shalt  }
0x42: {  	_ =	shalt  }
0x43: {  	_ =	shalt  }
0x44: {  	_ =	shalt  }
0x45: {  	_ =	shalt  }
0x46: {  	_ =	shalt  }
0x47: {  	_ =	shalt  }
0x48: {  	_ =	shalt  }
0x49: {  	_ =	shalt  }
0x4a: {  	_ =	shalt  }
0x4b: {  	_ =	shalt  }
0x4c: {  	_ =	shalt  }
0x4d: {  	_ =	shalt  }
0x4e: {  	_ =	shalt  }
0x4f: {  	_ =	shalt  }
0x50: {  	_ =	shalt  }
0x51: {  	_ =	shalt  }
0x52: {  	_ =	shalt  }
0x53: {  	_ =	shalt  }
0x54: {  	_ =	shalt  }
0x55: {  	_ =	shalt  }
0x56: {  	_ =	shalt  }
0x57: {  	_ =	shalt  }
0x58: {  	_ =	shalt  }
0x59: {  	_ =	shalt  }
0x5a: {  	_ =	shalt  }
0x5b: {  	_ =	shalt  }
0x5c: {  	_ =	shalt  }
0x5d: {  	_ =	shalt  }
0x5e: {  	_ =	shalt  }
0x5f: {  	_ =	shalt  }
0x60: {  	_ =	shalt  }
0x61: {  	_ =	shalt  }
0x62: {  	_ =	shalt  }
0x63: {  	_ =	shalt  }
0x64: {  	_ =	shalt  }
0x65: {  	_ =	shalt  }
0x66: {  	_ =	shalt  }
0x67: {  	_ =	shalt  }
0x68: {  	_ =	shalt  }
0x69: {  	_ =	shalt  }
0x6a: {  	_ =	shalt  }
0x6b: {  	_ =	shalt  }
0x6c: {  	_ =	shalt  }
0x6d: {  	_ =	shalt  }
0x6e: {  	_ =	shalt  }
0x6f: {  	_ =	shalt  }
0x70: {  	_ =	shalt  }
0x71: {  	_ =	shalt  }
0x72: {  	_ =	shalt  }
0x73: {  	_ =	shalt  }
0x74: {  	_ =	shalt  }
0x75: {  	_ =	shalt  }
0x76: {  	_ =	shalt  }
0x77: {  	_ =	shalt  }
0x78: {  	_ =	shalt  }
0x79: {  	_ =	shalt  }
0x7a: {  	_ =	shalt  }
0x7b: {  	_ =	shalt  }
0x7c: {  	_ =	shalt  }
0x7d: {  	_ =	shalt  }
0x7e: {  	_ =	shalt  }
0x7f: {  	_ =	shalt  }
0x80: {  	_ =	shalt  }
0x81: {  	_ =	shalt  }
0x82: {  	_ =	shalt  }
0x83: {  	_ =	shalt  }
0x84: {  	_ =	shalt  }
0x85: {  	_ =	shalt  }
0x86: {  	_ =	shalt  }
0x87: {  	_ =	shalt  }
.Lfunc_end0:
.L_simem_size_0:
called_computation_lowered:
.L_overlay_start_0:
0x88: {  	s2 =	sld [smem:$0x3FD9]  }
0x89: {  	s3 =	sld [smem:$0x3FFE];
	_ =	sdelay $0x1  }
0x8a: {  	s1 =	srdreg.scid  }
0x8b: {  	s0 =	sand.u32 $0x1, s1  }
0x8c: {  	s17 =	sshll.u32 s0, $0xA;
	s2 =	sadd.s32 s3, s2  }
0x8d: {  	s2 =	sadd.s32 s2, s17  }
0x8e: {  	[smem:$0x3FC2] =	sst s2  }
0x8f: {  	_ = 	snop  }
0x90: {  	s2 =	sld [smem:$0x3FC5]  }
0x91: {  	s18 =	sld [smem:$0x3FD0];
	(tm) =	ssettm $0x1  }
0x92: {  	s4 =	sld [smem:$0x3FFB];
	_ =	sdelay $0x3  }
0x93: {  	_ =	strace s4  }
0x94: {  	s4 =	sld [smem:$0x3FFC];
	_ =	sdelay $0x3  }
0x95: {  	_ =	strace s4  }
0x96: {  	s4 =	sld [smem:$0x3FFD];
	_ =	sdelay $0x3  }
0x97: {  	_ =	strace s4  }
0x98: {  	_ =	strace $0x8FFFFFFF  }
0x99: {  	s19 =	sld [smem:$0x3FDB];
	_ =	sdelay $0x1  }
0x9a: {  	s5 =	simm.s32 $_scs_section_size  }
0x9b: {  	s6 =	simm.s32 $_size__tile_overlayer_lowered;
	s7 =	simm.s32 $_tile_overlayer_lowered  }
0x9c: {  	s22 =	simm.s32 $0x1BFF;
	s21 =	sshll.u32 s7, $0x1;
	s4 =	sadd.s32 s5, s19  }
0x9d: {  	s8 =	simm.s32 $0x0;
	s20 =	sshll.u32 s6, $0x1;
	s6 =	sadd.s32 s21, s4  }
0x9e: {  	[timem:s8], [sflag:s22] =	dma.local [hbm:s6], s20  }
0x9f: {  	_ =	swait.ge [sflag:s22], s20  }
0xa0: {  	s5 =	ssub.s32 $0x0, s20;
	[sflag:s22] =	ssyncset.done $0x0  }
0xa1: {  	[sflag:s22] =	ssyncadd.s32 s5;
	_ =	sdelay $0x1  }
0xa2: {  	s23 =	simm.s32 $0x1B8B  }
0xa3: {  	_ =	swait.ge [sflag:s23], $0x1  }
0xa4: {  	[sflag:s23] =	ssyncset.done $0x0  }
0xa5: {  	s25 =	simm.s32 $0x1B8E;
	s24 =	sld [smem:$0x3FFE];
	[sflag:s23] =	ssyncadd.s32 $0xFFFFFFFF  }
0xa6: {  	s26 =	simm.s32 $execute0_lowered;
	[smem:$0x3FD2] =	sst s25  }
0xa7: {  	s6 =	sshll.u32 s26, $0x1;
	_ =	strace $0x80000046;
	[dreg:$0x1] =	wrdreg $0xFFFFFFFF  }
0xa8: {  	s28 =	simm.s32 $_size_execute0_lowered;
	s4 =	sadd.s32 s4, s6;
	[dreg:$0x0] =	wrdreg $0x0  }
0xa9: {  	s6 =	sshll.u32 s28, $0x1;
	[dreg:$0x2] =	wrdreg s4  }
0xaa: {  	[dreg:$0x3] =	wrdreg s6  }
0xab: {  	[dreg:$0x4] =	wrdreg $0xC0  }
0xac: {  	_ =	task [dreg:s8], $0x5FFFF  }
0xad: {  	[dreg:$0x1] =	wrdreg $0xFFFFFFFF  }
0xae: {  	[dreg:$0x0] =	wrdreg $0x60  }
0xaf: {  	[dreg:$0x2] =	wrdreg s24  }
0xb0: {  	[dreg:$0x3] =	wrdreg s2  }
0xb1: {  	[dreg:$0x4] =	wrdreg s18  }
0xb2: {  	[dreg:$0x5] =	wrdreg $0x9  }
0xb3: {  	_ =	task.clear_ibuf [dreg:s8], $0x6FFFF;
	_ =	strace $0x90000046  }
0xb4: {  	s29 =	simm.s32 $0x9;
	_ =	strace $0x80000048  }
0xb5: {  	_ =	swait.ge [sflag:s29], $0x1  }
0xb6: {  	[sflag:s29] =	ssyncadd.s32 $0xFFFFFFFF  }
0xb7: {  	_ =	strace $0x90000048  }
0xb8: {  	_ =	sfence  }
0xb9: {  	s30 =	sld [smem:$0x0];
	_ =	sdelay $0x2  }
0xba: {  	s31 =	sshll.u32 s1, $0xD;
	s1 =	sshrl.u32 s1, $0x2  }
0xbb: {  	s3 =	sand.u32 $0x4000, s31;
	s1 =	sadd.s32 s1, s30  }
0xbc: {  	s0 =	sor.u32 s3, s0;
	s1 =	sshll.u32 s1, $0x11  }
0xbd: {  	s0 =	sor.u32 s1, s0  }
0xbe: {  	s0 =	sadd.s32 $0x8F2B, s0  }
0xbf: {  	[sflag:s0] =	ssyncadd.remote.s32 $0x1  }
0xc0: {  	_ =	sfence.sel $0xFFFF  }
0xc1: {  	[dreg:$0x0] =	wrdreg $0xFFFFFFFF;
	(pc) =	sbr.abs _section_cstart, $3  }
0xc2: {  	[dreg:$0x1] =	wrdreg $0xFFFFFFFF  }
0xc3: {  	_ =	task.clear_ibuf [dreg:s8], $0x2FFFF;
	_ =	strace $0x9FFFFFFF  }
0xc4: {  	(tm) =	ssettm $0x7FFFFFFF  }
0xc5: {  	_ =	shalt  }
tec
execute0_lowered:
.L_overlay_start_1:
0x0: {  	(tag) =	ssettag $0x1  }
0x1: {  	s0 =	rddreg [dreg:$0x0]  }
0x2: {  	s1 =	srdreg.scid;
	s2 =	stileid.u32;
	v0 =	vimm.s32 $0xEFCDAB89  }
0x3: {  	s3 =	simm.s32 $0x0;
	v1 =	vimm.s32 $0x67452301;
	v2 =	vimm.s32 $0xDCFE98BA;
	v3 =	vimm.s32 $0x54761032;
	s1 =	sand.u32 $0x1, s1;
	s2 =	sshll.u32 s2, $0x1  }
0x4: {  	v4 =	vimm.s32 $0xBA98FEDC;
	v5 =	vimm.s32 $0xFEDCBA98;
	[smem:$0x7FF] =	sst s3;
	s2 =	sor.u32 s1, s2;
	s1 =	ssub.s32 $0x2, s1  }
0x5: {  	v6 =	vimm.s32 $0x32107654;
	v7 =	vimm.s32 $0x76543210;
	v0 =	vunpack.c.l.s4.s8 v0;
	s24 =	sshll.u32 s2, $0xA;
	s6 =	sshrl.u32 s1, $0x1;
	s30 =	sshll.u32 s2, $0x6  }
0x6: {  	v1 =	vunpack.c.l.s4.s8 v1;
	v2 =	vunpack.c.l.s4.s8 v2;
	v3 =	vunpack.c.l.s4.s8 v3;
	s3 =	sadd.s32 s24, s0;
	s25 =	ssub.s32 s1, s6;
	s1 =	sadd.s32 $0xFFFFFFFC, s30  }
0x7: {  	v5 =	vunpack.c.l.s4.s8 v5;
	v4 =	vunpack.c.l.s4.s8 v4;
	v6 =	vunpack.c.l.s4.s8 v6;
	_ =	strace $0x80000047;
	s26 =	sadd.s32 $0xF4B000, s3;
	[dreg:$0x8] =	wrdreg s1  }
0x8: {  	v7 =	vunpack.c.l.s4.s8 v7;
	s4 =	sshll.u32 s2, $0x4;
	v0 =	vunpack.c.0.s8.s32 v0;
	v1 =	vunpack.c.0.s8.s32 v1;
	s28 =	sadd.s32 $0xF53000, s3;
	[dreg:$0x4] =	wrdreg s26  }
0x9: {  	v2 =	vunpack.c.0.s8.s32 v2;
	v3 =	vunpack.c.0.s8.s32 v3;
	v5 =	vunpack.c.0.s8.s32 v5;
	s4 =	sadd.s32 s4, s0;
	s29 =	sadd.s32 $0xF43000, s3;
	[dreg:$0x5] =	wrdreg s28  }
0xa: {  	v4 =	vunpack.c.0.s8.s32 v4;
	v6 =	vunpack.c.0.s8.s32 v6;
	v7 =	vunpack.c.0.s8.s32 v7;
	s31 =	sadd.s32 $0xF5B000, s4;
	[dreg:$0x6] =	wrdreg s29  }
0xb: {  	s5 =	sadd.s32 $0xF5B200, s0;
	s0 =	smax.u32 s25, $0x1;
	v0 =	vcombine.low v1, v0;
	v1 =	vcombine.low v3, v2;
	v3 =	vand.u32 $0xF, v5;
	[dreg:$0x7] =	wrdreg s31  }
0xc: {  	s2 =	simm.s32 $0x0;
	v2 =	vcombine.low v6, v4;
	[dreg:$0x9] =	wrdreg s0;
	v3 =	vcombine.low v3, v7  }
.LBB2_1:
0xd: {  	[dreg:$0xa] =	wrdreg s2  }
0xe: {  	s0 =	simm.s32 $0x0;
	s1 =	rddreg [dreg:$0x4];
	s18 =	simm.s32 $0x6  }
0xf: {  	[tilespmem:s0], [sflag:$0x6] =	stream.linear.gather [hbm4b:s1+s0], $0x2000, $0x38;
	[tilespmem:$0x15880] =	vst v63  }
0x10: {  	_ =	swait.ge [sflag:s18], $0x2000  }
0x11: {  	[sflag:s18] =	ssyncset.done $0x0  }
0x12: {  	s20 =	simm.s32 $0x2000;
	s19 =	rddreg [dreg:$0x5];
	[sflag:s18] =	ssyncadd.s32 $0xFFFFE000  }
0x13: {  	[tilespmem:s20], [sflag:$0x4] =	stream.linear.gather [hbm4b:s19+s0], $0x2000, $0x38;
	[tilespmem:$0x15880] =	vst v63  }
0x14: {  	s22 =	simm.s32 $0x4000;
	s21 =	rddreg [dreg:$0x6]  }
0x15: {  	[tilespmem:s22], [sflag:$0x4] =	stream.linear.gather [hbm4b:s21+s0], $0x2000, $0x38;
	[tilespmem:$0x15880] =	vst v63  }
0x16: {  	s24 =	simm.s32 $0x8000;
	s23 =	rddreg [dreg:$0x7]  }
0x17: {  	[tilespmem:s24], [sflag:$0x4] =	stream.linear.gather [hbm4b:s23+s0], $0x80, $0x38;
	[tilespmem:$0x15880] =	vst v63  }
0x18: {  	s25 =	simm.s32 $0x50;
	s3 =	simm.s32 $0xA080  }
0x19: {  	[tilespmem:s3], [sflag:$0x1] =	stream.indirect.gather [hbm4b:s5+s25], $0x80, s0, s25, $0xb8;
	[tilespmem:$0x15880] =	vst v63  }
0x1a: {  	s26 =	simm.s32 $0x80;
	s28 =	simm.s32 $0xC880;
	s29 =	simm.s32 $0x4  }
0x1b: {  	[tilespmem:s28], [sflag:$0x1] =	stream.indirect.gather [hbm4b:s5+s25], $0x80, s26, s25, $0xb8;
	[tilespmem:$0x15880] =	vst v63  }
0x1c: {  	_ =	swait.ge [sflag:s29], $0x2000  }
0x1d: {  	[sflag:s29] =	ssyncset.done $0x0  }
0x1e: {  	[sflag:s29] =	ssyncadd.s32 $0xFFFFE000  }
0x1f: {  	_ =	swait.ge [sflag:s29], $0x2000  }
0x20: {  	[sflag:s29] =	ssyncset.done $0x0  }
0x21: {  	[sflag:s29] =	ssyncadd.s32 $0xFFFFE000  }
0x22: {  	_ =	swait.ge [sflag:s29], $0x80  }
0x23: {  	[sflag:s29] =	ssyncset.done $0x0  }
0x24: {  	s30 =	simm.s32 $0x40;
	[sflag:s29] =	ssyncadd.s32 $0xFFFFFF80  }
0x25: {  	s31 =	simm.s32 $0x8080;
	s3 =	simm.s32 $0x0;
	s0 =	rddreg [dreg:$0x1]  }
0x26: {  	[tilespmem:s31], [sflag:$0x3] =	stream.indirect.gather [hbm4b:s0+s30], $0x80, s24, s30, $0xb8;
	[tilespmem:$0x15880] =	vst v63  }
0x27: {  	v27 =	vld [tilespmem:s3+$0x2000]  }
0x28: {  	v28 =	vld [tilespmem:s3+$0x2010];
	_ =	sdelay $0x1  }
0x29: {  	v30 =	vld [tilespmem:s3+$0x2020];
	_ =	sdelay $0x1  }
0x2a: {  	v31 =	vld [tilespmem:s3+$0x2030]  }
0x2b: {  	v4 =	vadd.f32 v28, v27  }
0x2c: {  	v19 =	vld [tilespmem:s3+$0x2040]  }
0x2d: {  	v4 =	vadd.f32 v30, v4;
	_ =	sdelay $0x1  }
0x2e: {  	v4 =	vadd.f32 v31, v4  }
0x2f: {  	s1 =	simm.s32 $0x80  }
0x30: {  	v12 =	vld [tilespmem:s1+$0x2000];
	v4 =	vadd.f32 v19, v4  }
0x31: {  	v5 =	vld [tilespmem:s1+$0x2010]  }
0x32: {  	v6 =	vld [tilespmem:s1+$0x2020];
	v7 =	vperm.xlane v4, v0  }
0x33: {  	v10 =	vld [tilespmem:s3+$0x4000]  }
0x34: {  	v11 =	vld [tilespmem:s1+$0x2030];
	v4 =	vadd.f32 v7, v4  }
0x35: {  	v13 =	vld [tilespmem:s3+$0x4010]  }
0x36: {  	v17 =	vld [tilespmem:s1+$0x2040];
	v7 =	vperm.xlane v4, v1  }
0x37: {  	v14 =	vld [tilespmem:s3+$0x4020];
	v8 =	vadd.f32 v5, v12  }
0x38: {  	v16 =	vld [tilespmem:s3+$0x4030];
	v4 =	vadd.f32 v7, v4  }
0x39: {  	v18 =	vld [tilespmem:s1+$0x4000];
	v7 =	vadd.f32 v6, v8  }
0x3a: {  	v20 =	vld [tilespmem:s1+$0x4010];
	v8 =	vperm.xlane v4, v2  }
0x3b: {  	s0 =	simm.s32 $0x100;
	v22 =	vld [tilespmem:s1+$0x4020];
	v7 =	vadd.f32 v11, v7  }
0x3c: {  	v9 =	vadd.f32 v8, v4;
	v8 =	vld [tilespmem:s0+$0x2000]  }
0x3d: {  	v15 =	vadd.f32 v17, v7;
	v4 =	vld [tilespmem:s0+$0x2010]  }
0x3e: {  	v29 =	vld [tilespmem:s1+$0x4030];
	v21 =	vperm.xlane v9, v3  }
0x3f: {  	v7 =	vld [tilespmem:s0+$0x2020];
	v23 =	vperm.xlane v15, v0  }
0x40: {  	v32 =	vld [tilespmem:s0+$0x4010];
	v21 =	vadd.f32 v21, v9  }
0x41: {  	v23 =	vadd.f32 v23, v15;
	v9 =	vld [tilespmem:s0+$0x2030]  }
0x42: {  	v40 =	vld [tilespmem:s3+$0x4040];
	v24 =	vadd.f32 v4, v8;
	(erf) = vrcp.f32 v21  }
0x43: {  	s2 =	simm.s32 $0x180;
	v33 =	vsub.f32 $1.000000000e+00, v10;
	v15 =	vld [tilespmem:s0+$0x2040];
	v25 =	vperm.xlane v23, v1  }
0x44: {  	v56 =	vld [tilespmem:s2+$0x4000];
	v34 =	vsub.f32 $1.000000000e+00, v13;
	v10 =	vadd.f32 v7, v24  }
0x45: {  	v35 =	vsub.f32 $1.000000000e+00, v14;
	v21 =	vld [tilespmem:s0+$0x4000];
	v23 =	vadd.f32 v25, v23  }
0x46: {  	v38 =	vsub.f32 $1.000000000e+00, v16;
	v14 =	vld [tilespmem:s2+$0x2000];
	v10 =	vadd.f32 v9, v10  }
0x47: {  	v26 =	vsub.f32 $1.000000000e+00, v18;
	v13 =	vld [tilespmem:s2+$0x2010];
	v18 =	vsub.f32 $1.000000000e+00, v32;
	v16 =	vperm.xlane v23, v2  }
0x48: {  	v36 =	vld [tilespmem:s0+$0x4020];
	v40 =	vsub.f32 $1.000000000e+00, v40;
	v37 =	vadd.f32 v15, v10  }
0x49: {  	v25 =	vsub.f32 $1.000000000e+00, v22;
	v22 =	vld [tilespmem:s0+$0x4030];
	v39 =	vadd.f32 v16, v23  }
0x4a: {  	v24 =	vsub.f32 $1.000000000e+00, v20;
	v20 =	vsub.f32 $1.000000000e+00, v21;
	v10 =	vld [tilespmem:s2+$0x2020];
	v21 =	vperm.xlane v37, v0  }
0x4b: {  	v32 =	vsub.f32 $1.000000000e+00, v56;
	v23 =	vsub.f32 $1.000000000e+00, v29;
	v29 =	vperm.xlane v39, v3;
	v41 =	vpop (erf)  }
0x4c: {  	v58 =	vadd.f32 v13, v14;
	v37 =	vadd.f32 v21, v37;
	v21 =	vld [tilespmem:s2+$0x2030];
	v57 =	vmul.f32 $4.000000000e+00, v41  }
0x4d: {  	v59 =	vld [tilespmem:s2+$0x4010];
	v16 =	vsub.f32 $1.000000000e+00, v36;
	v29 =	vadd.f32 v29, v39  }
0x4e: {  	v43 =	vperm.xlane v37, v1;
	v42 =	vmul.f32 v57, v19;
	v19 =	vsub.f32 $1.000000000e+00, v22;
	v22 =	vld [tilespmem:s2+$0x2040]  }
0x4f: {  	v44 =	vld [tilespmem:s2+$0x4020];
	v39 =	vadd.f32 v10, v58;
	(erf) = vrcp.f32 v29;
	v27 =	vmul.f32 v57, v27  }
0x50: {  	v60 =	vmul.f32 v57, v28;
	v29 =	vld [tilespmem:s2+$0x4030];
	v43 =	vadd.f32 v43, v37;
	v40 =	vmul.f32 v40, v42  }
0x51: {  	v30 =	vmul.f32 v57, v30;
	v36 =	vmul.f32 v57, v31;
	v61 =	vadd.f32 v21, v39  }
0x52: {  	s4 =	simm.s32 $0x200;
	v31 =	vsub.f32 $1.000000000e+00, v59;
	v63 =	vmul.f32 v27, v33;
	v62 =	vperm.xlane v43, v2;
	[tilespmem:s3+$0x6040] =	vst v40  }
0x53: {  	v37 =	vmul.f32 v34, v60;
	v35 =	vmul.f32 v35, v30;
	v28 =	vld [tilespmem:s4+$0x2000];
	v33 =	vadd.f32 v22, v61  }
0x54: {  	s6 =	simm.s32 $0xA00;
	v30 =	vsub.f32 $1.000000000e+00, v44;
	v36 =	vmul.f32 v38, v36;
	v27 =	vld [tilespmem:s4+$0x2010];
	v34 =	vadd.f32 v62, v43;
	[tilespmem:s3+$0x6000] =	vst v63  }
.LBB2_2:
0x55: {  	v38 =	vperm.xlane v33, v0;
	v39 =	vld [tilespmem:s1+$0x4040];
	[tilespmem:s3+$0x6010] =	vst v37;
	v40 =	vmovc v19;
	v19 =	vsub.f32 $1.000000000e+00, v29;
	v41 =	vmovc v21;
	v37 =	vmov v26  }
0x56: {  	p0 =	sne.s32 s6, $0x7E00;
	v26 =	vmovc v20;
	v20 =	vmovc v32;
	v42 =	vmov v24;
	v24 =	vmov v18;
	v18 =	vmov v31  }
0x57: {  	v32 =	vmovc v8;
	v8 =	vmovc v14;
	v31 =	vld [tilespmem:s4+$0x2020];
	v29 =	vperm.xlane v34, v3;
	[tilespmem:s3+$0x6020] =	vst v35;
	v35 =	vmov v5;
	v5 =	vmov v4  }
0x58: {  	v4 =	vmov v13;
	v43 =	vld [tilespmem:s4+$0x4000];
	v33 =	vadd.f32 v38, v33;
	v14 =	vpop (erf);
	[tilespmem:s3+$0x6030] =	vst v36;
	v36 =	vmov v25;
	s3 =	smov.u32 s1;
	s1 =	smov.u32 s0;
	s0 =	smov.u32 s2  }
0x59: {  	v25 =	vmovc v16;
	v16 =	vmovc v30;
	s2 =	smov.u32 s4;
	v21 =	vld [tilespmem:s4+$0x2030];
	v29 =	vadd.f32 v29, v34;
	v34 =	vmul.f32 $4.000000000e+00, v14;
	v14 =	vmov v28  }
0x5a: {  	v28 =	vadd.f32 v27, v14;
	v30 =	vld [tilespmem:s2+$0x4010];
	v38 =	vperm.xlane v33, v1;
	v13 =	vmov v27  }
0x5b: {  	(erf) = vrcp.f32 v29;
	v27 =	vmul.f32 v34, v17;
	v39 =	vsub.f32 $1.000000000e+00, v39;
	v17 =	vmovc v15;
	v15 =	vmovc v22;
	v22 =	vld [tilespmem:s2+$0x2040]  }
0x5c: {  	v45 =	vmul.f32 v34, v12;
	v35 =	vmul.f32 v34, v35;
	v12 =	vmovc v32;
	v28 =	vadd.f32 v31, v28;
	v44 =	vld [tilespmem:s2+$0x4020]  }
.Ltmp0:
0x5d: {  	v46 =	vmul.f32 v34, v6;
	v6 =	vmovc v7;
	v38 =	vadd.f32 v38, v33;
	v29 =	vld [tilespmem:s2+$0x4030];
	v27 =	vmul.f32 v39, v27;
	(pc) =	sbr.rel @p0 .LBB2_2-.Ltmp0, $4  }
0x5e: {  	v7 =	vmovc v10;
	v10 =	vmovc v31;
	v32 =	vsub.f32 $1.000000000e+00, v43;
	v39 =	vmul.f32 v34, v11;
	v33 =	vadd.f32 v21, v28  }
0x5f: {  	s4 =	sshra.s32 s6, $0x2;
	v43 =	vmul.f32 v45, v37;
	v11 =	vmovc v9;
	v34 =	vperm.xlane v38, v2;
	v31 =	vsub.f32 $1.000000000e+00, v30;
	[tilespmem:s3+$0x6040] =	vst v27  }
0x60: {  	v37 =	vmul.f32 v42, v35;
	v35 =	vmul.f32 v36, v46;
	v9 =	vmovc v41;
	v28 =	vld [tilespmem:s4+$0x2000];
	v33 =	vadd.f32 v22, v33  }
0x61: {  	s6 =	sadd.s32 $0x200, s6;
	v36 =	vmul.f32 v23, v39;
	v23 =	vmovc v40;
	v34 =	vadd.f32 v34, v38;
	v27 =	vld [tilespmem:s4+$0x2010];
	v30 =	vsub.f32 $1.000000000e+00, v44;
	[tilespmem:s3+$0x6000] =	vst v43  }
0x62: {  	v38 =	vld [tilespmem:s1+$0x4040];
	[tilespmem:s3+$0x6010] =	vst v37  }
0x63: {  	v54 =	vperm.xlane v33, v0;
	v37 =	vld [tilespmem:s4+$0x2020];
	[tilespmem:s3+$0x6020] =	vst v35  }
0x64: {  	v40 =	vperm.xlane v34, v3;
	v39 =	vld [tilespmem:s4+$0x4000];
	[tilespmem:s3+$0x6030] =	vst v36  }
0x65: {  	v33 =	vadd.f32 v54, v33;
	v35 =	vld [tilespmem:s4+$0x2030]  }
0x66: {  	v55 =	vpop (erf);
	v34 =	vadd.f32 v40, v34;
	v56 =	vadd.f32 v27, v28  }
0x67: {  	v36 =	vmul.f32 $4.000000000e+00, v55;
	v42 =	vld [tilespmem:s4+$0x2040];
	v41 =	vperm.xlane v33, v1  }
0x68: {  	(erf) = vrcp.f32 v34;
	v57 =	vadd.f32 v37, v56  }
0x69: {  	v17 =	vmul.f32 v36, v17;
	v38 =	vsub.f32 $1.000000000e+00, v38;
	v33 =	vadd.f32 v41, v33  }
0x6a: {  	v12 =	vmul.f32 v36, v12;
	v34 =	vadd.f32 v35, v57  }
0x6b: {  	v40 =	vld [tilespmem:s4+$0x4010];
	v17 =	vmul.f32 v38, v17;
	v58 =	vperm.xlane v33, v2  }
0x6c: {  	v43 =	vld [tilespmem:s4+$0x4030];
	v12 =	vmul.f32 v12, v26;
	v59 =	vadd.f32 v42, v34  }
0x6d: {  	v41 =	vld [tilespmem:s4+$0x4020];
	[tilespmem:s1+$0x6040] =	vst v17;
	v60 =	vadd.f32 v58, v33  }
0x6e: {  	[tilespmem:s1+$0x6000] =	vst v12;
	v61 =	vperm.xlane v59, v0  }
0x6f: {  	v5 =	vmul.f32 v36, v5;
	v62 =	vld [tilespmem:s0+$0x4040];
	v63 =	vperm.xlane v60, v3  }
0x70: {  	v6 =	vmul.f32 v36, v6;
	v12 =	vadd.f32 v61, v59  }
0x71: {  	v11 =	vmul.f32 v36, v11;
	v5 =	vmul.f32 v24, v5;
	v38 =	vpop (erf);
	v17 =	vadd.f32 v63, v60  }
0x72: {  	v24 =	vmul.f32 $4.000000000e+00, v38;
	v26 =	vperm.xlane v12, v1  }
0x73: {  	v6 =	vmul.f32 v25, v6;
	(erf) = vrcp.f32 v17  }
0x74: {  	v44 =	vsub.f32 $1.000000000e+00, v62;
	v15 =	vmul.f32 v24, v15;
	v12 =	vadd.f32 v26, v12  }
0x75: {  	v11 =	vmul.f32 v23, v11;
	[tilespmem:s1+$0x6010] =	vst v5;
	v5 =	vmul.f32 v24, v8  }
0x76: {  	[tilespmem:s1+$0x6020] =	vst v6;
	v45 =	vmul.f32 v44, v15;
	v46 =	vperm.xlane v12, v2  }
0x77: {  	[tilespmem:s1+$0x6030] =	vst v11;
	v5 =	vmul.f32 v5, v20  }
0x78: {  	[tilespmem:s0+$0x6040] =	vst v45;
	v47 =	vadd.f32 v46, v12  }
0x79: {  	[tilespmem:s0+$0x6000] =	vst v5  }
0x7a: {  	v5 =	vld [tilespmem:s2+$0x4040];
	v8 =	vperm.xlane v47, v3;
	_ =	sdelay $0x1  }
0x7b: {  	v4 =	vmul.f32 v24, v4;
	v7 =	vmul.f32 v24, v7;
	v48 =	vpop (erf);
	v6 =	vadd.f32 v8, v47  }
0x7c: {  	v49 =	vmul.f32 v24, v9;
	v50 =	vmul.f32 $4.000000000e+00, v48  }
0x7d: {  	v4 =	vmul.f32 v18, v4;
	(erf) = vrcp.f32 v6  }
0x7e: {  	v51 =	vmul.f32 v16, v7;
	v5 =	vsub.f32 $1.000000000e+00, v5;
	v52 =	vmul.f32 v50, v22  }
0x7f: {  	[tilespmem:s0+$0x6010] =	vst v4;
	v8 =	vmul.f32 v19, v49;
	v4 =	vmul.f32 v50, v14  }
0x80: {  	[tilespmem:s0+$0x6020] =	vst v51;
	v5 =	vmul.f32 v5, v52  }
0x81: {  	[tilespmem:s0+$0x6030] =	vst v8;
	v4 =	vmul.f32 v4, v32  }
0x82: {  	[tilespmem:s2+$0x6040] =	vst v5  }
0x83: {  	[tilespmem:s2+$0x6000] =	vst v4  }
0x84: {  	v4 =	vld [tilespmem:s4+$0x4040];
	_ =	sdelay $0x1  }
0x85: {  	v5 =	vmul.f32 v50, v13;
	v53 =	vpop (erf)  }
0x86: {  	v54 =	vmul.f32 v50, v10;
	v6 =	vmul.f32 $4.000000000e+00, v53  }
0x87: {  	v55 =	vsub.f32 $1.000000000e+00, v29;
	v9 =	vmul.f32 v50, v21;
	v5 =	vmul.f32 v31, v5  }
0x88: {  	v7 =	vmul.f32 v30, v54;
	v4 =	vsub.f32 $1.000000000e+00, v4;
	v56 =	vmul.f32 v6, v42  }
0x89: {  	v57 =	vsub.f32 $1.000000000e+00, v39;
	v8 =	vmul.f32 v55, v9;
	[tilespmem:s2+$0x6010] =	vst v5;
	v5 =	vmul.f32 v6, v28  }
0x8a: {  	v60 =	vsub.f32 $1.000000000e+00, v41;
	[tilespmem:s2+$0x6020] =	vst v7;
	v61 =	vmul.f32 v6, v37;
	v4 =	vmul.f32 v4, v56  }
0x8b: {  	v58 =	vsub.f32 $1.000000000e+00, v40;
	[tilespmem:s2+$0x6030] =	vst v8;
	v59 =	vmul.f32 v6, v27;
	v5 =	vmul.f32 v5, v57  }
0x8c: {  	v62 =	vsub.f32 $1.000000000e+00, v43;
	v6 =	vmul.f32 v6, v35;
	v63 =	vmul.f32 v60, v61;
	[tilespmem:s4+$0x6040] =	vst v4  }
0x8d: {  	v4 =	vmul.f32 v58, v59;
	[tilespmem:s4+$0x6000] =	vst v5  }
0x8e: {  	v5 =	vmul.f32 v62, v6;
	[tilespmem:s4+$0x6020] =	vst v63  }
0x8f: {  	[tilespmem:s4+$0x6010] =	vst v4  }
0x90: {  	s30 =	simm.s32 $0x3;
	[tilespmem:s4+$0x6030] =	vst v5  }
0x91: {  	s31 =	simm.s32 $0x0;
	_ =	swait.ge [sflag:s30], $0x2000  }
0x92: {  	s13 =	simm.s32 $0x6184;
	s3 =	simm.s32 $0x6084;
	[sflag:s30] =	ssyncset.done $0x0  }
0x93: {  	s1 =	simm.s32 $0x6104;
	s0 =	simm.s32 $0x6004;
	[sflag:s30] =	ssyncadd.s32 $0xFFFFE000  }
.LBB2_4:
0x94: {  	s2 =	sshllo.u32 s31, $0x1;
	s4 =	simm.s32 $0x50  }
0x95: {  	s6 =	simm.s32 $0xF080;
	s19 =	sshll.u32 s2, $0x8;
	s21 =	sshllo.u32 s2, $0x1  }
0x96: {  	[tilespmem:s6], [sflag:$0x2] =	stream.indirect.gather [hbm4b:s5+s4], $0x80, s19, s4, $0xb8;
	[tilespmem:$0x15880] =	vst v63  }
0x97: {  	s24 =	simm.s32 $0x11880;
	s25 =	simm.s32 $0x1;
	s14 =	sshll.u32 s21, $0x7  }
0x98: {  	[tilespmem:s24], [sflag:$0x2] =	stream.indirect.gather [hbm4b:s5+s4], $0x80, s14, s4, $0xb8;
	[tilespmem:$0x15880] =	vst v63  }
0x99: {  	_ =	swait.ge [sflag:s25], $0x2800  }
0x9a: {  	[sflag:s25] =	ssyncset.done $0x0  }
0x9b: {  	[sflag:s25] =	ssyncadd.s32 $0xFFFFD800  }
0x9c: {  	_ =	swait.ge [sflag:s25], $0x2800  }
0x9d: {  	[sflag:s25] =	ssyncset.done $0x0  }
0x9e: {  	s6 =	simm.s32 $0xA580;
	[sflag:s25] =	ssyncadd.s32 $0xFFFFD800  }
0x9f: {  	v6 =	vld [tilespmem:s6+$0x2B0]  }
0xa0: {  	v5 =	vld [tilespmem:s6+$0x390]  }
0xa1: {  	v4 =	vld [tilespmem:s6+$0x230]  }
0xa2: {  	v11 =	vld [tilespmem:s6+$0xFFFFFFB0]  }
0xa3: {  	v13 =	vld [tilespmem:s6+$0xA0]  }
0xa4: {  	v14 =	vld [tilespmem:s6+$0xFFFFFCA0]  }
0xa5: {  	v10 =	vld [tilespmem:s6+$0x120]  }
0xa6: {  	v15 =	vld [tilespmem:s6+$0xFFFFFF10]  }
0xa7: {  	v16 =	vld [tilespmem:s6+$0xFFFFFC80]  }
0xa8: {  	v17 =	vld [tilespmem:s6+$0xFFFFFCB0]  }
0xa9: {  	v18 =	vld [tilespmem:s6+$0xFFFFFD30]  }
0xaa: {  	v19 =	vld [tilespmem:s6+$0xFFFFFD00]  }
0xab: {  	v20 =	vld [tilespmem:s6+$0xFFFFFDA0]  }
0xac: {  	v21 =	vld [tilespmem:s6+$0xFFFFFF00]  }
0xad: {  	v9 =	vld [tilespmem:s0+$0xFFFFFFFC]  }
0xae: {  	v22 =	vld [tilespmem:s6+$0xFFFFFE10]  }
0xaf: {  	v23 =	vld [tilespmem:s6+$0xFFFFFE30]  }
0xb0: {  	v24 =	vld [tilespmem:s6+$0xFFFFFF30]  }
0xb1: {  	v7 =	vld [tilespmem:s6+$0xFFFFFB00]  }
0xb2: {  	v25 =	vld [tilespmem:s6+$0xFFFFFB20];
	v27 =	vbroadcast v9, $0x0  }
0xb3: {  	v26 =	vld [tilespmem:s6+$0xFFFFFE00];
	v8 =	vbroadcast v9, $0xE;
	v30 =	vbroadcast v9, $0x2  }
0xb4: {  	v28 =	vld [tilespmem:s6+$0xFFFFFB30];
	v12 =	vbroadcast v9, $0xB;
	v33 =	vbroadcast v9, $0x7  }
0xb5: {  	v29 =	vld [tilespmem:s6+$0xFFFFFC00];
	v35 =	vbroadcast v9, $0x5;
	v36 =	vbroadcast v9, $0x9  }
0xb6: {  	v32 =	vld [tilespmem:s6+$0xFFFFFC20];
	v38 =	vbroadcast v9, $0x8;
	v40 =	vbroadcast v9, $0x6  }
0xb7: {  	v34 =	vld [tilespmem:s6+$0xFFFFFC10];
	v45 =	vbroadcast v9, $0x3;
	v48 =	vbroadcast v9, $0xC  }
0xb8: {  	v37 =	vld [tilespmem:s6+$0xFFFFFD80];
	v49 =	vbroadcast v9, $0x1;
	v51 =	vbroadcast v9, $0x4  }
0xb9: {  	v39 =	vld [tilespmem:s6+$0xFFFFFB10];
	v31 =	vmul.f32 v7, v27;
	v25 =	vmul.f32 v25, v27  }
0xba: {  	v41 =	vld [tilespmem:s6+$0xFFFFFC90];
	v7 =	vmul.f32 v4, v8;
	v28 =	vmul.f32 v28, v27  }
0xbb: {  	v42 =	vld [tilespmem:s6+$0xFFFFFD10];
	v29 =	vmul.f32 v29, v30;
	v32 =	vmul.f32 v32, v30  }
0xbc: {  	v44 =	vld [tilespmem:s6+$0xFFFFFBA0];
	v21 =	vmul.f32 v21, v38;
	v34 =	vmul.f32 v34, v30  }
0xbd: {  	v57 =	vld [tilespmem:s6+$0xFFFFFB80];
	v26 =	vmul.f32 v26, v40;
	v24 =	vmul.f32 v24, v38  }
0xbe: {  	v46 =	vld [tilespmem:s6+$0xFFFFFD20];
	v37 =	vmul.f32 v37, v35;
	v27 =	vmul.f32 v39, v27  }
0xbf: {  	v47 =	vld [tilespmem:s6+$0xFFFFFBB0];
	v15 =	vmul.f32 v15, v38;
	v41 =	vmul.f32 v41, v45  }
0xc0: {  	v50 =	vld [tilespmem:s6+$0xFFFFFDB0];
	v23 =	vmul.f32 v23, v40;
	v20 =	vmul.f32 v20, v35  }
0xc1: {  	v52 =	vld [tilespmem:s6+$0xFFFFFD90];
	v17 =	vmul.f32 v17, v45;
	v22 =	vmul.f32 v22, v40  }
0xc2: {  	v53 =	vld [tilespmem:s6+$0xFFFFFE80];
	v16 =	vmul.f32 v16, v45;
	v19 =	vmul.f32 v19, v51  }
0xc3: {  	v54 =	vld [tilespmem:s6+$0xFFFFFE20];
	v44 =	vmul.f32 v44, v49;
	v42 =	vmul.f32 v42, v51  }
0xc4: {  	v58 =	vld [tilespmem:s6+$0xFFFFFEA0];
	v14 =	vmul.f32 v14, v45;
	v18 =	vmul.f32 v18, v51  }
0xc5: {  	v4 =	vld [tilespmem:s6+$0xFFFFFC30];
	v59 =	vmul.f32 v46, v51;
	v50 =	vmul.f32 v50, v35  }
0xc6: {  	v43 =	vld [tilespmem:s6+$0xFFFFFB90];
	v47 =	vmul.f32 v47, v49;
	v35 =	vmul.f32 v52, v35  }
0xc7: {  	v60 =	vld [tilespmem:s6+$0xFFFFFE90];
	v39 =	vmul.f32 v57, v49;
	v62 =	vmul.f32 v53, v33;
	v25 =	vadd.f32 $0.0e+00, v25  }
0xc8: {  	v63 =	vld [tilespmem:s6+$0xFFFFFEB0];
	v40 =	vmul.f32 v54, v40;
	v31 =	vadd.f32 $0.0e+00, v31;
	v28 =	vadd.f32 $0.0e+00, v28  }
0xc9: {  	v61 =	vld [tilespmem:s6+$0x130];
	v53 =	vmul.f32 v13, v12;
	v56 =	vmul.f32 v58, v33;
	v25 =	vadd.f32 v44, v25  }
0xca: {  	v55 =	vld [tilespmem:s6+$0xFFFFFF20];
	v28 =	vadd.f32 v47, v28;
	v13 =	vadd.f32 v39, v31;
	v30 =	vmul.f32 v4, v30  }
0xcb: {  	v51 =	vld [tilespmem:s6+$0x220];
	v27 =	vadd.f32 $0.0e+00, v27;
	v31 =	vmul.f32 v43, v49;
	v25 =	vadd.f32 v32, v25  }
0xcc: {  	v57 =	vmul.f32 v11, v36;
	v13 =	vadd.f32 v29, v13;
	v29 =	vld [tilespmem:s6+$0xFFFFFF80];
	v28 =	vadd.f32 v30, v28  }
0xcd: {  	s17 =	sshll.u32 s31, $0x2;
	v27 =	vadd.f32 v31, v27;
	v31 =	vmul.f32 v63, v33;
	v63 =	vld [tilespmem:s6+$0x190];
	v14 =	vadd.f32 v14, v25  }
0xce: {  	s26 =	sand.u32 $0x4, s17;
	v58 =	vbroadcast v9, $0xA;
	v25 =	vld [tilespmem:s6+$0xFFFFFFA0];
	v13 =	vadd.f32 v16, v13;
	v17 =	vadd.f32 v17, v28  }
0xcf: {  	s7 =	sshll.u32 s26, $0x7;
	v11 =	vmul.f32 v61, v48;
	v16 =	vld [tilespmem:s6+$0x20];
	v27 =	vadd.f32 v34, v27;
	v14 =	vadd.f32 v59, v14  }
0xd0: {  	v4 =	vmov s7;
	v28 =	vld [tilespmem:s6+$0xFFFFFF90];
	v13 =	vadd.f32 v19, v13;
	v17 =	vadd.f32 v18, v17  }
0xd1: {  	v30 =	vmul.f32 v60, v33;
	v19 =	vld [tilespmem:s6+$0x10];
	v27 =	vadd.f32 v41, v27;
	v14 =	vadd.f32 v20, v14  }
0xd2: {  	v18 =	vld [tilespmem:s6+$0x30];
	v29 =	vmul.f32 v29, v36;
	v13 =	vadd.f32 v37, v13;
	v17 =	vadd.f32 v50, v17  }
0xd3: {  	v59 =	vld [tilespmem:s6+$0x0];
	v20 =	vmul.f32 v55, v38;
	v25 =	vmul.f32 v25, v36;
	v14 =	vadd.f32 v40, v14  }
0xd4: {  	v60 =	vld [tilespmem:s6+$0x90];
	v61 =	vmul.f32 v16, v58;
	v13 =	vadd.f32 v26, v13;
	v17 =	vadd.f32 v23, v17  }
0xd5: {  	v16 =	vadd.f32 v42, v27;
	v28 =	vmul.f32 v28, v36;
	v26 =	vld [tilespmem:s6+$0x1B0];
	v14 =	vadd.f32 v56, v14  }
0xd6: {  	v23 =	vld [tilespmem:s6+$0x80];
	v19 =	vmul.f32 v19, v58;
	v13 =	vadd.f32 v62, v13;
	v17 =	vadd.f32 v31, v17  }
0xd7: {  	v27 =	vmul.f32 v18, v58;
	v18 =	vld [tilespmem:s6+$0x1A0];
	v14 =	vadd.f32 v20, v14;
	v20 =	vadd.f32 v35, v16  }
0xd8: {  	v32 =	vmul.f32 v59, v58;
	v62 =	vbroadcast v9, $0xD;
	v31 =	vld [tilespmem:s6+$0x110];
	v17 =	vadd.f32 v24, v17  }
0xd9: {  	v16 =	vmul.f32 v60, v12;
	v21 =	vadd.f32 v21, v13;
	v24 =	vld [tilespmem:s6+$0x100];
	v20 =	vadd.f32 v22, v20  }
0xda: {  	v13 =	vmul.f32 v26, v62;
	v26 =	vld [tilespmem:s6+$0xB0];
	v14 =	vadd.f32 v25, v14;
	v17 =	vadd.f32 v57, v17  }
0xdb: {  	v23 =	vmul.f32 v23, v12;
	v25 =	vld [tilespmem:s6+$0x180];
	v21 =	vadd.f32 v29, v21;
	v20 =	vadd.f32 v30, v20  }
0xdc: {  	v29 =	vld [tilespmem:s6+$0x200];
	v18 =	vmul.f32 v18, v62;
	v22 =	vadd.f32 v61, v14;
	v27 =	vadd.f32 v27, v17  }
0xdd: {  	s28 =	sand.u32 $0x2, s31;
	v14 =	vld [tilespmem:s6+$0x280];
	v17 =	vmul.f32 v31, v48;
	v15 =	vadd.f32 v15, v20;
	v20 =	vadd.f32 v32, v21  }
0xde: {  	s15 =	sshll.u32 s31, $0xB;
	s18 =	simm.s32 $0x14080;
	s12 =	simm.s32 $0x90;
	v31 =	vmul.f32 v10, v48;
	v10 =	vmul.f32 v63, v62;
	v21 =	vadd.f32 v53, v22;
	v22 =	vld [tilespmem:s6+$0x210]  }
0xdf: {  	s9 =	simm.s32 $0xA0;
	s8 =	simm.s32 $0xB0;
	s20 =	simm.s32 $0x0;
	v30 =	vmul.f32 v24, v48;
	v26 =	vmul.f32 v26, v12;
	v32 =	vadd.f32 v23, v20;
	v20 =	vld [tilespmem:s6+$0x2A0]  }
0xe0: {  	s29 =	simm.s32 $0xA580;
	s30 =	smov.u32 s0;
	s23 =	simm.s32 $0x0;
	v12 =	vmul.f32 v51, v8;
	v24 =	vmul.f32 v25, v62;
	v28 =	vadd.f32 v28, v15;
	v15 =	vld [tilespmem:s0+$0x0]  }
0xe1: {  	s11 =	simm.s32 $0x0;
	p0 =	seq.s32 s28, $0x0;
	s2 =	sshll.u32 s2, $0x1;
	v25 =	vadd.f32 v31, v21;
	v21 =	vmul.f32 v29, v8;
	v23 =	vld [tilespmem:s6+$0x290];
	v26 =	vadd.f32 v26, v27  }
0xe2: {  	s18 =	simm.s32 @!p0 $0x14C80;
	s4 =	simm.s32 $0x200;
	[dreg:$0xb] =	wrdreg s2;
	v28 =	vadd.f32 v19, v28;
	v27 =	vadd.f32 v30, v32;
	v19 =	vbroadcast v9, $0xF;
	v9 =	vld [tilespmem:s6+$0x330]  }
.LBB2_5:
0xe3: {  	s20 =	sadd.s32 $0x40, s20  }
0xe4: {  	v16 =	vadd.f32 v16, v28;
	v18 =	vadd.f32 v18, v25;
	v8 =	vmul.f32 v22, v8;
	v22 =	vld [tilespmem:s6+$0x380];
	s29 =	sadd.s32 $0xA00, s29;
	s30 =	sadd.s32 $0x14, s30;
	s2 =	smov.u32 s4  }
0xe5: {  	p0 =	sne.s32 s4, $0x600;
	s4 =	sadd.s32 $0x200, s4;
	s24 =	sadd.s32 $0x90, s20;
	v11 =	vadd.f32 v11, v26;
	v24 =	vadd.f32 v24, v27;
	v20 =	vmul.f32 v20, v19;
	v25 =	vld [tilespmem:s6+$0x3A0]  }
0xe6: {  	s25 =	sadd.s32 $0xA0, s20;
	s10 =	sadd.s32 $0xB0, s20;
	v14 =	vmul.f32 v14, v19;
	v16 =	vadd.f32 v17, v16;
	v17 =	vld [tilespmem:s6+$0x320];
	v26 =	vbroadcast v15, $0xF  }
0xe7: {  	v27 =	vbroadcast v15, $0xE;
	v21 =	vadd.f32 v21, v24;
	v23 =	vmul.f32 v23, v19;
	v24 =	vld [tilespmem:s6+$0x310]  }
0xe8: {  	v10 =	vadd.f32 v10, v16;
	v16 =	vbroadcast v15, $0xC;
	v15 =	vbroadcast v15, $0xD;
	v28 =	vld [tilespmem:s6+$0x3B0]  }
0xe9: {  	v6 =	vmul.f32 v6, v19;
	v11 =	vadd.f32 v13, v11;
	v13 =	vadd.f32 v14, v21;
	v14 =	vld [tilespmem:s6+$0x300]  }
0xea: {  	v8 =	vadd.f32 v8, v10;
	v10 =	vadd.f32 v12, v18;
	v12 =	vmul.f32 v25, v15;
	v18 =	vld [tilespmem:s6+$0x430]  }
0xeb: {  	v7 =	vadd.f32 v7, v11;
	v11 =	vmul.f32 v17, v16;
	v17 =	vmul.f32 v22, v15;
	v19 =	vld [tilespmem:s6+$0x410]  }
0xec: {  	v9 =	vmul.f32 v9, v16;
	v8 =	vadd.f32 v23, v8;
	v21 =	vmul.f32 v24, v16;
	v22 =	vld [tilespmem:s6+$0x420]  }
0xed: {  	v6 =	vadd.f32 v6, v7;
	v10 =	vadd.f32 v20, v10;
	v7 =	vmul.f32 v28, v15;
	v20 =	vld [tilespmem:s6+$0x400]  }
0xee: {  	v5 =	vmul.f32 v5, v15;
	v14 =	vmul.f32 v14, v16;
	v8 =	vadd.f32 v21, v8  }
0xef: {  	v6 =	vadd.f32 v9, v6;
	v10 =	vadd.f32 v11, v10;
	v9 =	vmul.f32 v18, v27;
	v11 =	vld [tilespmem:s6+$0x480]  }
0xf0: {  	v13 =	vadd.f32 v14, v13;
	v5 =	vadd.f32 v5, v8;
	v8 =	vmul.f32 v19, v27;
	v14 =	vld [tilespmem:s6+$0x490]  }
0xf1: {  	v6 =	vadd.f32 v7, v6;
	v10 =	vadd.f32 v12, v10;
	v7 =	vmul.f32 v22, v27;
	v12 =	vld [tilespmem:s6+$0x4A0]  }
0xf2: {  	v13 =	vadd.f32 v17, v13;
	v15 =	vmul.f32 v20, v27;
	v5 =	vadd.f32 v8, v5;
	v8 =	vld [tilespmem:s6+$0x4B0];
	s6 =	smov.u32 s29  }
0xf3: {  	v6 =	vadd.f32 v9, v6;
	v7 =	vadd.f32 v7, v10  }
0xf4: {  	s12 =	sand.u32 $0x50, s12;
	s16 =	sadd.s32 $0x500, s23;
	s26 =	sadd.s32 $0x580, s23;
	v9 =	vadd.f32 v15, v13;
	v10 =	vmul.f32 v11, v26  }
0xf5: {  	s28 =	sand.u32 $0x400, s23;
	s23 =	sadd.s32 $0x480, s23;
	s26 =	sand.u32 $0xC00, s26;
	v11 =	vmul.f32 v14, v26  }
0xf6: {  	s11 =	sand.u32 $0x40, s11;
	s28 =	sadd.s32 s28, s18;
	s23 =	sand.u32 $0xC00, s23;
	v9 =	vadd.f32 v10, v9;
	v10 =	vmul.f32 v12, v26  }
0xf7: {  	s16 =	sand.u32 $0xC00, s16;
	s11 =	sadd.s32 s11, s28;
	s23 =	sadd.s32 s23, s18;
	v5 =	vadd.f32 v11, v5;
	v8 =	vmul.f32 v8, v26  }
0xf8: {  	s9 =	sand.u32 $0x60, s9;
	v7 =	vadd.f32 v10, v7;
	[tilespmem:v4+s11+$0x400 ss:$0x1] =	vst.idx.msk $0xffff, v9;
	s11 =	sadd.s32 s12, s23;
	s12 =	sadd.s32 s16, s18  }
0xf9: {  	s8 =	sand.u32 $0x70, s8;
	v6 =	vadd.f32 v8, v6;
	[tilespmem:v4+s11+$0x0 ss:$0x1] =	vst.idx.msk $0xffff, v5;
	s9 =	sadd.s32 s9, s12;
	s11 =	sadd.s32 s26, s18  }
0xfa: {  	s12 =	smov.u32 s24;
	[tilespmem:v4+s9+$0x0 ss:$0x1] =	vst.idx.msk $0xffff, v7;
	s8 =	sadd.s32 s8, s11;
	s11 =	smov.u32 s20  }
0xfb: {  	s23 =	smov.u32 s2;
	s9 =	smov.u32 s25;
	[tilespmem:v4+s8+$0x0 ss:$0x1] =	vst.idx.msk $0xffff, v6;
	s8 =	smov.u32 s10  }
0xfc: {  	v6 =	vld [tilespmem:s29+$0x2B0]  }
0xfd: {  	v5 =	vld [tilespmem:s29+$0x390]  }
0xfe: {  	v7 =	vld [tilespmem:s29+$0x230]  }
0xff: {  	v11 =	vld [tilespmem:s29+$0xFFFFFFB0]  }
0x100: {  	v16 =	vld [tilespmem:s29+$0xA0]  }
0x101: {  	v17 =	vld [tilespmem:s29+$0xFFFFFCA0]  }
0x102: {  	v10 =	vld [tilespmem:s29+$0x120]  }
0x103: {  	v14 =	vld [tilespmem:s29+$0xFFFFFF10]  }
0x104: {  	v18 =	vld [tilespmem:s29+$0xFFFFFC80]  }
0x105: {  	v19 =	vld [tilespmem:s29+$0xFFFFFCB0]  }
0x106: {  	v20 =	vld [tilespmem:s29+$0xFFFFFD30]  }
0x107: {  	v21 =	vld [tilespmem:s29+$0xFFFFFD00]  }
0x108: {  	v15 =	vld [tilespmem:s29+$0xFFFFFDA0]  }
0x109: {  	v13 =	vld [tilespmem:s29+$0xFFFFFF00]  }
0x10a: {  	v22 =	vld [tilespmem:s29+$0xFFFFFE10]  }
0x10b: {  	v23 =	vld [tilespmem:s29+$0xFFFFFE30]  }
0x10c: {  	v9 =	vld [tilespmem:s30+$0xFFFFFFFC]  }
0x10d: {  	v24 =	vld [tilespmem:s29+$0xFFFFFF30]  }
0x10e: {  	v25 =	vld [tilespmem:s29+$0xFFFFFB00]  }
0x10f: {  	v26 =	vld [tilespmem:s29+$0xFFFFFB20]  }
0x110: {  	v27 =	vld [tilespmem:s29+$0xFFFFFE00]  }
0x111: {  	v28 =	vbroadcast v9, $0x0;
	v29 =	vld [tilespmem:s29+$0xFFFFFB30];
	v8 =	vbroadcast v9, $0xE  }
0x112: {  	v31 =	vbroadcast v9, $0x2;
	v12 =	vbroadcast v9, $0xB;
	v30 =	vld [tilespmem:s29+$0xFFFFFC00]  }
0x113: {  	v33 =	vbroadcast v9, $0x7;
	v25 =	vmul.f32 v25, v28;
	v32 =	vld [tilespmem:s29+$0xFFFFFC20]  }
0x114: {  	v7 =	vmul.f32 v7, v8;
	v26 =	vmul.f32 v26, v28;
	v34 =	vld [tilespmem:s29+$0xFFFFFC10]  }
0x115: {  	v36 =	vbroadcast v9, $0x5;
	v37 =	vbroadcast v9, $0x9;
	v25 =	vadd.f32 $0.0e+00, v25;
	v35 =	vld [tilespmem:s29+$0xFFFFFC30]  }
0x116: {  	v39 =	vbroadcast v9, $0x8;
	v26 =	vadd.f32 $0.0e+00, v26;
	v29 =	vmul.f32 v29, v28;
	v38 =	vld [tilespmem:s29+$0xFFFFFD80]  }
0x117: {  	v41 =	vbroadcast v9, $0x6;
	v40 =	vld [tilespmem:s29+$0xFFFFFB10];
	v30 =	vmul.f32 v30, v31  }
0x118: {  	v13 =	vmul.f32 v13, v39;
	v32 =	vmul.f32 v32, v31;
	v42 =	vld [tilespmem:s29+$0xFFFFFC90]  }
0x119: {  	v27 =	vmul.f32 v27, v41;
	v29 =	vadd.f32 $0.0e+00, v29;
	v34 =	vmul.f32 v34, v31;
	v43 =	vld [tilespmem:s29+$0xFFFFFD10]  }
0x11a: {  	v24 =	vmul.f32 v24, v39;
	v44 =	vld [tilespmem:s29+$0xFFFFFB90];
	v31 =	vmul.f32 v35, v31  }
0x11b: {  	v45 =	vbroadcast v9, $0x3;
	v35 =	vld [tilespmem:s29+$0xFFFFFBA0];
	v38 =	vmul.f32 v38, v36  }
0x11c: {  	v14 =	vmul.f32 v14, v39;
	v28 =	vmul.f32 v40, v28;
	v40 =	vld [tilespmem:s29+$0xFFFFFB80]  }
0x11d: {  	v23 =	vmul.f32 v23, v41;
	v42 =	vmul.f32 v42, v45;
	v46 =	vld [tilespmem:s29+$0xFFFFFD20]  }
0x11e: {  	v48 =	vmul.f32 v15, v36;
	v15 =	vbroadcast v9, $0xC;
	v28 =	vadd.f32 $0.0e+00, v28;
	v47 =	vld [tilespmem:s29+$0xFFFFFBB0]  }
0x11f: {  	v49 =	vbroadcast v9, $0x1;
	v50 =	vbroadcast v9, $0x4;
	v51 =	vld [tilespmem:s29+$0xFFFFFDB0]  }
0x120: {  	v19 =	vmul.f32 v19, v45;
	v22 =	vmul.f32 v22, v41;
	v52 =	vld [tilespmem:s29+$0xFFFFFD90]  }
0x121: {  	v18 =	vmul.f32 v18, v45;
	v21 =	vmul.f32 v21, v50;
	v53 =	vld [tilespmem:s29+$0xFFFFFE80]  }
0x122: {  	v43 =	vmul.f32 v43, v50;
	v35 =	vmul.f32 v35, v49;
	v54 =	vld [tilespmem:s29+$0xFFFFFE20]  }
0x123: {  	v17 =	vmul.f32 v17, v45;
	v20 =	vmul.f32 v20, v50;
	v45 =	vld [tilespmem:s29+$0xFFFFFEA0]  }
0x124: {  	v26 =	vadd.f32 v35, v26;
	v35 =	vmul.f32 v46, v50;
	v46 =	vmul.f32 v51, v36;
	v50 =	vld [tilespmem:s29+$0xFFFFFE90]  }
0x125: {  	v47 =	vmul.f32 v47, v49;
	v36 =	vmul.f32 v52, v36;
	v51 =	vld [tilespmem:s29+$0x220]  }
0x126: {  	v40 =	vmul.f32 v40, v49;
	v26 =	vadd.f32 v32, v26;
	v32 =	vmul.f32 v53, v33;
	v52 =	vld [tilespmem:s29+$0x130]  }
0x127: {  	v29 =	vadd.f32 v47, v29;
	v53 =	vmul.f32 v16, v12;
	v41 =	vmul.f32 v54, v41;
	v47 =	vld [tilespmem:s29+$0xFFFFFEB0]  }
0x128: {  	v16 =	vadd.f32 v40, v25;
	v25 =	vmul.f32 v44, v49;
	v40 =	vmul.f32 v45, v33;
	v44 =	vld [tilespmem:s29+$0xFFFFFF20]  }
0x129: {  	v17 =	vadd.f32 v17, v26;
	v29 =	vadd.f32 v31, v29;
	v26 =	vmul.f32 v50, v33;
	v31 =	vld [tilespmem:s29+$0xFFFFFFA0]  }
0x12a: {  	v49 =	vbroadcast v9, $0xA;
	v16 =	vadd.f32 v30, v16;
	v45 =	vmul.f32 v11, v37;
	v30 =	vld [tilespmem:s29+$0xFFFFFF80]  }
0x12b: {  	v17 =	vadd.f32 v35, v17;
	v19 =	vadd.f32 v19, v29;
	v29 =	vld [tilespmem:s29+$0xFFFFFF90];
	v11 =	vmul.f32 v52, v15  }
0x12c: {  	v25 =	vadd.f32 v25, v28;
	v16 =	vadd.f32 v18, v16;
	v18 =	vmul.f32 v47, v33;
	v28 =	vld [tilespmem:s29+$0x20]  }
0x12d: {  	v17 =	vadd.f32 v48, v17;
	v19 =	vadd.f32 v20, v19;
	v20 =	vmul.f32 v44, v39;
	v33 =	vld [tilespmem:s29+$0x30]  }
0x12e: {  	v25 =	vadd.f32 v34, v25;
	v16 =	vadd.f32 v21, v16;
	v21 =	vmul.f32 v31, v37;
	v31 =	vld [tilespmem:s29+$0x10]  }
0x12f: {  	v17 =	vadd.f32 v41, v17;
	v19 =	vadd.f32 v46, v19;
	v30 =	vmul.f32 v30, v37;
	v34 =	vld [tilespmem:s29+$0x0]  }
0x130: {  	v25 =	vadd.f32 v42, v25;
	v16 =	vadd.f32 v38, v16;
	v29 =	vmul.f32 v29, v37;
	v35 =	vld [tilespmem:s29+$0x90]  }
0x131: {  	v17 =	vadd.f32 v40, v17;
	v19 =	vadd.f32 v23, v19;
	v23 =	vmul.f32 v28, v49;
	v28 =	vld [tilespmem:s29+$0x80]  }
0x132: {  	v25 =	vadd.f32 v43, v25;
	v16 =	vadd.f32 v27, v16;
	v27 =	vmul.f32 v33, v49;
	v33 =	vld [tilespmem:s29+$0x1B0]  }
0x133: {  	v17 =	vadd.f32 v20, v17;
	v18 =	vadd.f32 v18, v19;
	v19 =	vmul.f32 v31, v49;
	v20 =	vld [tilespmem:s29+$0x1A0]  }
0x134: {  	v25 =	vadd.f32 v36, v25;
	v31 =	vadd.f32 v32, v16;
	v32 =	vmul.f32 v34, v49;
	v34 =	vld [tilespmem:s29+$0x110]  }
0x135: {  	v18 =	vadd.f32 v24, v18;
	v16 =	vmul.f32 v35, v12;
	v24 =	vld [tilespmem:s29+$0x100];
	v35 =	vbroadcast v9, $0xD  }
0x136: {  	v22 =	vadd.f32 v22, v25;
	v25 =	vadd.f32 v13, v31;
	v28 =	vmul.f32 v28, v12;
	v31 =	vld [tilespmem:s29+$0x190]  }
0x137: {  	v17 =	vadd.f32 v21, v17;
	v21 =	vadd.f32 v45, v18;
	v36 =	vld [tilespmem:s29+$0x180];
	v13 =	vmul.f32 v33, v35  }
0x138: {  	v22 =	vadd.f32 v26, v22;
	v25 =	vadd.f32 v30, v25;
	v26 =	vld [tilespmem:s29+$0xB0];
	v18 =	vmul.f32 v20, v35  }
0x139: {  	v27 =	vadd.f32 v27, v21;
	v20 =	vadd.f32 v23, v17;
	v17 =	vmul.f32 v34, v15;
	v21 =	vld [tilespmem:s29+$0x200]  }
0x13a: {  	v23 =	vadd.f32 v14, v22;
	v25 =	vadd.f32 v32, v25;
	v30 =	vmul.f32 v24, v15;
	v14 =	vld [tilespmem:s29+$0x280]  }
.Ltmp1:
0x13b: {  	v33 =	vmul.f32 v10, v15;
	v32 =	vadd.f32 v53, v20;
	v10 =	vmul.f32 v31, v35;
	v22 =	vld [tilespmem:s29+$0x210];
	(pc) =	sbr.rel @p0 .LBB2_5-.Ltmp1, $4  }
0x13c: {  	v23 =	vadd.f32 v29, v23;
	v29 =	vadd.f32 v28, v25;
	v24 =	vmul.f32 v36, v35;
	v20 =	vld [tilespmem:s29+$0x2A0]  }
0x13d: {  	v25 =	vadd.f32 v33, v32;
	v15 =	vld [tilespmem:s30+$0x0];
	v26 =	vmul.f32 v26, v12  }
0x13e: {  	v28 =	vadd.f32 v19, v23;
	v12 =	vmul.f32 v51, v8;
	v21 =	vmul.f32 v21, v8;
	v23 =	vld [tilespmem:s29+$0x290]  }
0x13f: {  	v19 =	vbroadcast v9, $0xF;
	v26 =	vadd.f32 v26, v27;
	v27 =	vadd.f32 v30, v29;
	v9 =	vld [tilespmem:s29+$0x330]  }
0x140: {  	v29 =	vld [tilespmem:s6+$0x380];
	v16 =	vadd.f32 v16, v28  }
0x141: {  	v18 =	vadd.f32 v18, v25;
	v8 =	vmul.f32 v22, v8;
	v22 =	vld [tilespmem:s6+$0x3A0];
	v11 =	vadd.f32 v11, v26  }
0x142: {  	v25 =	vld [tilespmem:s6+$0x320];
	v24 =	vadd.f32 v24, v27;
	v20 =	vmul.f32 v20, v19;
	v14 =	vmul.f32 v14, v19  }
0x143: {  	v28 =	vld [tilespmem:s6+$0x3B0];
	v6 =	vmul.f32 v6, v19;
	v16 =	vadd.f32 v17, v16;
	v17 =	vbroadcast v15, $0xF  }
0x144: {  	v27 =	vld [tilespmem:s6+$0x300];
	v21 =	vadd.f32 v21, v24;
	v24 =	vbroadcast v15, $0xE;
	v11 =	vadd.f32 v13, v11  }
0x145: {  	v26 =	vld [tilespmem:s6+$0x310];
	v10 =	vadd.f32 v10, v16;
	v16 =	vbroadcast v15, $0xC;
	v15 =	vbroadcast v15, $0xD  }
0x146: {  	v23 =	vmul.f32 v23, v19;
	v13 =	vadd.f32 v14, v21;
	v14 =	vld [tilespmem:s6+$0x430];
	v7 =	vadd.f32 v7, v11  }
0x147: {  	v21 =	vld [tilespmem:s6+$0x400];
	v8 =	vadd.f32 v8, v10;
	v10 =	vadd.f32 v12, v18;
	v12 =	vmul.f32 v22, v15  }
0x148: {  	v18 =	vld [tilespmem:s6+$0x410];
	v11 =	vmul.f32 v25, v16;
	v19 =	vmul.f32 v29, v15  }
0x149: {  	v25 =	vmul.f32 v27, v16;
	v9 =	vmul.f32 v9, v16;
	v6 =	vadd.f32 v6, v7;
	v7 =	vld [tilespmem:s6+$0x480]  }
0x14a: {  	v22 =	vmul.f32 v26, v16;
	v8 =	vadd.f32 v23, v8;
	v23 =	vld [tilespmem:s6+$0x420];
	v10 =	vadd.f32 v20, v10  }
0x14b: {  	v16 =	vmul.f32 v28, v15;
	v13 =	vadd.f32 v25, v13;
	v20 =	vld [tilespmem:s6+$0x490];
	v6 =	vadd.f32 v9, v6  }
0x14c: {  	v5 =	vmul.f32 v5, v15;
	v9 =	vld [tilespmem:s6+$0x4A0];
	v8 =	vadd.f32 v22, v8;
	v10 =	vadd.f32 v11, v10  }
0x14d: {  	v15 =	vld [tilespmem:s6+$0x4B0];
	v11 =	vmul.f32 v14, v24;
	v13 =	vadd.f32 v19, v13;
	v14 =	vmul.f32 v21, v24  }
0x14e: {  	v5 =	vadd.f32 v5, v8;
	v8 =	vmul.f32 v18, v24;
	v10 =	vadd.f32 v12, v10  }
0x14f: {  	s2 =	sand.u32 $0x50, s12;
	s4 =	sadd.s32 $0x500, s23;
	s26 =	sadd.s32 $0x580, s23;
	v13 =	vadd.f32 v14, v13;
	v7 =	vmul.f32 v7, v17;
	v12 =	vmul.f32 v23, v24  }
0x150: {  	s10 =	sand.u32 $0x400, s23;
	s28 =	sadd.s32 $0x480, s23;
	s11 =	sand.u32 $0x40, s11;
	v6 =	vadd.f32 v16, v6;
	v5 =	vadd.f32 v8, v5;
	v8 =	vmul.f32 v20, v17  }
0x151: {  	s9 =	sand.u32 $0x60, s9;
	s10 =	sadd.s32 s10, s18;
	s12 =	sand.u32 $0xC00, s28;
	v7 =	vadd.f32 v7, v13;
	v9 =	vmul.f32 v9, v17;
	v10 =	vadd.f32 v12, v10  }
0x152: {  	s4 =	sand.u32 $0xC00, s4;
	s10 =	sadd.s32 s11, s10;
	s16 =	sadd.s32 s12, s18;
	v6 =	vadd.f32 v11, v6;
	v5 =	vadd.f32 v8, v5;
	v8 =	vmul.f32 v15, v17  }
0x153: {  	s4 =	sadd.s32 s4, s18;
	s2 =	sadd.s32 s2, s16;
	s6 =	sand.u32 $0xC00, s26;
	[tilespmem:v4+s10+$0x400 ss:$0x1] =	vst.idx.msk $0xffff, v7;
	v9 =	vadd.f32 v9, v10  }
0x154: {  	s22 =	sand.u32 $0x70, s8;
	s20 =	sadd.s32 s9, s4;
	s6 =	sadd.s32 s6, s18;
	v6 =	vadd.f32 v8, v6;
	[tilespmem:v4+s2+$0x0 ss:$0x1] =	vst.idx.msk $0xffff, v5  }
0x155: {  	s23 =	sadd.s32 s22, s6;
	[tilespmem:v4+s20+$0x0 ss:$0x1] =	vst.idx.msk $0xffff, v9  }
0x156: {  	s24 =	sshrl.u32 s15, $0x2;
	[tilespmem:v4+s23+$0x0 ss:$0x1] =	vst.idx.msk $0xffff, v6  }
0x157: {  	v4 =	vld [tilespmem:s24+$0x8080];
	_ =	sdelay $0x3  }
0x158: {  	s25 =	sadd.s32 s7, s18  }
0x159: {  	[tilespmem:s25+$0x0] =	vst v4  }
0x15a: {  	v4 =	vld [tilespmem:s24+$0x8090];
	_ =	sdelay $0x4  }
0x15b: {  	[tilespmem:s25+$0x10] =	vst v4  }
0x15c: {  	v4 =	vld [tilespmem:s24+$0x80A0];
	_ =	sdelay $0x4  }
0x15d: {  	[tilespmem:s25+$0x20] =	vst v4  }
0x15e: {  	v4 =	vld [tilespmem:s24+$0x80B0];
	_ =	sdelay $0x4  }
0x15f: {  	[tilespmem:s25+$0x30] =	vst v4  }
0x160: {  	v4 =	vld [tilespmem:s24+$0x80C0];
	_ =	sdelay $0x4  }
0x161: {  	[tilespmem:s25+$0x40] =	vst v4  }
0x162: {  	v4 =	vld [tilespmem:s24+$0x80D0];
	_ =	sdelay $0x4  }
0x163: {  	[tilespmem:s25+$0x50] =	vst v4  }
0x164: {  	v4 =	vld [tilespmem:s24+$0x80E0];
	_ =	sdelay $0x4  }
0x165: {  	[tilespmem:s25+$0x60] =	vst v4  }
0x166: {  	v4 =	vld [tilespmem:s24+$0x80F0];
	_ =	sdelay $0x4  }
0x167: {  	s6 =	simm.s32 $0xD230;
	[tilespmem:s25+$0x70] =	vst v4  }
0x168: {  	v6 =	vld [tilespmem:s6+$0xFFFFFE00]  }
0x169: {  	v5 =	vld [tilespmem:s6+$0xFFFFFEE0]  }
0x16a: {  	v4 =	vld [tilespmem:s6+$0xFFFFFD80]  }
0x16b: {  	v11 =	vld [tilespmem:s6+$0xFFFFFB00]  }
0x16c: {  	v13 =	vld [tilespmem:s6+$0xFFFFFBF0]  }
0x16d: {  	v14 =	vld [tilespmem:s6+$0xFFFFF7F0]  }
0x16e: {  	v10 =	vld [tilespmem:s6+$0xFFFFFC70]  }
0x16f: {  	v15 =	vld [tilespmem:s6+$0xFFFFFA60]  }
0x170: {  	v16 =	vld [tilespmem:s6+$0xFFFFF7D0]  }
0x171: {  	v17 =	vld [tilespmem:s6+$0xFFFFF800]  }
0x172: {  	v18 =	vld [tilespmem:s6+$0xFFFFF880]  }
0x173: {  	v19 =	vld [tilespmem:s6+$0xFFFFF850]  }
0x174: {  	v20 =	vld [tilespmem:s6+$0xFFFFF8F0]  }
0x175: {  	v21 =	vld [tilespmem:s6+$0xFFFFFA50]  }
0x176: {  	v9 =	vld [tilespmem:s3+$0xFFFFFFFC]  }
0x177: {  	v22 =	vld [tilespmem:s6+$0xFFFFF960]  }
0x178: {  	v23 =	vld [tilespmem:s6+$0xFFFFF980]  }
0x179: {  	v24 =	vld [tilespmem:s6+$0xFFFFFA80]  }
0x17a: {  	v7 =	vld [tilespmem:s6+$0xFFFFF650]  }
0x17b: {  	v25 =	vld [tilespmem:s6+$0xFFFFF670];
	v27 =	vbroadcast v9, $0x0  }
0x17c: {  	v26 =	vld [tilespmem:s6+$0xFFFFF950];
	v8 =	vbroadcast v9, $0xE;
	v30 =	vbroadcast v9, $0x2  }
0x17d: {  	v28 =	vld [tilespmem:s6+$0xFFFFF680];
	v12 =	vbroadcast v9, $0xB;
	v33 =	vbroadcast v9, $0x7  }
0x17e: {  	v29 =	vld [tilespmem:s6+$0xFFFFF750];
	v35 =	vbroadcast v9, $0x5;
	v36 =	vbroadcast v9, $0x9  }
0x17f: {  	v32 =	vld [tilespmem:s6+$0xFFFFF770];
	v38 =	vbroadcast v9, $0x8;
	v40 =	vbroadcast v9, $0x6  }
0x180: {  	v34 =	vld [tilespmem:s6+$0xFFFFF760];
	v45 =	vbroadcast v9, $0x3;
	v48 =	vbroadcast v9, $0xC  }
0x181: {  	v37 =	vld [tilespmem:s6+$0xFFFFF8D0];
	v49 =	vbroadcast v9, $0x1;
	v51 =	vbroadcast v9, $0x4  }
0x182: {  	v39 =	vld [tilespmem:s6+$0xFFFFF660];
	v31 =	vmul.f32 v7, v27;
	v25 =	vmul.f32 v25, v27  }
0x183: {  	v41 =	vld [tilespmem:s6+$0xFFFFF7E0];
	v7 =	vmul.f32 v4, v8;
	v28 =	vmul.f32 v28, v27  }
0x184: {  	v42 =	vld [tilespmem:s6+$0xFFFFF860];
	v29 =	vmul.f32 v29, v30;
	v32 =	vmul.f32 v32, v30  }
0x185: {  	v44 =	vld [tilespmem:s6+$0xFFFFF6F0];
	v21 =	vmul.f32 v21, v38;
	v34 =	vmul.f32 v34, v30  }
0x186: {  	v58 =	vld [tilespmem:s6+$0xFFFFF6D0];
	v26 =	vmul.f32 v26, v40;
	v24 =	vmul.f32 v24, v38  }
0x187: {  	v46 =	vld [tilespmem:s6+$0xFFFFF870];
	v37 =	vmul.f32 v37, v35;
	v27 =	vmul.f32 v39, v27  }
0x188: {  	v47 =	vld [tilespmem:s6+$0xFFFFF700];
	v15 =	vmul.f32 v15, v38;
	v41 =	vmul.f32 v41, v45  }
0x189: {  	v50 =	vld [tilespmem:s6+$0xFFFFF900];
	v23 =	vmul.f32 v23, v40;
	v20 =	vmul.f32 v20, v35  }
0x18a: {  	v52 =	vld [tilespmem:s6+$0xFFFFF8E0];
	v17 =	vmul.f32 v17, v45;
	v22 =	vmul.f32 v22, v40  }
0x18b: {  	v53 =	vld [tilespmem:s6+$0xFFFFF9D0];
	v16 =	vmul.f32 v16, v45;
	v19 =	vmul.f32 v19, v51  }
0x18c: {  	v54 =	vld [tilespmem:s6+$0xFFFFF970];
	v44 =	vmul.f32 v44, v49;
	v42 =	vmul.f32 v42, v51  }
0x18d: {  	v59 =	vld [tilespmem:s6+$0xFFFFF9F0];
	v14 =	vmul.f32 v14, v45;
	v18 =	vmul.f32 v18, v51  }
0x18e: {  	v4 =	vld [tilespmem:s6+$0xFFFFF780];
	v60 =	vmul.f32 v46, v51;
	v50 =	vmul.f32 v50, v35  }
0x18f: {  	v43 =	vld [tilespmem:s6+$0xFFFFF6E0];
	v47 =	vmul.f32 v47, v49;
	v35 =	vmul.f32 v52, v35  }
0x190: {  	v61 =	vld [tilespmem:s6+$0xFFFFF9E0];
	v39 =	vmul.f32 v58, v49;
	v52 =	vmul.f32 v53, v33;
	v25 =	vadd.f32 $0.0e+00, v25  }
0x191: {  	v62 =	vld [tilespmem:s6+$0xFFFFFC80];
	v40 =	vmul.f32 v54, v40;
	v31 =	vadd.f32 $0.0e+00, v31;
	v28 =	vadd.f32 $0.0e+00, v28  }
0x192: {  	v63 =	vld [tilespmem:s6+$0xFFFFFA00];
	v53 =	vmul.f32 v13, v12;
	v57 =	vmul.f32 v59, v33;
	v25 =	vadd.f32 v44, v25  }
0x193: {  	v56 =	vld [tilespmem:s6+$0xFFFFFA70];
	v28 =	vadd.f32 v47, v28;
	v13 =	vadd.f32 v39, v31;
	v30 =	vmul.f32 v4, v30  }
0x194: {  	v51 =	vld [tilespmem:s6+$0xFFFFFD70];
	v27 =	vadd.f32 $0.0e+00, v27;
	v31 =	vmul.f32 v43, v49;
	v25 =	vadd.f32 v32, v25  }
0x195: {  	v58 =	vmul.f32 v11, v36;
	v13 =	vadd.f32 v29, v13;
	v29 =	vld [tilespmem:s6+$0xFFFFFAD0];
	v28 =	vadd.f32 v30, v28  }
0x196: {  	s26 =	sor.u32 $0x1, s17;
	v27 =	vadd.f32 v31, v27;
	v30 =	vmul.f32 v61, v33;
	v61 =	vld [tilespmem:s6+$0xFFFFFBE0];
	v14 =	vadd.f32 v14, v25  }
0x197: {  	s28 =	sand.u32 $0x5, s26;
	v59 =	vbroadcast v9, $0xA;
	v25 =	vld [tilespmem:s6+$0xFFFFFAF0];
	v13 =	vadd.f32 v16, v13;
	v17 =	vadd.f32 v17, v28  }
0x198: {  	s7 =	sshll.u32 s28, $0x7;
	v11 =	vmul.f32 v62, v48;
	v16 =	vld [tilespmem:s6+$0xFFFFFB70];
	v27 =	vadd.f32 v34, v27;
	v14 =	vadd.f32 v60, v14  }
0x199: {  	v4 =	vmov s7;
	v28 =	vld [tilespmem:s6+$0xFFFFFAE0];
	v13 =	vadd.f32 v19, v13;
	v17 =	vadd.f32 v18, v17  }
0x19a: {  	v31 =	vmul.f32 v63, v33;
	v27 =	vadd.f32 v41, v27;
	v18 =	vld [tilespmem:s6+$0xFFFFFB80];
	v14 =	vadd.f32 v20, v14  }
0x19b: {  	v63 =	vbroadcast v9, $0xD;
	v19 =	vld [tilespmem:s6+$0xFFFFFB60];
	v13 =	vadd.f32 v37, v13;
	v17 =	vadd.f32 v50, v17  }
0x19c: {  	v60 =	vld [tilespmem:s6+$0xFFFFFB50];
	v29 =	vmul.f32 v29, v36;
	v20 =	vmul.f32 v56, v38;
	v14 =	vadd.f32 v40, v14  }
0x19d: {  	v25 =	vmul.f32 v25, v36;
	v13 =	vadd.f32 v26, v13;
	v17 =	vadd.f32 v23, v17;
	v23 =	vld [tilespmem:s6+$0xFFFFFBD0]  }
0x19e: {  	v62 =	vmul.f32 v16, v59;
	v16 =	vadd.f32 v42, v27;
	v26 =	vld [tilespmem:s6+$0xFFFFFD00];
	v14 =	vadd.f32 v57, v14  }
0x19f: {  	v27 =	vmul.f32 v18, v59;
	v18 =	vld [tilespmem:s6+$0xFFFFFCF0];
	v13 =	vadd.f32 v52, v13;
	v17 =	vadd.f32 v31, v17  }
0x1a0: {  	v28 =	vmul.f32 v28, v36;
	v31 =	vld [tilespmem:s6+$0xFFFFFC60];
	v14 =	vadd.f32 v20, v14;
	v20 =	vadd.f32 v35, v16  }
0x1a1: {  	v19 =	vmul.f32 v19, v59;
	v13 =	vadd.f32 v21, v13;
	v21 =	vld [tilespmem:s6+$0xFFFFFCE0];
	v17 =	vadd.f32 v24, v17  }
0x1a2: {  	v32 =	vmul.f32 v60, v59;
	v24 =	vld [tilespmem:s6+$0xFFFFFC50];
	v20 =	vadd.f32 v22, v20;
	v22 =	vmul.f32 v23, v12  }
0x1a3: {  	v23 =	vadd.f32 v25, v14;
	v14 =	vmul.f32 v26, v63;
	v26 =	vld [tilespmem:s6+$0xFFFFFC00];
	v17 =	vadd.f32 v58, v17  }
0x1a4: {  	v16 =	vmul.f32 v61, v12;
	v25 =	vld [tilespmem:s6+$0xFFFFFCD0];
	v13 =	vadd.f32 v29, v13;
	v20 =	vadd.f32 v30, v20  }
0x1a5: {  	v29 =	vld [tilespmem:s6+$0xFFFFFD50];
	v23 =	vadd.f32 v62, v23;
	v27 =	vadd.f32 v27, v17;
	v17 =	vmul.f32 v31, v48  }
0x1a6: {  	v31 =	vmul.f32 v10, v48;
	v15 =	vadd.f32 v15, v20;
	v20 =	vadd.f32 v32, v13;
	v13 =	vld [tilespmem:s6+$0xFFFFFDD0]  }
0x1a7: {  	v10 =	vmul.f32 v21, v63;
	v30 =	vmul.f32 v24, v48;
	v23 =	vadd.f32 v53, v23;
	v24 =	vld [tilespmem:s6+$0xFFFFFD60]  }
0x1a8: {  	s30 =	simm.s32 $0xD230;
	v26 =	vmul.f32 v26, v12;
	v21 =	vadd.f32 v28, v15;
	v32 =	vadd.f32 v22, v20;
	v20 =	vld [tilespmem:s6+$0xFFFFFDF0]  }
0x1a9: {  	s29 =	simm.s32 $0x0;
	s11 =	simm.s32 $0xA0;
	s12 =	simm.s32 $0x0;
	v18 =	vmul.f32 v18, v63;
	v22 =	vmul.f32 v25, v63;
	v15 =	vld [tilespmem:s3+$0x0];
	v25 =	vadd.f32 v31, v23  }
0x1aa: {  	s4 =	simm.s32 $0x0;
	s9 =	simm.s32 $0xB0;
	s8 =	sshll.u32 s26, $0x9;
	v12 =	vmul.f32 v51, v8;
	v23 =	vld [tilespmem:s6+$0xFFFFFDE0];
	v26 =	vadd.f32 v26, v27;
	v28 =	vadd.f32 v19, v21  }
0x1ab: {  	s2 =	smov.u32 s3;
	s20 =	simm.s32 $0x200;
	s23 =	simm.s32 $0x90;
	v21 =	vmul.f32 v29, v8;
	v27 =	vadd.f32 v30, v32;
	v19 =	vbroadcast v9, $0xF;
	v9 =	vld [tilespmem:s6+$0xFFFFFE80]  }
.LBB2_7:
0x1ac: {  	s4 =	sadd.s32 $0x40, s4  }
0x1ad: {  	v16 =	vadd.f32 v16, v28;
	v18 =	vadd.f32 v18, v25;
	v8 =	vmul.f32 v24, v8;
	v24 =	vld [tilespmem:s6+$0xFFFFFED0];
	s30 =	sadd.s32 $0xA00, s30;
	s2 =	sadd.s32 $0x14, s2;
	s24 =	smov.u32 s20  }
0x1ae: {  	p0 =	sne.s32 s20, $0x600;
	s20 =	sadd.s32 $0x200, s20;
	s25 =	sadd.s32 $0x90, s4;
	v11 =	vadd.f32 v11, v26;
	v22 =	vadd.f32 v22, v27;
	v20 =	vmul.f32 v20, v19;
	v25 =	vld [tilespmem:s6+$0xFFFFFEF0]  }
0x1af: {  	s10 =	sadd.s32 $0xA0, s4;
	s16 =	sadd.s32 $0xB0, s4;
	v13 =	vmul.f32 v13, v19;
	v16 =	vadd.f32 v17, v16;
	v17 =	vld [tilespmem:s6+$0xFFFFFE70];
	v26 =	vbroadcast v15, $0xF  }
0x1b0: {  	v27 =	vbroadcast v15, $0xE;
	v21 =	vadd.f32 v21, v22;
	v22 =	vmul.f32 v23, v19;
	v23 =	vld [tilespmem:s6+$0xFFFFFE60]  }
0x1b1: {  	v10 =	vadd.f32 v10, v16;
	v16 =	vbroadcast v15, $0xC;
	v15 =	vbroadcast v15, $0xD;
	v28 =	vld [tilespmem:s6+$0xFFFFFF00]  }
0x1b2: {  	v6 =	vmul.f32 v6, v19;
	v11 =	vadd.f32 v14, v11;
	v13 =	vadd.f32 v13, v21;
	v14 =	vld [tilespmem:s6+$0xFFFFFE50]  }
0x1b3: {  	v8 =	vadd.f32 v8, v10;
	v10 =	vadd.f32 v12, v18;
	v12 =	vmul.f32 v25, v15;
	v18 =	vld [tilespmem:s6+$0xFFFFFF80]  }
0x1b4: {  	v7 =	vadd.f32 v7, v11;
	v11 =	vmul.f32 v17, v16;
	v17 =	vmul.f32 v24, v15;
	v19 =	vld [tilespmem:s6+$0xFFFFFF60]  }
0x1b5: {  	v9 =	vmul.f32 v9, v16;
	v8 =	vadd.f32 v22, v8;
	v21 =	vmul.f32 v23, v16;
	v22 =	vld [tilespmem:s6+$0xFFFFFF70]  }
0x1b6: {  	v6 =	vadd.f32 v6, v7;
	v10 =	vadd.f32 v20, v10;
	v7 =	vmul.f32 v28, v15;
	v20 =	vld [tilespmem:s6+$0xFFFFFF50]  }
0x1b7: {  	v5 =	vmul.f32 v5, v15;
	v14 =	vmul.f32 v14, v16;
	v8 =	vadd.f32 v21, v8  }
0x1b8: {  	v6 =	vadd.f32 v9, v6;
	v10 =	vadd.f32 v11, v10;
	v9 =	vmul.f32 v18, v27;
	v11 =	vld [tilespmem:s6+$0xFFFFFFD0]  }
0x1b9: {  	v13 =	vadd.f32 v14, v13;
	v5 =	vadd.f32 v5, v8;
	v8 =	vmul.f32 v19, v27;
	v14 =	vld [tilespmem:s6+$0xFFFFFFE0]  }
0x1ba: {  	v6 =	vadd.f32 v7, v6;
	v10 =	vadd.f32 v12, v10;
	v7 =	vmul.f32 v22, v27;
	v12 =	vld [tilespmem:s6+$0xFFFFFFF0]  }
0x1bb: {  	v13 =	vadd.f32 v17, v13;
	v15 =	vmul.f32 v20, v27;
	v5 =	vadd.f32 v8, v5;
	v8 =	vld [tilespmem:s6+$0x0];
	s6 =	smov.u32 s30  }
0x1bc: {  	v6 =	vadd.f32 v9, v6;
	v7 =	vadd.f32 v7, v10  }
0x1bd: {  	s23 =	sand.u32 $0x50, s23;
	s26 =	sadd.s32 $0x500, s29;
	s28 =	sadd.s32 $0x580, s29;
	v9 =	vadd.f32 v15, v13;
	v10 =	vmul.f32 v11, v26  }
0x1be: {  	s22 =	sand.u32 $0x400, s29;
	s29 =	sadd.s32 $0x480, s29;
	s28 =	sand.u32 $0xC00, s28;
	v11 =	vmul.f32 v14, v26  }
0x1bf: {  	s12 =	sand.u32 $0x40, s12;
	s22 =	sadd.s32 s22, s18;
	s29 =	sand.u32 $0xC00, s29;
	v9 =	vadd.f32 v10, v9;
	v10 =	vmul.f32 v12, v26  }
0x1c0: {  	s26 =	sand.u32 $0xC00, s26;
	s12 =	sadd.s32 s12, s22;
	s22 =	sadd.s32 s29, s18;
	v5 =	vadd.f32 v11, v5;
	v8 =	vmul.f32 v8, v26  }
0x1c1: {  	s11 =	sand.u32 $0x60, s11;
	v7 =	vadd.f32 v10, v7;
	[tilespmem:v4+s12+$0x400 ss:$0x1] =	vst.idx.msk $0xffff, v9;
	s12 =	sadd.s32 s23, s22;
	s22 =	sadd.s32 s26, s18  }
0x1c2: {  	s9 =	sand.u32 $0x70, s9;
	v6 =	vadd.f32 v8, v6;
	[tilespmem:v4+s12+$0x0 ss:$0x1] =	vst.idx.msk $0xffff, v5;
	s11 =	sadd.s32 s11, s22;
	s12 =	sadd.s32 s28, s18  }
0x1c3: {  	s23 =	smov.u32 s25;
	[tilespmem:v4+s11+$0x0 ss:$0x1] =	vst.idx.msk $0xffff, v7;
	s9 =	sadd.s32 s9, s12;
	s12 =	smov.u32 s4  }
0x1c4: {  	s29 =	smov.u32 s24;
	s11 =	smov.u32 s10;
	[tilespmem:v4+s9+$0x0 ss:$0x1] =	vst.idx.msk $0xffff, v6;
	s9 =	smov.u32 s16  }
0x1c5: {  	v6 =	vld [tilespmem:s30+$0xFFFFFE00]  }
0x1c6: {  	v5 =	vld [tilespmem:s30+$0xFFFFFEE0]  }
0x1c7: {  	v7 =	vld [tilespmem:s30+$0xFFFFFD80]  }
0x1c8: {  	v11 =	vld [tilespmem:s30+$0xFFFFFB00]  }
0x1c9: {  	v16 =	vld [tilespmem:s30+$0xFFFFFBF0]  }
0x1ca: {  	v17 =	vld [tilespmem:s30+$0xFFFFF7F0]  }
0x1cb: {  	v10 =	vld [tilespmem:s30+$0xFFFFFC70]  }
0x1cc: {  	v13 =	vld [tilespmem:s30+$0xFFFFFA60]  }
0x1cd: {  	v18 =	vld [tilespmem:s30+$0xFFFFF7D0]  }
0x1ce: {  	v19 =	vld [tilespmem:s30+$0xFFFFF800]  }
0x1cf: {  	v20 =	vld [tilespmem:s30+$0xFFFFF880]  }
0x1d0: {  	v21 =	vld [tilespmem:s30+$0xFFFFF850]  }
0x1d1: {  	v15 =	vld [tilespmem:s30+$0xFFFFF8F0]  }
0x1d2: {  	v14 =	vld [tilespmem:s30+$0xFFFFFA50]  }
0x1d3: {  	v22 =	vld [tilespmem:s30+$0xFFFFF960]  }
0x1d4: {  	v23 =	vld [tilespmem:s30+$0xFFFFF980]  }
0x1d5: {  	v9 =	vld [tilespmem:s2+$0xFFFFFFFC]  }
0x1d6: {  	v24 =	vld [tilespmem:s30+$0xFFFFFA80]  }
0x1d7: {  	v25 =	vld [tilespmem:s30+$0xFFFFF650]  }
0x1d8: {  	v26 =	vld [tilespmem:s30+$0xFFFFF670]  }
0x1d9: {  	v27 =	vld [tilespmem:s30+$0xFFFFF950]  }
0x1da: {  	v28 =	vbroadcast v9, $0x0;
	v29 =	vld [tilespmem:s30+$0xFFFFF680];
	v8 =	vbroadcast v9, $0xE  }
0x1db: {  	v31 =	vbroadcast v9, $0x2;
	v12 =	vbroadcast v9, $0xB;
	v30 =	vld [tilespmem:s30+$0xFFFFF750]  }
0x1dc: {  	v33 =	vbroadcast v9, $0x7;
	v25 =	vmul.f32 v25, v28;
	v32 =	vld [tilespmem:s30+$0xFFFFF770]  }
0x1dd: {  	v7 =	vmul.f32 v7, v8;
	v26 =	vmul.f32 v26, v28;
	v34 =	vld [tilespmem:s30+$0xFFFFF760]  }
0x1de: {  	v36 =	vbroadcast v9, $0x5;
	v37 =	vbroadcast v9, $0x9;
	v25 =	vadd.f32 $0.0e+00, v25;
	v35 =	vld [tilespmem:s30+$0xFFFFF780]  }
0x1df: {  	v39 =	vbroadcast v9, $0x8;
	v26 =	vadd.f32 $0.0e+00, v26;
	v29 =	vmul.f32 v29, v28;
	v38 =	vld [tilespmem:s30+$0xFFFFF8D0]  }
0x1e0: {  	v41 =	vbroadcast v9, $0x6;
	v40 =	vld [tilespmem:s30+$0xFFFFF660];
	v30 =	vmul.f32 v30, v31  }
0x1e1: {  	v14 =	vmul.f32 v14, v39;
	v32 =	vmul.f32 v32, v31;
	v42 =	vld [tilespmem:s30+$0xFFFFF7E0]  }
0x1e2: {  	v27 =	vmul.f32 v27, v41;
	v29 =	vadd.f32 $0.0e+00, v29;
	v34 =	vmul.f32 v34, v31;
	v43 =	vld [tilespmem:s30+$0xFFFFF860]  }
0x1e3: {  	v24 =	vmul.f32 v24, v39;
	v44 =	vld [tilespmem:s30+$0xFFFFF6E0];
	v31 =	vmul.f32 v35, v31  }
0x1e4: {  	v45 =	vbroadcast v9, $0x3;
	v35 =	vld [tilespmem:s30+$0xFFFFF6F0];
	v38 =	vmul.f32 v38, v36  }
0x1e5: {  	v13 =	vmul.f32 v13, v39;
	v28 =	vmul.f32 v40, v28;
	v40 =	vld [tilespmem:s30+$0xFFFFF6D0]  }
0x1e6: {  	v23 =	vmul.f32 v23, v41;
	v42 =	vmul.f32 v42, v45;
	v46 =	vld [tilespmem:s30+$0xFFFFF870]  }
0x1e7: {  	v48 =	vmul.f32 v15, v36;
	v15 =	vbroadcast v9, $0xC;
	v28 =	vadd.f32 $0.0e+00, v28;
	v47 =	vld [tilespmem:s30+$0xFFFFF700]  }
0x1e8: {  	v49 =	vbroadcast v9, $0x1;
	v50 =	vbroadcast v9, $0x4;
	v51 =	vld [tilespmem:s30+$0xFFFFF900]  }
0x1e9: {  	v19 =	vmul.f32 v19, v45;
	v22 =	vmul.f32 v22, v41;
	v52 =	vld [tilespmem:s30+$0xFFFFF8E0]  }
0x1ea: {  	v18 =	vmul.f32 v18, v45;
	v21 =	vmul.f32 v21, v50;
	v53 =	vld [tilespmem:s30+$0xFFFFF9D0]  }
0x1eb: {  	v43 =	vmul.f32 v43, v50;
	v35 =	vmul.f32 v35, v49;
	v54 =	vld [tilespmem:s30+$0xFFFFF970]  }
0x1ec: {  	v17 =	vmul.f32 v17, v45;
	v20 =	vmul.f32 v20, v50;
	v45 =	vld [tilespmem:s30+$0xFFFFF9F0]  }
0x1ed: {  	v26 =	vadd.f32 v35, v26;
	v35 =	vmul.f32 v46, v50;
	v46 =	vmul.f32 v51, v36;
	v50 =	vld [tilespmem:s30+$0xFFFFF9E0]  }
0x1ee: {  	v47 =	vmul.f32 v47, v49;
	v36 =	vmul.f32 v52, v36;
	v51 =	vld [tilespmem:s30+$0xFFFFFD70]  }
0x1ef: {  	v40 =	vmul.f32 v40, v49;
	v26 =	vadd.f32 v32, v26;
	v32 =	vmul.f32 v53, v33;
	v52 =	vld [tilespmem:s30+$0xFFFFFC80]  }
0x1f0: {  	v29 =	vadd.f32 v47, v29;
	v53 =	vmul.f32 v16, v12;
	v41 =	vmul.f32 v54, v41;
	v47 =	vld [tilespmem:s30+$0xFFFFFA00]  }
0x1f1: {  	v16 =	vadd.f32 v40, v25;
	v25 =	vmul.f32 v44, v49;
	v40 =	vmul.f32 v45, v33;
	v44 =	vld [tilespmem:s30+$0xFFFFFA70]  }
0x1f2: {  	v17 =	vadd.f32 v17, v26;
	v29 =	vadd.f32 v31, v29;
	v26 =	vmul.f32 v50, v33;
	v31 =	vld [tilespmem:s30+$0xFFFFFAF0]  }
0x1f3: {  	v49 =	vbroadcast v9, $0xA;
	v16 =	vadd.f32 v30, v16;
	v45 =	vmul.f32 v11, v37;
	v30 =	vld [tilespmem:s30+$0xFFFFFAD0]  }
0x1f4: {  	v17 =	vadd.f32 v35, v17;
	v19 =	vadd.f32 v19, v29;
	v29 =	vld [tilespmem:s30+$0xFFFFFAE0];
	v11 =	vmul.f32 v52, v15  }
0x1f5: {  	v25 =	vadd.f32 v25, v28;
	v16 =	vadd.f32 v18, v16;
	v18 =	vmul.f32 v47, v33;
	v28 =	vld [tilespmem:s30+$0xFFFFFB70]  }
0x1f6: {  	v17 =	vadd.f32 v48, v17;
	v19 =	vadd.f32 v20, v19;
	v20 =	vmul.f32 v44, v39;
	v33 =	vld [tilespmem:s30+$0xFFFFFB80]  }
0x1f7: {  	v25 =	vadd.f32 v34, v25;
	v16 =	vadd.f32 v21, v16;
	v21 =	vmul.f32 v31, v37;
	v31 =	vld [tilespmem:s30+$0xFFFFFB60]  }
0x1f8: {  	v17 =	vadd.f32 v41, v17;
	v19 =	vadd.f32 v46, v19;
	v30 =	vmul.f32 v30, v37;
	v34 =	vld [tilespmem:s30+$0xFFFFFB50]  }
0x1f9: {  	v25 =	vadd.f32 v42, v25;
	v16 =	vadd.f32 v38, v16;
	v29 =	vmul.f32 v29, v37;
	v35 =	vld [tilespmem:s30+$0xFFFFFBE0]  }
0x1fa: {  	v17 =	vadd.f32 v40, v17;
	v19 =	vadd.f32 v23, v19;
	v23 =	vmul.f32 v28, v49;
	v28 =	vld [tilespmem:s30+$0xFFFFFBD0]  }
0x1fb: {  	v25 =	vadd.f32 v43, v25;
	v16 =	vadd.f32 v27, v16;
	v27 =	vmul.f32 v33, v49;
	v33 =	vld [tilespmem:s30+$0xFFFFFD00]  }
0x1fc: {  	v17 =	vadd.f32 v20, v17;
	v18 =	vadd.f32 v18, v19;
	v19 =	vmul.f32 v31, v49;
	v20 =	vld [tilespmem:s30+$0xFFFFFCF0]  }
0x1fd: {  	v25 =	vadd.f32 v36, v25;
	v31 =	vadd.f32 v32, v16;
	v32 =	vmul.f32 v34, v49;
	v34 =	vld [tilespmem:s30+$0xFFFFFC60]  }
0x1fe: {  	v18 =	vadd.f32 v24, v18;
	v16 =	vmul.f32 v35, v12;
	v24 =	vld [tilespmem:s30+$0xFFFFFC50];
	v35 =	vbroadcast v9, $0xD  }
0x1ff: {  	v22 =	vadd.f32 v22, v25;
	v25 =	vadd.f32 v14, v31;
	v28 =	vmul.f32 v28, v12;
	v31 =	vld [tilespmem:s30+$0xFFFFFCE0]  }
0x200: {  	v17 =	vadd.f32 v21, v17;
	v21 =	vadd.f32 v45, v18;
	v36 =	vld [tilespmem:s30+$0xFFFFFCD0];
	v14 =	vmul.f32 v33, v35  }
0x201: {  	v22 =	vadd.f32 v26, v22;
	v25 =	vadd.f32 v30, v25;
	v26 =	vld [tilespmem:s30+$0xFFFFFC00];
	v18 =	vmul.f32 v20, v35  }
0x202: {  	v27 =	vadd.f32 v27, v21;
	v20 =	vadd.f32 v23, v17;
	v17 =	vmul.f32 v34, v15;
	v21 =	vld [tilespmem:s30+$0xFFFFFD50]  }
0x203: {  	v22 =	vadd.f32 v13, v22;
	v23 =	vadd.f32 v32, v25;
	v30 =	vmul.f32 v24, v15;
	v13 =	vld [tilespmem:s30+$0xFFFFFDD0]  }
.Ltmp2:
0x204: {  	v32 =	vmul.f32 v10, v15;
	v25 =	vadd.f32 v53, v20;
	v10 =	vmul.f32 v31, v35;
	v24 =	vld [tilespmem:s30+$0xFFFFFD60];
	(pc) =	sbr.rel @p0 .LBB2_7-.Ltmp2, $4  }
0x205: {  	v29 =	vadd.f32 v29, v22;
	v31 =	vadd.f32 v28, v23;
	v22 =	vmul.f32 v36, v35;
	v20 =	vld [tilespmem:s30+$0xFFFFFDF0]  }
0x206: {  	v25 =	vadd.f32 v32, v25;
	v15 =	vld [tilespmem:s2+$0x0];
	v26 =	vmul.f32 v26, v12  }
0x207: {  	v28 =	vadd.f32 v19, v29;
	v12 =	vmul.f32 v51, v8;
	v21 =	vmul.f32 v21, v8;
	v23 =	vld [tilespmem:s30+$0xFFFFFDE0]  }
0x208: {  	v19 =	vbroadcast v9, $0xF;
	v26 =	vadd.f32 v26, v27;
	v27 =	vadd.f32 v30, v31;
	v9 =	vld [tilespmem:s30+$0xFFFFFE80]  }
0x209: {  	v29 =	vld [tilespmem:s6+$0xFFFFFED0]  }
0x20a: {  	v16 =	vadd.f32 v16, v28;
	v18 =	vadd.f32 v18, v25;
	v8 =	vmul.f32 v24, v8;
	v35 =	vld [tilespmem:s6+$0xFFFFFEF0]  }
0x20b: {  	v36 =	vld [tilespmem:s6+$0xFFFFFE70];
	v11 =	vadd.f32 v11, v26;
	v20 =	vmul.f32 v20, v19;
	v13 =	vmul.f32 v13, v19  }
0x20c: {  	v38 =	vld [tilespmem:s6+$0xFFFFFE60];
	v22 =	vadd.f32 v22, v27;
	v6 =	vmul.f32 v6, v19;
	v37 =	vbroadcast v15, $0xF  }
0x20d: {  	v41 =	vld [tilespmem:s6+$0xFFFFFE50];
	v16 =	vadd.f32 v17, v16;
	v40 =	vbroadcast v15, $0xE;
	v44 =	vbroadcast v15, $0xC  }
0x20e: {  	v43 =	vld [tilespmem:s6+$0xFFFFFF00];
	v42 =	vbroadcast v15, $0xD;
	v46 =	vadd.f32 v12, v18;
	v39 =	vmul.f32 v23, v19  }
0x20f: {  	v45 =	vld [tilespmem:s6+$0xFFFFFF80];
	v11 =	vadd.f32 v14, v11;
	v10 =	vadd.f32 v10, v16;
	v9 =	vmul.f32 v9, v44  }
0x210: {  	v51 =	vld [tilespmem:s6+$0xFFFFFF50];
	v21 =	vadd.f32 v21, v22;
	v5 =	vmul.f32 v5, v42;
	v47 =	vmul.f32 v35, v42  }
0x211: {  	v48 =	vld [tilespmem:s6+$0xFFFFFF60];
	v7 =	vadd.f32 v7, v11;
	v49 =	vmul.f32 v36, v44;
	v8 =	vadd.f32 v8, v10  }
0x212: {  	v53 =	vld [tilespmem:s6+$0xFFFFFF70];
	v13 =	vadd.f32 v13, v21;
	v50 =	vmul.f32 v29, v42;
	v54 =	vmul.f32 v41, v44  }
0x213: {  	v52 =	vmul.f32 v38, v44;
	v6 =	vadd.f32 v6, v7;
	v7 =	vld [tilespmem:s6+$0xFFFFFFD0];
	v8 =	vadd.f32 v39, v8  }
0x214: {  	v55 =	vld [tilespmem:s6+$0xFFFFFFE0];
	v14 =	vmul.f32 v43, v42;
	v10 =	vadd.f32 v20, v46;
	v13 =	vadd.f32 v54, v13  }
0x215: {  	v56 =	vld [tilespmem:s6+$0xFFFFFFF0];
	v57 =	vmul.f32 v45, v40;
	v58 =	vmul.f32 v51, v40;
	v8 =	vadd.f32 v52, v8  }
0x216: {  	v59 =	vld [tilespmem:s6+$0x0];
	v60 =	vmul.f32 v48, v40;
	v10 =	vadd.f32 v49, v10;
	v13 =	vadd.f32 v50, v13  }
0x217: {  	v61 =	vmul.f32 v53, v40;
	v6 =	vadd.f32 v9, v6;
	v5 =	vadd.f32 v5, v8  }
0x218: {  	s2 =	sand.u32 $0x50, s23;
	s4 =	sadd.s32 $0x500, s29;
	s30 =	sadd.s32 $0x580, s29;
	v10 =	vadd.f32 v47, v10;
	v13 =	vadd.f32 v58, v13;
	v7 =	vmul.f32 v7, v37  }
0x219: {  	s10 =	sand.u32 $0x400, s29;
	s16 =	sadd.s32 $0x480, s29;
	s12 =	sand.u32 $0x40, s12;
	v62 =	vmul.f32 v55, v37;
	v6 =	vadd.f32 v14, v6;
	v5 =	vadd.f32 v60, v5  }
0x21a: {  	s22 =	sand.u32 $0x60, s11;
	s10 =	sadd.s32 s10, s18;
	s16 =	sand.u32 $0xC00, s16;
	v9 =	vmul.f32 v56, v37;
	v10 =	vadd.f32 v61, v10;
	v7 =	vadd.f32 v7, v13  }
0x21b: {  	s4 =	sand.u32 $0xC00, s4;
	s10 =	sadd.s32 s12, s10;
	s20 =	sadd.s32 s16, s18;
	v63 =	vmul.f32 v59, v37;
	v6 =	vadd.f32 v57, v6;
	v5 =	vadd.f32 v62, v5  }
0x21c: {  	s4 =	sadd.s32 s4, s18;
	s2 =	sadd.s32 s2, s20;
	s6 =	sand.u32 $0xC00, s30;
	v9 =	vadd.f32 v9, v10;
	[tilespmem:v4+s10+$0x400 ss:$0x1] =	vst.idx.msk $0xffff, v7  }
0x21d: {  	s24 =	sand.u32 $0x70, s9;
	s23 =	sadd.s32 s22, s4;
	s6 =	sadd.s32 s6, s18;
	v6 =	vadd.f32 v63, v6;
	[tilespmem:v4+s2+$0x0 ss:$0x1] =	vst.idx.msk $0xffff, v5  }
0x21e: {  	s25 =	sadd.s32 s24, s6;
	[tilespmem:v4+s23+$0x0 ss:$0x1] =	vst.idx.msk $0xffff, v9  }
0x21f: {  	s26 =	sshrl.u32 s8, $0x2;
	[tilespmem:v4+s25+$0x0 ss:$0x1] =	vst.idx.msk $0xffff, v6  }
0x220: {  	v4 =	vld [tilespmem:s26+$0x8080];
	_ =	sdelay $0x3  }
0x221: {  	s28 =	sadd.s32 s7, s18  }
0x222: {  	[tilespmem:s28+$0x0] =	vst v4  }
0x223: {  	v4 =	vld [tilespmem:s26+$0x8090];
	_ =	sdelay $0x4  }
0x224: {  	[tilespmem:s28+$0x10] =	vst v4  }
0x225: {  	v4 =	vld [tilespmem:s26+$0x80A0];
	_ =	sdelay $0x4  }
0x226: {  	[tilespmem:s28+$0x20] =	vst v4  }
0x227: {  	v4 =	vld [tilespmem:s26+$0x80B0];
	_ =	sdelay $0x4  }
0x228: {  	[tilespmem:s28+$0x30] =	vst v4  }
0x229: {  	v4 =	vld [tilespmem:s26+$0x80C0];
	_ =	sdelay $0x4  }
0x22a: {  	[tilespmem:s28+$0x40] =	vst v4  }
0x22b: {  	v4 =	vld [tilespmem:s26+$0x80D0];
	_ =	sdelay $0x4  }
0x22c: {  	[tilespmem:s28+$0x50] =	vst v4  }
0x22d: {  	v4 =	vld [tilespmem:s26+$0x80E0];
	_ =	sdelay $0x4  }
0x22e: {  	[tilespmem:s28+$0x60] =	vst v4  }
0x22f: {  	v4 =	vld [tilespmem:s26+$0x80F0];
	_ =	sdelay $0x2  }
0x230: {  	p0 =	seq.s32 s31, $0xF  }
0x231: {  	s2 =	sshrl.u32 @!p0 s15, $0x2  }
0x232: {  	s7 =	simm.s32 @!p0 $0xA080;
	s6 =	simm.s32 @!p0 $0x50;
	s4 =	sadd.s32 @!p0 $0x200, s2;
	[tilespmem:s28+$0x70] =	vst v4  }
0x233: {  	[tilespmem:s7], [sflag:$0x1] =	stream.indirect.gather @!p0 [hbm4b:s5+s6], $0x80, s4, s6, $0xb8;
	[tilespmem:$0x15880] =	vst v63  }
0x234: {  	s29 =	simm.s32 $0x2;
	s2 =	sadd.s32 @!p0 $0x280, s2;
	s4 =	simm.s32 @!p0 $0xC880  }
0x235: {  	[tilespmem:s4], [sflag:$0x1] =	stream.indirect.gather @!p0 [hbm4b:s5+s6], $0x80, s2, s6, $0xb8;
	[tilespmem:$0x15880] =	vst v63  }
0x236: {  	_ =	swait.ge [sflag:s29], $0x2800  }
0x237: {  	[sflag:s29] =	ssyncset.done $0x0  }
0x238: {  	[sflag:s29] =	ssyncadd.s32 $0xFFFFD800  }
0x239: {  	_ =	swait.ge [sflag:s29], $0x2800  }
0x23a: {  	s30 =	rddreg [dreg:$0xb]  }
0x23b: {  	s8 =	simm.s32 $0x0;
	s2 =	sand.u32 $0x6, s30  }
0x23c: {  	s7 =	simm.s32 $0x0;
	[sflag:s29] =	ssyncset.done $0x0;
	s2 =	sshll.u32 s2, $0x7  }
0x23d: {  	s4 =	simm.s32 $0x0;
	s6 =	smov.u32 s1;
	[sflag:s29] =	ssyncadd.s32 $0xFFFFD800;
	v4 =	vmov s2  }
.LBB2_9:
0x23e: {  	v6 =	vld [tilespmem:s6+$0xFFFFFFFC]  }
0x23f: {  	v5 =	vld [tilespmem:s6+$0x0];
	s9 =	sshra.s32 s8, $0x2  }
0x240: {  	v7 =	vld [tilespmem:s9+$0xF080]  }
0x241: {  	v8 =	vld [tilespmem:s9+$0xF090]  }
0x242: {  	v9 =	vld [tilespmem:s9+$0xF0A0]  }
0x243: {  	v10 =	vld [tilespmem:s9+$0xF0B0]  }
0x244: {  	v11 =	vld [tilespmem:s9+$0xF100]  }
0x245: {  	v12 =	vld [tilespmem:s9+$0xF110]  }
0x246: {  	v13 =	vld [tilespmem:s9+$0xF120]  }
0x247: {  	v14 =	vld [tilespmem:s9+$0xF130]  }
0x248: {  	v15 =	vld [tilespmem:s9+$0xF180]  }
0x249: {  	v16 =	vld [tilespmem:s9+$0xF190]  }
0x24a: {  	v17 =	vld [tilespmem:s9+$0xF1A0]  }
0x24b: {  	v18 =	vld [tilespmem:s9+$0xF1B0]  }
0x24c: {  	v19 =	vld [tilespmem:s9+$0xF200]  }
0x24d: {  	v20 =	vld [tilespmem:s9+$0xF210]  }
0x24e: {  	v21 =	vld [tilespmem:s9+$0xF220]  }
0x24f: {  	v22 =	vld [tilespmem:s9+$0xF230]  }
0x250: {  	v23 =	vld [tilespmem:s9+$0xF280]  }
0x251: {  	v24 =	vld [tilespmem:s9+$0xF290]  }
0x252: {  	v25 =	vld [tilespmem:s9+$0xF2A0]  }
0x253: {  	v26 =	vld [tilespmem:s9+$0xF2B0]  }
0x254: {  	v27 =	vld [tilespmem:s9+$0xF300];
	v30 =	vbroadcast v6, $0x0  }
0x255: {  	v28 =	vld [tilespmem:s9+$0xF310];
	v34 =	vbroadcast v6, $0x1;
	v37 =	vbroadcast v6, $0x2  }
0x256: {  	v29 =	vld [tilespmem:s9+$0xF320];
	v48 =	vbroadcast v6, $0x3;
	v52 =	vbroadcast v6, $0x4  }
0x257: {  	v31 =	vld [tilespmem:s9+$0xF330];
	v57 =	vbroadcast v6, $0x5;
	v61 =	vbroadcast v6, $0x6  }
0x258: {  	v32 =	vld [tilespmem:s9+$0xF380];
	v39 =	vbroadcast v6, $0x7;
	v7 =	vmul.f32 v7, v30  }
0x259: {  	v33 =	vld [tilespmem:s9+$0xF390];
	v8 =	vmul.f32 v8, v30;
	v9 =	vmul.f32 v9, v30  }
0x25a: {  	v35 =	vld [tilespmem:s9+$0xF3A0];
	v10 =	vmul.f32 v10, v30;
	v11 =	vmul.f32 v11, v34  }
0x25b: {  	v42 =	vld [tilespmem:s9+$0xF3B0];
	v12 =	vmul.f32 v12, v34;
	v43 =	vmul.f32 v13, v34  }
0x25c: {  	v36 =	vld [tilespmem:s9+$0xF400];
	v44 =	vmul.f32 v14, v34;
	v45 =	vmul.f32 v15, v37  }
0x25d: {  	v38 =	vld [tilespmem:s9+$0xF410];
	v46 =	vmul.f32 v16, v37;
	v47 =	vmul.f32 v17, v37  }
0x25e: {  	v40 =	vld [tilespmem:s9+$0xF600];
	v49 =	vmul.f32 v18, v37;
	v50 =	vmul.f32 v19, v48  }
0x25f: {  	v14 =	vld [tilespmem:s9+$0xF420];
	v51 =	vmul.f32 v20, v48;
	v53 =	vmul.f32 v21, v48  }
0x260: {  	v16 =	vld [tilespmem:s9+$0xF430];
	v17 =	vmul.f32 v22, v48;
	v54 =	vmul.f32 v23, v52  }
0x261: {  	v34 =	vld [tilespmem:s9+$0xF480];
	v55 =	vmul.f32 v24, v52;
	v56 =	vmul.f32 v25, v52  }
0x262: {  	v13 =	vld [tilespmem:s9+$0xF490];
	v58 =	vmul.f32 v26, v52;
	v59 =	vmul.f32 v27, v57  }
0x263: {  	v15 =	vld [tilespmem:s9+$0xF4A0];
	v60 =	vmul.f32 v28, v57;
	v62 =	vmul.f32 v29, v57  }
0x264: {  	v19 =	vld [tilespmem:s9+$0xF4B0];
	v23 =	vmul.f32 v31, v57;
	v63 =	vmul.f32 v32, v61  }
0x265: {  	v24 =	vld [tilespmem:s9+$0xF520];
	v33 =	vmul.f32 v33, v61;
	v37 =	vmul.f32 v35, v61;
	v7 =	vadd.f32 $0.0e+00, v7  }
0x266: {  	v20 =	vld [tilespmem:s9+$0xF500];
	v41 =	vmul.f32 v42, v61;
	v8 =	vadd.f32 $0.0e+00, v8;
	v9 =	vadd.f32 $0.0e+00, v9  }
0x267: {  	v22 =	vld [tilespmem:s9+$0xF510];
	v52 =	vbroadcast v6, $0x9;
	v10 =	vadd.f32 $0.0e+00, v10;
	v7 =	vadd.f32 v11, v7  }
0x268: {  	v42 =	vld [tilespmem:s9+$0xF610];
	v8 =	vadd.f32 v12, v8;
	v9 =	vadd.f32 v43, v9;
	v43 =	vmul.f32 v36, v39  }
0x269: {  	v18 =	vld [tilespmem:s9+$0xF580];
	v10 =	vadd.f32 v44, v10;
	v44 =	vmul.f32 v38, v39;
	v36 =	vbroadcast v6, $0xB  }
0x26a: {  	v25 =	vld [tilespmem:s9+$0xF590];
	v61 =	vmul.f32 v24, v52;
	v7 =	vadd.f32 v45, v7;
	v8 =	vadd.f32 v46, v8  }
0x26b: {  	v26 =	vld [tilespmem:s9+$0xF5A0];
	v9 =	vadd.f32 v47, v9;
	v45 =	vbroadcast v6, $0x8;
	v46 =	vmul.f32 v14, v39  }
0x26c: {  	v28 =	vld [tilespmem:s9+$0xF5B0];
	v10 =	vadd.f32 v49, v10;
	v47 =	vmul.f32 v16, v39;
	v40 =	vmul.f32 v40, v36  }
0x26d: {  	v30 =	vld [tilespmem:s9+$0xF630];
	v42 =	vmul.f32 v42, v36;
	v7 =	vadd.f32 v50, v7;
	v8 =	vadd.f32 v51, v8  }
0x26e: {  	v9 =	vadd.f32 v53, v9;
	v10 =	vadd.f32 v17, v10;
	v17 =	vld [tilespmem:s9+$0xF530];
	v49 =	vmul.f32 v34, v45  }
0x26f: {  	v48 =	vld [tilespmem:s9+$0xF680];
	v13 =	vmul.f32 v13, v45;
	v7 =	vadd.f32 v54, v7;
	v8 =	vadd.f32 v55, v8  }
0x270: {  	v57 =	vld [tilespmem:s9+$0xF700];
	v51 =	vmul.f32 v15, v45;
	v9 =	vadd.f32 v56, v9;
	v10 =	vadd.f32 v58, v10  }
0x271: {  	v29 =	vld [tilespmem:s9+$0xF8B0];
	v54 =	vmul.f32 v19, v45;
	v56 =	vmul.f32 v20, v52;
	v7 =	vadd.f32 v59, v7  }
0x272: {  	v39 =	vld [tilespmem:s9+$0xF790];
	v58 =	vmul.f32 v22, v52;
	v8 =	vadd.f32 v60, v8;
	v9 =	vadd.f32 v62, v9  }
0x273: {  	v50 =	vld [tilespmem:s9+$0xF690];
	v10 =	vadd.f32 v23, v10;
	v59 =	vbroadcast v6, $0xA;
	v15 =	vmul.f32 v17, v52  }
0x274: {  	v23 =	vld [tilespmem:s9+$0xF620];
	v52 =	vbroadcast v6, $0xD;
	v7 =	vadd.f32 v63, v7;
	v8 =	vadd.f32 v33, v8  }
0x275: {  	v53 =	vld [tilespmem:s9+$0xF6A0];
	v9 =	vadd.f32 v37, v9;
	v63 =	vmul.f32 v18, v59;
	v33 =	vmul.f32 v25, v59  }
0x276: {  	v55 =	vld [tilespmem:s9+$0xF6B0];
	v10 =	vadd.f32 v41, v10;
	v35 =	vmul.f32 v26, v59;
	v38 =	vmul.f32 v28, v59  }
0x277: {  	v37 =	vld [tilespmem:s9+$0xF780];
	v59 =	vbroadcast v6, $0xE;
	v7 =	vadd.f32 v43, v7;
	v8 =	vadd.f32 v44, v8  }
0x278: {  	v41 =	vld [tilespmem:s9+$0xF7A0];
	v9 =	vadd.f32 v46, v9;
	v43 =	vbroadcast v6, $0xC;
	v46 =	vmul.f32 v30, v36  }
0x279: {  	v60 =	vld [tilespmem:s9+$0xF710];
	v10 =	vadd.f32 v47, v10;
	v6 =	vbroadcast v6, $0xF;
	v45 =	vmul.f32 v23, v36  }
0x27a: {  	v62 =	vld [tilespmem:s9+$0xF720];
	v7 =	vadd.f32 v49, v7;
	v8 =	vadd.f32 v13, v8;
	v48 =	vmul.f32 v48, v43  }
0x27b: {  	v34 =	vld [tilespmem:s9+$0xF730];
	v9 =	vadd.f32 v51, v9;
	v49 =	vmul.f32 v50, v43;
	v51 =	vmul.f32 v53, v43  }
0x27c: {  	v44 =	vld [tilespmem:s9+$0xF7B0];
	v10 =	vadd.f32 v54, v10;
	v54 =	vmul.f32 v55, v43;
	v27 =	vmul.f32 v37, v59  }
0x27d: {  	v47 =	vld [tilespmem:s9+$0xF800];
	v30 =	vmul.f32 v41, v59;
	v37 =	vbroadcast v5, $0xC  }
0x27e: {  	v50 =	vld [tilespmem:s9+$0xF810];
	v7 =	vadd.f32 v56, v7;
	v8 =	vadd.f32 v58, v8;
	v56 =	vmul.f32 v57, v52  }
0x27f: {  	v53 =	vld [tilespmem:s9+$0xF820];
	v9 =	vadd.f32 v61, v9;
	v58 =	vmul.f32 v60, v52;
	v61 =	vmul.f32 v62, v52  }
0x280: {  	v55 =	vld [tilespmem:s9+$0xF830];
	v10 =	vadd.f32 v15, v10;
	v62 =	vmul.f32 v34, v52;
	v15 =	vmul.f32 v39, v59  }
0x281: {  	v43 =	vld [tilespmem:s9+$0xF990];
	v52 =	vbroadcast v5, $0xE;
	v32 =	vmul.f32 v44, v59  }
0x282: {  	v34 =	vmul.f32 v47, v6;
	v7 =	vadd.f32 v63, v7;
	v8 =	vadd.f32 v33, v8  }
0x283: {  	v57 =	vld [tilespmem:s9+$0xF880];
	v47 =	vmul.f32 v29, v37;
	v9 =	vadd.f32 v35, v9;
	v10 =	vadd.f32 v38, v10  }
0x284: {  	v60 =	vld [tilespmem:s9+$0xF890];
	v36 =	vmul.f32 v50, v6;
	v39 =	vmul.f32 v53, v6;
	v7 =	vadd.f32 v40, v7  }
0x285: {  	v31 =	vld [tilespmem:s9+$0xF900];
	v6 =	vmul.f32 v55, v6;
	v8 =	vadd.f32 v42, v8;
	v9 =	vadd.f32 v45, v9  }
0x286: {  	v63 =	vld [tilespmem:s9+$0xF8A0];
	v59 =	vmul.f32 v43, v52;
	v10 =	vadd.f32 v46, v10;
	v7 =	vadd.f32 v48, v7  }
0x287: {  	v33 =	vld [tilespmem:s9+$0xF910];
	v45 =	vbroadcast v5, $0xD;
	v5 =	vbroadcast v5, $0xF;
	v8 =	vadd.f32 v49, v8  }
0x288: {  	v35 =	vld [tilespmem:s9+$0xF920];
	v41 =	vmul.f32 v57, v37;
	v9 =	vadd.f32 v51, v9;
	v7 =	vadd.f32 v56, v7  }
0x289: {  	v38 =	vld [tilespmem:s9+$0xF930];
	v42 =	vmul.f32 v60, v37;
	v10 =	vadd.f32 v54, v10;
	v8 =	vadd.f32 v58, v8  }
0x28a: {  	v50 =	vld [tilespmem:s9+$0xFA00];
	v49 =	vmul.f32 v31, v45;
	v9 =	vadd.f32 v61, v9;
	v7 =	vadd.f32 v27, v7  }
0x28b: {  	v40 =	vld [tilespmem:s9+$0xF980];
	v44 =	vmul.f32 v63, v37;
	v10 =	vadd.f32 v62, v10;
	v8 =	vadd.f32 v15, v8  }
0x28c: {  	v53 =	vld [tilespmem:s9+$0xFA10];
	v51 =	vmul.f32 v33, v45;
	v9 =	vadd.f32 v30, v9;
	v7 =	vadd.f32 v34, v7  }
0x28d: {  	v46 =	vld [tilespmem:s9+$0xF9A0];
	v54 =	vmul.f32 v35, v45;
	v10 =	vadd.f32 v32, v10;
	v8 =	vadd.f32 v36, v8  }
0x28e: {  	v48 =	vld [tilespmem:s9+$0xF9B0];
	v55 =	vmul.f32 v38, v45;
	v9 =	vadd.f32 v39, v9;
	v7 =	vadd.f32 v41, v7  }
0x28f: {  	v56 =	vld [tilespmem:s9+$0xFA20];
	v13 =	vmul.f32 v50, v5;
	v6 =	vadd.f32 v6, v10;
	v8 =	vadd.f32 v42, v8  }
0x290: {  	s20 =	sand.u32 $0x40, s4;
	s10 =	sand.u32 $0x400, s7;
	v58 =	vld [tilespmem:s9+$0xFA30];
	v57 =	vmul.f32 v40, v52;
	v9 =	vadd.f32 v44, v9;
	v7 =	vadd.f32 v49, v7  }
0x291: {  	s11 =	sadd.s32 $0x480, s7;
	s12 =	sadd.s32 $0x90, s4;
	s23 =	sadd.s32 $0xA0, s4;
	v62 =	vmul.f32 v53, v5;
	v6 =	vadd.f32 v47, v6;
	v8 =	vadd.f32 v51, v8  }
0x292: {  	s24 =	sadd.s32 $0x500, s7;
	s15 =	sadd.s32 $0x580, s7;
	s26 =	sadd.s32 $0xB0, s4;
	v60 =	vmul.f32 v46, v52;
	v9 =	vadd.f32 v54, v9;
	v7 =	vadd.f32 v57, v7  }
0x293: {  	p0 =	sne.s32 s8, $0x7800;
	s10 =	sadd.s32 s10, s18;
	s11 =	sand.u32 $0xC00, s11;
	v61 =	vmul.f32 v48, v52;
	v6 =	vadd.f32 v55, v6;
	v8 =	vadd.f32 v59, v8  }
0x294: {  	s22 =	sand.u32 $0x50, s12;
	s12 =	sand.u32 $0xC00, s24;
	s15 =	sand.u32 $0xC00, s15;
	v63 =	vmul.f32 v56, v5;
	v9 =	vadd.f32 v60, v9;
	v7 =	vadd.f32 v13, v7  }
.Ltmp3:
0x295: {  	s11 =	sadd.s32 s11, s18;
	s9 =	sadd.s32 s20, s10;
	v5 =	vmul.f32 v58, v5;
	v6 =	vadd.f32 v61, v6;
	v8 =	vadd.f32 v62, v8;
	(pc) =	sbr.rel @p0 .LBB2_9-.Ltmp3, $4  }
0x296: {  	s25 =	sadd.s32 s12, s18;
	s10 =	sadd.s32 s22, s11;
	s11 =	sand.u32 $0x60, s23;
	v9 =	vadd.f32 v63, v9;
	[tilespmem:v4+s9+$0x400 ss:$0x1] =	vst.idx.msk $0xffff, v7  }
0x297: {  	s28 =	sand.u32 $0x70, s26;
	s29 =	sadd.s32 s15, s18;
	v5 =	vadd.f32 v5, v6;
	s9 =	sadd.s32 s11, s25;
	[tilespmem:v4+s10+$0x0 ss:$0x1] =	vst.idx.msk $0xffff, v8  }
0x298: {  	s7 =	sadd.s32 $0x200, s7;
	s30 =	sadd.s32 s28, s29;
	[tilespmem:v4+s9+$0x0 ss:$0x1] =	vst.idx.msk $0xffff, v9  }
0x299: {  	s4 =	sadd.s32 $0x40, s4;
	s6 =	sadd.s32 $0x14, s6;
	s8 =	sadd.s32 $0x2800, s8;
	[tilespmem:v4+s30+$0x0 ss:$0x1] =	vst.idx.msk $0xffff, v5  }
0x29a: {  	v4 =	vld [tilespmem:s19+$0x8080];
	_ =	sdelay $0x3  }
0x29b: {  	s4 =	sadd.s32 s2, s18  }
0x29c: {  	[tilespmem:s4+$0x0] =	vst v4  }
0x29d: {  	v4 =	vld [tilespmem:s19+$0x8090];
	_ =	sdelay $0x4  }
0x29e: {  	[tilespmem:s4+$0x10] =	vst v4  }
0x29f: {  	v4 =	vld [tilespmem:s19+$0x80A0];
	_ =	sdelay $0x4  }
0x2a0: {  	[tilespmem:s4+$0x20] =	vst v4  }
0x2a1: {  	v4 =	vld [tilespmem:s19+$0x80B0];
	_ =	sdelay $0x4  }
0x2a2: {  	[tilespmem:s4+$0x30] =	vst v4  }
0x2a3: {  	v4 =	vld [tilespmem:s19+$0x80C0];
	_ =	sdelay $0x4  }
0x2a4: {  	[tilespmem:s4+$0x40] =	vst v4  }
0x2a5: {  	v4 =	vld [tilespmem:s19+$0x80D0];
	_ =	sdelay $0x4  }
0x2a6: {  	[tilespmem:s4+$0x50] =	vst v4  }
0x2a7: {  	v4 =	vld [tilespmem:s19+$0x80E0];
	_ =	sdelay $0x4  }
0x2a8: {  	[tilespmem:s4+$0x60] =	vst v4  }
0x2a9: {  	v4 =	vld [tilespmem:s19+$0x80F0];
	_ =	sdelay $0x2  }
0x2aa: {  	s30 =	sand.u32 $0x7, s21  }
0x2ab: {  	s6 =	smov.u32 s13;
	s2 =	sshll.u32 s30, $0x7  }
0x2ac: {  	s7 =	simm.s32 $0x0;
	s8 =	simm.s32 $0x0;
	[tilespmem:s4+$0x70] =	vst v4;
	s4 =	simm.s32 $0x0;
	v4 =	vmov s2  }
.LBB2_11:
0x2ad: {  	v6 =	vld [tilespmem:s6+$0xFFFFFFFC]  }
0x2ae: {  	v5 =	vld [tilespmem:s6+$0x0];
	s9 =	sshra.s32 s8, $0x2  }
0x2af: {  	v7 =	vld [tilespmem:s9+$0x11880]  }
0x2b0: {  	v8 =	vld [tilespmem:s9+$0x11890]  }
0x2b1: {  	v9 =	vld [tilespmem:s9+$0x118A0]  }
0x2b2: {  	v10 =	vld [tilespmem:s9+$0x118B0]  }
0x2b3: {  	v11 =	vld [tilespmem:s9+$0x11900]  }
0x2b4: {  	v12 =	vld [tilespmem:s9+$0x11910]  }
0x2b5: {  	v13 =	vld [tilespmem:s9+$0x11920]  }
0x2b6: {  	v14 =	vld [tilespmem:s9+$0x11930]  }
0x2b7: {  	v15 =	vld [tilespmem:s9+$0x11980]  }
0x2b8: {  	v16 =	vld [tilespmem:s9+$0x11990]  }
0x2b9: {  	v17 =	vld [tilespmem:s9+$0x119A0]  }
0x2ba: {  	v18 =	vld [tilespmem:s9+$0x119B0]  }
0x2bb: {  	v19 =	vld [tilespmem:s9+$0x11A00]  }
0x2bc: {  	v20 =	vld [tilespmem:s9+$0x11A10]  }
0x2bd: {  	v21 =	vld [tilespmem:s9+$0x11A20]  }
0x2be: {  	v22 =	vld [tilespmem:s9+$0x11A30]  }
0x2bf: {  	v23 =	vld [tilespmem:s9+$0x11A80]  }
0x2c0: {  	v24 =	vld [tilespmem:s9+$0x11A90]  }
0x2c1: {  	v25 =	vld [tilespmem:s9+$0x11AA0]  }
0x2c2: {  	v26 =	vld [tilespmem:s9+$0x11AB0]  }
0x2c3: {  	v27 =	vld [tilespmem:s9+$0x11B00];
	v30 =	vbroadcast v6, $0x0  }
0x2c4: {  	v28 =	vld [tilespmem:s9+$0x11B10];
	v34 =	vbroadcast v6, $0x1;
	v37 =	vbroadcast v6, $0x2  }
0x2c5: {  	v29 =	vld [tilespmem:s9+$0x11B20];
	v48 =	vbroadcast v6, $0x3;
	v52 =	vbroadcast v6, $0x4  }
0x2c6: {  	v31 =	vld [tilespmem:s9+$0x11B30];
	v57 =	vbroadcast v6, $0x5;
	v61 =	vbroadcast v6, $0x6  }
0x2c7: {  	v32 =	vld [tilespmem:s9+$0x11B80];
	v39 =	vbroadcast v6, $0x7;
	v7 =	vmul.f32 v7, v30  }
0x2c8: {  	v33 =	vld [tilespmem:s9+$0x11B90];
	v8 =	vmul.f32 v8, v30;
	v9 =	vmul.f32 v9, v30  }
0x2c9: {  	v35 =	vld [tilespmem:s9+$0x11BA0];
	v10 =	vmul.f32 v10, v30;
	v11 =	vmul.f32 v11, v34  }
0x2ca: {  	v42 =	vld [tilespmem:s9+$0x11BB0];
	v12 =	vmul.f32 v12, v34;
	v43 =	vmul.f32 v13, v34  }
0x2cb: {  	v36 =	vld [tilespmem:s9+$0x11C00];
	v44 =	vmul.f32 v14, v34;
	v45 =	vmul.f32 v15, v37  }
0x2cc: {  	v38 =	vld [tilespmem:s9+$0x11C10];
	v46 =	vmul.f32 v16, v37;
	v47 =	vmul.f32 v17, v37  }
0x2cd: {  	v40 =	vld [tilespmem:s9+$0x11E00];
	v49 =	vmul.f32 v18, v37;
	v50 =	vmul.f32 v19, v48  }
0x2ce: {  	v14 =	vld [tilespmem:s9+$0x11C20];
	v51 =	vmul.f32 v20, v48;
	v53 =	vmul.f32 v21, v48  }
0x2cf: {  	v16 =	vld [tilespmem:s9+$0x11C30];
	v17 =	vmul.f32 v22, v48;
	v54 =	vmul.f32 v23, v52  }
0x2d0: {  	v34 =	vld [tilespmem:s9+$0x11C80];
	v55 =	vmul.f32 v24, v52;
	v56 =	vmul.f32 v25, v52  }
0x2d1: {  	v13 =	vld [tilespmem:s9+$0x11C90];
	v58 =	vmul.f32 v26, v52;
	v59 =	vmul.f32 v27, v57  }
0x2d2: {  	v15 =	vld [tilespmem:s9+$0x11CA0];
	v60 =	vmul.f32 v28, v57;
	v62 =	vmul.f32 v29, v57  }
0x2d3: {  	v19 =	vld [tilespmem:s9+$0x11CB0];
	v23 =	vmul.f32 v31, v57;
	v63 =	vmul.f32 v32, v61  }
0x2d4: {  	v24 =	vld [tilespmem:s9+$0x11D20];
	v33 =	vmul.f32 v33, v61;
	v37 =	vmul.f32 v35, v61;
	v7 =	vadd.f32 $0.0e+00, v7  }
0x2d5: {  	v20 =	vld [tilespmem:s9+$0x11D00];
	v41 =	vmul.f32 v42, v61;
	v8 =	vadd.f32 $0.0e+00, v8;
	v9 =	vadd.f32 $0.0e+00, v9  }
0x2d6: {  	v22 =	vld [tilespmem:s9+$0x11D10];
	v52 =	vbroadcast v6, $0x9;
	v10 =	vadd.f32 $0.0e+00, v10;
	v7 =	vadd.f32 v11, v7  }
0x2d7: {  	v42 =	vld [tilespmem:s9+$0x11E10];
	v8 =	vadd.f32 v12, v8;
	v9 =	vadd.f32 v43, v9;
	v43 =	vmul.f32 v36, v39  }
0x2d8: {  	v18 =	vld [tilespmem:s9+$0x11D80];
	v10 =	vadd.f32 v44, v10;
	v44 =	vmul.f32 v38, v39;
	v36 =	vbroadcast v6, $0xB  }
0x2d9: {  	v25 =	vld [tilespmem:s9+$0x11D90];
	v61 =	vmul.f32 v24, v52;
	v7 =	vadd.f32 v45, v7;
	v8 =	vadd.f32 v46, v8  }
0x2da: {  	v26 =	vld [tilespmem:s9+$0x11DA0];
	v9 =	vadd.f32 v47, v9;
	v45 =	vbroadcast v6, $0x8;
	v46 =	vmul.f32 v14, v39  }
0x2db: {  	v28 =	vld [tilespmem:s9+$0x11DB0];
	v10 =	vadd.f32 v49, v10;
	v47 =	vmul.f32 v16, v39;
	v40 =	vmul.f32 v40, v36  }
0x2dc: {  	v30 =	vld [tilespmem:s9+$0x11E30];
	v42 =	vmul.f32 v42, v36;
	v7 =	vadd.f32 v50, v7;
	v8 =	vadd.f32 v51, v8  }
0x2dd: {  	v9 =	vadd.f32 v53, v9;
	v10 =	vadd.f32 v17, v10;
	v17 =	vld [tilespmem:s9+$0x11D30];
	v49 =	vmul.f32 v34, v45  }
0x2de: {  	v48 =	vld [tilespmem:s9+$0x11E80];
	v13 =	vmul.f32 v13, v45;
	v7 =	vadd.f32 v54, v7;
	v8 =	vadd.f32 v55, v8  }
0x2df: {  	v57 =	vld [tilespmem:s9+$0x11F00];
	v51 =	vmul.f32 v15, v45;
	v9 =	vadd.f32 v56, v9;
	v10 =	vadd.f32 v58, v10  }
0x2e0: {  	v29 =	vld [tilespmem:s9+$0x120B0];
	v54 =	vmul.f32 v19, v45;
	v56 =	vmul.f32 v20, v52;
	v7 =	vadd.f32 v59, v7  }
0x2e1: {  	v39 =	vld [tilespmem:s9+$0x11F90];
	v58 =	vmul.f32 v22, v52;
	v8 =	vadd.f32 v60, v8;
	v9 =	vadd.f32 v62, v9  }
0x2e2: {  	v50 =	vld [tilespmem:s9+$0x11E90];
	v10 =	vadd.f32 v23, v10;
	v59 =	vbroadcast v6, $0xA;
	v15 =	vmul.f32 v17, v52  }
0x2e3: {  	v23 =	vld [tilespmem:s9+$0x11E20];
	v52 =	vbroadcast v6, $0xD;
	v7 =	vadd.f32 v63, v7;
	v8 =	vadd.f32 v33, v8  }
0x2e4: {  	v53 =	vld [tilespmem:s9+$0x11EA0];
	v9 =	vadd.f32 v37, v9;
	v63 =	vmul.f32 v18, v59;
	v33 =	vmul.f32 v25, v59  }
0x2e5: {  	v55 =	vld [tilespmem:s9+$0x11EB0];
	v10 =	vadd.f32 v41, v10;
	v35 =	vmul.f32 v26, v59;
	v38 =	vmul.f32 v28, v59  }
0x2e6: {  	v37 =	vld [tilespmem:s9+$0x11F80];
	v59 =	vbroadcast v6, $0xE;
	v7 =	vadd.f32 v43, v7;
	v8 =	vadd.f32 v44, v8  }
0x2e7: {  	v41 =	vld [tilespmem:s9+$0x11FA0];
	v9 =	vadd.f32 v46, v9;
	v43 =	vbroadcast v6, $0xC;
	v46 =	vmul.f32 v30, v36  }
0x2e8: {  	v60 =	vld [tilespmem:s9+$0x11F10];
	v10 =	vadd.f32 v47, v10;
	v6 =	vbroadcast v6, $0xF;
	v45 =	vmul.f32 v23, v36  }
0x2e9: {  	v62 =	vld [tilespmem:s9+$0x11F20];
	v7 =	vadd.f32 v49, v7;
	v8 =	vadd.f32 v13, v8;
	v48 =	vmul.f32 v48, v43  }
0x2ea: {  	v34 =	vld [tilespmem:s9+$0x11F30];
	v9 =	vadd.f32 v51, v9;
	v49 =	vmul.f32 v50, v43;
	v51 =	vmul.f32 v53, v43  }
0x2eb: {  	v44 =	vld [tilespmem:s9+$0x11FB0];
	v10 =	vadd.f32 v54, v10;
	v54 =	vmul.f32 v55, v43;
	v27 =	vmul.f32 v37, v59  }
0x2ec: {  	v47 =	vld [tilespmem:s9+$0x12000];
	v30 =	vmul.f32 v41, v59;
	v37 =	vbroadcast v5, $0xC  }
0x2ed: {  	v50 =	vld [tilespmem:s9+$0x12010];
	v7 =	vadd.f32 v56, v7;
	v8 =	vadd.f32 v58, v8;
	v56 =	vmul.f32 v57, v52  }
0x2ee: {  	v53 =	vld [tilespmem:s9+$0x12020];
	v9 =	vadd.f32 v61, v9;
	v58 =	vmul.f32 v60, v52;
	v61 =	vmul.f32 v62, v52  }
0x2ef: {  	v55 =	vld [tilespmem:s9+$0x12030];
	v10 =	vadd.f32 v15, v10;
	v62 =	vmul.f32 v34, v52;
	v15 =	vmul.f32 v39, v59  }
0x2f0: {  	v43 =	vld [tilespmem:s9+$0x12190];
	v52 =	vbroadcast v5, $0xE;
	v32 =	vmul.f32 v44, v59  }
0x2f1: {  	v34 =	vmul.f32 v47, v6;
	v7 =	vadd.f32 v63, v7;
	v8 =	vadd.f32 v33, v8  }
0x2f2: {  	v57 =	vld [tilespmem:s9+$0x12080];
	v47 =	vmul.f32 v29, v37;
	v9 =	vadd.f32 v35, v9;
	v10 =	vadd.f32 v38, v10  }
0x2f3: {  	v60 =	vld [tilespmem:s9+$0x12090];
	v36 =	vmul.f32 v50, v6;
	v39 =	vmul.f32 v53, v6;
	v7 =	vadd.f32 v40, v7  }
0x2f4: {  	v31 =	vld [tilespmem:s9+$0x12100];
	v6 =	vmul.f32 v55, v6;
	v8 =	vadd.f32 v42, v8;
	v9 =	vadd.f32 v45, v9  }
0x2f5: {  	v63 =	vld [tilespmem:s9+$0x120A0];
	v59 =	vmul.f32 v43, v52;
	v10 =	vadd.f32 v46, v10;
	v7 =	vadd.f32 v48, v7  }
0x2f6: {  	v33 =	vld [tilespmem:s9+$0x12110];
	v45 =	vbroadcast v5, $0xD;
	v5 =	vbroadcast v5, $0xF;
	v8 =	vadd.f32 v49, v8  }
0x2f7: {  	v35 =	vld [tilespmem:s9+$0x12120];
	v41 =	vmul.f32 v57, v37;
	v9 =	vadd.f32 v51, v9;
	v7 =	vadd.f32 v56, v7  }
0x2f8: {  	v38 =	vld [tilespmem:s9+$0x12130];
	v42 =	vmul.f32 v60, v37;
	v10 =	vadd.f32 v54, v10;
	v8 =	vadd.f32 v58, v8  }
0x2f9: {  	v50 =	vld [tilespmem:s9+$0x12200];
	v49 =	vmul.f32 v31, v45;
	v9 =	vadd.f32 v61, v9;
	v7 =	vadd.f32 v27, v7  }
0x2fa: {  	v40 =	vld [tilespmem:s9+$0x12180];
	v44 =	vmul.f32 v63, v37;
	v10 =	vadd.f32 v62, v10;
	v8 =	vadd.f32 v15, v8  }
0x2fb: {  	v53 =	vld [tilespmem:s9+$0x12210];
	v51 =	vmul.f32 v33, v45;
	v9 =	vadd.f32 v30, v9;
	v7 =	vadd.f32 v34, v7  }
0x2fc: {  	v46 =	vld [tilespmem:s9+$0x121A0];
	v54 =	vmul.f32 v35, v45;
	v10 =	vadd.f32 v32, v10;
	v8 =	vadd.f32 v36, v8  }
0x2fd: {  	v48 =	vld [tilespmem:s9+$0x121B0];
	v55 =	vmul.f32 v38, v45;
	v9 =	vadd.f32 v39, v9;
	v7 =	vadd.f32 v41, v7  }
0x2fe: {  	v56 =	vld [tilespmem:s9+$0x12220];
	v13 =	vmul.f32 v50, v5;
	v6 =	vadd.f32 v6, v10;
	v8 =	vadd.f32 v42, v8  }
0x2ff: {  	s21 =	sand.u32 $0x40, s4;
	s10 =	sand.u32 $0x400, s7;
	v58 =	vld [tilespmem:s9+$0x12230];
	v57 =	vmul.f32 v40, v52;
	v9 =	vadd.f32 v44, v9;
	v7 =	vadd.f32 v49, v7  }
0x300: {  	s11 =	sadd.s32 $0x480, s7;
	s12 =	sadd.s32 $0x90, s4;
	s23 =	sadd.s32 $0xA0, s4;
	v62 =	vmul.f32 v53, v5;
	v6 =	vadd.f32 v47, v6;
	v8 =	vadd.f32 v51, v8  }
0x301: {  	s24 =	sadd.s32 $0x500, s7;
	s15 =	sadd.s32 $0x580, s7;
	s26 =	sadd.s32 $0xB0, s4;
	v60 =	vmul.f32 v46, v52;
	v9 =	vadd.f32 v54, v9;
	v7 =	vadd.f32 v57, v7  }
0x302: {  	p0 =	sne.s32 s8, $0x7800;
	s10 =	sadd.s32 s10, s18;
	s11 =	sand.u32 $0xC00, s11;
	v61 =	vmul.f32 v48, v52;
	v6 =	vadd.f32 v55, v6;
	v8 =	vadd.f32 v59, v8  }
0x303: {  	s22 =	sand.u32 $0x50, s12;
	s12 =	sand.u32 $0xC00, s24;
	s15 =	sand.u32 $0xC00, s15;
	v63 =	vmul.f32 v56, v5;
	v9 =	vadd.f32 v60, v9;
	v7 =	vadd.f32 v13, v7  }
.Ltmp4:
0x304: {  	s11 =	sadd.s32 s11, s18;
	s9 =	sadd.s32 s21, s10;
	v5 =	vmul.f32 v58, v5;
	v6 =	vadd.f32 v61, v6;
	v8 =	vadd.f32 v62, v8;
	(pc) =	sbr.rel @p0 .LBB2_11-.Ltmp4, $4  }
0x305: {  	s25 =	sadd.s32 s12, s18;
	s10 =	sadd.s32 s22, s11;
	s11 =	sand.u32 $0x60, s23;
	v9 =	vadd.f32 v63, v9;
	[tilespmem:v4+s9+$0x400 ss:$0x1] =	vst.idx.msk $0xffff, v7  }
0x306: {  	s28 =	sand.u32 $0x70, s26;
	s29 =	sadd.s32 s15, s18;
	v5 =	vadd.f32 v5, v6;
	s9 =	sadd.s32 s11, s25;
	[tilespmem:v4+s10+$0x0 ss:$0x1] =	vst.idx.msk $0xffff, v8  }
0x307: {  	s7 =	sadd.s32 $0x200, s7;
	s30 =	sadd.s32 s28, s29;
	[tilespmem:v4+s9+$0x0 ss:$0x1] =	vst.idx.msk $0xffff, v9  }
0x308: {  	s4 =	sadd.s32 $0x40, s4;
	s6 =	sadd.s32 $0x14, s6;
	s8 =	sadd.s32 $0x2800, s8;
	[tilespmem:v4+s30+$0x0 ss:$0x1] =	vst.idx.msk $0xffff, v5  }
0x309: {  	v4 =	vld [tilespmem:s14+$0x8080];
	_ =	sdelay $0x3  }
0x30a: {  	s2 =	sadd.s32 s2, s18  }
0x30b: {  	[tilespmem:s2+$0x0] =	vst v4  }
0x30c: {  	v4 =	vld [tilespmem:s14+$0x8090];
	_ =	sdelay $0x4  }
0x30d: {  	[tilespmem:s2+$0x10] =	vst v4  }
0x30e: {  	v4 =	vld [tilespmem:s14+$0x80A0];
	_ =	sdelay $0x4  }
0x30f: {  	[tilespmem:s2+$0x20] =	vst v4  }
0x310: {  	v4 =	vld [tilespmem:s14+$0x80B0];
	_ =	sdelay $0x4  }
0x311: {  	[tilespmem:s2+$0x30] =	vst v4  }
0x312: {  	v4 =	vld [tilespmem:s14+$0x80C0];
	_ =	sdelay $0x4  }
0x313: {  	[tilespmem:s2+$0x40] =	vst v4  }
0x314: {  	v4 =	vld [tilespmem:s14+$0x80D0];
	_ =	sdelay $0x4  }
0x315: {  	[tilespmem:s2+$0x50] =	vst v4  }
0x316: {  	v4 =	vld [tilespmem:s14+$0x80E0];
	_ =	sdelay $0x4  }
0x317: {  	[tilespmem:s2+$0x60] =	vst v4  }
0x318: {  	v4 =	vld [tilespmem:s14+$0x80F0];
	_ =	sdelay $0x1  }
0x319: {  	s4 =	sand.u32 $0x1, s31  }
0x31a: {  	p1 =	slt.u32 s31, $0x3;
	p0 =	seq.s32 s4, $0x1  }
0x31b: {  	p1 =	por !p0, p1  }
0x31c: {  	s4 =	rddreg [dreg:$0x8];
	[tilespmem:s2+$0x70] =	vst v4;
	s2 =	simm.s32 @!p1 $0x5  }
0x31d: {  	s4 =	sadd.s32 @p0 s4, s17;
	_ =	swait.ge @!p1 [sflag:s2], $0xC00  }
0x31e: {  	s4 =	sshrl.u32 @p0 s4, $0x3;
	[sflag:s2] =	ssyncset.done @!p1 $0x0  }
0x31f: {  	s4 =	smul.u32 @p0 $0x180, s4;
	[sflag:s2] =	ssyncadd.s32 @!p1 $0xFFFFF400  }
0x320: {  	s2 =	rddreg [dreg:$0x2]  }
0x321: {  	s31 =	sadd.s32 $0x1, s31;
	s2 =	sadd.s32 @p0 s2, s4;
	s4 =	simm.s32 @p0 $0x0  }
0x322: {  	[hbm4b:s2+s4] =	stream.linear.scatter @p0 [tilespmem:s18], [sflag:$0x5], $0xC00, $0x38;
	[tilespmem:$0x15880] =	vst v63  }
0x323: {  	p0 =	sne.s32 s31, $0x10  }
.Ltmp5:
0x324: {  	_ = 	snop;
	(pc) =	sbr.rel @p0 .LBB2_4-.Ltmp5, $3  }
0x325: {  	_ =	sdelay $0x1  }
0x326: {  	s0 =	sadd.s32 $0x200, s0  }
0x327: {  	s3 =	sadd.s32 $0x200, s3;
	s1 =	sadd.s32 $0x200, s1;
	s13 =	sadd.s32 $0x200, s13  }
0x328: {  	s1 =	simm.s32 $0x5  }
0x329: {  	_ =	swait.ge [sflag:s1], $0xC00  }
0x32a: {  	s2 =	rddreg [dreg:$0xa]  }
0x32b: {  	s0 =	rddreg [dreg:$0x9];
	s2 =	sadd.s32 $0x1, s2  }
0x32c: {  	p0 =	sne.s32 s2, s0  }
.Ltmp6:
0x32d: {  	_ = 	snop;
	(pc) =	sbr.rel @p0 .LBB2_1-.Ltmp6, $3  }
0x32e: {  	_ =	sdelay $0x1  }
0x32f: {  	[sflag:s1] =	ssyncset.done $0x0  }
0x330: {  	[sflag:s1] =	ssyncadd.s32 $0xFFFFF400  }
0x331: {  	_ =	sfence.sel $0x180000  }
0x332: {  	[bflag:$0x0] =	sbarrier.arrive $0xFFFF  }
0x333: {  	_ =	strace $0x90000047  }
0x334: {  	s0 =	stileid.u32;
	[bflag:$0x2] =	sbarrier.arrive $0xFFFF  }
0x335: {  	p0 =	sne.s32 s0, $0x0;
	s0 =	rddreg [dreg:$0x3]  }
0x336: {  	s0 =	sadd.s32 @!p0 $0x100000, s0  }
0x337: {  	[sflag:s0] =	ssyncadd.tile.s32 @!p0 $0x1;
	_ =	shalt  }
.Lfunc_end2:
_tile_overlayer_lowered:
.L_overlay_start_2:
0x338: {  	(tag) =	ssettag $0x2  }
0x339: {  	s0 =	rddreg [dreg:$0x0];
	s2 =	stileid.u32  }
0x33a: {  	s1 =	rddreg [dreg:$0x1];
	p0 =	sne.s32 s2, $0x0  }
0x33b: {  	s3 =	rddreg [dreg:$0x2];
	[bflag:$0x3] =	sbarrier.arrive $0xFFFF;
	s2 =	simm.s32 @!p0 $0x1C06  }
0x33c: {  	[timem:s3], [sflag:s2] =	dma.local @!p0 [hbm:s0], s1  }
0x33d: {  	s0 =	simm.s32 @!p0 $0x6  }
0x33e: {  	_ =	swait.ge @!p0 [sflag:s0], s1  }
0x33f: {  	s1 =	ssub.s32 @!p0 $0x0, s1;
	[sflag:s0] =	ssyncset.done @!p0 $0x0  }
0x340: {  	[sflag:s0] =	ssyncadd.s32 @!p0 s1  }
0x341: {  	[bflag:$0x3] =	sbarrier.arrive $0xFFFF  }
0x342: {  	_ =	shalt  }

</sc_bundles>
